<compile_context>
chip_gen: v7x
topology: tpu7x:2x2x1
jax: 0.10.2.dev20260603
libtpu: 0.0.44.dev20260713+nightly
codegen_flags: <defaults>
</compile_context>

<pallas_src>
import functools
import math

import jax
import jax.numpy as jnp
from jax import lax
from jax.experimental import pallas as pl
from jax.experimental.pallas import tpu as pltpu
from jax.experimental.pallas import tpu_sc as plsc

D_EMBED = 64
SCALE = math.sqrt(D_EMBED)

NC = 2
NS = 16
NW = NC * NS

TOK_PER_W = 25600
CHUNK = 128
NCH = TOK_PER_W // CHUNK
DEPTH = 4
LANES = 16

KB_W = 16384
KB_N = -(-1000000 // KB_W)


def _expand_table(tT):
    V = tT.shape[1]

    def body(t_ref, o_ref):
        tt = jnp.transpose(t_ref[...])
        o_ref[...] = jnp.concatenate([tt, tt], axis=1)

    return pl.pallas_call(
        body,
        grid=(KB_N,),
        in_specs=[pl.BlockSpec((tT.shape[0], KB_W), lambda i: (0, i))],
        out_specs=pl.BlockSpec((KB_W, 128), lambda i: (i, 0)),
        out_shape=jax.ShapeDtypeStruct((V, 128), jnp.float32),
    )(tT)


def _gather_scale(idx2d, t2):
    B = idx2d.shape[0] * idx2d.shape[1]
    rows_per_w = TOK_PER_W // 128

    mesh = plsc.VectorSubcoreMesh(core_axis_name="c", subcore_axis_name="s")

    @functools.partial(
        pl.kernel,
        out_type=jax.ShapeDtypeStruct((B, D_EMBED), jnp.float32),
        mesh=mesh,
        scratch_types=[
            pltpu.VMEM((rows_per_w, 128), jnp.int32),
            [pltpu.VMEM((CHUNK, 128), jnp.float32) for _ in range(DEPTH)],
            [pltpu.VMEM((CHUNK, D_EMBED), jnp.float32) for _ in range(2)],
            [pltpu.SemaphoreType.DMA for _ in range(DEPTH)],
            [pltpu.SemaphoreType.DMA for _ in range(2)],
        ],
    )
    def body(idx_hbm, tab_hbm, out_hbm, idx_all, rows, outv, sems, wsems):
        wid = lax.axis_index("s") * NC + lax.axis_index("c")
        ibase = pl.multiple_of(wid * rows_per_w, 8)
        base = wid * TOK_PER_W

        pltpu.sync_copy(idx_hbm.at[pl.ds(ibase, rows_per_w)], idx_all)

        def fire(c, b):
            pltpu.async_copy(tab_hbm.at[idx_all.at[c]], rows[b], sems[b])

        def wb_wait(o):
            pltpu.make_async_copy(
                outv[o], out_hbm.at[pl.ds(0, CHUNK)], wsems[o]
            ).wait()

        def finish(c, b, o, first_round):
            pltpu.make_async_copy(
                tab_hbm.at[pl.ds(0, CHUNK)], rows[b], sems[b]
            ).wait()
            if first_round:
                @pl.when(c >= 2)
                def _():
                    wb_wait(o)
            else:
                wb_wait(o)

            @pl.loop(0, CHUNK, unroll=8)
            def _sc(t):
                for j in range(D_EMBED // LANES):
                    sl = pl.ds(LANES * j, LANES)
                    outv[o][t, sl] = rows[b][t, sl] * SCALE

            woff = pl.multiple_of(base + CHUNK * c, 8)
            pltpu.async_copy(outv[o], out_hbm.at[pl.ds(woff, CHUNK)], wsems[o])

        for c in range(DEPTH - 1):
            fire(c, c)

        def round_of(q, first_round):
            c0 = DEPTH * q
            for b in range(DEPTH):
                c = c0 + b
                nxt = (b + DEPTH - 1) % DEPTH
                @pl.when(c + DEPTH - 1 < NCH)
                def _():
                    fire(c + DEPTH - 1, nxt)
                finish(c, b, (b % 2), first_round)

        round_of(0, True)

        @pl.loop(1, NCH // DEPTH)
        def _quad(q):
            round_of(q, False)

        wb_wait(0)
        wb_wait(1)

    return body(idx2d, t2)


def kernel(x, table):
    B = x.shape[0] * x.shape[1]
    idx2d = x.reshape(B // 128, 128).astype(jnp.int32)
    t2 = _expand_table(table.T)
    out = _gather_scale(idx2d, t2)
    return out.reshape(x.shape[0], x.shape[1], D_EMBED)

# --- scband reference (transcript-rebuilt; emitter-appended) ---
"""Pipeline reference for scband-token-embedding-33887291965844 (READ-ONLY COPY).

The authoritative reference and input builder live on the scoring server;
editing this copy changes nothing except your own understanding.
"""

import jax, jax.numpy as jnp
import numpy as np
import math

D_EMBED = 64
VOCAB_SIZE = 1000000

def setup_inputs(seed: int = 0) -> dict:
    key = jax.random.key(seed)
    k1, k2 = jax.random.split(key)
    x = jax.random.randint(k1, (4096, 200), 0, VOCAB_SIZE, dtype=jnp.int64 if jax.config.jax_enable_x64 else jnp.int32)
    table = jax.random.normal(k2, (VOCAB_SIZE, D_EMBED), dtype=jnp.float32)
    return {"x": x, "table": table}

def reference(x, table):
    # nn.Embedding lookup followed by sqrt(d_embed) scaling
    out = jnp.take(table, x, axis=0) * math.sqrt(D_EMBED)
    return out

if __name__ == "__main__":
    import jax
    _d = setup_inputs()
    print(jax.jit(kernel)(*tuple(_d.values())))

</pallas_src>

<mosaic_0001>
#map = affine_map<(d0, d1) -> (0, 0)>
module attributes {stable_mosaic.version = 14 : i64} {
  func.func @body(%arg0: i32, %arg1: i32, %arg2: memref<6400x128xi32, #tpu.memory_space<hbm>>, %arg3: memref<1000000x128xf32, #tpu.memory_space<hbm>>, %arg4: memref<819200x64xf32, #tpu.memory_space<hbm>>, %arg5: memref<200x128xi32, #tpu.memory_space<vmem>>, %arg6: memref<128x128xf32, #tpu.memory_space<vmem>>, %arg7: memref<128x128xf32, #tpu.memory_space<vmem>>, %arg8: memref<128x128xf32, #tpu.memory_space<vmem>>, %arg9: memref<128x128xf32, #tpu.memory_space<vmem>>, %arg10: memref<128x64xf32, #tpu.memory_space<vmem>>, %arg11: memref<128x64xf32, #tpu.memory_space<vmem>>, %arg12: memref<!tpu.dma_semaphore, #tpu.memory_space<semaphore_mem>>, %arg13: memref<!tpu.dma_semaphore, #tpu.memory_space<semaphore_mem>>, %arg14: memref<!tpu.dma_semaphore, #tpu.memory_space<semaphore_mem>>, %arg15: memref<!tpu.dma_semaphore, #tpu.memory_space<semaphore_mem>>, %arg16: memref<!tpu.dma_semaphore, #tpu.memory_space<semaphore_mem>>, %arg17: memref<!tpu.dma_semaphore, #tpu.memory_space<semaphore_mem>>) attributes {dimension_semantics = [#tpu.dimension_semantics<core_parallel>, #tpu.dimension_semantics<subcore_parallel>], iteration_bounds = array<i64: 2, 16>, scalar_prefetch = 0 : i64, scratch_operands = 13 : i64, tpu.core_type = #tpu.core_type<sc_vector_subcore>, window_params = [{transform_indices = #map}, {transform_indices = #map}, {transform_indices = #map}]} {
    %mul3A = arith.constant 2 : i32
    %mul3A_0 = arith.muli %arg1, %mul3A : i32
    %add3A = arith.addi %mul3A_0, %arg0 : i32
    %mul3A_1 = arith.constant 200 : i32
    %mul3A_2 = arith.muli %add3A, %mul3A_1 : i32
    %multiple_of3A = tpu.assume_multiple %mul3A_2, 8 : i32
    %mul3A_3 = arith.constant 25600 : i32
    %mul3A_4 = arith.muli %add3A, %mul3A_3 : i32
    "tpu.region"() ({
      %run_scoped3A = tpu.sem_alloc : memref<!tpu.dma_semaphore, #tpu.memory_space<semaphore_mem>>
      %dma_start3A_152 = arith.constant 0 : i32
      %dma_start3A_153 = tpu.memref_slice %arg2[%multiple_of3A, %dma_start3A_152] : memref<6400x128xi32, #tpu.memory_space<hbm>> -> memref<200x128xi32, #tpu.memory_space<hbm>>
      %dma_start3A_154 = arith.constant 0 : i32
      %dma_start3A_155 = tpu.memref_slice %arg2[%multiple_of3A, %dma_start3A_154] : memref<6400x128xi32, #tpu.memory_space<hbm>> -> memref<200x128xi32, #tpu.memory_space<hbm>>
      tpu.enqueue_dma source(%dma_start3A_155 : memref<200x128xi32, #tpu.memory_space<hbm>>) target(%arg5 : memref<200x128xi32, #tpu.memory_space<vmem>>) target_semaphore(%run_scoped3A : memref<!tpu.dma_semaphore, #tpu.memory_space<semaphore_mem>>)
      %dma_wait3A_156 = arith.constant 0 : i32
      %dma_wait3A_157 = tpu.memref_slice %arg2[%multiple_of3A, %dma_wait3A_156] : memref<6400x128xi32, #tpu.memory_space<hbm>> -> memref<200x128xi32, #tpu.memory_space<hbm>>
      %dma_wait3A_158 = arith.constant 0 : i32
      %dma_wait3A_159 = tpu.memref_slice %arg2[%multiple_of3A, %dma_wait3A_158] : memref<6400x128xi32, #tpu.memory_space<hbm>> -> memref<200x128xi32, #tpu.memory_space<hbm>>
      tpu.wait_dma2 semaphore(%run_scoped3A : memref<!tpu.dma_semaphore, #tpu.memory_space<semaphore_mem>>) src(%dma_wait3A_159 : memref<200x128xi32, #tpu.memory_space<hbm>>) dst(%arg5 : memref<200x128xi32, #tpu.memory_space<vmem>>)
      tpu.yield
    }) : () -> ()
    %dma_start3A = arith.constant 0 : i32
    %dma_start3A_5 = arith.constant 0 : i32
    %dma_start3A_6 = tpu.memref_slice %arg5[%dma_start3A, %dma_start3A_5] : memref<200x128xi32, #tpu.memory_space<vmem>> -> memref<1x128xi32, #tpu.memory_space<vmem>>
    %dma_start3A_7 = tpu.memref_squeeze %dma_start3A_6 : memref<1x128xi32, #tpu.memory_space<vmem>> -> memref<128xi32, #tpu.memory_space<vmem>>
    %dma_start3A_8 = arith.constant 0 : i32
    %dma_start3A_9 = arith.constant 0 : i32
    %dma_start3A_10 = tpu.memref_slice %arg3[%dma_start3A_8, %dma_start3A_9] : memref<1000000x128xf32, #tpu.memory_space<hbm>> -> memref<1000000x128xf32, #tpu.memory_space<hbm>>
    tpu.enqueue_indirect_dma source(%dma_start3A_10 : memref<1000000x128xf32, #tpu.memory_space<hbm>>) target(%arg6 : memref<128x128xf32, #tpu.memory_space<vmem>>) offsets(%dma_start3A_7 : memref<128xi32, #tpu.memory_space<vmem>>) semaphore(%arg12 : memref<!tpu.dma_semaphore, #tpu.memory_space<semaphore_mem>>)
    %dma_start3A_11 = arith.constant 1 : i32
    %dma_start3A_12 = arith.constant 0 : i32
    %dma_start3A_13 = tpu.memref_slice %arg5[%dma_start3A_11, %dma_start3A_12] : memref<200x128xi32, #tpu.memory_space<vmem>> -> memref<1x128xi32, #tpu.memory_space<vmem>>
    %dma_start3A_14 = tpu.memref_squeeze %dma_start3A_13 : memref<1x128xi32, #tpu.memory_space<vmem>> -> memref<128xi32, #tpu.memory_space<vmem>>
    %dma_start3A_15 = arith.constant 0 : i32
    %dma_start3A_16 = arith.constant 0 : i32
    %dma_start3A_17 = tpu.memref_slice %arg3[%dma_start3A_15, %dma_start3A_16] : memref<1000000x128xf32, #tpu.memory_space<hbm>> -> memref<1000000x128xf32, #tpu.memory_space<hbm>>
    tpu.enqueue_indirect_dma source(%dma_start3A_17 : memref<1000000x128xf32, #tpu.memory_space<hbm>>) target(%arg7 : memref<128x128xf32, #tpu.memory_space<vmem>>) offsets(%dma_start3A_14 : memref<128xi32, #tpu.memory_space<vmem>>) semaphore(%arg13 : memref<!tpu.dma_semaphore, #tpu.memory_space<semaphore_mem>>)
    %dma_start3A_18 = arith.constant 2 : i32
    %dma_start3A_19 = arith.constant 0 : i32
    %dma_start3A_20 = tpu.memref_slice %arg5[%dma_start3A_18, %dma_start3A_19] : memref<200x128xi32, #tpu.memory_space<vmem>> -> memref<1x128xi32, #tpu.memory_space<vmem>>
    %dma_start3A_21 = tpu.memref_squeeze %dma_start3A_20 : memref<1x128xi32, #tpu.memory_space<vmem>> -> memref<128xi32, #tpu.memory_space<vmem>>
    %dma_start3A_22 = arith.constant 0 : i32
    %dma_start3A_23 = arith.constant 0 : i32
    %dma_start3A_24 = tpu.memref_slice %arg3[%dma_start3A_22, %dma_start3A_23] : memref<1000000x128xf32, #tpu.memory_space<hbm>> -> memref<1000000x128xf32, #tpu.memory_space<hbm>>
    tpu.enqueue_indirect_dma source(%dma_start3A_24 : memref<1000000x128xf32, #tpu.memory_space<hbm>>) target(%arg8 : memref<128x128xf32, #tpu.memory_space<vmem>>) offsets(%dma_start3A_21 : memref<128xi32, #tpu.memory_space<vmem>>) semaphore(%arg14 : memref<!tpu.dma_semaphore, #tpu.memory_space<semaphore_mem>>)
    %dma_start3A_25 = arith.constant 3 : i32
    %dma_start3A_26 = arith.constant 0 : i32
    %dma_start3A_27 = tpu.memref_slice %arg5[%dma_start3A_25, %dma_start3A_26] : memref<200x128xi32, #tpu.memory_space<vmem>> -> memref<1x128xi32, #tpu.memory_space<vmem>>
    %dma_start3A_28 = tpu.memref_squeeze %dma_start3A_27 : memref<1x128xi32, #tpu.memory_space<vmem>> -> memref<128xi32, #tpu.memory_space<vmem>>
    %dma_start3A_29 = arith.constant 0 : i32
    %dma_start3A_30 = arith.constant 0 : i32
    %dma_start3A_31 = tpu.memref_slice %arg3[%dma_start3A_29, %dma_start3A_30] : memref<1000000x128xf32, #tpu.memory_space<hbm>> -> memref<1000000x128xf32, #tpu.memory_space<hbm>>
    tpu.enqueue_indirect_dma source(%dma_start3A_31 : memref<1000000x128xf32, #tpu.memory_space<hbm>>) target(%arg9 : memref<128x128xf32, #tpu.memory_space<vmem>>) offsets(%dma_start3A_28 : memref<128xi32, #tpu.memory_space<vmem>>) semaphore(%arg15 : memref<!tpu.dma_semaphore, #tpu.memory_space<semaphore_mem>>)
    %dma_wait3A = arith.constant 0 : i32
    %dma_wait3A_32 = arith.constant 0 : i32
    %dma_wait3A_33 = tpu.memref_slice %arg3[%dma_wait3A, %dma_wait3A_32] : memref<1000000x128xf32, #tpu.memory_space<hbm>> -> memref<128x128xf32, #tpu.memory_space<hbm>>
    %dma_wait3A_34 = arith.constant 0 : i32
    %dma_wait3A_35 = arith.constant 0 : i32
    %dma_wait3A_36 = tpu.memref_slice %arg3[%dma_wait3A_34, %dma_wait3A_35] : memref<1000000x128xf32, #tpu.memory_space<hbm>> -> memref<128x128xf32, #tpu.memory_space<hbm>>
    tpu.wait_dma2 semaphore(%arg12 : memref<!tpu.dma_semaphore, #tpu.memory_space<semaphore_mem>>) src(%dma_wait3A_36 : memref<128x128xf32, #tpu.memory_space<hbm>>) dst(%arg6 : memref<128x128xf32, #tpu.memory_space<vmem>>)
    %scan3A = arith.constant 0 : i32
    %scan3A_37 = arith.constant 128 : i32
    %scan3A_38 = arith.addi %scan3A, %scan3A_37 : i32
    %scan3A_39 = arith.constant 8 : i32
    scf.for %scan3A_152 = %scan3A to %scan3A_38 step %scan3A_39  : i32 {
      %mul3A_153 = arith.constant 1 : i32
      %mul3A_154 = arith.muli %scan3A_152, %mul3A_153 : i32
      %add3A_155 = arith.constant 0 : i32
      %add3A_156 = arith.addi %add3A_155, %mul3A_154 : i32
      %get3A = arith.index_cast %add3A_156 : i32 to index
      %get3A_157 = arith.constant 0 : index
      %get3A_158 = tpu.vector_load %arg6[%get3A, %get3A_157] {strides = array<i32>} : memref<128x128xf32, #tpu.memory_space<vmem>>, vector<1x16xf32>,
      %get3A_159 = vector.shape_cast %get3A_158 : vector<1x16xf32> to vector<16xf32>
      %mul3A_160 = arith.constant 8.000000e+00 : f32
      %mul3A_161 = vector.broadcast %mul3A_160 : f32 to vector<16xf32>
      %mul3A_162 = arith.mulf %get3A_159, %mul3A_161 : vector<16xf32>
      %swap3A = arith.index_cast %add3A_156 : i32 to index
      %swap3A_163 = arith.constant 0 : index
      %swap3A_164 = tpu.vector_load %arg10[%swap3A, %swap3A_163] {strides = array<i32>} : memref<128x64xf32, #tpu.memory_space<vmem>>, vector<1x16xf32>,
      %swap3A_165 = vector.shape_cast %swap3A_164 : vector<1x16xf32> to vector<16xf32>
      %swap3A_166 = vector.shape_cast %mul3A_162 : vector<16xf32> to vector<1x16xf32>
      tpu.vector_store %arg10[%swap3A, %swap3A_163], %swap3A_166 {strides = array<i32>} : memref<128x64xf32, #tpu.memory_space<vmem>>, vector<1x16xf32>,
      %get3A_167 = arith.index_cast %add3A_156 : i32 to index
      %get3A_168 = arith.constant 16 : index
      %get3A_169 = tpu.vector_load %arg6[%get3A_167, %get3A_168] {strides = array<i32>} : memref<128x128xf32, #tpu.memory_space<vmem>>, vector<1x16xf32>,
      %get3A_170 = vector.shape_cast %get3A_169 : vector<1x16xf32> to vector<16xf32>
      %mul3A_171 = arith.constant 8.000000e+00 : f32
      %mul3A_172 = vector.broadcast %mul3A_171 : f32 to vector<16xf32>
      %mul3A_173 = arith.mulf %get3A_170, %mul3A_172 : vector<16xf32>
      %swap3A_174 = arith.index_cast %add3A_156 : i32 to index
      %swap3A_175 = arith.constant 16 : index
      %swap3A_176 = tpu.vector_load %arg10[%swap3A_174, %swap3A_175] {strides = array<i32>} : memref<128x64xf32, #tpu.memory_space<vmem>>, vector<1x16xf32>,
      %swap3A_177 = vector.shape_cast %swap3A_176 : vector<1x16xf32> to vector<16xf32>
      %swap3A_178 = vector.shape_cast %mul3A_173 : vector<16xf32> to vector<1x16xf32>
      tpu.vector_store %arg10[%swap3A_174, %swap3A_175], %swap3A_178 {strides = array<i32>} : memref<128x64xf32, #tpu.memory_space<vmem>>, vector<1x16xf32>,
      %get3A_179 = arith.index_cast %add3A_156 : i32 to index
      %get3A_180 = arith.constant 32 : index
      %get3A_181 = tpu.vector_load %arg6[%get3A_179, %get3A_180] {strides = array<i32>} : memref<128x128xf32, #tpu.memory_space<vmem>>, vector<1x16xf32>,
      %get3A_182 = vector.shape_cast %get3A_181 : vector<1x16xf32> to vector<16xf32>
      %mul3A_183 = arith.constant 8.000000e+00 : f32
      %mul3A_184 = vector.broadcast %mul3A_183 : f32 to vector<16xf32>
      %mul3A_185 = arith.mulf %get3A_182, %mul3A_184 : vector<16xf32>
      %swap3A_186 = arith.index_cast %add3A_156 : i32 to index
      %swap3A_187 = arith.constant 32 : index
      %swap3A_188 = tpu.vector_load %arg10[%swap3A_186, %swap3A_187] {strides = array<i32>} : memref<128x64xf32, #tpu.memory_space<vmem>>, vector<1x16xf32>,
      %swap3A_189 = vector.shape_cast %swap3A_188 : vector<1x16xf32> to vector<16xf32>
      %swap3A_190 = vector.shape_cast %mul3A_185 : vector<16xf32> to vector<1x16xf32>
      tpu.vector_store %arg10[%swap3A_186, %swap3A_187], %swap3A_190 {strides = array<i32>} : memref<128x64xf32, #tpu.memory_space<vmem>>, vector<1x16xf32>,
      %get3A_191 = arith.index_cast %add3A_156 : i32 to index
      %get3A_192 = arith.constant 48 : index
      %get3A_193 = tpu.vector_load %arg6[%get3A_191, %get3A_192] {strides = array<i32>} : memref<128x128xf32, #tpu.memory_space<vmem>>, vector<1x16xf32>,
      %get3A_194 = vector.shape_cast %get3A_193 : vector<1x16xf32> to vector<16xf32>
      %mul3A_195 = arith.constant 8.000000e+00 : f32
      %mul3A_196 = vector.broadcast %mul3A_195 : f32 to vector<16xf32>
      %mul3A_197 = arith.mulf %get3A_194, %mul3A_196 : vector<16xf32>
      %swap3A_198 = arith.index_cast %add3A_156 : i32 to index
      %swap3A_199 = arith.constant 48 : index
      %swap3A_200 = tpu.vector_load %arg10[%swap3A_198, %swap3A_199] {strides = array<i32>} : memref<128x64xf32, #tpu.memory_space<vmem>>, vector<1x16xf32>,
      %swap3A_201 = vector.shape_cast %swap3A_200 : vector<1x16xf32> to vector<16xf32>
      %swap3A_202 = vector.shape_cast %mul3A_197 : vector<16xf32> to vector<1x16xf32>
      tpu.vector_store %arg10[%swap3A_198, %swap3A_199], %swap3A_202 {strides = array<i32>} : memref<128x64xf32, #tpu.memory_space<vmem>>, vector<1x16xf32>,
      %scan3A_203 = arith.constant 1 : i32
      %scan3A_204 = arith.addi %scan3A_152, %scan3A_203 : i32
      %mul3A_205 = arith.constant 1 : i32
      %mul3A_206 = arith.muli %scan3A_204, %mul3A_205 : i32
      %add3A_207 = arith.constant 0 : i32
      %add3A_208 = arith.addi %add3A_207, %mul3A_206 : i32
      %get3A_209 = arith.index_cast %add3A_208 : i32 to index
      %get3A_210 = arith.constant 0 : index
      %get3A_211 = tpu.vector_load %arg6[%get3A_209, %get3A_210] {strides = array<i32>} : memref<128x128xf32, #tpu.memory_space<vmem>>, vector<1x16xf32>,
      %get3A_212 = vector.shape_cast %get3A_211 : vector<1x16xf32> to vector<16xf32>
      %mul3A_213 = arith.constant 8.000000e+00 : f32
      %mul3A_214 = vector.broadcast %mul3A_213 : f32 to vector<16xf32>
      %mul3A_215 = arith.mulf %get3A_212, %mul3A_214 : vector<16xf32>
      %swap3A_216 = arith.index_cast %add3A_208 : i32 to index
      %swap3A_217 = arith.constant 0 : index
      %swap3A_218 = tpu.vector_load %arg10[%swap3A_216, %swap3A_217] {strides = array<i32>} : memref<128x64xf32, #tpu.memory_space<vmem>>, vector<1x16xf32>,
      %swap3A_219 = vector.shape_cast %swap3A_218 : vector<1x16xf32> to vector<16xf32>
      %swap3A_220 = vector.shape_cast %mul3A_215 : vector<16xf32> to vector<1x16xf32>
      tpu.vector_store %arg10[%swap3A_216, %swap3A_217], %swap3A_220 {strides = array<i32>} : memref<128x64xf32, #tpu.memory_space<vmem>>, vector<1x16xf32>,
      %get3A_221 = arith.index_cast %add3A_208 : i32 to index
      %get3A_222 = arith.constant 16 : index
      %get3A_223 = tpu.vector_load %arg6[%get3A_221, %get3A_222] {strides = array<i32>} : memref<128x128xf32, #tpu.memory_space<vmem>>, vector<1x16xf32>,
      %get3A_224 = vector.shape_cast %get3A_223 : vector<1x16xf32> to vector<16xf32>
      %mul3A_225 = arith.constant 8.000000e+00 : f32
      %mul3A_226 = vector.broadcast %mul3A_225 : f32 to vector<16xf32>
      %mul3A_227 = arith.mulf %get3A_224, %mul3A_226 : vector<16xf32>
      %swap3A_228 = arith.index_cast %add3A_208 : i32 to index
      %swap3A_229 = arith.constant 16 : index
      %swap3A_230 = tpu.vector_load %arg10[%swap3A_228, %swap3A_229] {strides = array<i32>} : memref<128x64xf32, #tpu.memory_space<vmem>>, vector<1x16xf32>,
      %swap3A_231 = vector.shape_cast %swap3A_230 : vector<1x16xf32> to vector<16xf32>
      %swap3A_232 = vector.shape_cast %mul3A_227 : vector<16xf32> to vector<1x16xf32>
      tpu.vector_store %arg10[%swap3A_228, %swap3A_229], %swap3A_232 {strides = array<i32>} : memref<128x64xf32, #tpu.memory_space<vmem>>, vector<1x16xf32>,
      %get3A_233 = arith.index_cast %add3A_208 : i32 to index
      %get3A_234 = arith.constant 32 : index
      %get3A_235 = tpu.vector_load %arg6[%get3A_233, %get3A_234] {strides = array<i32>} : memref<128x128xf32, #tpu.memory_space<vmem>>, vector<1x16xf32>,
      %get3A_236 = vector.shape_cast %get3A_235 : vector<1x16xf32> to vector<16xf32>
      %mul3A_237 = arith.constant 8.000000e+00 : f32
      %mul3A_238 = vector.broadcast %mul3A_237 : f32 to vector<16xf32>
      %mul3A_239 = arith.mulf %get3A_236, %mul3A_238 : vector<16xf32>
      %swap3A_240 = arith.index_cast %add3A_208 : i32 to index
      %swap3A_241 = arith.constant 32 : index
      %swap3A_242 = tpu.vector_load %arg10[%swap3A_240, %swap3A_241] {strides = array<i32>} : memref<128x64xf32, #tpu.memory_space<vmem>>, vector<1x16xf32>,
      %swap3A_243 = vector.shape_cast %swap3A_242 : vector<1x16xf32> to vector<16xf32>
      %swap3A_244 = vector.shape_cast %mul3A_239 : vector<16xf32> to vector<1x16xf32>
      tpu.vector_store %arg10[%swap3A_240, %swap3A_241], %swap3A_244 {strides = array<i32>} : memref<128x64xf32, #tpu.memory_space<vmem>>, vector<1x16xf32>,
      %get3A_245 = arith.index_cast %add3A_208 : i32 to index
      %get3A_246 = arith.constant 48 : index
      %get3A_247 = tpu.vector_load %arg6[%get3A_245, %get3A_246] {strides = array<i32>} : memref<128x128xf32, #tpu.memory_space<vmem>>, vector<1x16xf32>,
      %get3A_248 = vector.shape_cast %get3A_247 : vector<1x16xf32> to vector<16xf32>
      %mul3A_249 = arith.constant 8.000000e+00 : f32
      %mul3A_250 = vector.broadcast %mul3A_249 : f32 to vector<16xf32>
      %mul3A_251 = arith.mulf %get3A_248, %mul3A_250 : vector<16xf32>
      %swap3A_252 = arith.index_cast %add3A_208 : i32 to index
      %swap3A_253 = arith.constant 48 : index
      %swap3A_254 = tpu.vector_load %arg10[%swap3A_252, %swap3A_253] {strides = array<i32>} : memref<128x64xf32, #tpu.memory_space<vmem>>, vector<1x16xf32>,
      %swap3A_255 = vector.shape_cast %swap3A_254 : vector<1x16xf32> to vector<16xf32>
      %swap3A_256 = vector.shape_cast %mul3A_251 : vector<16xf32> to vector<1x16xf32>
      tpu.vector_store %arg10[%swap3A_252, %swap3A_253], %swap3A_256 {strides = array<i32>} : memref<128x64xf32, #tpu.memory_space<vmem>>, vector<1x16xf32>,
      %scan3A_257 = arith.constant 2 : i32
      %scan3A_258 = arith.addi %scan3A_152, %scan3A_257 : i32
      %mul3A_259 = arith.constant 1 : i32
      %mul3A_260 = arith.muli %scan3A_258, %mul3A_259 : i32
      %add3A_261 = arith.constant 0 : i32
      %add3A_262 = arith.addi %add3A_261, %mul3A_260 : i32
      %get3A_263 = arith.index_cast %add3A_262 : i32 to index
      %get3A_264 = arith.constant 0 : index
      %get3A_265 = tpu.vector_load %arg6[%get3A_263, %get3A_264] {strides = array<i32>} : memref<128x128xf32, #tpu.memory_space<vmem>>, vector<1x16xf32>,
      %get3A_266 = vector.shape_cast %get3A_265 : vector<1x16xf32> to vector<16xf32>
      %mul3A_267 = arith.constant 8.000000e+00 : f32
      %mul3A_268 = vector.broadcast %mul3A_267 : f32 to vector<16xf32>
      %mul3A_269 = arith.mulf %get3A_266, %mul3A_268 : vector<16xf32>
      %swap3A_270 = arith.index_cast %add3A_262 : i32 to index
      %swap3A_271 = arith.constant 0 : index
      %swap3A_272 = tpu.vector_load %arg10[%swap3A_270, %swap3A_271] {strides = array<i32>} : memref<128x64xf32, #tpu.memory_space<vmem>>, vector<1x16xf32>,
      %swap3A_273 = vector.shape_cast %swap3A_272 : vector<1x16xf32> to vector<16xf32>
      %swap3A_274 = vector.shape_cast %mul3A_269 : vector<16xf32> to vector<1x16xf32>
      tpu.vector_store %arg10[%swap3A_270, %swap3A_271], %swap3A_274 {strides = array<i32>} : memref<128x64xf32, #tpu.memory_space<vmem>>, vector<1x16xf32>,
      %get3A_275 = arith.index_cast %add3A_262 : i32 to index
      %get3A_276 = arith.constant 16 : index
      %get3A_277 = tpu.vector_load %arg6[%get3A_275, %get3A_276] {strides = array<i32>} : memref<128x128xf32, #tpu.memory_space<vmem>>, vector<1x16xf32>,
      %get3A_278 = vector.shape_cast %get3A_277 : vector<1x16xf32> to vector<16xf32>
      %mul3A_279 = arith.constant 8.000000e+00 : f32
      %mul3A_280 = vector.broadcast %mul3A_279 : f32 to vector<16xf32>
      %mul3A_281 = arith.mulf %get3A_278, %mul3A_280 : vector<16xf32>
      %swap3A_282 = arith.index_cast %add3A_262 : i32 to index
      %swap3A_283 = arith.constant 16 : index
      %swap3A_284 = tpu.vector_load %arg10[%swap3A_282, %swap3A_283] {strides = array<i32>} : memref<128x64xf32, #tpu.memory_space<vmem>>, vector<1x16xf32>,
      %swap3A_285 = vector.shape_cast %swap3A_284 : vector<1x16xf32> to vector<16xf32>
      %swap3A_286 = vector.shape_cast %mul3A_281 : vector<16xf32> to vector<1x16xf32>
      tpu.vector_store %arg10[%swap3A_282, %swap3A_283], %swap3A_286 {strides = array<i32>} : memref<128x64xf32, #tpu.memory_space<vmem>>, vector<1x16xf32>,
      %get3A_287 = arith.index_cast %add3A_262 : i32 to index
      %get3A_288 = arith.constant 32 : index
      %get3A_289 = tpu.vector_load %arg6[%get3A_287, %get3A_288] {strides = array<i32>} : memref<128x128xf32, #tpu.memory_space<vmem>>, vector<1x16xf32>,
      %get3A_290 = vector.shape_cast %get3A_289 : vector<1x16xf32> to vector<16xf32>
      %mul3A_291 = arith.constant 8.000000e+00 : f32
      %mul3A_292 = vector.broadcast %mul3A_291 : f32 to vector<16xf32>
      %mul3A_293 = arith.mulf %get3A_290, %mul3A_292 : vector<16xf32>
      %swap3A_294 = arith.index_cast %add3A_262 : i32 to index
      %swap3A_295 = arith.constant 32 : index
      %swap3A_296 = tpu.vector_load %arg10[%swap3A_294, %swap3A_295] {strides = array<i32>} : memref<128x64xf32, #tpu.memory_space<vmem>>, vector<1x16xf32>,
      %swap3A_297 = vector.shape_cast %swap3A_296 : vector<1x16xf32> to vector<16xf32>
      %swap3A_298 = vector.shape_cast %mul3A_293 : vector<16xf32> to vector<1x16xf32>
      tpu.vector_store %arg10[%swap3A_294, %swap3A_295], %swap3A_298 {strides = array<i32>} : memref<128x64xf32, #tpu.memory_space<vmem>>, vector<1x16xf32>,
      %get3A_299 = arith.index_cast %add3A_262 : i32 to index
      %get3A_300 = arith.constant 48 : index
      %get3A_301 = tpu.vector_load %arg6[%get3A_299, %get3A_300] {strides = array<i32>} : memref<128x128xf32, #tpu.memory_space<vmem>>, vector<1x16xf32>,
      %get3A_302 = vector.shape_cast %get3A_301 : vector<1x16xf32> to vector<16xf32>
      %mul3A_303 = arith.constant 8.000000e+00 : f32
      %mul3A_304 = vector.broadcast %mul3A_303 : f32 to vector<16xf32>
      %mul3A_305 = arith.mulf %get3A_302, %mul3A_304 : vector<16xf32>
      %swap3A_306 = arith.index_cast %add3A_262 : i32 to index
      %swap3A_307 = arith.constant 48 : index
      %swap3A_308 = tpu.vector_load %arg10[%swap3A_306, %swap3A_307] {strides = array<i32>} : memref<128x64xf32, #tpu.memory_space<vmem>>, vector<1x16xf32>,
      %swap3A_309 = vector.shape_cast %swap3A_308 : vector<1x16xf32> to vector<16xf32>
      %swap3A_310 = vector.shape_cast %mul3A_305 : vector<16xf32> to vector<1x16xf32>
      tpu.vector_store %arg10[%swap3A_306, %swap3A_307], %swap3A_310 {strides = array<i32>} : memref<128x64xf32, #tpu.memory_space<vmem>>, vector<1x16xf32>,
      %scan3A_311 = arith.constant 3 : i32
      %scan3A_312 = arith.addi %scan3A_152, %scan3A_311 : i32
      %mul3A_313 = arith.constant 1 : i32
      %mul3A_314 = arith.muli %scan3A_312, %mul3A_313 : i32
      %add3A_315 = arith.constant 0 : i32
      %add3A_316 = arith.addi %add3A_315, %mul3A_314 : i32
      %get3A_317 = arith.index_cast %add3A_316 : i32 to index
      %get3A_318 = arith.constant 0 : index
      %get3A_319 = tpu.vector_load %arg6[%get3A_317, %get3A_318] {strides = array<i32>} : memref<128x128xf32, #tpu.memory_space<vmem>>, vector<1x16xf32>,
      %get3A_320 = vector.shape_cast %get3A_319 : vector<1x16xf32> to vector<16xf32>
      %mul3A_321 = arith.constant 8.000000e+00 : f32
      %mul3A_322 = vector.broadcast %mul3A_321 : f32 to vector<16xf32>
      %mul3A_323 = arith.mulf %get3A_320, %mul3A_322 : vector<16xf32>
      %swap3A_324 = arith.index_cast %add3A_316 : i32 to index
      %swap3A_325 = arith.constant 0 : index
      %swap3A_326 = tpu.vector_load %arg10[%swap3A_324, %swap3A_325] {strides = array<i32>} : memref<128x64xf32, #tpu.memory_space<vmem>>, vector<1x16xf32>,
      %swap3A_327 = vector.shape_cast %swap3A_326 : vector<1x16xf32> to vector<16xf32>
      %swap3A_328 = vector.shape_cast %mul3A_323 : vector<16xf32> to vector<1x16xf32>
      tpu.vector_store %arg10[%swap3A_324, %swap3A_325], %swap3A_328 {strides = array<i32>} : memref<128x64xf32, #tpu.memory_space<vmem>>, vector<1x16xf32>,
      %get3A_329 = arith.index_cast %add3A_316 : i32 to index
      %get3A_330 = arith.constant 16 : index
      %get3A_331 = tpu.vector_load %arg6[%get3A_329, %get3A_330] {strides = array<i32>} : memref<128x128xf32, #tpu.memory_space<vmem>>, vector<1x16xf32>,
      %get3A_332 = vector.shape_cast %get3A_331 : vector<1x16xf32> to vector<16xf32>
      %mul3A_333 = arith.constant 8.000000e+00 : f32
      %mul3A_334 = vector.broadcast %mul3A_333 : f32 to vector<16xf32>
      %mul3A_335 = arith.mulf %get3A_332, %mul3A_334 : vector<16xf32>
      %swap3A_336 = arith.index_cast %add3A_316 : i32 to index
      %swap3A_337 = arith.constant 16 : index
      %swap3A_338 = tpu.vector_load %arg10[%swap3A_336, %swap3A_337] {strides = array<i32>} : memref<128x64xf32, #tpu.memory_space<vmem>>, vector<1x16xf32>,
      %swap3A_339 = vector.shape_cast %swap3A_338 : vector<1x16xf32> to vector<16xf32>
      %swap3A_340 = vector.shape_cast %mul3A_335 : vector<16xf32> to vector<1x16xf32>
      tpu.vector_store %arg10[%swap3A_336, %swap3A_337], %swap3A_340 {strides = array<i32>} : memref<128x64xf32, #tpu.memory_space<vmem>>, vector<1x16xf32>,
      %get3A_341 = arith.index_cast %add3A_316 : i32 to index
      %get3A_342 = arith.constant 32 : index
      %get3A_343 = tpu.vector_load %arg6[%get3A_341, %get3A_342] {strides = array<i32>} : memref<128x128xf32, #tpu.memory_space<vmem>>, vector<1x16xf32>,
      %get3A_344 = vector.shape_cast %get3A_343 : vector<1x16xf32> to vector<16xf32>
      %mul3A_345 = arith.constant 8.000000e+00 : f32
      %mul3A_346 = vector.broadcast %mul3A_345 : f32 to vector<16xf32>
      %mul3A_347 = arith.mulf %get3A_344, %mul3A_346 : vector<16xf32>
      %swap3A_348 = arith.index_cast %add3A_316 : i32 to index
      %swap3A_349 = arith.constant 32 : index
      %swap3A_350 = tpu.vector_load %arg10[%swap3A_348, %swap3A_349] {strides = array<i32>} : memref<128x64xf32, #tpu.memory_space<vmem>>, vector<1x16xf32>,
      %swap3A_351 = vector.shape_cast %swap3A_350 : vector<1x16xf32> to vector<16xf32>
      %swap3A_352 = vector.shape_cast %mul3A_347 : vector<16xf32> to vector<1x16xf32>
      tpu.vector_store %arg10[%swap3A_348, %swap3A_349], %swap3A_352 {strides = array<i32>} : memref<128x64xf32, #tpu.memory_space<vmem>>, vector<1x16xf32>,
      %get3A_353 = arith.index_cast %add3A_316 : i32 to index
      %get3A_354 = arith.constant 48 : index
      %get3A_355 = tpu.vector_load %arg6[%get3A_353, %get3A_354] {strides = array<i32>} : memref<128x128xf32, #tpu.memory_space<vmem>>, vector<1x16xf32>,
      %get3A_356 = vector.shape_cast %get3A_355 : vector<1x16xf32> to vector<16xf32>
      %mul3A_357 = arith.constant 8.000000e+00 : f32
      %mul3A_358 = vector.broadcast %mul3A_357 : f32 to vector<16xf32>
      %mul3A_359 = arith.mulf %get3A_356, %mul3A_358 : vector<16xf32>
      %swap3A_360 = arith.index_cast %add3A_316 : i32 to index
      %swap3A_361 = arith.constant 48 : index
      %swap3A_362 = tpu.vector_load %arg10[%swap3A_360, %swap3A_361] {strides = array<i32>} : memref<128x64xf32, #tpu.memory_space<vmem>>, vector<1x16xf32>,
      %swap3A_363 = vector.shape_cast %swap3A_362 : vector<1x16xf32> to vector<16xf32>
      %swap3A_364 = vector.shape_cast %mul3A_359 : vector<16xf32> to vector<1x16xf32>
      tpu.vector_store %arg10[%swap3A_360, %swap3A_361], %swap3A_364 {strides = array<i32>} : memref<128x64xf32, #tpu.memory_space<vmem>>, vector<1x16xf32>,
      %scan3A_365 = arith.constant 4 : i32
      %scan3A_366 = arith.addi %scan3A_152, %scan3A_365 : i32
      %mul3A_367 = arith.constant 1 : i32
      %mul3A_368 = arith.muli %scan3A_366, %mul3A_367 : i32
      %add3A_369 = arith.constant 0 : i32
      %add3A_370 = arith.addi %add3A_369, %mul3A_368 : i32
      %get3A_371 = arith.index_cast %add3A_370 : i32 to index
      %get3A_372 = arith.constant 0 : index
      %get3A_373 = tpu.vector_load %arg6[%get3A_371, %get3A_372] {strides = array<i32>} : memref<128x128xf32, #tpu.memory_space<vmem>>, vector<1x16xf32>,
      %get3A_374 = vector.shape_cast %get3A_373 : vector<1x16xf32> to vector<16xf32>
      %mul3A_375 = arith.constant 8.000000e+00 : f32
      %mul3A_376 = vector.broadcast %mul3A_375 : f32 to vector<16xf32>
      %mul3A_377 = arith.mulf %get3A_374, %mul3A_376 : vector<16xf32>
      %swap3A_378 = arith.index_cast %add3A_370 : i32 to index
      %swap3A_379 = arith.constant 0 : index
      %swap3A_380 = tpu.vector_load %arg10[%swap3A_378, %swap3A_379] {strides = array<i32>} : memref<128x64xf32, #tpu.memory_space<vmem>>, vector<1x16xf32>,
      %swap3A_381 = vector.shape_cast %swap3A_380 : vector<1x16xf32> to vector<16xf32>
      %swap3A_382 = vector.shape_cast %mul3A_377 : vector<16xf32> to vector<1x16xf32>
      tpu.vector_store %arg10[%swap3A_378, %swap3A_379], %swap3A_382 {strides = array<i32>} : memref<128x64xf32, #tpu.memory_space<vmem>>, vector<1x16xf32>,
      %get3A_383 = arith.index_cast %add3A_370 : i32 to index
      %get3A_384 = arith.constant 16 : index
      %get3A_385 = tpu.vector_load %arg6[%get3A_383, %get3A_384] {strides = array<i32>} : memref<128x128xf32, #tpu.memory_space<vmem>>, vector<1x16xf32>,
      %get3A_386 = vector.shape_cast %get3A_385 : vector<1x16xf32> to vector<16xf32>
      %mul3A_387 = arith.constant 8.000000e+00 : f32
      %mul3A_388 = vector.broadcast %mul3A_387 : f32 to vector<16xf32>
      %mul3A_389 = arith.mulf %get3A_386, %mul3A_388 : vector<16xf32>
      %swap3A_390 = arith.index_cast %add3A_370 : i32 to index
      %swap3A_391 = arith.constant 16 : index
      %swap3A_392 = tpu.vector_load %arg10[%swap3A_390, %swap3A_391] {strides = array<i32>} : memref<128x64xf32, #tpu.memory_space<vmem>>, vector<1x16xf32>,
      %swap3A_393 = vector.shape_cast %swap3A_392 : vector<1x16xf32> to vector<16xf32>
      %swap3A_394 = vector.shape_cast %mul3A_389 : vector<16xf32> to vector<1x16xf32>
      tpu.vector_store %arg10[%swap3A_390, %swap3A_391], %swap3A_394 {strides = array<i32>} : memref<128x64xf32, #tpu.memory_space<vmem>>, vector<1x16xf32>,
      %get3A_395 = arith.index_cast %add3A_370 : i32 to index
      %get3A_396 = arith.constant 32 : index
      %get3A_397 = tpu.vector_load %arg6[%get3A_395, %get3A_396] {strides = array<i32>} : memref<128x128xf32, #tpu.memory_space<vmem>>, vector<1x16xf32>,
      %get3A_398 = vector.shape_cast %get3A_397 : vector<1x16xf32> to vector<16xf32>
      %mul3A_399 = arith.constant 8.000000e+00 : f32
      %mul3A_400 = vector.broadcast %mul3A_399 : f32 to vector<16xf32>
      %mul3A_401 = arith.mulf %get3A_398, %mul3A_400 : vector<16xf32>
      %swap3A_402 = arith.index_cast %add3A_370 : i32 to index
      %swap3A_403 = arith.constant 32 : index
      %swap3A_404 = tpu.vector_load %arg10[%swap3A_402, %swap3A_403] {strides = array<i32>} : memref<128x64xf32, #tpu.memory_space<vmem>>, vector<1x16xf32>,
      %swap3A_405 = vector.shape_cast %swap3A_404 : vector<1x16xf32> to vector<16xf32>
      %swap3A_406 = vector.shape_cast %mul3A_401 : vector<16xf32> to vector<1x16xf32>
      tpu.vector_store %arg10[%swap3A_402, %swap3A_403], %swap3A_406 {strides = array<i32>} : memref<128x64xf32, #tpu.memory_space<vmem>>, vector<1x16xf32>,
      %get3A_407 = arith.index_cast %add3A_370 : i32 to index
      %get3A_408 = arith.constant 48 : index
      %get3A_409 = tpu.vector_load %arg6[%get3A_407, %get3A_408] {strides = array<i32>} : memref<128x128xf32, #tpu.memory_space<vmem>>, vector<1x16xf32>,
      %get3A_410 = vector.shape_cast %get3A_409 : vector<1x16xf32> to vector<16xf32>
      %mul3A_411 = arith.constant 8.000000e+00 : f32
      %mul3A_412 = vector.broadcast %mul3A_411 : f32 to vector<16xf32>
      %mul3A_413 = arith.mulf %get3A_410, %mul3A_412 : vector<16xf32>
      %swap3A_414 = arith.index_cast %add3A_370 : i32 to index
      %swap3A_415 = arith.constant 48 : index
      %swap3A_416 = tpu.vector_load %arg10[%swap3A_414, %swap3A_415] {strides = array<i32>} : memref<128x64xf32, #tpu.memory_space<vmem>>, vector<1x16xf32>,
      %swap3A_417 = vector.shape_cast %swap3A_416 : vector<1x16xf32> to vector<16xf32>
      %swap3A_418 = vector.shape_cast %mul3A_413 : vector<16xf32> to vector<1x16xf32>
      tpu.vector_store %arg10[%swap3A_414, %swap3A_415], %swap3A_418 {strides = array<i32>} : memref<128x64xf32, #tpu.memory_space<vmem>>, vector<1x16xf32>,
      %scan3A_419 = arith.constant 5 : i32
      %scan3A_420 = arith.addi %scan3A_152, %scan3A_419 : i32
      %mul3A_421 = arith.constant 1 : i32
      %mul3A_422 = arith.muli %scan3A_420, %mul3A_421 : i32
      %add3A_423 = arith.constant 0 : i32
      %add3A_424 = arith.addi %add3A_423, %mul3A_422 : i32
      %get3A_425 = arith.index_cast %add3A_424 : i32 to index
      %get3A_426 = arith.constant 0 : index
      %get3A_427 = tpu.vector_load %arg6[%get3A_425, %get3A_426] {strides = array<i32>} : memref<128x128xf32, #tpu.memory_space<vmem>>, vector<1x16xf32>,
      %get3A_428 = vector.shape_cast %get3A_427 : vector<1x16xf32> to vector<16xf32>
      %mul3A_429 = arith.constant 8.000000e+00 : f32
      %mul3A_430 = vector.broadcast %mul3A_429 : f32 to vector<16xf32>
      %mul3A_431 = arith.mulf %get3A_428, %mul3A_430 : vector<16xf32>
      %swap3A_432 = arith.index_cast %add3A_424 : i32 to index
      %swap3A_433 = arith.constant 0 : index
      %swap3A_434 = tpu.vector_load %arg10[%swap3A_432, %swap3A_433] {strides = array<i32>} : memref<128x64xf32, #tpu.memory_space<vmem>>, vector<1x16xf32>,
      %swap3A_435 = vector.shape_cast %swap3A_434 : vector<1x16xf32> to vector<16xf32>
      %swap3A_436 = vector.shape_cast %mul3A_431 : vector<16xf32> to vector<1x16xf32>
      tpu.vector_store %arg10[%swap3A_432, %swap3A_433], %swap3A_436 {strides = array<i32>} : memref<128x64xf32, #tpu.memory_space<vmem>>, vector<1x16xf32>,
      %get3A_437 = arith.index_cast %add3A_424 : i32 to index
      %get3A_438 = arith.constant 16 : index
      %get3A_439 = tpu.vector_load %arg6[%get3A_437, %get3A_438] {strides = array<i32>} : memref<128x128xf32, #tpu.memory_space<vmem>>, vector<1x16xf32>,
      %get3A_440 = vector.shape_cast %get3A_439 : vector<1x16xf32> to vector<16xf32>
      %mul3A_441 = arith.constant 8.000000e+00 : f32
      %mul3A_442 = vector.broadcast %mul3A_441 : f32 to vector<16xf32>
      %mul3A_443 = arith.mulf %get3A_440, %mul3A_442 : vector<16xf32>
      %swap3A_444 = arith.index_cast %add3A_424 : i32 to index
      %swap3A_445 = arith.constant 16 : index
      %swap3A_446 = tpu.vector_load %arg10[%swap3A_444, %swap3A_445] {strides = array<i32>} : memref<128x64xf32, #tpu.memory_space<vmem>>, vector<1x16xf32>,
      %swap3A_447 = vector.shape_cast %swap3A_446 : vector<1x16xf32> to vector<16xf32>
      %swap3A_448 = vector.shape_cast %mul3A_443 : vector<16xf32> to vector<1x16xf32>
      tpu.vector_store %arg10[%swap3A_444, %swap3A_445], %swap3A_448 {strides = array<i32>} : memref<128x64xf32, #tpu.memory_space<vmem>>, vector<1x16xf32>,
      %get3A_449 = arith.index_cast %add3A_424 : i32 to index
      %get3A_450 = arith.constant 32 : index
      %get3A_451 = tpu.vector_load %arg6[%get3A_449, %get3A_450] {strides = array<i32>} : memref<128x128xf32, #tpu.memory_space<vmem>>, vector<1x16xf32>,
      %get3A_452 = vector.shape_cast %get3A_451 : vector<1x16xf32> to vector<16xf32>
      %mul3A_453 = arith.constant 8.000000e+00 : f32
      %mul3A_454 = vector.broadcast %mul3A_453 : f32 to vector<16xf32>
      %mul3A_455 = arith.mulf %get3A_452, %mul3A_454 : vector<16xf32>
      %swap3A_456 = arith.index_cast %add3A_424 : i32 to index
      %swap3A_457 = arith.constant 32 : index
      %swap3A_458 = tpu.vector_load %arg10[%swap3A_456, %swap3A_457] {strides = array<i32>} : memref<128x64xf32, #tpu.memory_space<vmem>>, vector<1x16xf32>,
      %swap3A_459 = vector.shape_cast %swap3A_458 : vector<1x16xf32> to vector<16xf32>
      %swap3A_460 = vector.shape_cast %mul3A_455 : vector<16xf32> to vector<1x16xf32>
      tpu.vector_store %arg10[%swap3A_456, %swap3A_457], %swap3A_460 {strides = array<i32>} : memref<128x64xf32, #tpu.memory_space<vmem>>, vector<1x16xf32>,
      %get3A_461 = arith.index_cast %add3A_424 : i32 to index
      %get3A_462 = arith.constant 48 : index
      %get3A_463 = tpu.vector_load %arg6[%get3A_461, %get3A_462] {strides = array<i32>} : memref<128x128xf32, #tpu.memory_space<vmem>>, vector<1x16xf32>,
      %get3A_464 = vector.shape_cast %get3A_463 : vector<1x16xf32> to vector<16xf32>
      %mul3A_465 = arith.constant 8.000000e+00 : f32
      %mul3A_466 = vector.broadcast %mul3A_465 : f32 to vector<16xf32>
      %mul3A_467 = arith.mulf %get3A_464, %mul3A_466 : vector<16xf32>
      %swap3A_468 = arith.index_cast %add3A_424 : i32 to index
      %swap3A_469 = arith.constant 48 : index
      %swap3A_470 = tpu.vector_load %arg10[%swap3A_468, %swap3A_469] {strides = array<i32>} : memref<128x64xf32, #tpu.memory_space<vmem>>, vector<1x16xf32>,
      %swap3A_471 = vector.shape_cast %swap3A_470 : vector<1x16xf32> to vector<16xf32>
      %swap3A_472 = vector.shape_cast %mul3A_467 : vector<16xf32> to vector<1x16xf32>
      tpu.vector_store %arg10[%swap3A_468, %swap3A_469], %swap3A_472 {strides = array<i32>} : memref<128x64xf32, #tpu.memory_space<vmem>>, vector<1x16xf32>,
      %scan3A_473 = arith.constant 6 : i32
      %scan3A_474 = arith.addi %scan3A_152, %scan3A_473 : i32
      %mul3A_475 = arith.constant 1 : i32
      %mul3A_476 = arith.muli %scan3A_474, %mul3A_475 : i32
      %add3A_477 = arith.constant 0 : i32
      %add3A_478 = arith.addi %add3A_477, %mul3A_476 : i32
      %get3A_479 = arith.index_cast %add3A_478 : i32 to index
      %get3A_480 = arith.constant 0 : index
      %get3A_481 = tpu.vector_load %arg6[%get3A_479, %get3A_480] {strides = array<i32>} : memref<128x128xf32, #tpu.memory_space<vmem>>, vector<1x16xf32>,
      %get3A_482 = vector.shape_cast %get3A_481 : vector<1x16xf32> to vector<16xf32>
      %mul3A_483 = arith.constant 8.000000e+00 : f32
      %mul3A_484 = vector.broadcast %mul3A_483 : f32 to vector<16xf32>
      %mul3A_485 = arith.mulf %get3A_482, %mul3A_484 : vector<16xf32>
      %swap3A_486 = arith.index_cast %add3A_478 : i32 to index
      %swap3A_487 = arith.constant 0 : index
      %swap3A_488 = tpu.vector_load %arg10[%swap3A_486, %swap3A_487] {strides = array<i32>} : memref<128x64xf32, #tpu.memory_space<vmem>>, vector<1x16xf32>,
      %swap3A_489 = vector.shape_cast %swap3A_488 : vector<1x16xf32> to vector<16xf32>
      %swap3A_490 = vector.shape_cast %mul3A_485 : vector<16xf32> to vector<1x16xf32>
      tpu.vector_store %arg10[%swap3A_486, %swap3A_487], %swap3A_490 {strides = array<i32>} : memref<128x64xf32, #tpu.memory_space<vmem>>, vector<1x16xf32>,
      %get3A_491 = arith.index_cast %add3A_478 : i32 to index
      %get3A_492 = arith.constant 16 : index
      %get3A_493 = tpu.vector_load %arg6[%get3A_491, %get3A_492] {strides = array<i32>} : memref<128x128xf32, #tpu.memory_space<vmem>>, vector<1x16xf32>,
      %get3A_494 = vector.shape_cast %get3A_493 : vector<1x16xf32> to vector<16xf32>
      %mul3A_495 = arith.constant 8.000000e+00 : f32
      %mul3A_496 = vector.broadcast %mul3A_495 : f32 to vector<16xf32>
      %mul3A_497 = arith.mulf %get3A_494, %mul3A_496 : vector<16xf32>
      %swap3A_498 = arith.index_cast %add3A_478 : i32 to index
      %swap3A_499 = arith.constant 16 : index
      %swap3A_500 = tpu.vector_load %arg10[%swap3A_498, %swap3A_499] {strides = array<i32>} : memref<128x64xf32, #tpu.memory_space<vmem>>, vector<1x16xf32>,
      %swap3A_501 = vector.shape_cast %swap3A_500 : vector<1x16xf32> to vector<16xf32>
      %swap3A_502 = vector.shape_cast %mul3A_497 : vector<16xf32> to vector<1x16xf32>
      tpu.vector_store %arg10[%swap3A_498, %swap3A_499], %swap3A_502 {strides = array<i32>} : memref<128x64xf32, #tpu.memory_space<vmem>>, vector<1x16xf32>,
      %get3A_503 = arith.index_cast %add3A_478 : i32 to index
      %get3A_504 = arith.constant 32 : index
      %get3A_505 = tpu.vector_load %arg6[%get3A_503, %get3A_504] {strides = array<i32>} : memref<128x128xf32, #tpu.memory_space<vmem>>, vector<1x16xf32>,
      %get3A_506 = vector.shape_cast %get3A_505 : vector<1x16xf32> to vector<16xf32>
      %mul3A_507 = arith.constant 8.000000e+00 : f32
      %mul3A_508 = vector.broadcast %mul3A_507 : f32 to vector<16xf32>
      %mul3A_509 = arith.mulf %get3A_506, %mul3A_508 : vector<16xf32>
      %swap3A_510 = arith.index_cast %add3A_478 : i32 to index
      %swap3A_511 = arith.constant 32 : index
      %swap3A_512 = tpu.vector_load %arg10[%swap3A_510, %swap3A_511] {strides = array<i32>} : memref<128x64xf32, #tpu.memory_space<vmem>>, vector<1x16xf32>,
      %swap3A_513 = vector.shape_cast %swap3A_512 : vector<1x16xf32> to vector<16xf32>
      %swap3A_514 = vector.shape_cast %mul3A_509 : vector<16xf32> to vector<1x16xf32>
      tpu.vector_store %arg10[%swap3A_510, %swap3A_511], %swap3A_514 {strides = array<i32>} : memref<128x64xf32, #tpu.memory_space<vmem>>, vector<1x16xf32>,
      %get3A_515 = arith.index_cast %add3A_478 : i32 to index
      %get3A_516 = arith.constant 48 : index
      %get3A_517 = tpu.vector_load %arg6[%get3A_515, %get3A_516] {strides = array<i32>} : memref<128x128xf32, #tpu.memory_space<vmem>>, vector<1x16xf32>,
      %get3A_518 = vector.shape_cast %get3A_517 : vector<1x16xf32> to vector<16xf32>
      %mul3A_519 = arith.constant 8.000000e+00 : f32
      %mul3A_520 = vector.broadcast %mul3A_519 : f32 to vector<16xf32>
      %mul3A_521 = arith.mulf %get3A_518, %mul3A_520 : vector<16xf32>
      %swap3A_522 = arith.index_cast %add3A_478 : i32 to index
      %swap3A_523 = arith.constant 48 : index
      %swap3A_524 = tpu.vector_load %arg10[%swap3A_522, %swap3A_523] {strides = array<i32>} : memref<128x64xf32, #tpu.memory_space<vmem>>, vector<1x16xf32>,
      %swap3A_525 = vector.shape_cast %swap3A_524 : vector<1x16xf32> to vector<16xf32>
      %swap3A_526 = vector.shape_cast %mul3A_521 : vector<16xf32> to vector<1x16xf32>
      tpu.vector_store %arg10[%swap3A_522, %swap3A_523], %swap3A_526 {strides = array<i32>} : memref<128x64xf32, #tpu.memory_space<vmem>>, vector<1x16xf32>,
      %scan3A_527 = arith.constant 7 : i32
      %scan3A_528 = arith.addi %scan3A_152, %scan3A_527 : i32
      %mul3A_529 = arith.constant 1 : i32
      %mul3A_530 = arith.muli %scan3A_528, %mul3A_529 : i32
      %add3A_531 = arith.constant 0 : i32
      %add3A_532 = arith.addi %add3A_531, %mul3A_530 : i32
      %get3A_533 = arith.index_cast %add3A_532 : i32 to index
      %get3A_534 = arith.constant 0 : index
      %get3A_535 = tpu.vector_load %arg6[%get3A_533, %get3A_534] {strides = array<i32>} : memref<128x128xf32, #tpu.memory_space<vmem>>, vector<1x16xf32>,
      %get3A_536 = vector.shape_cast %get3A_535 : vector<1x16xf32> to vector<16xf32>
      %mul3A_537 = arith.constant 8.000000e+00 : f32
      %mul3A_538 = vector.broadcast %mul3A_537 : f32 to vector<16xf32>
      %mul3A_539 = arith.mulf %get3A_536, %mul3A_538 : vector<16xf32>
      %swap3A_540 = arith.index_cast %add3A_532 : i32 to index
      %swap3A_541 = arith.constant 0 : index
      %swap3A_542 = tpu.vector_load %arg10[%swap3A_540, %swap3A_541] {strides = array<i32>} : memref<128x64xf32, #tpu.memory_space<vmem>>, vector<1x16xf32>,
      %swap3A_543 = vector.shape_cast %swap3A_542 : vector<1x16xf32> to vector<16xf32>
      %swap3A_544 = vector.shape_cast %mul3A_539 : vector<16xf32> to vector<1x16xf32>
      tpu.vector_store %arg10[%swap3A_540, %swap3A_541], %swap3A_544 {strides = array<i32>} : memref<128x64xf32, #tpu.memory_space<vmem>>, vector<1x16xf32>,
      %get3A_545 = arith.index_cast %add3A_532 : i32 to index
      %get3A_546 = arith.constant 16 : index
      %get3A_547 = tpu.vector_load %arg6[%get3A_545, %get3A_546] {strides = array<i32>} : memref<128x128xf32, #tpu.memory_space<vmem>>, vector<1x16xf32>,
      %get3A_548 = vector.shape_cast %get3A_547 : vector<1x16xf32> to vector<16xf32>
      %mul3A_549 = arith.constant 8.000000e+00 : f32
      %mul3A_550 = vector.broadcast %mul3A_549 : f32 to vector<16xf32>
      %mul3A_551 = arith.mulf %get3A_548, %mul3A_550 : vector<16xf32>
      %swap3A_552 = arith.index_cast %add3A_532 : i32 to index
      %swap3A_553 = arith.constant 16 : index
      %swap3A_554 = tpu.vector_load %arg10[%swap3A_552, %swap3A_553] {strides = array<i32>} : memref<128x64xf32, #tpu.memory_space<vmem>>, vector<1x16xf32>,
      %swap3A_555 = vector.shape_cast %swap3A_554 : vector<1x16xf32> to vector<16xf32>
      %swap3A_556 = vector.shape_cast %mul3A_551 : vector<16xf32> to vector<1x16xf32>
      tpu.vector_store %arg10[%swap3A_552, %swap3A_553], %swap3A_556 {strides = array<i32>} : memref<128x64xf32, #tpu.memory_space<vmem>>, vector<1x16xf32>,
      %get3A_557 = arith.index_cast %add3A_532 : i32 to index
      %get3A_558 = arith.constant 32 : index
      %get3A_559 = tpu.vector_load %arg6[%get3A_557, %get3A_558] {strides = array<i32>} : memref<128x128xf32, #tpu.memory_space<vmem>>, vector<1x16xf32>,
      %get3A_560 = vector.shape_cast %get3A_559 : vector<1x16xf32> to vector<16xf32>
      %mul3A_561 = arith.constant 8.000000e+00 : f32
      %mul3A_562 = vector.broadcast %mul3A_561 : f32 to vector<16xf32>
      %mul3A_563 = arith.mulf %get3A_560, %mul3A_562 : vector<16xf32>
      %swap3A_564 = arith.index_cast %add3A_532 : i32 to index
      %swap3A_565 = arith.constant 32 : index
      %swap3A_566 = tpu.vector_load %arg10[%swap3A_564, %swap3A_565] {strides = array<i32>} : memref<128x64xf32, #tpu.memory_space<vmem>>, vector<1x16xf32>,
      %swap3A_567 = vector.shape_cast %swap3A_566 : vector<1x16xf32> to vector<16xf32>
      %swap3A_568 = vector.shape_cast %mul3A_563 : vector<16xf32> to vector<1x16xf32>
      tpu.vector_store %arg10[%swap3A_564, %swap3A_565], %swap3A_568 {strides = array<i32>} : memref<128x64xf32, #tpu.memory_space<vmem>>, vector<1x16xf32>,
      %get3A_569 = arith.index_cast %add3A_532 : i32 to index
      %get3A_570 = arith.constant 48 : index
      %get3A_571 = tpu.vector_load %arg6[%get3A_569, %get3A_570] {strides = array<i32>} : memref<128x128xf32, #tpu.memory_space<vmem>>, vector<1x16xf32>,
      %get3A_572 = vector.shape_cast %get3A_571 : vector<1x16xf32> to vector<16xf32>
      %mul3A_573 = arith.constant 8.000000e+00 : f32
      %mul3A_574 = vector.broadcast %mul3A_573 : f32 to vector<16xf32>
      %mul3A_575 = arith.mulf %get3A_572, %mul3A_574 : vector<16xf32>
      %swap3A_576 = arith.index_cast %add3A_532 : i32 to index
      %swap3A_577 = arith.constant 48 : index
      %swap3A_578 = tpu.vector_load %arg10[%swap3A_576, %swap3A_577] {strides = array<i32>} : memref<128x64xf32, #tpu.memory_space<vmem>>, vector<1x16xf32>,
      %swap3A_579 = vector.shape_cast %swap3A_578 : vector<1x16xf32> to vector<16xf32>
      %swap3A_580 = vector.shape_cast %mul3A_575 : vector<16xf32> to vector<1x16xf32>
      tpu.vector_store %arg10[%swap3A_576, %swap3A_577], %swap3A_580 {strides = array<i32>} : memref<128x64xf32, #tpu.memory_space<vmem>>, vector<1x16xf32>,
    }
    %scan3A_40 = arith.constant 128 : i32
    %add3A_41 = arith.constant 0 : i32
    %add3A_42 = arith.addi %mul3A_4, %add3A_41 : i32
    %multiple_of3A_43 = tpu.assume_multiple %add3A_42, 8 : i32
    %dma_start3A_44 = arith.constant 0 : i32
    %dma_start3A_45 = tpu.memref_slice %arg4[%multiple_of3A_43, %dma_start3A_44] : memref<819200x64xf32, #tpu.memory_space<hbm>> -> memref<128x64xf32, #tpu.memory_space<hbm>>
    %dma_start3A_46 = arith.constant 0 : i32
    %dma_start3A_47 = tpu.memref_slice %arg4[%multiple_of3A_43, %dma_start3A_46] : memref<819200x64xf32, #tpu.memory_space<hbm>> -> memref<128x64xf32, #tpu.memory_space<hbm>>
    tpu.enqueue_dma source(%arg10 : memref<128x64xf32, #tpu.memory_space<vmem>>) target(%dma_start3A_47 : memref<128x64xf32, #tpu.memory_space<hbm>>) target_semaphore(%arg16 : memref<!tpu.dma_semaphore, #tpu.memory_space<semaphore_mem>>)
    %dma_start3A_48 = arith.constant 4 : i32
    %dma_start3A_49 = arith.constant 0 : i32
    %dma_start3A_50 = tpu.memref_slice %arg5[%dma_start3A_48, %dma_start3A_49] : memref<200x128xi32, #tpu.memory_space<vmem>> -> memref<1x128xi32, #tpu.memory_space<vmem>>
    %dma_start3A_51 = tpu.memref_squeeze %dma_start3A_50 : memref<1x128xi32, #tpu.memory_space<vmem>> -> memref<128xi32, #tpu.memory_space<vmem>>
    %dma_start3A_52 = arith.constant 0 : i32
    %dma_start3A_53 = arith.constant 0 : i32
    %dma_start3A_54 = tpu.memref_slice %arg3[%dma_start3A_52, %dma_start3A_53] : memref<1000000x128xf32, #tpu.memory_space<hbm>> -> memref<1000000x128xf32, #tpu.memory_space<hbm>>
    tpu.enqueue_indirect_dma source(%dma_start3A_54 : memref<1000000x128xf32, #tpu.memory_space<hbm>>) target(%arg6 : memref<128x128xf32, #tpu.memory_space<vmem>>) offsets(%dma_start3A_51 : memref<128xi32, #tpu.memory_space<vmem>>) semaphore(%arg12 : memref<!tpu.dma_semaphore, #tpu.memory_space<semaphore_mem>>)
    %dma_wait3A_55 = arith.constant 0 : i32
    %dma_wait3A_56 = arith.constant 0 : i32
    %dma_wait3A_57 = tpu.memref_slice %arg3[%dma_wait3A_55, %dma_wait3A_56] : memref<1000000x128xf32, #tpu.memory_space<hbm>> -> memref<128x128xf32, #tpu.memory_space<hbm>>
    %dma_wait3A_58 = arith.constant 0 : i32
    %dma_wait3A_59 = arith.constant 0 : i32
    %dma_wait3A_60 = tpu.memref_slice %arg3[%dma_wait3A_58, %dma_wait3A_59] : memref<1000000x128xf32, #tpu.memory_space<hbm>> -> memref<128x128xf32, #tpu.memory_space<hbm>>
    tpu.wait_dma2 semaphore(%arg13 : memref<!tpu.dma_semaphore, #tpu.memory_space<semaphore_mem>>) src(%dma_wait3A_60 : memref<128x128xf32, #tpu.memory_space<hbm>>) dst(%arg7 : memref<128x128xf32, #tpu.memory_space<vmem>>)
    %scan3A_61 = arith.constant 0 : i32
    %scan3A_62 = arith.constant 128 : i32
    %scan3A_63 = arith.addi %scan3A_61, %scan3A_62 : i32
    %scan3A_64 = arith.constant 8 : i32
    scf.for %scan3A_152 = %scan3A_61 to %scan3A_63 step %scan3A_64  : i32 {
      %mul3A_153 = arith.constant 1 : i32
      %mul3A_154 = arith.muli %scan3A_152, %mul3A_153 : i32
      %add3A_155 = arith.constant 0 : i32
      %add3A_156 = arith.addi %add3A_155, %mul3A_154 : i32
      %get3A = arith.index_cast %add3A_156 : i32 to index
      %get3A_157 = arith.constant 0 : index
      %get3A_158 = tpu.vector_load %arg7[%get3A, %get3A_157] {strides = array<i32>} : memref<128x128xf32, #tpu.memory_space<vmem>>, vector<1x16xf32>,
      %get3A_159 = vector.shape_cast %get3A_158 : vector<1x16xf32> to vector<16xf32>
      %mul3A_160 = arith.constant 8.000000e+00 : f32
      %mul3A_161 = vector.broadcast %mul3A_160 : f32 to vector<16xf32>
      %mul3A_162 = arith.mulf %get3A_159, %mul3A_161 : vector<16xf32>
      %swap3A = arith.index_cast %add3A_156 : i32 to index
      %swap3A_163 = arith.constant 0 : index
      %swap3A_164 = tpu.vector_load %arg11[%swap3A, %swap3A_163] {strides = array<i32>} : memref<128x64xf32, #tpu.memory_space<vmem>>, vector<1x16xf32>,
      %swap3A_165 = vector.shape_cast %swap3A_164 : vector<1x16xf32> to vector<16xf32>
      %swap3A_166 = vector.shape_cast %mul3A_162 : vector<16xf32> to vector<1x16xf32>
      tpu.vector_store %arg11[%swap3A, %swap3A_163], %swap3A_166 {strides = array<i32>} : memref<128x64xf32, #tpu.memory_space<vmem>>, vector<1x16xf32>,
      %get3A_167 = arith.index_cast %add3A_156 : i32 to index
      %get3A_168 = arith.constant 16 : index
      %get3A_169 = tpu.vector_load %arg7[%get3A_167, %get3A_168] {strides = array<i32>} : memref<128x128xf32, #tpu.memory_space<vmem>>, vector<1x16xf32>,
      %get3A_170 = vector.shape_cast %get3A_169 : vector<1x16xf32> to vector<16xf32>
      %mul3A_171 = arith.constant 8.000000e+00 : f32
      %mul3A_172 = vector.broadcast %mul3A_171 : f32 to vector<16xf32>
      %mul3A_173 = arith.mulf %get3A_170, %mul3A_172 : vector<16xf32>
      %swap3A_174 = arith.index_cast %add3A_156 : i32 to index
      %swap3A_175 = arith.constant 16 : index
      %swap3A_176 = tpu.vector_load %arg11[%swap3A_174, %swap3A_175] {strides = array<i32>} : memref<128x64xf32, #tpu.memory_space<vmem>>, vector<1x16xf32>,
      %swap3A_177 = vector.shape_cast %swap3A_176 : vector<1x16xf32> to vector<16xf32>
      %swap3A_178 = vector.shape_cast %mul3A_173 : vector<16xf32> to vector<1x16xf32>
      tpu.vector_store %arg11[%swap3A_174, %swap3A_175], %swap3A_178 {strides = array<i32>} : memref<128x64xf32, #tpu.memory_space<vmem>>, vector<1x16xf32>,
      %get3A_179 = arith.index_cast %add3A_156 : i32 to index
      %get3A_180 = arith.constant 32 : index
      %get3A_181 = tpu.vector_load %arg7[%get3A_179, %get3A_180] {strides = array<i32>} : memref<128x128xf32, #tpu.memory_space<vmem>>, vector<1x16xf32>,
      %get3A_182 = vector.shape_cast %get3A_181 : vector<1x16xf32> to vector<16xf32>
      %mul3A_183 = arith.constant 8.000000e+00 : f32
      %mul3A_184 = vector.broadcast %mul3A_183 : f32 to vector<16xf32>
      %mul3A_185 = arith.mulf %get3A_182, %mul3A_184 : vector<16xf32>
      %swap3A_186 = arith.index_cast %add3A_156 : i32 to index
      %swap3A_187 = arith.constant 32 : index
      %swap3A_188 = tpu.vector_load %arg11[%swap3A_186, %swap3A_187] {strides = array<i32>} : memref<128x64xf32, #tpu.memory_space<vmem>>, vector<1x16xf32>,
      %swap3A_189 = vector.shape_cast %swap3A_188 : vector<1x16xf32> to vector<16xf32>
      %swap3A_190 = vector.shape_cast %mul3A_185 : vector<16xf32> to vector<1x16xf32>
      tpu.vector_store %arg11[%swap3A_186, %swap3A_187], %swap3A_190 {strides = array<i32>} : memref<128x64xf32, #tpu.memory_space<vmem>>, vector<1x16xf32>,
      %get3A_191 = arith.index_cast %add3A_156 : i32 to index
      %get3A_192 = arith.constant 48 : index
      %get3A_193 = tpu.vector_load %arg7[%get3A_191, %get3A_192] {strides = array<i32>} : memref<128x128xf32, #tpu.memory_space<vmem>>, vector<1x16xf32>,
      %get3A_194 = vector.shape_cast %get3A_193 : vector<1x16xf32> to vector<16xf32>
      %mul3A_195 = arith.constant 8.000000e+00 : f32
      %mul3A_196 = vector.broadcast %mul3A_195 : f32 to vector<16xf32>
      %mul3A_197 = arith.mulf %get3A_194, %mul3A_196 : vector<16xf32>
      %swap3A_198 = arith.index_cast %add3A_156 : i32 to index
      %swap3A_199 = arith.constant 48 : index
      %swap3A_200 = tpu.vector_load %arg11[%swap3A_198, %swap3A_199] {strides = array<i32>} : memref<128x64xf32, #tpu.memory_space<vmem>>, vector<1x16xf32>,
      %swap3A_201 = vector.shape_cast %swap3A_200 : vector<1x16xf32> to vector<16xf32>
      %swap3A_202 = vector.shape_cast %mul3A_197 : vector<16xf32> to vector<1x16xf32>
      tpu.vector_store %arg11[%swap3A_198, %swap3A_199], %swap3A_202 {strides = array<i32>} : memref<128x64xf32, #tpu.memory_space<vmem>>, vector<1x16xf32>,
      %scan3A_203 = arith.constant 1 : i32
      %scan3A_204 = arith.addi %scan3A_152, %scan3A_203 : i32
      %mul3A_205 = arith.constant 1 : i32
      %mul3A_206 = arith.muli %scan3A_204, %mul3A_205 : i32
      %add3A_207 = arith.constant 0 : i32
      %add3A_208 = arith.addi %add3A_207, %mul3A_206 : i32
      %get3A_209 = arith.index_cast %add3A_208 : i32 to index
      %get3A_210 = arith.constant 0 : index
      %get3A_211 = tpu.vector_load %arg7[%get3A_209, %get3A_210] {strides = array<i32>} : memref<128x128xf32, #tpu.memory_space<vmem>>, vector<1x16xf32>,
      %get3A_212 = vector.shape_cast %get3A_211 : vector<1x16xf32> to vector<16xf32>
      %mul3A_213 = arith.constant 8.000000e+00 : f32
      %mul3A_214 = vector.broadcast %mul3A_213 : f32 to vector<16xf32>
      %mul3A_215 = arith.mulf %get3A_212, %mul3A_214 : vector<16xf32>
      %swap3A_216 = arith.index_cast %add3A_208 : i32 to index
      %swap3A_217 = arith.constant 0 : index
      %swap3A_218 = tpu.vector_load %arg11[%swap3A_216, %swap3A_217] {strides = array<i32>} : memref<128x64xf32, #tpu.memory_space<vmem>>, vector<1x16xf32>,
      %swap3A_219 = vector.shape_cast %swap3A_218 : vector<1x16xf32> to vector<16xf32>
      %swap3A_220 = vector.shape_cast %mul3A_215 : vector<16xf32> to vector<1x16xf32>
      tpu.vector_store %arg11[%swap3A_216, %swap3A_217], %swap3A_220 {strides = array<i32>} : memref<128x64xf32, #tpu.memory_space<vmem>>, vector<1x16xf32>,
      %get3A_221 = arith.index_cast %add3A_208 : i32 to index
      %get3A_222 = arith.constant 16 : index
      %get3A_223 = tpu.vector_load %arg7[%get3A_221, %get3A_222] {strides = array<i32>} : memref<128x128xf32, #tpu.memory_space<vmem>>, vector<1x16xf32>,
      %get3A_224 = vector.shape_cast %get3A_223 : vector<1x16xf32> to vector<16xf32>
      %mul3A_225 = arith.constant 8.000000e+00 : f32
      %mul3A_226 = vector.broadcast %mul3A_225 : f32 to vector<16xf32>
      %mul3A_227 = arith.mulf %get3A_224, %mul3A_226 : vector<16xf32>
      %swap3A_228 = arith.index_cast %add3A_208 : i32 to index
      %swap3A_229 = arith.constant 16 : index
      %swap3A_230 = tpu.vector_load %arg11[%swap3A_228, %swap3A_229] {strides = array<i32>} : memref<128x64xf32, #tpu.memory_space<vmem>>, vector<1x16xf32>,
      %swap3A_231 = vector.shape_cast %swap3A_230 : vector<1x16xf32> to vector<16xf32>
      %swap3A_232 = vector.shape_cast %mul3A_227 : vector<16xf32> to vector<1x16xf32>
      tpu.vector_store %arg11[%swap3A_228, %swap3A_229], %swap3A_232 {strides = array<i32>} : memref<128x64xf32, #tpu.memory_space<vmem>>, vector<1x16xf32>,
      %get3A_233 = arith.index_cast %add3A_208 : i32 to index
      %get3A_234 = arith.constant 32 : index
      %get3A_235 = tpu.vector_load %arg7[%get3A_233, %get3A_234] {strides = array<i32>} : memref<128x128xf32, #tpu.memory_space<vmem>>, vector<1x16xf32>,
      %get3A_236 = vector.shape_cast %get3A_235 : vector<1x16xf32> to vector<16xf32>
      %mul3A_237 = arith.constant 8.000000e+00 : f32
      %mul3A_238 = vector.broadcast %mul3A_237 : f32 to vector<16xf32>
      %mul3A_239 = arith.mulf %get3A_236, %mul3A_238 : vector<16xf32>
      %swap3A_240 = arith.index_cast %add3A_208 : i32 to index
      %swap3A_241 = arith.constant 32 : index
      %swap3A_242 = tpu.vector_load %arg11[%swap3A_240, %swap3A_241] {strides = array<i32>} : memref<128x64xf32, #tpu.memory_space<vmem>>, vector<1x16xf32>,
      %swap3A_243 = vector.shape_cast %swap3A_242 : vector<1x16xf32> to vector<16xf32>
      %swap3A_244 = vector.shape_cast %mul3A_239 : vector<16xf32> to vector<1x16xf32>
      tpu.vector_store %arg11[%swap3A_240, %swap3A_241], %swap3A_244 {strides = array<i32>} : memref<128x64xf32, #tpu.memory_space<vmem>>, vector<1x16xf32>,
      %get3A_245 = arith.index_cast %add3A_208 : i32 to index
      %get3A_246 = arith.constant 48 : index
      %get3A_247 = tpu.vector_load %arg7[%get3A_245, %get3A_246] {strides = array<i32>} : memref<128x128xf32, #tpu.memory_space<vmem>>, vector<1x16xf32>,
      %get3A_248 = vector.shape_cast %get3A_247 : vector<1x16xf32> to vector<16xf32>
      %mul3A_249 = arith.constant 8.000000e+00 : f32
      %mul3A_250 = vector.broadcast %mul3A_249 : f32 to vector<16xf32>
      %mul3A_251 = arith.mulf %get3A_248, %mul3A_250 : vector<16xf32>
      %swap3A_252 = arith.index_cast %add3A_208 : i32 to index
      %swap3A_253 = arith.constant 48 : index
      %swap3A_254 = tpu.vector_load %arg11[%swap3A_252, %swap3A_253] {strides = array<i32>} : memref<128x64xf32, #tpu.memory_space<vmem>>, vector<1x16xf32>,
      %swap3A_255 = vector.shape_cast %swap3A_254 : vector<1x16xf32> to vector<16xf32>
      %swap3A_256 = vector.shape_cast %mul3A_251 : vector<16xf32> to vector<1x16xf32>
      tpu.vector_store %arg11[%swap3A_252, %swap3A_253], %swap3A_256 {strides = array<i32>} : memref<128x64xf32, #tpu.memory_space<vmem>>, vector<1x16xf32>,
      %scan3A_257 = arith.constant 2 : i32
      %scan3A_258 = arith.addi %scan3A_152, %scan3A_257 : i32
      %mul3A_259 = arith.constant 1 : i32
      %mul3A_260 = arith.muli %scan3A_258, %mul3A_259 : i32
      %add3A_261 = arith.constant 0 : i32
      %add3A_262 = arith.addi %add3A_261, %mul3A_260 : i32
      %get3A_263 = arith.index_cast %add3A_262 : i32 to index
      %get3A_264 = arith.constant 0 : index
      %get3A_265 = tpu.vector_load %arg7[%get3A_263, %get3A_264] {strides = array<i32>} : memref<128x128xf32, #tpu.memory_space<vmem>>, vector<1x16xf32>,
      %get3A_266 = vector.shape_cast %get3A_265 : vector<1x16xf32> to vector<16xf32>
      %mul3A_267 = arith.constant 8.000000e+00 : f32
      %mul3A_268 = vector.broadcast %mul3A_267 : f32 to vector<16xf32>
      %mul3A_269 = arith.mulf %get3A_266, %mul3A_268 : vector<16xf32>
      %swap3A_270 = arith.index_cast %add3A_262 : i32 to index
      %swap3A_271 = arith.constant 0 : index
      %swap3A_272 = tpu.vector_load %arg11[%swap3A_270, %swap3A_271] {strides = array<i32>} : memref<128x64xf32, #tpu.memory_space<vmem>>, vector<1x16xf32>,
      %swap3A_273 = vector.shape_cast %swap3A_272 : vector<1x16xf32> to vector<16xf32>
      %swap3A_274 = vector.shape_cast %mul3A_269 : vector<16xf32> to vector<1x16xf32>
      tpu.vector_store %arg11[%swap3A_270, %swap3A_271], %swap3A_274 {strides = array<i32>} : memref<128x64xf32, #tpu.memory_space<vmem>>, vector<1x16xf32>,
      %get3A_275 = arith.index_cast %add3A_262 : i32 to index
      %get3A_276 = arith.constant 16 : index
      %get3A_277 = tpu.vector_load %arg7[%get3A_275, %get3A_276] {strides = array<i32>} : memref<128x128xf32, #tpu.memory_space<vmem>>, vector<1x16xf32>,
      %get3A_278 = vector.shape_cast %get3A_277 : vector<1x16xf32> to vector<16xf32>
      %mul3A_279 = arith.constant 8.000000e+00 : f32
      %mul3A_280 = vector.broadcast %mul3A_279 : f32 to vector<16xf32>
      %mul3A_281 = arith.mulf %get3A_278, %mul3A_280 : vector<16xf32>
      %swap3A_282 = arith.index_cast %add3A_262 : i32 to index
      %swap3A_283 = arith.constant 16 : index
      %swap3A_284 = tpu.vector_load %arg11[%swap3A_282, %swap3A_283] {strides = array<i32>} : memref<128x64xf32, #tpu.memory_space<vmem>>, vector<1x16xf32>,
      %swap3A_285 = vector.shape_cast %swap3A_284 : vector<1x16xf32> to vector<16xf32>
      %swap3A_286 = vector.shape_cast %mul3A_281 : vector<16xf32> to vector<1x16xf32>
      tpu.vector_store %arg11[%swap3A_282, %swap3A_283], %swap3A_286 {strides = array<i32>} : memref<128x64xf32, #tpu.memory_space<vmem>>, vector<1x16xf32>,
      %get3A_287 = arith.index_cast %add3A_262 : i32 to index
      %get3A_288 = arith.constant 32 : index
      %get3A_289 = tpu.vector_load %arg7[%get3A_287, %get3A_288] {strides = array<i32>} : memref<128x128xf32, #tpu.memory_space<vmem>>, vector<1x16xf32>,
      %get3A_290 = vector.shape_cast %get3A_289 : vector<1x16xf32> to vector<16xf32>
      %mul3A_291 = arith.constant 8.000000e+00 : f32
      %mul3A_292 = vector.broadcast %mul3A_291 : f32 to vector<16xf32>
      %mul3A_293 = arith.mulf %get3A_290, %mul3A_292 : vector<16xf32>
      %swap3A_294 = arith.index_cast %add3A_262 : i32 to index
      %swap3A_295 = arith.constant 32 : index
      %swap3A_296 = tpu.vector_load %arg11[%swap3A_294, %swap3A_295] {strides = array<i32>} : memref<128x64xf32, #tpu.memory_space<vmem>>, vector<1x16xf32>,
      %swap3A_297 = vector.shape_cast %swap3A_296 : vector<1x16xf32> to vector<16xf32>
      %swap3A_298 = vector.shape_cast %mul3A_293 : vector<16xf32> to vector<1x16xf32>
      tpu.vector_store %arg11[%swap3A_294, %swap3A_295], %swap3A_298 {strides = array<i32>} : memref<128x64xf32, #tpu.memory_space<vmem>>, vector<1x16xf32>,
      %get3A_299 = arith.index_cast %add3A_262 : i32 to index
      %get3A_300 = arith.constant 48 : index
      %get3A_301 = tpu.vector_load %arg7[%get3A_299, %get3A_300] {strides = array<i32>} : memref<128x128xf32, #tpu.memory_space<vmem>>, vector<1x16xf32>,
      %get3A_302 = vector.shape_cast %get3A_301 : vector<1x16xf32> to vector<16xf32>
      %mul3A_303 = arith.constant 8.000000e+00 : f32
      %mul3A_304 = vector.broadcast %mul3A_303 : f32 to vector<16xf32>
      %mul3A_305 = arith.mulf %get3A_302, %mul3A_304 : vector<16xf32>
      %swap3A_306 = arith.index_cast %add3A_262 : i32 to index
      %swap3A_307 = arith.constant 48 : index
      %swap3A_308 = tpu.vector_load %arg11[%swap3A_306, %swap3A_307] {strides = array<i32>} : memref<128x64xf32, #tpu.memory_space<vmem>>, vector<1x16xf32>,
      %swap3A_309 = vector.shape_cast %swap3A_308 : vector<1x16xf32> to vector<16xf32>
      %swap3A_310 = vector.shape_cast %mul3A_305 : vector<16xf32> to vector<1x16xf32>
      tpu.vector_store %arg11[%swap3A_306, %swap3A_307], %swap3A_310 {strides = array<i32>} : memref<128x64xf32, #tpu.memory_space<vmem>>, vector<1x16xf32>,
      %scan3A_311 = arith.constant 3 : i32
      %scan3A_312 = arith.addi %scan3A_152, %scan3A_311 : i32
      %mul3A_313 = arith.constant 1 : i32
      %mul3A_314 = arith.muli %scan3A_312, %mul3A_313 : i32
      %add3A_315 = arith.constant 0 : i32
      %add3A_316 = arith.addi %add3A_315, %mul3A_314 : i32
      %get3A_317 = arith.index_cast %add3A_316 : i32 to index
      %get3A_318 = arith.constant 0 : index
      %get3A_319 = tpu.vector_load %arg7[%get3A_317, %get3A_318] {strides = array<i32>} : memref<128x128xf32, #tpu.memory_space<vmem>>, vector<1x16xf32>,
      %get3A_320 = vector.shape_cast %get3A_319 : vector<1x16xf32> to vector<16xf32>
      %mul3A_321 = arith.constant 8.000000e+00 : f32
      %mul3A_322 = vector.broadcast %mul3A_321 : f32 to vector<16xf32>
      %mul3A_323 = arith.mulf %get3A_320, %mul3A_322 : vector<16xf32>
      %swap3A_324 = arith.index_cast %add3A_316 : i32 to index
      %swap3A_325 = arith.constant 0 : index
      %swap3A_326 = tpu.vector_load %arg11[%swap3A_324, %swap3A_325] {strides = array<i32>} : memref<128x64xf32, #tpu.memory_space<vmem>>, vector<1x16xf32>,
      %swap3A_327 = vector.shape_cast %swap3A_326 : vector<1x16xf32> to vector<16xf32>
      %swap3A_328 = vector.shape_cast %mul3A_323 : vector<16xf32> to vector<1x16xf32>
      tpu.vector_store %arg11[%swap3A_324, %swap3A_325], %swap3A_328 {strides = array<i32>} : memref<128x64xf32, #tpu.memory_space<vmem>>, vector<1x16xf32>,
      %get3A_329 = arith.index_cast %add3A_316 : i32 to index
      %get3A_330 = arith.constant 16 : index
      %get3A_331 = tpu.vector_load %arg7[%get3A_329, %get3A_330] {strides = array<i32>} : memref<128x128xf32, #tpu.memory_space<vmem>>, vector<1x16xf32>,
      %get3A_332 = vector.shape_cast %get3A_331 : vector<1x16xf32> to vector<16xf32>
      %mul3A_333 = arith.constant 8.000000e+00 : f32
      %mul3A_334 = vector.broadcast %mul3A_333 : f32 to vector<16xf32>
      %mul3A_335 = arith.mulf %get3A_332, %mul3A_334 : vector<16xf32>
      %swap3A_336 = arith.index_cast %add3A_316 : i32 to index
      %swap3A_337 = arith.constant 16 : index
      %swap3A_338 = tpu.vector_load %arg11[%swap3A_336, %swap3A_337] {strides = array<i32>} : memref<128x64xf32, #tpu.memory_space<vmem>>, vector<1x16xf32>,
      %swap3A_339 = vector.shape_cast %swap3A_338 : vector<1x16xf32> to vector<16xf32>
      %swap3A_340 = vector.shape_cast %mul3A_335 : vector<16xf32> to vector<1x16xf32>
      tpu.vector_store %arg11[%swap3A_336, %swap3A_337], %swap3A_340 {strides = array<i32>} : memref<128x64xf32, #tpu.memory_space<vmem>>, vector<1x16xf32>,
      %get3A_341 = arith.index_cast %add3A_316 : i32 to index
      %get3A_342 = arith.constant 32 : index
      %get3A_343 = tpu.vector_load %arg7[%get3A_341, %get3A_342] {strides = array<i32>} : memref<128x128xf32, #tpu.memory_space<vmem>>, vector<1x16xf32>,
      %get3A_344 = vector.shape_cast %get3A_343 : vector<1x16xf32> to vector<16xf32>
      %mul3A_345 = arith.constant 8.000000e+00 : f32
      %mul3A_346 = vector.broadcast %mul3A_345 : f32 to vector<16xf32>
      %mul3A_347 = arith.mulf %get3A_344, %mul3A_346 : vector<16xf32>
      %swap3A_348 = arith.index_cast %add3A_316 : i32 to index
      %swap3A_349 = arith.constant 32 : index
      %swap3A_350 = tpu.vector_load %arg11[%swap3A_348, %swap3A_349] {strides = array<i32>} : memref<128x64xf32, #tpu.memory_space<vmem>>, vector<1x16xf32>,
      %swap3A_351 = vector.shape_cast %swap3A_350 : vector<1x16xf32> to vector<16xf32>
      %swap3A_352 = vector.shape_cast %mul3A_347 : vector<16xf32> to vector<1x16xf32>
      tpu.vector_store %arg11[%swap3A_348, %swap3A_349], %swap3A_352 {strides = array<i32>} : memref<128x64xf32, #tpu.memory_space<vmem>>, vector<1x16xf32>,
      %get3A_353 = arith.index_cast %add3A_316 : i32 to index
      %get3A_354 = arith.constant 48 : index
      %get3A_355 = tpu.vector_load %arg7[%get3A_353, %get3A_354] {strides = array<i32>} : memref<128x128xf32, #tpu.memory_space<vmem>>, vector<1x16xf32>,
      %get3A_356 = vector.shape_cast %get3A_355 : vector<1x16xf32> to vector<16xf32>
      %mul3A_357 = arith.constant 8.000000e+00 : f32
      %mul3A_358 = vector.broadcast %mul3A_357 : f32 to vector<16xf32>
      %mul3A_359 = arith.mulf %get3A_356, %mul3A_358 : vector<16xf32>
      %swap3A_360 = arith.index_cast %add3A_316 : i32 to index
      %swap3A_361 = arith.constant 48 : index
      %swap3A_362 = tpu.vector_load %arg11[%swap3A_360, %swap3A_361] {strides = array<i32>} : memref<128x64xf32, #tpu.memory_space<vmem>>, vector<1x16xf32>,
      %swap3A_363 = vector.shape_cast %swap3A_362 : vector<1x16xf32> to vector<16xf32>
      %swap3A_364 = vector.shape_cast %mul3A_359 : vector<16xf32> to vector<1x16xf32>
      tpu.vector_store %arg11[%swap3A_360, %swap3A_361], %swap3A_364 {strides = array<i32>} : memref<128x64xf32, #tpu.memory_space<vmem>>, vector<1x16xf32>,
      %scan3A_365 = arith.constant 4 : i32
      %scan3A_366 = arith.addi %scan3A_152, %scan3A_365 : i32
      %mul3A_367 = arith.constant 1 : i32
      %mul3A_368 = arith.muli %scan3A_366, %mul3A_367 : i32
      %add3A_369 = arith.constant 0 : i32
      %add3A_370 = arith.addi %add3A_369, %mul3A_368 : i32
      %get3A_371 = arith.index_cast %add3A_370 : i32 to index
      %get3A_372 = arith.constant 0 : index
      %get3A_373 = tpu.vector_load %arg7[%get3A_371, %get3A_372] {strides = array<i32>} : memref<128x128xf32, #tpu.memory_space<vmem>>, vector<1x16xf32>,
      %get3A_374 = vector.shape_cast %get3A_373 : vector<1x16xf32> to vector<16xf32>
      %mul3A_375 = arith.constant 8.000000e+00 : f32
      %mul3A_376 = vector.broadcast %mul3A_375 : f32 to vector<16xf32>
      %mul3A_377 = arith.mulf %get3A_374, %mul3A_376 : vector<16xf32>
      %swap3A_378 = arith.index_cast %add3A_370 : i32 to index
      %swap3A_379 = arith.constant 0 : index
      %swap3A_380 = tpu.vector_load %arg11[%swap3A_378, %swap3A_379] {strides = array<i32>} : memref<128x64xf32, #tpu.memory_space<vmem>>, vector<1x16xf32>,
      %swap3A_381 = vector.shape_cast %swap3A_380 : vector<1x16xf32> to vector<16xf32>
      %swap3A_382 = vector.shape_cast %mul3A_377 : vector<16xf32> to vector<1x16xf32>
      tpu.vector_store %arg11[%swap3A_378, %swap3A_379], %swap3A_382 {strides = array<i32>} : memref<128x64xf32, #tpu.memory_space<vmem>>, vector<1x16xf32>,
      %get3A_383 = arith.index_cast %add3A_370 : i32 to index
      %get3A_384 = arith.constant 16 : index
      %get3A_385 = tpu.vector_load %arg7[%get3A_383, %get3A_384] {strides = array<i32>} : memref<128x128xf32, #tpu.memory_space<vmem>>, vector<1x16xf32>,
      %get3A_386 = vector.shape_cast %get3A_385 : vector<1x16xf32> to vector<16xf32>
      %mul3A_387 = arith.constant 8.000000e+00 : f32
      %mul3A_388 = vector.broadcast %mul3A_387 : f32 to vector<16xf32>
      %mul3A_389 = arith.mulf %get3A_386, %mul3A_388 : vector<16xf32>
      %swap3A_390 = arith.index_cast %add3A_370 : i32 to index
      %swap3A_391 = arith.constant 16 : index
      %swap3A_392 = tpu.vector_load %arg11[%swap3A_390, %swap3A_391] {strides = array<i32>} : memref<128x64xf32, #tpu.memory_space<vmem>>, vector<1x16xf32>,
      %swap3A_393 = vector.shape_cast %swap3A_392 : vector<1x16xf32> to vector<16xf32>
      %swap3A_394 = vector.shape_cast %mul3A_389 : vector<16xf32> to vector<1x16xf32>
      tpu.vector_store %arg11[%swap3A_390, %swap3A_391], %swap3A_394 {strides = array<i32>} : memref<128x64xf32, #tpu.memory_space<vmem>>, vector<1x16xf32>,
      %get3A_395 = arith.index_cast %add3A_370 : i32 to index
      %get3A_396 = arith.constant 32 : index
      %get3A_397 = tpu.vector_load %arg7[%get3A_395, %get3A_396] {strides = array<i32>} : memref<128x128xf32, #tpu.memory_space<vmem>>, vector<1x16xf32>,
      %get3A_398 = vector.shape_cast %get3A_397 : vector<1x16xf32> to vector<16xf32>
      %mul3A_399 = arith.constant 8.000000e+00 : f32
      %mul3A_400 = vector.broadcast %mul3A_399 : f32 to vector<16xf32>
      %mul3A_401 = arith.mulf %get3A_398, %mul3A_400 : vector<16xf32>
      %swap3A_402 = arith.index_cast %add3A_370 : i32 to index
      %swap3A_403 = arith.constant 32 : index
      %swap3A_404 = tpu.vector_load %arg11[%swap3A_402, %swap3A_403] {strides = array<i32>} : memref<128x64xf32, #tpu.memory_space<vmem>>, vector<1x16xf32>,
      %swap3A_405 = vector.shape_cast %swap3A_404 : vector<1x16xf32> to vector<16xf32>
      %swap3A_406 = vector.shape_cast %mul3A_401 : vector<16xf32> to vector<1x16xf32>
      tpu.vector_store %arg11[%swap3A_402, %swap3A_403], %swap3A_406 {strides = array<i32>} : memref<128x64xf32, #tpu.memory_space<vmem>>, vector<1x16xf32>,
      %get3A_407 = arith.index_cast %add3A_370 : i32 to index
      %get3A_408 = arith.constant 48 : index
      %get3A_409 = tpu.vector_load %arg7[%get3A_407, %get3A_408] {strides = array<i32>} : memref<128x128xf32, #tpu.memory_space<vmem>>, vector<1x16xf32>,
      %get3A_410 = vector.shape_cast %get3A_409 : vector<1x16xf32> to vector<16xf32>
      %mul3A_411 = arith.constant 8.000000e+00 : f32
      %mul3A_412 = vector.broadcast %mul3A_411 : f32 to vector<16xf32>
      %mul3A_413 = arith.mulf %get3A_410, %mul3A_412 : vector<16xf32>
      %swap3A_414 = arith.index_cast %add3A_370 : i32 to index
      %swap3A_415 = arith.constant 48 : index
      %swap3A_416 = tpu.vector_load %arg11[%swap3A_414, %swap3A_415] {strides = array<i32>} : memref<128x64xf32, #tpu.memory_space<vmem>>, vector<1x16xf32>,
      %swap3A_417 = vector.shape_cast %swap3A_416 : vector<1x16xf32> to vector<16xf32>
      %swap3A_418 = vector.shape_cast %mul3A_413 : vector<16xf32> to vector<1x16xf32>
      tpu.vector_store %arg11[%swap3A_414, %swap3A_415], %swap3A_418 {strides = array<i32>} : memref<128x64xf32, #tpu.memory_space<vmem>>, vector<1x16xf32>,
      %scan3A_419 = arith.constant 5 : i32
      %scan3A_420 = arith.addi %scan3A_152, %scan3A_419 : i32
      %mul3A_421 = arith.constant 1 : i32
      %mul3A_422 = arith.muli %scan3A_420, %mul3A_421 : i32
      %add3A_423 = arith.constant 0 : i32
      %add3A_424 = arith.addi %add3A_423, %mul3A_422 : i32
      %get3A_425 = arith.index_cast %add3A_424 : i32 to index
      %get3A_426 = arith.constant 0 : index
      %get3A_427 = tpu.vector_load %arg7[%get3A_425, %get3A_426] {strides = array<i32>} : memref<128x128xf32, #tpu.memory_space<vmem>>, vector<1x16xf32>,
      %get3A_428 = vector.shape_cast %get3A_427 : vector<1x16xf32> to vector<16xf32>
      %mul3A_429 = arith.constant 8.000000e+00 : f32
      %mul3A_430 = vector.broadcast %mul3A_429 : f32 to vector<16xf32>
      %mul3A_431 = arith.mulf %get3A_428, %mul3A_430 : vector<16xf32>
      %swap3A_432 = arith.index_cast %add3A_424 : i32 to index
      %swap3A_433 = arith.constant 0 : index
      %swap3A_434 = tpu.vector_load %arg11[%swap3A_432, %swap3A_433] {strides = array<i32>} : memref<128x64xf32, #tpu.memory_space<vmem>>, vector<1x16xf32>,
      %swap3A_435 = vector.shape_cast %swap3A_434 : vector<1x16xf32> to vector<16xf32>
      %swap3A_436 = vector.shape_cast %mul3A_431 : vector<16xf32> to vector<1x16xf32>
      tpu.vector_store %arg11[%swap3A_432, %swap3A_433], %swap3A_436 {strides = array<i32>} : memref<128x64xf32, #tpu.memory_space<vmem>>, vector<1x16xf32>,
      %get3A_437 = arith.index_cast %add3A_424 : i32 to index
      %get3A_438 = arith.constant 16 : index
      %get3A_439 = tpu.vector_load %arg7[%get3A_437, %get3A_438] {strides = array<i32>} : memref<128x128xf32, #tpu.memory_space<vmem>>, vector<1x16xf32>,
      %get3A_440 = vector.shape_cast %get3A_439 : vector<1x16xf32> to vector<16xf32>
      %mul3A_441 = arith.constant 8.000000e+00 : f32
      %mul3A_442 = vector.broadcast %mul3A_441 : f32 to vector<16xf32>
      %mul3A_443 = arith.mulf %get3A_440, %mul3A_442 : vector<16xf32>
      %swap3A_444 = arith.index_cast %add3A_424 : i32 to index
      %swap3A_445 = arith.constant 16 : index
      %swap3A_446 = tpu.vector_load %arg11[%swap3A_444, %swap3A_445] {strides = array<i32>} : memref<128x64xf32, #tpu.memory_space<vmem>>, vector<1x16xf32>,
      %swap3A_447 = vector.shape_cast %swap3A_446 : vector<1x16xf32> to vector<16xf32>
      %swap3A_448 = vector.shape_cast %mul3A_443 : vector<16xf32> to vector<1x16xf32>
      tpu.vector_store %arg11[%swap3A_444, %swap3A_445], %swap3A_448 {strides = array<i32>} : memref<128x64xf32, #tpu.memory_space<vmem>>, vector<1x16xf32>,
      %get3A_449 = arith.index_cast %add3A_424 : i32 to index
      %get3A_450 = arith.constant 32 : index
      %get3A_451 = tpu.vector_load %arg7[%get3A_449, %get3A_450] {strides = array<i32>} : memref<128x128xf32, #tpu.memory_space<vmem>>, vector<1x16xf32>,
      %get3A_452 = vector.shape_cast %get3A_451 : vector<1x16xf32> to vector<16xf32>
      %mul3A_453 = arith.constant 8.000000e+00 : f32
      %mul3A_454 = vector.broadcast %mul3A_453 : f32 to vector<16xf32>
      %mul3A_455 = arith.mulf %get3A_452, %mul3A_454 : vector<16xf32>
      %swap3A_456 = arith.index_cast %add3A_424 : i32 to index
      %swap3A_457 = arith.constant 32 : index
      %swap3A_458 = tpu.vector_load %arg11[%swap3A_456, %swap3A_457] {strides = array<i32>} : memref<128x64xf32, #tpu.memory_space<vmem>>, vector<1x16xf32>,
      %swap3A_459 = vector.shape_cast %swap3A_458 : vector<1x16xf32> to vector<16xf32>
      %swap3A_460 = vector.shape_cast %mul3A_455 : vector<16xf32> to vector<1x16xf32>
      tpu.vector_store %arg11[%swap3A_456, %swap3A_457], %swap3A_460 {strides = array<i32>} : memref<128x64xf32, #tpu.memory_space<vmem>>, vector<1x16xf32>,
      %get3A_461 = arith.index_cast %add3A_424 : i32 to index
      %get3A_462 = arith.constant 48 : index
      %get3A_463 = tpu.vector_load %arg7[%get3A_461, %get3A_462] {strides = array<i32>} : memref<128x128xf32, #tpu.memory_space<vmem>>, vector<1x16xf32>,
      %get3A_464 = vector.shape_cast %get3A_463 : vector<1x16xf32> to vector<16xf32>
      %mul3A_465 = arith.constant 8.000000e+00 : f32
      %mul3A_466 = vector.broadcast %mul3A_465 : f32 to vector<16xf32>
      %mul3A_467 = arith.mulf %get3A_464, %mul3A_466 : vector<16xf32>
      %swap3A_468 = arith.index_cast %add3A_424 : i32 to index
      %swap3A_469 = arith.constant 48 : index
      %swap3A_470 = tpu.vector_load %arg11[%swap3A_468, %swap3A_469] {strides = array<i32>} : memref<128x64xf32, #tpu.memory_space<vmem>>, vector<1x16xf32>,
      %swap3A_471 = vector.shape_cast %swap3A_470 : vector<1x16xf32> to vector<16xf32>
      %swap3A_472 = vector.shape_cast %mul3A_467 : vector<16xf32> to vector<1x16xf32>
      tpu.vector_store %arg11[%swap3A_468, %swap3A_469], %swap3A_472 {strides = array<i32>} : memref<128x64xf32, #tpu.memory_space<vmem>>, vector<1x16xf32>,
      %scan3A_473 = arith.constant 6 : i32
      %scan3A_474 = arith.addi %scan3A_152, %scan3A_473 : i32
      %mul3A_475 = arith.constant 1 : i32
      %mul3A_476 = arith.muli %scan3A_474, %mul3A_475 : i32
      %add3A_477 = arith.constant 0 : i32
      %add3A_478 = arith.addi %add3A_477, %mul3A_476 : i32
      %get3A_479 = arith.index_cast %add3A_478 : i32 to index
      %get3A_480 = arith.constant 0 : index
      %get3A_481 = tpu.vector_load %arg7[%get3A_479, %get3A_480] {strides = array<i32>} : memref<128x128xf32, #tpu.memory_space<vmem>>, vector<1x16xf32>,
      %get3A_482 = vector.shape_cast %get3A_481 : vector<1x16xf32> to vector<16xf32>
      %mul3A_483 = arith.constant 8.000000e+00 : f32
      %mul3A_484 = vector.broadcast %mul3A_483 : f32 to vector<16xf32>
      %mul3A_485 = arith.mulf %get3A_482, %mul3A_484 : vector<16xf32>
      %swap3A_486 = arith.index_cast %add3A_478 : i32 to index
      %swap3A_487 = arith.constant 0 : index
      %swap3A_488 = tpu.vector_load %arg11[%swap3A_486, %swap3A_487] {strides = array<i32>} : memref<128x64xf32, #tpu.memory_space<vmem>>, vector<1x16xf32>,
      %swap3A_489 = vector.shape_cast %swap3A_488 : vector<1x16xf32> to vector<16xf32>
      %swap3A_490 = vector.shape_cast %mul3A_485 : vector<16xf32> to vector<1x16xf32>
      tpu.vector_store %arg11[%swap3A_486, %swap3A_487], %swap3A_490 {strides = array<i32>} : memref<128x64xf32, #tpu.memory_space<vmem>>, vector<1x16xf32>,
      %get3A_491 = arith.index_cast %add3A_478 : i32 to index
      %get3A_492 = arith.constant 16 : index
      %get3A_493 = tpu.vector_load %arg7[%get3A_491, %get3A_492] {strides = array<i32>} : memref<128x128xf32, #tpu.memory_space<vmem>>, vector<1x16xf32>,
      %get3A_494 = vector.shape_cast %get3A_493 : vector<1x16xf32> to vector<16xf32>
      %mul3A_495 = arith.constant 8.000000e+00 : f32
      %mul3A_496 = vector.broadcast %mul3A_495 : f32 to vector<16xf32>
      %mul3A_497 = arith.mulf %get3A_494, %mul3A_496 : vector<16xf32>
      %swap3A_498 = arith.index_cast %add3A_478 : i32 to index
      %swap3A_499 = arith.constant 16 : index
      %swap3A_500 = tpu.vector_load %arg11[%swap3A_498, %swap3A_499] {strides = array<i32>} : memref<128x64xf32, #tpu.memory_space<vmem>>, vector<1x16xf32>,
      %swap3A_501 = vector.shape_cast %swap3A_500 : vector<1x16xf32> to vector<16xf32>
      %swap3A_502 = vector.shape_cast %mul3A_497 : vector<16xf32> to vector<1x16xf32>
      tpu.vector_store %arg11[%swap3A_498, %swap3A_499], %swap3A_502 {strides = array<i32>} : memref<128x64xf32, #tpu.memory_space<vmem>>, vector<1x16xf32>,
      %get3A_503 = arith.index_cast %add3A_478 : i32 to index
      %get3A_504 = arith.constant 32 : index
      %get3A_505 = tpu.vector_load %arg7[%get3A_503, %get3A_504] {strides = array<i32>} : memref<128x128xf32, #tpu.memory_space<vmem>>, vector<1x16xf32>,
      %get3A_506 = vector.shape_cast %get3A_505 : vector<1x16xf32> to vector<16xf32>
      %mul3A_507 = arith.constant 8.000000e+00 : f32
      %mul3A_508 = vector.broadcast %mul3A_507 : f32 to vector<16xf32>
      %mul3A_509 = arith.mulf %get3A_506, %mul3A_508 : vector<16xf32>
      %swap3A_510 = arith.index_cast %add3A_478 : i32 to index
      %swap3A_511 = arith.constant 32 : index
      %swap3A_512 = tpu.vector_load %arg11[%swap3A_510, %swap3A_511] {strides = array<i32>} : memref<128x64xf32, #tpu.memory_space<vmem>>, vector<1x16xf32>,
      %swap3A_513 = vector.shape_cast %swap3A_512 : vector<1x16xf32> to vector<16xf32>
      %swap3A_514 = vector.shape_cast %mul3A_509 : vector<16xf32> to vector<1x16xf32>
      tpu.vector_store %arg11[%swap3A_510, %swap3A_511], %swap3A_514 {strides = array<i32>} : memref<128x64xf32, #tpu.memory_space<vmem>>, vector<1x16xf32>,
      %get3A_515 = arith.index_cast %add3A_478 : i32 to index
      %get3A_516 = arith.constant 48 : index
      %get3A_517 = tpu.vector_load %arg7[%get3A_515, %get3A_516] {strides = array<i32>} : memref<128x128xf32, #tpu.memory_space<vmem>>, vector<1x16xf32>,
      %get3A_518 = vector.shape_cast %get3A_517 : vector<1x16xf32> to vector<16xf32>
      %mul3A_519 = arith.constant 8.000000e+00 : f32
      %mul3A_520 = vector.broadcast %mul3A_519 : f32 to vector<16xf32>
      %mul3A_521 = arith.mulf %get3A_518, %mul3A_520 : vector<16xf32>
      %swap3A_522 = arith.index_cast %add3A_478 : i32 to index
      %swap3A_523 = arith.constant 48 : index
      %swap3A_524 = tpu.vector_load %arg11[%swap3A_522, %swap3A_523] {strides = array<i32>} : memref<128x64xf32, #tpu.memory_space<vmem>>, vector<1x16xf32>,
      %swap3A_525 = vector.shape_cast %swap3A_524 : vector<1x16xf32> to vector<16xf32>
      %swap3A_526 = vector.shape_cast %mul3A_521 : vector<16xf32> to vector<1x16xf32>
      tpu.vector_store %arg11[%swap3A_522, %swap3A_523], %swap3A_526 {strides = array<i32>} : memref<128x64xf32, #tpu.memory_space<vmem>>, vector<1x16xf32>,
      %scan3A_527 = arith.constant 7 : i32
      %scan3A_528 = arith.addi %scan3A_152, %scan3A_527 : i32
      %mul3A_529 = arith.constant 1 : i32
      %mul3A_530 = arith.muli %scan3A_528, %mul3A_529 : i32
      %add3A_531 = arith.constant 0 : i32
      %add3A_532 = arith.addi %add3A_531, %mul3A_530 : i32
      %get3A_533 = arith.index_cast %add3A_532 : i32 to index
      %get3A_534 = arith.constant 0 : index
      %get3A_535 = tpu.vector_load %arg7[%get3A_533, %get3A_534] {strides = array<i32>} : memref<128x128xf32, #tpu.memory_space<vmem>>, vector<1x16xf32>,
      %get3A_536 = vector.shape_cast %get3A_535 : vector<1x16xf32> to vector<16xf32>
      %mul3A_537 = arith.constant 8.000000e+00 : f32
      %mul3A_538 = vector.broadcast %mul3A_537 : f32 to vector<16xf32>
      %mul3A_539 = arith.mulf %get3A_536, %mul3A_538 : vector<16xf32>
      %swap3A_540 = arith.index_cast %add3A_532 : i32 to index
      %swap3A_541 = arith.constant 0 : index
      %swap3A_542 = tpu.vector_load %arg11[%swap3A_540, %swap3A_541] {strides = array<i32>} : memref<128x64xf32, #tpu.memory_space<vmem>>, vector<1x16xf32>,
      %swap3A_543 = vector.shape_cast %swap3A_542 : vector<1x16xf32> to vector<16xf32>
      %swap3A_544 = vector.shape_cast %mul3A_539 : vector<16xf32> to vector<1x16xf32>
      tpu.vector_store %arg11[%swap3A_540, %swap3A_541], %swap3A_544 {strides = array<i32>} : memref<128x64xf32, #tpu.memory_space<vmem>>, vector<1x16xf32>,
      %get3A_545 = arith.index_cast %add3A_532 : i32 to index
      %get3A_546 = arith.constant 16 : index
      %get3A_547 = tpu.vector_load %arg7[%get3A_545, %get3A_546] {strides = array<i32>} : memref<128x128xf32, #tpu.memory_space<vmem>>, vector<1x16xf32>,
      %get3A_548 = vector.shape_cast %get3A_547 : vector<1x16xf32> to vector<16xf32>
      %mul3A_549 = arith.constant 8.000000e+00 : f32
      %mul3A_550 = vector.broadcast %mul3A_549 : f32 to vector<16xf32>
      %mul3A_551 = arith.mulf %get3A_548, %mul3A_550 : vector<16xf32>
      %swap3A_552 = arith.index_cast %add3A_532 : i32 to index
      %swap3A_553 = arith.constant 16 : index
      %swap3A_554 = tpu.vector_load %arg11[%swap3A_552, %swap3A_553] {strides = array<i32>} : memref<128x64xf32, #tpu.memory_space<vmem>>, vector<1x16xf32>,
      %swap3A_555 = vector.shape_cast %swap3A_554 : vector<1x16xf32> to vector<16xf32>
      %swap3A_556 = vector.shape_cast %mul3A_551 : vector<16xf32> to vector<1x16xf32>
      tpu.vector_store %arg11[%swap3A_552, %swap3A_553], %swap3A_556 {strides = array<i32>} : memref<128x64xf32, #tpu.memory_space<vmem>>, vector<1x16xf32>,
      %get3A_557 = arith.index_cast %add3A_532 : i32 to index
      %get3A_558 = arith.constant 32 : index
      %get3A_559 = tpu.vector_load %arg7[%get3A_557, %get3A_558] {strides = array<i32>} : memref<128x128xf32, #tpu.memory_space<vmem>>, vector<1x16xf32>,
      %get3A_560 = vector.shape_cast %get3A_559 : vector<1x16xf32> to vector<16xf32>
      %mul3A_561 = arith.constant 8.000000e+00 : f32
      %mul3A_562 = vector.broadcast %mul3A_561 : f32 to vector<16xf32>
      %mul3A_563 = arith.mulf %get3A_560, %mul3A_562 : vector<16xf32>
      %swap3A_564 = arith.index_cast %add3A_532 : i32 to index
      %swap3A_565 = arith.constant 32 : index
      %swap3A_566 = tpu.vector_load %arg11[%swap3A_564, %swap3A_565] {strides = array<i32>} : memref<128x64xf32, #tpu.memory_space<vmem>>, vector<1x16xf32>,
      %swap3A_567 = vector.shape_cast %swap3A_566 : vector<1x16xf32> to vector<16xf32>
      %swap3A_568 = vector.shape_cast %mul3A_563 : vector<16xf32> to vector<1x16xf32>
      tpu.vector_store %arg11[%swap3A_564, %swap3A_565], %swap3A_568 {strides = array<i32>} : memref<128x64xf32, #tpu.memory_space<vmem>>, vector<1x16xf32>,
      %get3A_569 = arith.index_cast %add3A_532 : i32 to index
      %get3A_570 = arith.constant 48 : index
      %get3A_571 = tpu.vector_load %arg7[%get3A_569, %get3A_570] {strides = array<i32>} : memref<128x128xf32, #tpu.memory_space<vmem>>, vector<1x16xf32>,
      %get3A_572 = vector.shape_cast %get3A_571 : vector<1x16xf32> to vector<16xf32>
      %mul3A_573 = arith.constant 8.000000e+00 : f32
      %mul3A_574 = vector.broadcast %mul3A_573 : f32 to vector<16xf32>
      %mul3A_575 = arith.mulf %get3A_572, %mul3A_574 : vector<16xf32>
      %swap3A_576 = arith.index_cast %add3A_532 : i32 to index
      %swap3A_577 = arith.constant 48 : index
      %swap3A_578 = tpu.vector_load %arg11[%swap3A_576, %swap3A_577] {strides = array<i32>} : memref<128x64xf32, #tpu.memory_space<vmem>>, vector<1x16xf32>,
      %swap3A_579 = vector.shape_cast %swap3A_578 : vector<1x16xf32> to vector<16xf32>
      %swap3A_580 = vector.shape_cast %mul3A_575 : vector<16xf32> to vector<1x16xf32>
      tpu.vector_store %arg11[%swap3A_576, %swap3A_577], %swap3A_580 {strides = array<i32>} : memref<128x64xf32, #tpu.memory_space<vmem>>, vector<1x16xf32>,
    }
    %scan3A_65 = arith.constant 128 : i32
    %add3A_66 = arith.constant 128 : i32
    %add3A_67 = arith.addi %mul3A_4, %add3A_66 : i32
    %multiple_of3A_68 = tpu.assume_multiple %add3A_67, 8 : i32
    %dma_start3A_69 = arith.constant 0 : i32
    %dma_start3A_70 = tpu.memref_slice %arg4[%multiple_of3A_68, %dma_start3A_69] : memref<819200x64xf32, #tpu.memory_space<hbm>> -> memref<128x64xf32, #tpu.memory_space<hbm>>
    %dma_start3A_71 = arith.constant 0 : i32
    %dma_start3A_72 = tpu.memref_slice %arg4[%multiple_of3A_68, %dma_start3A_71] : memref<819200x64xf32, #tpu.memory_space<hbm>> -> memref<128x64xf32, #tpu.memory_space<hbm>>
    tpu.enqueue_dma source(%arg11 : memref<128x64xf32, #tpu.memory_space<vmem>>) target(%dma_start3A_72 : memref<128x64xf32, #tpu.memory_space<hbm>>) target_semaphore(%arg17 : memref<!tpu.dma_semaphore, #tpu.memory_space<semaphore_mem>>)
    %dma_start3A_73 = arith.constant 5 : i32
    %dma_start3A_74 = arith.constant 0 : i32
    %dma_start3A_75 = tpu.memref_slice %arg5[%dma_start3A_73, %dma_start3A_74] : memref<200x128xi32, #tpu.memory_space<vmem>> -> memref<1x128xi32, #tpu.memory_space<vmem>>
    %dma_start3A_76 = tpu.memref_squeeze %dma_start3A_75 : memref<1x128xi32, #tpu.memory_space<vmem>> -> memref<128xi32, #tpu.memory_space<vmem>>
    %dma_start3A_77 = arith.constant 0 : i32
    %dma_start3A_78 = arith.constant 0 : i32
    %dma_start3A_79 = tpu.memref_slice %arg3[%dma_start3A_77, %dma_start3A_78] : memref<1000000x128xf32, #tpu.memory_space<hbm>> -> memref<1000000x128xf32, #tpu.memory_space<hbm>>
    tpu.enqueue_indirect_dma source(%dma_start3A_79 : memref<1000000x128xf32, #tpu.memory_space<hbm>>) target(%arg7 : memref<128x128xf32, #tpu.memory_space<vmem>>) offsets(%dma_start3A_76 : memref<128xi32, #tpu.memory_space<vmem>>) semaphore(%arg13 : memref<!tpu.dma_semaphore, #tpu.memory_space<semaphore_mem>>)
    %dma_wait3A_80 = arith.constant 0 : i32
    %dma_wait3A_81 = arith.constant 0 : i32
    %dma_wait3A_82 = tpu.memref_slice %arg3[%dma_wait3A_80, %dma_wait3A_81] : memref<1000000x128xf32, #tpu.memory_space<hbm>> -> memref<128x128xf32, #tpu.memory_space<hbm>>
    %dma_wait3A_83 = arith.constant 0 : i32
    %dma_wait3A_84 = arith.constant 0 : i32
    %dma_wait3A_85 = tpu.memref_slice %arg3[%dma_wait3A_83, %dma_wait3A_84] : memref<1000000x128xf32, #tpu.memory_space<hbm>> -> memref<128x128xf32, #tpu.memory_space<hbm>>
    tpu.wait_dma2 semaphore(%arg14 : memref<!tpu.dma_semaphore, #tpu.memory_space<semaphore_mem>>) src(%dma_wait3A_85 : memref<128x128xf32, #tpu.memory_space<hbm>>) dst(%arg8 : memref<128x128xf32, #tpu.memory_space<vmem>>)
    %dma_wait3A_86 = arith.constant 0 : i32
    %dma_wait3A_87 = arith.constant 0 : i32
    %dma_wait3A_88 = tpu.memref_slice %arg4[%dma_wait3A_86, %dma_wait3A_87] : memref<819200x64xf32, #tpu.memory_space<hbm>> -> memref<128x64xf32, #tpu.memory_space<hbm>>
    %dma_wait3A_89 = arith.constant 0 : i32
    %dma_wait3A_90 = arith.constant 0 : i32
    %dma_wait3A_91 = tpu.memref_slice %arg4[%dma_wait3A_89, %dma_wait3A_90] : memref<819200x64xf32, #tpu.memory_space<hbm>> -> memref<128x64xf32, #tpu.memory_space<hbm>>
    tpu.wait_dma2 semaphore(%arg16 : memref<!tpu.dma_semaphore, #tpu.memory_space<semaphore_mem>>) src(%arg10 : memref<128x64xf32, #tpu.memory_space<vmem>>) dst(%dma_wait3A_91 : memref<128x64xf32, #tpu.memory_space<hbm>>)
    %scan3A_92 = arith.constant 0 : i32
    %scan3A_93 = arith.constant 128 : i32
    %scan3A_94 = arith.addi %scan3A_92, %scan3A_93 : i32
    %scan3A_95 = arith.constant 8 : i32
    scf.for %scan3A_152 = %scan3A_92 to %scan3A_94 step %scan3A_95  : i32 {
      %mul3A_153 = arith.constant 1 : i32
      %mul3A_154 = arith.muli %scan3A_152, %mul3A_153 : i32
      %add3A_155 = arith.constant 0 : i32
      %add3A_156 = arith.addi %add3A_155, %mul3A_154 : i32
      %get3A = arith.index_cast %add3A_156 : i32 to index
      %get3A_157 = arith.constant 0 : index
      %get3A_158 = tpu.vector_load %arg8[%get3A, %get3A_157] {strides = array<i32>} : memref<128x128xf32, #tpu.memory_space<vmem>>, vector<1x16xf32>,
      %get3A_159 = vector.shape_cast %get3A_158 : vector<1x16xf32> to vector<16xf32>
      %mul3A_160 = arith.constant 8.000000e+00 : f32
      %mul3A_161 = vector.broadcast %mul3A_160 : f32 to vector<16xf32>
      %mul3A_162 = arith.mulf %get3A_159, %mul3A_161 : vector<16xf32>
      %swap3A = arith.index_cast %add3A_156 : i32 to index
      %swap3A_163 = arith.constant 0 : index
      %swap3A_164 = tpu.vector_load %arg10[%swap3A, %swap3A_163] {strides = array<i32>} : memref<128x64xf32, #tpu.memory_space<vmem>>, vector<1x16xf32>,
      %swap3A_165 = vector.shape_cast %swap3A_164 : vector<1x16xf32> to vector<16xf32>
      %swap3A_166 = vector.shape_cast %mul3A_162 : vector<16xf32> to vector<1x16xf32>
      tpu.vector_store %arg10[%swap3A, %swap3A_163], %swap3A_166 {strides = array<i32>} : memref<128x64xf32, #tpu.memory_space<vmem>>, vector<1x16xf32>,
      %get3A_167 = arith.index_cast %add3A_156 : i32 to index
      %get3A_168 = arith.constant 16 : index
      %get3A_169 = tpu.vector_load %arg8[%get3A_167, %get3A_168] {strides = array<i32>} : memref<128x128xf32, #tpu.memory_space<vmem>>, vector<1x16xf32>,
      %get3A_170 = vector.shape_cast %get3A_169 : vector<1x16xf32> to vector<16xf32>
      %mul3A_171 = arith.constant 8.000000e+00 : f32
      %mul3A_172 = vector.broadcast %mul3A_171 : f32 to vector<16xf32>
      %mul3A_173 = arith.mulf %get3A_170, %mul3A_172 : vector<16xf32>
      %swap3A_174 = arith.index_cast %add3A_156 : i32 to index
      %swap3A_175 = arith.constant 16 : index
      %swap3A_176 = tpu.vector_load %arg10[%swap3A_174, %swap3A_175] {strides = array<i32>} : memref<128x64xf32, #tpu.memory_space<vmem>>, vector<1x16xf32>,
      %swap3A_177 = vector.shape_cast %swap3A_176 : vector<1x16xf32> to vector<16xf32>
      %swap3A_178 = vector.shape_cast %mul3A_173 : vector<16xf32> to vector<1x16xf32>
      tpu.vector_store %arg10[%swap3A_174, %swap3A_175], %swap3A_178 {strides = array<i32>} : memref<128x64xf32, #tpu.memory_space<vmem>>, vector<1x16xf32>,
      %get3A_179 = arith.index_cast %add3A_156 : i32 to index
      %get3A_180 = arith.constant 32 : index
      %get3A_181 = tpu.vector_load %arg8[%get3A_179, %get3A_180] {strides = array<i32>} : memref<128x128xf32, #tpu.memory_space<vmem>>, vector<1x16xf32>,
      %get3A_182 = vector.shape_cast %get3A_181 : vector<1x16xf32> to vector<16xf32>
      %mul3A_183 = arith.constant 8.000000e+00 : f32
      %mul3A_184 = vector.broadcast %mul3A_183 : f32 to vector<16xf32>
      %mul3A_185 = arith.mulf %get3A_182, %mul3A_184 : vector<16xf32>
      %swap3A_186 = arith.index_cast %add3A_156 : i32 to index
      %swap3A_187 = arith.constant 32 : index
      %swap3A_188 = tpu.vector_load %arg10[%swap3A_186, %swap3A_187] {strides = array<i32>} : memref<128x64xf32, #tpu.memory_space<vmem>>, vector<1x16xf32>,
      %swap3A_189 = vector.shape_cast %swap3A_188 : vector<1x16xf32> to vector<16xf32>
      %swap3A_190 = vector.shape_cast %mul3A_185 : vector<16xf32> to vector<1x16xf32>
      tpu.vector_store %arg10[%swap3A_186, %swap3A_187], %swap3A_190 {strides = array<i32>} : memref<128x64xf32, #tpu.memory_space<vmem>>, vector<1x16xf32>,
      %get3A_191 = arith.index_cast %add3A_156 : i32 to index
      %get3A_192 = arith.constant 48 : index
      %get3A_193 = tpu.vector_load %arg8[%get3A_191, %get3A_192] {strides = array<i32>} : memref<128x128xf32, #tpu.memory_space<vmem>>, vector<1x16xf32>,
      %get3A_194 = vector.shape_cast %get3A_193 : vector<1x16xf32> to vector<16xf32>
      %mul3A_195 = arith.constant 8.000000e+00 : f32
      %mul3A_196 = vector.broadcast %mul3A_195 : f32 to vector<16xf32>
      %mul3A_197 = arith.mulf %get3A_194, %mul3A_196 : vector<16xf32>
      %swap3A_198 = arith.index_cast %add3A_156 : i32 to index
      %swap3A_199 = arith.constant 48 : index
      %swap3A_200 = tpu.vector_load %arg10[%swap3A_198, %swap3A_199] {strides = array<i32>} : memref<128x64xf32, #tpu.memory_space<vmem>>, vector<1x16xf32>,
      %swap3A_201 = vector.shape_cast %swap3A_200 : vector<1x16xf32> to vector<16xf32>
      %swap3A_202 = vector.shape_cast %mul3A_197 : vector<16xf32> to vector<1x16xf32>
      tpu.vector_store %arg10[%swap3A_198, %swap3A_199], %swap3A_202 {strides = array<i32>} : memref<128x64xf32, #tpu.memory_space<vmem>>, vector<1x16xf32>,
      %scan3A_203 = arith.constant 1 : i32
      %scan3A_204 = arith.addi %scan3A_152, %scan3A_203 : i32
      %mul3A_205 = arith.constant 1 : i32
      %mul3A_206 = arith.muli %scan3A_204, %mul3A_205 : i32
      %add3A_207 = arith.constant 0 : i32
      %add3A_208 = arith.addi %add3A_207, %mul3A_206 : i32
      %get3A_209 = arith.index_cast %add3A_208 : i32 to index
      %get3A_210 = arith.constant 0 : index
      %get3A_211 = tpu.vector_load %arg8[%get3A_209, %get3A_210] {strides = array<i32>} : memref<128x128xf32, #tpu.memory_space<vmem>>, vector<1x16xf32>,
      %get3A_212 = vector.shape_cast %get3A_211 : vector<1x16xf32> to vector<16xf32>
      %mul3A_213 = arith.constant 8.000000e+00 : f32
      %mul3A_214 = vector.broadcast %mul3A_213 : f32 to vector<16xf32>
      %mul3A_215 = arith.mulf %get3A_212, %mul3A_214 : vector<16xf32>
      %swap3A_216 = arith.index_cast %add3A_208 : i32 to index
      %swap3A_217 = arith.constant 0 : index
      %swap3A_218 = tpu.vector_load %arg10[%swap3A_216, %swap3A_217] {strides = array<i32>} : memref<128x64xf32, #tpu.memory_space<vmem>>, vector<1x16xf32>,
      %swap3A_219 = vector.shape_cast %swap3A_218 : vector<1x16xf32> to vector<16xf32>
      %swap3A_220 = vector.shape_cast %mul3A_215 : vector<16xf32> to vector<1x16xf32>
      tpu.vector_store %arg10[%swap3A_216, %swap3A_217], %swap3A_220 {strides = array<i32>} : memref<128x64xf32, #tpu.memory_space<vmem>>, vector<1x16xf32>,
      %get3A_221 = arith.index_cast %add3A_208 : i32 to index
      %get3A_222 = arith.constant 16 : index
      %get3A_223 = tpu.vector_load %arg8[%get3A_221, %get3A_222] {strides = array<i32>} : memref<128x128xf32, #tpu.memory_space<vmem>>, vector<1x16xf32>,
      %get3A_224 = vector.shape_cast %get3A_223 : vector<1x16xf32> to vector<16xf32>
      %mul3A_225 = arith.constant 8.000000e+00 : f32
      %mul3A_226 = vector.broadcast %mul3A_225 : f32 to vector<16xf32>
      %mul3A_227 = arith.mulf %get3A_224, %mul3A_226 : vector<16xf32>
      %swap3A_228 = arith.index_cast %add3A_208 : i32 to index
      %swap3A_229 = arith.constant 16 : index
      %swap3A_230 = tpu.vector_load %arg10[%swap3A_228, %swap3A_229] {strides = array<i32>} : memref<128x64xf32, #tpu.memory_space<vmem>>, vector<1x16xf32>,
      %swap3A_231 = vector.shape_cast %swap3A_230 : vector<1x16xf32> to vector<16xf32>
      %swap3A_232 = vector.shape_cast %mul3A_227 : vector<16xf32> to vector<1x16xf32>
      tpu.vector_store %arg10[%swap3A_228, %swap3A_229], %swap3A_232 {strides = array<i32>} : memref<128x64xf32, #tpu.memory_space<vmem>>, vector<1x16xf32>,
      %get3A_233 = arith.index_cast %add3A_208 : i32 to index
      %get3A_234 = arith.constant 32 : index
      %get3A_235 = tpu.vector_load %arg8[%get3A_233, %get3A_234] {strides = array<i32>} : memref<128x128xf32, #tpu.memory_space<vmem>>, vector<1x16xf32>,
      %get3A_236 = vector.shape_cast %get3A_235 : vector<1x16xf32> to vector<16xf32>
      %mul3A_237 = arith.constant 8.000000e+00 : f32
      %mul3A_238 = vector.broadcast %mul3A_237 : f32 to vector<16xf32>
      %mul3A_239 = arith.mulf %get3A_236, %mul3A_238 : vector<16xf32>
      %swap3A_240 = arith.index_cast %add3A_208 : i32 to index
      %swap3A_241 = arith.constant 32 : index
      %swap3A_242 = tpu.vector_load %arg10[%swap3A_240, %swap3A_241] {strides = array<i32>} : memref<128x64xf32, #tpu.memory_space<vmem>>, vector<1x16xf32>,
      %swap3A_243 = vector.shape_cast %swap3A_242 : vector<1x16xf32> to vector<16xf32>
      %swap3A_244 = vector.shape_cast %mul3A_239 : vector<16xf32> to vector<1x16xf32>
      tpu.vector_store %arg10[%swap3A_240, %swap3A_241], %swap3A_244 {strides = array<i32>} : memref<128x64xf32, #tpu.memory_space<vmem>>, vector<1x16xf32>,
      %get3A_245 = arith.index_cast %add3A_208 : i32 to index
      %get3A_246 = arith.constant 48 : index
      %get3A_247 = tpu.vector_load %arg8[%get3A_245, %get3A_246] {strides = array<i32>} : memref<128x128xf32, #tpu.memory_space<vmem>>, vector<1x16xf32>,
      %get3A_248 = vector.shape_cast %get3A_247 : vector<1x16xf32> to vector<16xf32>
      %mul3A_249 = arith.constant 8.000000e+00 : f32
      %mul3A_250 = vector.broadcast %mul3A_249 : f32 to vector<16xf32>
      %mul3A_251 = arith.mulf %get3A_248, %mul3A_250 : vector<16xf32>
      %swap3A_252 = arith.index_cast %add3A_208 : i32 to index
      %swap3A_253 = arith.constant 48 : index
      %swap3A_254 = tpu.vector_load %arg10[%swap3A_252, %swap3A_253] {strides = array<i32>} : memref<128x64xf32, #tpu.memory_space<vmem>>, vector<1x16xf32>,
      %swap3A_255 = vector.shape_cast %swap3A_254 : vector<1x16xf32> to vector<16xf32>
      %swap3A_256 = vector.shape_cast %mul3A_251 : vector<16xf32> to vector<1x16xf32>
      tpu.vector_store %arg10[%swap3A_252, %swap3A_253], %swap3A_256 {strides = array<i32>} : memref<128x64xf32, #tpu.memory_space<vmem>>, vector<1x16xf32>,
      %scan3A_257 = arith.constant 2 : i32
      %scan3A_258 = arith.addi %scan3A_152, %scan3A_257 : i32
      %mul3A_259 = arith.constant 1 : i32
      %mul3A_260 = arith.muli %scan3A_258, %mul3A_259 : i32
      %add3A_261 = arith.constant 0 : i32
      %add3A_262 = arith.addi %add3A_261, %mul3A_260 : i32
      %get3A_263 = arith.index_cast %add3A_262 : i32 to index
      %get3A_264 = arith.constant 0 : index
      %get3A_265 = tpu.vector_load %arg8[%get3A_263, %get3A_264] {strides = array<i32>} : memref<128x128xf32, #tpu.memory_space<vmem>>, vector<1x16xf32>,
      %get3A_266 = vector.shape_cast %get3A_265 : vector<1x16xf32> to vector<16xf32>
      %mul3A_267 = arith.constant 8.000000e+00 : f32
      %mul3A_268 = vector.broadcast %mul3A_267 : f32 to vector<16xf32>
      %mul3A_269 = arith.mulf %get3A_266, %mul3A_268 : vector<16xf32>
      %swap3A_270 = arith.index_cast %add3A_262 : i32 to index
      %swap3A_271 = arith.constant 0 : index
      %swap3A_272 = tpu.vector_load %arg10[%swap3A_270, %swap3A_271] {strides = array<i32>} : memref<128x64xf32, #tpu.memory_space<vmem>>, vector<1x16xf32>,
      %swap3A_273 = vector.shape_cast %swap3A_272 : vector<1x16xf32> to vector<16xf32>
      %swap3A_274 = vector.shape_cast %mul3A_269 : vector<16xf32> to vector<1x16xf32>
      tpu.vector_store %arg10[%swap3A_270, %swap3A_271], %swap3A_274 {strides = array<i32>} : memref<128x64xf32, #tpu.memory_space<vmem>>, vector<1x16xf32>,
      %get3A_275 = arith.index_cast %add3A_262 : i32 to index
      %get3A_276 = arith.constant 16 : index
      %get3A_277 = tpu.vector_load %arg8[%get3A_275, %get3A_276] {strides = array<i32>} : memref<128x128xf32, #tpu.memory_space<vmem>>, vector<1x16xf32>,
      %get3A_278 = vector.shape_cast %get3A_277 : vector<1x16xf32> to vector<16xf32>
      %mul3A_279 = arith.constant 8.000000e+00 : f32
      %mul3A_280 = vector.broadcast %mul3A_279 : f32 to vector<16xf32>
      %mul3A_281 = arith.mulf %get3A_278, %mul3A_280 : vector<16xf32>
      %swap3A_282 = arith.index_cast %add3A_262 : i32 to index
      %swap3A_283 = arith.constant 16 : index
      %swap3A_284 = tpu.vector_load %arg10[%swap3A_282, %swap3A_283] {strides = array<i32>} : memref<128x64xf32, #tpu.memory_space<vmem>>, vector<1x16xf32>,
      %swap3A_285 = vector.shape_cast %swap3A_284 : vector<1x16xf32> to vector<16xf32>
      %swap3A_286 = vector.shape_cast %mul3A_281 : vector<16xf32> to vector<1x16xf32>
      tpu.vector_store %arg10[%swap3A_282, %swap3A_283], %swap3A_286 {strides = array<i32>} : memref<128x64xf32, #tpu.memory_space<vmem>>, vector<1x16xf32>,
      %get3A_287 = arith.index_cast %add3A_262 : i32 to index
      %get3A_288 = arith.constant 32 : index
      %get3A_289 = tpu.vector_load %arg8[%get3A_287, %get3A_288] {strides = array<i32>} : memref<128x128xf32, #tpu.memory_space<vmem>>, vector<1x16xf32>,
      %get3A_290 = vector.shape_cast %get3A_289 : vector<1x16xf32> to vector<16xf32>
      %mul3A_291 = arith.constant 8.000000e+00 : f32
      %mul3A_292 = vector.broadcast %mul3A_291 : f32 to vector<16xf32>
      %mul3A_293 = arith.mulf %get3A_290, %mul3A_292 : vector<16xf32>
      %swap3A_294 = arith.index_cast %add3A_262 : i32 to index
      %swap3A_295 = arith.constant 32 : index
      %swap3A_296 = tpu.vector_load %arg10[%swap3A_294, %swap3A_295] {strides = array<i32>} : memref<128x64xf32, #tpu.memory_space<vmem>>, vector<1x16xf32>,
      %swap3A_297 = vector.shape_cast %swap3A_296 : vector<1x16xf32> to vector<16xf32>
      %swap3A_298 = vector.shape_cast %mul3A_293 : vector<16xf32> to vector<1x16xf32>
      tpu.vector_store %arg10[%swap3A_294, %swap3A_295], %swap3A_298 {strides = array<i32>} : memref<128x64xf32, #tpu.memory_space<vmem>>, vector<1x16xf32>,
      %get3A_299 = arith.index_cast %add3A_262 : i32 to index
      %get3A_300 = arith.constant 48 : index
      %get3A_301 = tpu.vector_load %arg8[%get3A_299, %get3A_300] {strides = array<i32>} : memref<128x128xf32, #tpu.memory_space<vmem>>, vector<1x16xf32>,
      %get3A_302 = vector.shape_cast %get3A_301 : vector<1x16xf32> to vector<16xf32>
      %mul3A_303 = arith.constant 8.000000e+00 : f32
      %mul3A_304 = vector.broadcast %mul3A_303 : f32 to vector<16xf32>
      %mul3A_305 = arith.mulf %get3A_302, %mul3A_304 : vector<16xf32>
      %swap3A_306 = arith.index_cast %add3A_262 : i32 to index
      %swap3A_307 = arith.constant 48 : index
      %swap3A_308 = tpu.vector_load %arg10[%swap3A_306, %swap3A_307] {strides = array<i32>} : memref<128x64xf32, #tpu.memory_space<vmem>>, vector<1x16xf32>,
      %swap3A_309 = vector.shape_cast %swap3A_308 : vector<1x16xf32> to vector<16xf32>
      %swap3A_310 = vector.shape_cast %mul3A_305 : vector<16xf32> to vector<1x16xf32>
      tpu.vector_store %arg10[%swap3A_306, %swap3A_307], %swap3A_310 {strides = array<i32>} : memref<128x64xf32, #tpu.memory_space<vmem>>, vector<1x16xf32>,
      %scan3A_311 = arith.constant 3 : i32
      %scan3A_312 = arith.addi %scan3A_152, %scan3A_311 : i32
      %mul3A_313 = arith.constant 1 : i32
      %mul3A_314 = arith.muli %scan3A_312, %mul3A_313 : i32
      %add3A_315 = arith.constant 0 : i32
      %add3A_316 = arith.addi %add3A_315, %mul3A_314 : i32
      %get3A_317 = arith.index_cast %add3A_316 : i32 to index
      %get3A_318 = arith.constant 0 : index
      %get3A_319 = tpu.vector_load %arg8[%get3A_317, %get3A_318] {strides = array<i32>} : memref<128x128xf32, #tpu.memory_space<vmem>>, vector<1x16xf32>,
      %get3A_320 = vector.shape_cast %get3A_319 : vector<1x16xf32> to vector<16xf32>
      %mul3A_321 = arith.constant 8.000000e+00 : f32
      %mul3A_322 = vector.broadcast %mul3A_321 : f32 to vector<16xf32>
      %mul3A_323 = arith.mulf %get3A_320, %mul3A_322 : vector<16xf32>
      %swap3A_324 = arith.index_cast %add3A_316 : i32 to index
      %swap3A_325 = arith.constant 0 : index
      %swap3A_326 = tpu.vector_load %arg10[%swap3A_324, %swap3A_325] {strides = array<i32>} : memref<128x64xf32, #tpu.memory_space<vmem>>, vector<1x16xf32>,
      %swap3A_327 = vector.shape_cast %swap3A_326 : vector<1x16xf32> to vector<16xf32>
      %swap3A_328 = vector.shape_cast %mul3A_323 : vector<16xf32> to vector<1x16xf32>
      tpu.vector_store %arg10[%swap3A_324, %swap3A_325], %swap3A_328 {strides = array<i32>} : memref<128x64xf32, #tpu.memory_space<vmem>>, vector<1x16xf32>,
      %get3A_329 = arith.index_cast %add3A_316 : i32 to index
      %get3A_330 = arith.constant 16 : index
      %get3A_331 = tpu.vector_load %arg8[%get3A_329, %get3A_330] {strides = array<i32>} : memref<128x128xf32, #tpu.memory_space<vmem>>, vector<1x16xf32>,
      %get3A_332 = vector.shape_cast %get3A_331 : vector<1x16xf32> to vector<16xf32>
      %mul3A_333 = arith.constant 8.000000e+00 : f32
      %mul3A_334 = vector.broadcast %mul3A_333 : f32 to vector<16xf32>
      %mul3A_335 = arith.mulf %get3A_332, %mul3A_334 : vector<16xf32>
      %swap3A_336 = arith.index_cast %add3A_316 : i32 to index
      %swap3A_337 = arith.constant 16 : index
      %swap3A_338 = tpu.vector_load %arg10[%swap3A_336, %swap3A_337] {strides = array<i32>} : memref<128x64xf32, #tpu.memory_space<vmem>>, vector<1x16xf32>,
      %swap3A_339 = vector.shape_cast %swap3A_338 : vector<1x16xf32> to vector<16xf32>
      %swap3A_340 = vector.shape_cast %mul3A_335 : vector<16xf32> to vector<1x16xf32>
      tpu.vector_store %arg10[%swap3A_336, %swap3A_337], %swap3A_340 {strides = array<i32>} : memref<128x64xf32, #tpu.memory_space<vmem>>, vector<1x16xf32>,
      %get3A_341 = arith.index_cast %add3A_316 : i32 to index
      %get3A_342 = arith.constant 32 : index
      %get3A_343 = tpu.vector_load %arg8[%get3A_341, %get3A_342] {strides = array<i32>} : memref<128x128xf32, #tpu.memory_space<vmem>>, vector<1x16xf32>,
      %get3A_344 = vector.shape_cast %get3A_343 : vector<1x16xf32> to vector<16xf32>
      %mul3A_345 = arith.constant 8.000000e+00 : f32
      %mul3A_346 = vector.broadcast %mul3A_345 : f32 to vector<16xf32>
      %mul3A_347 = arith.mulf %get3A_344, %mul3A_346 : vector<16xf32>
      %swap3A_348 = arith.index_cast %add3A_316 : i32 to index
      %swap3A_349 = arith.constant 32 : index
      %swap3A_350 = tpu.vector_load %arg10[%swap3A_348, %swap3A_349] {strides = array<i32>} : memref<128x64xf32, #tpu.memory_space<vmem>>, vector<1x16xf32>,
      %swap3A_351 = vector.shape_cast %swap3A_350 : vector<1x16xf32> to vector<16xf32>
      %swap3A_352 = vector.shape_cast %mul3A_347 : vector<16xf32> to vector<1x16xf32>
      tpu.vector_store %arg10[%swap3A_348, %swap3A_349], %swap3A_352 {strides = array<i32>} : memref<128x64xf32, #tpu.memory_space<vmem>>, vector<1x16xf32>,
      %get3A_353 = arith.index_cast %add3A_316 : i32 to index
      %get3A_354 = arith.constant 48 : index
      %get3A_355 = tpu.vector_load %arg8[%get3A_353, %get3A_354] {strides = array<i32>} : memref<128x128xf32, #tpu.memory_space<vmem>>, vector<1x16xf32>,
      %get3A_356 = vector.shape_cast %get3A_355 : vector<1x16xf32> to vector<16xf32>
      %mul3A_357 = arith.constant 8.000000e+00 : f32
      %mul3A_358 = vector.broadcast %mul3A_357 : f32 to vector<16xf32>
      %mul3A_359 = arith.mulf %get3A_356, %mul3A_358 : vector<16xf32>
      %swap3A_360 = arith.index_cast %add3A_316 : i32 to index
      %swap3A_361 = arith.constant 48 : index
      %swap3A_362 = tpu.vector_load %arg10[%swap3A_360, %swap3A_361] {strides = array<i32>} : memref<128x64xf32, #tpu.memory_space<vmem>>, vector<1x16xf32>,
      %swap3A_363 = vector.shape_cast %swap3A_362 : vector<1x16xf32> to vector<16xf32>
      %swap3A_364 = vector.shape_cast %mul3A_359 : vector<16xf32> to vector<1x16xf32>
      tpu.vector_store %arg10[%swap3A_360, %swap3A_361], %swap3A_364 {strides = array<i32>} : memref<128x64xf32, #tpu.memory_space<vmem>>, vector<1x16xf32>,
      %scan3A_365 = arith.constant 4 : i32
      %scan3A_366 = arith.addi %scan3A_152, %scan3A_365 : i32
      %mul3A_367 = arith.constant 1 : i32
      %mul3A_368 = arith.muli %scan3A_366, %mul3A_367 : i32
      %add3A_369 = arith.constant 0 : i32
      %add3A_370 = arith.addi %add3A_369, %mul3A_368 : i32
      %get3A_371 = arith.index_cast %add3A_370 : i32 to index
      %get3A_372 = arith.constant 0 : index
      %get3A_373 = tpu.vector_load %arg8[%get3A_371, %get3A_372] {strides = array<i32>} : memref<128x128xf32, #tpu.memory_space<vmem>>, vector<1x16xf32>,
      %get3A_374 = vector.shape_cast %get3A_373 : vector<1x16xf32> to vector<16xf32>
      %mul3A_375 = arith.constant 8.000000e+00 : f32
      %mul3A_376 = vector.broadcast %mul3A_375 : f32 to vector<16xf32>
      %mul3A_377 = arith.mulf %get3A_374, %mul3A_376 : vector<16xf32>
      %swap3A_378 = arith.index_cast %add3A_370 : i32 to index
      %swap3A_379 = arith.constant 0 : index
      %swap3A_380 = tpu.vector_load %arg10[%swap3A_378, %swap3A_379] {strides = array<i32>} : memref<128x64xf32, #tpu.memory_space<vmem>>, vector<1x16xf32>,
      %swap3A_381 = vector.shape_cast %swap3A_380 : vector<1x16xf32> to vector<16xf32>
      %swap3A_382 = vector.shape_cast %mul3A_377 : vector<16xf32> to vector<1x16xf32>
      tpu.vector_store %arg10[%swap3A_378, %swap3A_379], %swap3A_382 {strides = array<i32>} : memref<128x64xf32, #tpu.memory_space<vmem>>, vector<1x16xf32>,
      %get3A_383 = arith.index_cast %add3A_370 : i32 to index
      %get3A_384 = arith.constant 16 : index
      %get3A_385 = tpu.vector_load %arg8[%get3A_383, %get3A_384] {strides = array<i32>} : memref<128x128xf32, #tpu.memory_space<vmem>>, vector<1x16xf32>,
      %get3A_386 = vector.shape_cast %get3A_385 : vector<1x16xf32> to vector<16xf32>
      %mul3A_387 = arith.constant 8.000000e+00 : f32
      %mul3A_388 = vector.broadcast %mul3A_387 : f32 to vector<16xf32>
      %mul3A_389 = arith.mulf %get3A_386, %mul3A_388 : vector<16xf32>
      %swap3A_390 = arith.index_cast %add3A_370 : i32 to index
      %swap3A_391 = arith.constant 16 : index
      %swap3A_392 = tpu.vector_load %arg10[%swap3A_390, %swap3A_391] {strides = array<i32>} : memref<128x64xf32, #tpu.memory_space<vmem>>, vector<1x16xf32>,
      %swap3A_393 = vector.shape_cast %swap3A_392 : vector<1x16xf32> to vector<16xf32>
      %swap3A_394 = vector.shape_cast %mul3A_389 : vector<16xf32> to vector<1x16xf32>
      tpu.vector_store %arg10[%swap3A_390, %swap3A_391], %swap3A_394 {strides = array<i32>} : memref<128x64xf32, #tpu.memory_space<vmem>>, vector<1x16xf32>,
      %get3A_395 = arith.index_cast %add3A_370 : i32 to index
      %get3A_396 = arith.constant 32 : index
      %get3A_397 = tpu.vector_load %arg8[%get3A_395, %get3A_396] {strides = array<i32>} : memref<128x128xf32, #tpu.memory_space<vmem>>, vector<1x16xf32>,
      %get3A_398 = vector.shape_cast %get3A_397 : vector<1x16xf32> to vector<16xf32>
      %mul3A_399 = arith.constant 8.000000e+00 : f32
      %mul3A_400 = vector.broadcast %mul3A_399 : f32 to vector<16xf32>
      %mul3A_401 = arith.mulf %get3A_398, %mul3A_400 : vector<16xf32>
      %swap3A_402 = arith.index_cast %add3A_370 : i32 to index
      %swap3A_403 = arith.constant 32 : index
      %swap3A_404 = tpu.vector_load %arg10[%swap3A_402, %swap3A_403] {strides = array<i32>} : memref<128x64xf32, #tpu.memory_space<vmem>>, vector<1x16xf32>,
      %swap3A_405 = vector.shape_cast %swap3A_404 : vector<1x16xf32> to vector<16xf32>
      %swap3A_406 = vector.shape_cast %mul3A_401 : vector<16xf32> to vector<1x16xf32>
      tpu.vector_store %arg10[%swap3A_402, %swap3A_403], %swap3A_406 {strides = array<i32>} : memref<128x64xf32, #tpu.memory_space<vmem>>, vector<1x16xf32>,
      %get3A_407 = arith.index_cast %add3A_370 : i32 to index
      %get3A_408 = arith.constant 48 : index
      %get3A_409 = tpu.vector_load %arg8[%get3A_407, %get3A_408] {strides = array<i32>} : memref<128x128xf32, #tpu.memory_space<vmem>>, vector<1x16xf32>,
      %get3A_410 = vector.shape_cast %get3A_409 : vector<1x16xf32> to vector<16xf32>
      %mul3A_411 = arith.constant 8.000000e+00 : f32
      %mul3A_412 = vector.broadcast %mul3A_411 : f32 to vector<16xf32>
      %mul3A_413 = arith.mulf %get3A_410, %mul3A_412 : vector<16xf32>
      %swap3A_414 = arith.index_cast %add3A_370 : i32 to index
      %swap3A_415 = arith.constant 48 : index
      %swap3A_416 = tpu.vector_load %arg10[%swap3A_414, %swap3A_415] {strides = array<i32>} : memref<128x64xf32, #tpu.memory_space<vmem>>, vector<1x16xf32>,
      %swap3A_417 = vector.shape_cast %swap3A_416 : vector<1x16xf32> to vector<16xf32>
      %swap3A_418 = vector.shape_cast %mul3A_413 : vector<16xf32> to vector<1x16xf32>
      tpu.vector_store %arg10[%swap3A_414, %swap3A_415], %swap3A_418 {strides = array<i32>} : memref<128x64xf32, #tpu.memory_space<vmem>>, vector<1x16xf32>,
      %scan3A_419 = arith.constant 5 : i32
      %scan3A_420 = arith.addi %scan3A_152, %scan3A_419 : i32
      %mul3A_421 = arith.constant 1 : i32
      %mul3A_422 = arith.muli %scan3A_420, %mul3A_421 : i32
      %add3A_423 = arith.constant 0 : i32
      %add3A_424 = arith.addi %add3A_423, %mul3A_422 : i32
      %get3A_425 = arith.index_cast %add3A_424 : i32 to index
      %get3A_426 = arith.constant 0 : index
      %get3A_427 = tpu.vector_load %arg8[%get3A_425, %get3A_426] {strides = array<i32>} : memref<128x128xf32, #tpu.memory_space<vmem>>, vector<1x16xf32>,
      %get3A_428 = vector.shape_cast %get3A_427 : vector<1x16xf32> to vector<16xf32>
      %mul3A_429 = arith.constant 8.000000e+00 : f32
      %mul3A_430 = vector.broadcast %mul3A_429 : f32 to vector<16xf32>
      %mul3A_431 = arith.mulf %get3A_428, %mul3A_430 : vector<16xf32>
      %swap3A_432 = arith.index_cast %add3A_424 : i32 to index
      %swap3A_433 = arith.constant 0 : index
      %swap3A_434 = tpu.vector_load %arg10[%swap3A_432, %swap3A_433] {strides = array<i32>} : memref<128x64xf32, #tpu.memory_space<vmem>>, vector<1x16xf32>,
      %swap3A_435 = vector.shape_cast %swap3A_434 : vector<1x16xf32> to vector<16xf32>
      %swap3A_436 = vector.shape_cast %mul3A_431 : vector<16xf32> to vector<1x16xf32>
      tpu.vector_store %arg10[%swap3A_432, %swap3A_433], %swap3A_436 {strides = array<i32>} : memref<128x64xf32, #tpu.memory_space<vmem>>, vector<1x16xf32>,
      %get3A_437 = arith.index_cast %add3A_424 : i32 to index
      %get3A_438 = arith.constant 16 : index
      %get3A_439 = tpu.vector_load %arg8[%get3A_437, %get3A_438] {strides = array<i32>} : memref<128x128xf32, #tpu.memory_space<vmem>>, vector<1x16xf32>,
      %get3A_440 = vector.shape_cast %get3A_439 : vector<1x16xf32> to vector<16xf32>
      %mul3A_441 = arith.constant 8.000000e+00 : f32
      %mul3A_442 = vector.broadcast %mul3A_441 : f32 to vector<16xf32>
      %mul3A_443 = arith.mulf %get3A_440, %mul3A_442 : vector<16xf32>
      %swap3A_444 = arith.index_cast %add3A_424 : i32 to index
      %swap3A_445 = arith.constant 16 : index
      %swap3A_446 = tpu.vector_load %arg10[%swap3A_444, %swap3A_445] {strides = array<i32>} : memref<128x64xf32, #tpu.memory_space<vmem>>, vector<1x16xf32>,
      %swap3A_447 = vector.shape_cast %swap3A_446 : vector<1x16xf32> to vector<16xf32>
      %swap3A_448 = vector.shape_cast %mul3A_443 : vector<16xf32> to vector<1x16xf32>
      tpu.vector_store %arg10[%swap3A_444, %swap3A_445], %swap3A_448 {strides = array<i32>} : memref<128x64xf32, #tpu.memory_space<vmem>>, vector<1x16xf32>,
      %get3A_449 = arith.index_cast %add3A_424 : i32 to index
      %get3A_450 = arith.constant 32 : index
      %get3A_451 = tpu.vector_load %arg8[%get3A_449, %get3A_450] {strides = array<i32>} : memref<128x128xf32, #tpu.memory_space<vmem>>, vector<1x16xf32>,
      %get3A_452 = vector.shape_cast %get3A_451 : vector<1x16xf32> to vector<16xf32>
      %mul3A_453 = arith.constant 8.000000e+00 : f32
      %mul3A_454 = vector.broadcast %mul3A_453 : f32 to vector<16xf32>
      %mul3A_455 = arith.mulf %get3A_452, %mul3A_454 : vector<16xf32>
      %swap3A_456 = arith.index_cast %add3A_424 : i32 to index
      %swap3A_457 = arith.constant 32 : index
      %swap3A_458 = tpu.vector_load %arg10[%swap3A_456, %swap3A_457] {strides = array<i32>} : memref<128x64xf32, #tpu.memory_space<vmem>>, vector<1x16xf32>,
      %swap3A_459 = vector.shape_cast %swap3A_458 : vector<1x16xf32> to vector<16xf32>
      %swap3A_460 = vector.shape_cast %mul3A_455 : vector<16xf32> to vector<1x16xf32>
      tpu.vector_store %arg10[%swap3A_456, %swap3A_457], %swap3A_460 {strides = array<i32>} : memref<128x64xf32, #tpu.memory_space<vmem>>, vector<1x16xf32>,
      %get3A_461 = arith.index_cast %add3A_424 : i32 to index
      %get3A_462 = arith.constant 48 : index
      %get3A_463 = tpu.vector_load %arg8[%get3A_461, %get3A_462] {strides = array<i32>} : memref<128x128xf32, #tpu.memory_space<vmem>>, vector<1x16xf32>,
      %get3A_464 = vector.shape_cast %get3A_463 : vector<1x16xf32> to vector<16xf32>
      %mul3A_465 = arith.constant 8.000000e+00 : f32
      %mul3A_466 = vector.broadcast %mul3A_465 : f32 to vector<16xf32>
      %mul3A_467 = arith.mulf %get3A_464, %mul3A_466 : vector<16xf32>
      %swap3A_468 = arith.index_cast %add3A_424 : i32 to index
      %swap3A_469 = arith.constant 48 : index
      %swap3A_470 = tpu.vector_load %arg10[%swap3A_468, %swap3A_469] {strides = array<i32>} : memref<128x64xf32, #tpu.memory_space<vmem>>, vector<1x16xf32>,
      %swap3A_471 = vector.shape_cast %swap3A_470 : vector<1x16xf32> to vector<16xf32>
      %swap3A_472 = vector.shape_cast %mul3A_467 : vector<16xf32> to vector<1x16xf32>
      tpu.vector_store %arg10[%swap3A_468, %swap3A_469], %swap3A_472 {strides = array<i32>} : memref<128x64xf32, #tpu.memory_space<vmem>>, vector<1x16xf32>,
      %scan3A_473 = arith.constant 6 : i32
      %scan3A_474 = arith.addi %scan3A_152, %scan3A_473 : i32
      %mul3A_475 = arith.constant 1 : i32
      %mul3A_476 = arith.muli %scan3A_474, %mul3A_475 : i32
      %add3A_477 = arith.constant 0 : i32
      %add3A_478 = arith.addi %add3A_477, %mul3A_476 : i32
      %get3A_479 = arith.index_cast %add3A_478 : i32 to index
      %get3A_480 = arith.constant 0 : index
      %get3A_481 = tpu.vector_load %arg8[%get3A_479, %get3A_480] {strides = array<i32>} : memref<128x128xf32, #tpu.memory_space<vmem>>, vector<1x16xf32>,
      %get3A_482 = vector.shape_cast %get3A_481 : vector<1x16xf32> to vector<16xf32>
      %mul3A_483 = arith.constant 8.000000e+00 : f32
      %mul3A_484 = vector.broadcast %mul3A_483 : f32 to vector<16xf32>
      %mul3A_485 = arith.mulf %get3A_482, %mul3A_484 : vector<16xf32>
      %swap3A_486 = arith.index_cast %add3A_478 : i32 to index
      %swap3A_487 = arith.constant 0 : index
      %swap3A_488 = tpu.vector_load %arg10[%swap3A_486, %swap3A_487] {strides = array<i32>} : memref<128x64xf32, #tpu.memory_space<vmem>>, vector<1x16xf32>,
      %swap3A_489 = vector.shape_cast %swap3A_488 : vector<1x16xf32> to vector<16xf32>
      %swap3A_490 = vector.shape_cast %mul3A_485 : vector<16xf32> to vector<1x16xf32>
      tpu.vector_store %arg10[%swap3A_486, %swap3A_487], %swap3A_490 {strides = array<i32>} : memref<128x64xf32, #tpu.memory_space<vmem>>, vector<1x16xf32>,
      %get3A_491 = arith.index_cast %add3A_478 : i32 to index
      %get3A_492 = arith.constant 16 : index
      %get3A_493 = tpu.vector_load %arg8[%get3A_491, %get3A_492] {strides = array<i32>} : memref<128x128xf32, #tpu.memory_space<vmem>>, vector<1x16xf32>,
      %get3A_494 = vector.shape_cast %get3A_493 : vector<1x16xf32> to vector<16xf32>
      %mul3A_495 = arith.constant 8.000000e+00 : f32
      %mul3A_496 = vector.broadcast %mul3A_495 : f32 to vector<16xf32>
      %mul3A_497 = arith.mulf %get3A_494, %mul3A_496 : vector<16xf32>
      %swap3A_498 = arith.index_cast %add3A_478 : i32 to index
      %swap3A_499 = arith.constant 16 : index
      %swap3A_500 = tpu.vector_load %arg10[%swap3A_498, %swap3A_499] {strides = array<i32>} : memref<128x64xf32, #tpu.memory_space<vmem>>, vector<1x16xf32>,
      %swap3A_501 = vector.shape_cast %swap3A_500 : vector<1x16xf32> to vector<16xf32>
      %swap3A_502 = vector.shape_cast %mul3A_497 : vector<16xf32> to vector<1x16xf32>
      tpu.vector_store %arg10[%swap3A_498, %swap3A_499], %swap3A_502 {strides = array<i32>} : memref<128x64xf32, #tpu.memory_space<vmem>>, vector<1x16xf32>,
      %get3A_503 = arith.index_cast %add3A_478 : i32 to index
      %get3A_504 = arith.constant 32 : index
      %get3A_505 = tpu.vector_load %arg8[%get3A_503, %get3A_504] {strides = array<i32>} : memref<128x128xf32, #tpu.memory_space<vmem>>, vector<1x16xf32>,
      %get3A_506 = vector.shape_cast %get3A_505 : vector<1x16xf32> to vector<16xf32>
      %mul3A_507 = arith.constant 8.000000e+00 : f32
      %mul3A_508 = vector.broadcast %mul3A_507 : f32 to vector<16xf32>
      %mul3A_509 = arith.mulf %get3A_506, %mul3A_508 : vector<16xf32>
      %swap3A_510 = arith.index_cast %add3A_478 : i32 to index
      %swap3A_511 = arith.constant 32 : index
      %swap3A_512 = tpu.vector_load %arg10[%swap3A_510, %swap3A_511] {strides = array<i32>} : memref<128x64xf32, #tpu.memory_space<vmem>>, vector<1x16xf32>,
      %swap3A_513 = vector.shape_cast %swap3A_512 : vector<1x16xf32> to vector<16xf32>
      %swap3A_514 = vector.shape_cast %mul3A_509 : vector<16xf32> to vector<1x16xf32>
      tpu.vector_store %arg10[%swap3A_510, %swap3A_511], %swap3A_514 {strides = array<i32>} : memref<128x64xf32, #tpu.memory_space<vmem>>, vector<1x16xf32>,
      %get3A_515 = arith.index_cast %add3A_478 : i32 to index
      %get3A_516 = arith.constant 48 : index
      %get3A_517 = tpu.vector_load %arg8[%get3A_515, %get3A_516] {strides = array<i32>} : memref<128x128xf32, #tpu.memory_space<vmem>>, vector<1x16xf32>,
      %get3A_518 = vector.shape_cast %get3A_517 : vector<1x16xf32> to vector<16xf32>
      %mul3A_519 = arith.constant 8.000000e+00 : f32
      %mul3A_520 = vector.broadcast %mul3A_519 : f32 to vector<16xf32>
      %mul3A_521 = arith.mulf %get3A_518, %mul3A_520 : vector<16xf32>
      %swap3A_522 = arith.index_cast %add3A_478 : i32 to index
      %swap3A_523 = arith.constant 48 : index
      %swap3A_524 = tpu.vector_load %arg10[%swap3A_522, %swap3A_523] {strides = array<i32>} : memref<128x64xf32, #tpu.memory_space<vmem>>, vector<1x16xf32>,
      %swap3A_525 = vector.shape_cast %swap3A_524 : vector<1x16xf32> to vector<16xf32>
      %swap3A_526 = vector.shape_cast %mul3A_521 : vector<16xf32> to vector<1x16xf32>
      tpu.vector_store %arg10[%swap3A_522, %swap3A_523], %swap3A_526 {strides = array<i32>} : memref<128x64xf32, #tpu.memory_space<vmem>>, vector<1x16xf32>,
      %scan3A_527 = arith.constant 7 : i32
      %scan3A_528 = arith.addi %scan3A_152, %scan3A_527 : i32
      %mul3A_529 = arith.constant 1 : i32
      %mul3A_530 = arith.muli %scan3A_528, %mul3A_529 : i32
      %add3A_531 = arith.constant 0 : i32
      %add3A_532 = arith.addi %add3A_531, %mul3A_530 : i32
      %get3A_533 = arith.index_cast %add3A_532 : i32 to index
      %get3A_534 = arith.constant 0 : index
      %get3A_535 = tpu.vector_load %arg8[%get3A_533, %get3A_534] {strides = array<i32>} : memref<128x128xf32, #tpu.memory_space<vmem>>, vector<1x16xf32>,
      %get3A_536 = vector.shape_cast %get3A_535 : vector<1x16xf32> to vector<16xf32>
      %mul3A_537 = arith.constant 8.000000e+00 : f32
      %mul3A_538 = vector.broadcast %mul3A_537 : f32 to vector<16xf32>
      %mul3A_539 = arith.mulf %get3A_536, %mul3A_538 : vector<16xf32>
      %swap3A_540 = arith.index_cast %add3A_532 : i32 to index
      %swap3A_541 = arith.constant 0 : index
      %swap3A_542 = tpu.vector_load %arg10[%swap3A_540, %swap3A_541] {strides = array<i32>} : memref<128x64xf32, #tpu.memory_space<vmem>>, vector<1x16xf32>,
      %swap3A_543 = vector.shape_cast %swap3A_542 : vector<1x16xf32> to vector<16xf32>
      %swap3A_544 = vector.shape_cast %mul3A_539 : vector<16xf32> to vector<1x16xf32>
      tpu.vector_store %arg10[%swap3A_540, %swap3A_541], %swap3A_544 {strides = array<i32>} : memref<128x64xf32, #tpu.memory_space<vmem>>, vector<1x16xf32>,
      %get3A_545 = arith.index_cast %add3A_532 : i32 to index
      %get3A_546 = arith.constant 16 : index
      %get3A_547 = tpu.vector_load %arg8[%get3A_545, %get3A_546] {strides = array<i32>} : memref<128x128xf32, #tpu.memory_space<vmem>>, vector<1x16xf32>,
      %get3A_548 = vector.shape_cast %get3A_547 : vector<1x16xf32> to vector<16xf32>
      %mul3A_549 = arith.constant 8.000000e+00 : f32
      %mul3A_550 = vector.broadcast %mul3A_549 : f32 to vector<16xf32>
      %mul3A_551 = arith.mulf %get3A_548, %mul3A_550 : vector<16xf32>
      %swap3A_552 = arith.index_cast %add3A_532 : i32 to index
      %swap3A_553 = arith.constant 16 : index
      %swap3A_554 = tpu.vector_load %arg10[%swap3A_552, %swap3A_553] {strides = array<i32>} : memref<128x64xf32, #tpu.memory_space<vmem>>, vector<1x16xf32>,
      %swap3A_555 = vector.shape_cast %swap3A_554 : vector<1x16xf32> to vector<16xf32>
      %swap3A_556 = vector.shape_cast %mul3A_551 : vector<16xf32> to vector<1x16xf32>
      tpu.vector_store %arg10[%swap3A_552, %swap3A_553], %swap3A_556 {strides = array<i32>} : memref<128x64xf32, #tpu.memory_space<vmem>>, vector<1x16xf32>,
      %get3A_557 = arith.index_cast %add3A_532 : i32 to index
      %get3A_558 = arith.constant 32 : index
      %get3A_559 = tpu.vector_load %arg8[%get3A_557, %get3A_558] {strides = array<i32>} : memref<128x128xf32, #tpu.memory_space<vmem>>, vector<1x16xf32>,
      %get3A_560 = vector.shape_cast %get3A_559 : vector<1x16xf32> to vector<16xf32>
      %mul3A_561 = arith.constant 8.000000e+00 : f32
      %mul3A_562 = vector.broadcast %mul3A_561 : f32 to vector<16xf32>
      %mul3A_563 = arith.mulf %get3A_560, %mul3A_562 : vector<16xf32>
      %swap3A_564 = arith.index_cast %add3A_532 : i32 to index
      %swap3A_565 = arith.constant 32 : index
      %swap3A_566 = tpu.vector_load %arg10[%swap3A_564, %swap3A_565] {strides = array<i32>} : memref<128x64xf32, #tpu.memory_space<vmem>>, vector<1x16xf32>,
      %swap3A_567 = vector.shape_cast %swap3A_566 : vector<1x16xf32> to vector<16xf32>
      %swap3A_568 = vector.shape_cast %mul3A_563 : vector<16xf32> to vector<1x16xf32>
      tpu.vector_store %arg10[%swap3A_564, %swap3A_565], %swap3A_568 {strides = array<i32>} : memref<128x64xf32, #tpu.memory_space<vmem>>, vector<1x16xf32>,
      %get3A_569 = arith.index_cast %add3A_532 : i32 to index
      %get3A_570 = arith.constant 48 : index
      %get3A_571 = tpu.vector_load %arg8[%get3A_569, %get3A_570] {strides = array<i32>} : memref<128x128xf32, #tpu.memory_space<vmem>>, vector<1x16xf32>,
      %get3A_572 = vector.shape_cast %get3A_571 : vector<1x16xf32> to vector<16xf32>
      %mul3A_573 = arith.constant 8.000000e+00 : f32
      %mul3A_574 = vector.broadcast %mul3A_573 : f32 to vector<16xf32>
      %mul3A_575 = arith.mulf %get3A_572, %mul3A_574 : vector<16xf32>
      %swap3A_576 = arith.index_cast %add3A_532 : i32 to index
      %swap3A_577 = arith.constant 48 : index
      %swap3A_578 = tpu.vector_load %arg10[%swap3A_576, %swap3A_577] {strides = array<i32>} : memref<128x64xf32, #tpu.memory_space<vmem>>, vector<1x16xf32>,
      %swap3A_579 = vector.shape_cast %swap3A_578 : vector<1x16xf32> to vector<16xf32>
      %swap3A_580 = vector.shape_cast %mul3A_575 : vector<16xf32> to vector<1x16xf32>
      tpu.vector_store %arg10[%swap3A_576, %swap3A_577], %swap3A_580 {strides = array<i32>} : memref<128x64xf32, #tpu.memory_space<vmem>>, vector<1x16xf32>,
    }
    %scan3A_96 = arith.constant 128 : i32
    %add3A_97 = arith.constant 256 : i32
    %add3A_98 = arith.addi %mul3A_4, %add3A_97 : i32
    %multiple_of3A_99 = tpu.assume_multiple %add3A_98, 8 : i32
    %dma_start3A_100 = arith.constant 0 : i32
    %dma_start3A_101 = tpu.memref_slice %arg4[%multiple_of3A_99, %dma_start3A_100] : memref<819200x64xf32, #tpu.memory_space<hbm>> -> memref<128x64xf32, #tpu.memory_space<hbm>>
    %dma_start3A_102 = arith.constant 0 : i32
    %dma_start3A_103 = tpu.memref_slice %arg4[%multiple_of3A_99, %dma_start3A_102] : memref<819200x64xf32, #tpu.memory_space<hbm>> -> memref<128x64xf32, #tpu.memory_space<hbm>>
    tpu.enqueue_dma source(%arg10 : memref<128x64xf32, #tpu.memory_space<vmem>>) target(%dma_start3A_103 : memref<128x64xf32, #tpu.memory_space<hbm>>) target_semaphore(%arg16 : memref<!tpu.dma_semaphore, #tpu.memory_space<semaphore_mem>>)
    %dma_start3A_104 = arith.constant 6 : i32
    %dma_start3A_105 = arith.constant 0 : i32
    %dma_start3A_106 = tpu.memref_slice %arg5[%dma_start3A_104, %dma_start3A_105] : memref<200x128xi32, #tpu.memory_space<vmem>> -> memref<1x128xi32, #tpu.memory_space<vmem>>
    %dma_start3A_107 = tpu.memref_squeeze %dma_start3A_106 : memref<1x128xi32, #tpu.memory_space<vmem>> -> memref<128xi32, #tpu.memory_space<vmem>>
    %dma_start3A_108 = arith.constant 0 : i32
    %dma_start3A_109 = arith.constant 0 : i32
    %dma_start3A_110 = tpu.memref_slice %arg3[%dma_start3A_108, %dma_start3A_109] : memref<1000000x128xf32, #tpu.memory_space<hbm>> -> memref<1000000x128xf32, #tpu.memory_space<hbm>>
    tpu.enqueue_indirect_dma source(%dma_start3A_110 : memref<1000000x128xf32, #tpu.memory_space<hbm>>) target(%arg8 : memref<128x128xf32, #tpu.memory_space<vmem>>) offsets(%dma_start3A_107 : memref<128xi32, #tpu.memory_space<vmem>>) semaphore(%arg14 : memref<!tpu.dma_semaphore, #tpu.memory_space<semaphore_mem>>)
    %dma_wait3A_111 = arith.constant 0 : i32
    %dma_wait3A_112 = arith.constant 0 : i32
    %dma_wait3A_113 = tpu.memref_slice %arg3[%dma_wait3A_111, %dma_wait3A_112] : memref<1000000x128xf32, #tpu.memory_space<hbm>> -> memref<128x128xf32, #tpu.memory_space<hbm>>
    %dma_wait3A_114 = arith.constant 0 : i32
    %dma_wait3A_115 = arith.constant 0 : i32
    %dma_wait3A_116 = tpu.memref_slice %arg3[%dma_wait3A_114, %dma_wait3A_115] : memref<1000000x128xf32, #tpu.memory_space<hbm>> -> memref<128x128xf32, #tpu.memory_space<hbm>>
    tpu.wait_dma2 semaphore(%arg15 : memref<!tpu.dma_semaphore, #tpu.memory_space<semaphore_mem>>) src(%dma_wait3A_116 : memref<128x128xf32, #tpu.memory_space<hbm>>) dst(%arg9 : memref<128x128xf32, #tpu.memory_space<vmem>>)
    %dma_wait3A_117 = arith.constant 0 : i32
    %dma_wait3A_118 = arith.constant 0 : i32
    %dma_wait3A_119 = tpu.memref_slice %arg4[%dma_wait3A_117, %dma_wait3A_118] : memref<819200x64xf32, #tpu.memory_space<hbm>> -> memref<128x64xf32, #tpu.memory_space<hbm>>
    %dma_wait3A_120 = arith.constant 0 : i32
    %dma_wait3A_121 = arith.constant 0 : i32
    %dma_wait3A_122 = tpu.memref_slice %arg4[%dma_wait3A_120, %dma_wait3A_121] : memref<819200x64xf32, #tpu.memory_space<hbm>> -> memref<128x64xf32, #tpu.memory_space<hbm>>
    tpu.wait_dma2 semaphore(%arg17 : memref<!tpu.dma_semaphore, #tpu.memory_space<semaphore_mem>>) src(%arg11 : memref<128x64xf32, #tpu.memory_space<vmem>>) dst(%dma_wait3A_122 : memref<128x64xf32, #tpu.memory_space<hbm>>)
    %scan3A_123 = arith.constant 0 : i32
    %scan3A_124 = arith.constant 128 : i32
    %scan3A_125 = arith.addi %scan3A_123, %scan3A_124 : i32
    %scan3A_126 = arith.constant 8 : i32
    scf.for %scan3A_152 = %scan3A_123 to %scan3A_125 step %scan3A_126  : i32 {
      %mul3A_153 = arith.constant 1 : i32
      %mul3A_154 = arith.muli %scan3A_152, %mul3A_153 : i32
      %add3A_155 = arith.constant 0 : i32
      %add3A_156 = arith.addi %add3A_155, %mul3A_154 : i32
      %get3A = arith.index_cast %add3A_156 : i32 to index
      %get3A_157 = arith.constant 0 : index
      %get3A_158 = tpu.vector_load %arg9[%get3A, %get3A_157] {strides = array<i32>} : memref<128x128xf32, #tpu.memory_space<vmem>>, vector<1x16xf32>,
      %get3A_159 = vector.shape_cast %get3A_158 : vector<1x16xf32> to vector<16xf32>
      %mul3A_160 = arith.constant 8.000000e+00 : f32
      %mul3A_161 = vector.broadcast %mul3A_160 : f32 to vector<16xf32>
      %mul3A_162 = arith.mulf %get3A_159, %mul3A_161 : vector<16xf32>
      %swap3A = arith.index_cast %add3A_156 : i32 to index
      %swap3A_163 = arith.constant 0 : index
      %swap3A_164 = tpu.vector_load %arg11[%swap3A, %swap3A_163] {strides = array<i32>} : memref<128x64xf32, #tpu.memory_space<vmem>>, vector<1x16xf32>,
      %swap3A_165 = vector.shape_cast %swap3A_164 : vector<1x16xf32> to vector<16xf32>
      %swap3A_166 = vector.shape_cast %mul3A_162 : vector<16xf32> to vector<1x16xf32>
      tpu.vector_store %arg11[%swap3A, %swap3A_163], %swap3A_166 {strides = array<i32>} : memref<128x64xf32, #tpu.memory_space<vmem>>, vector<1x16xf32>,
      %get3A_167 = arith.index_cast %add3A_156 : i32 to index
      %get3A_168 = arith.constant 16 : index
      %get3A_169 = tpu.vector_load %arg9[%get3A_167, %get3A_168] {strides = array<i32>} : memref<128x128xf32, #tpu.memory_space<vmem>>, vector<1x16xf32>,
      %get3A_170 = vector.shape_cast %get3A_169 : vector<1x16xf32> to vector<16xf32>
      %mul3A_171 = arith.constant 8.000000e+00 : f32
      %mul3A_172 = vector.broadcast %mul3A_171 : f32 to vector<16xf32>
      %mul3A_173 = arith.mulf %get3A_170, %mul3A_172 : vector<16xf32>
      %swap3A_174 = arith.index_cast %add3A_156 : i32 to index
      %swap3A_175 = arith.constant 16 : index
      %swap3A_176 = tpu.vector_load %arg11[%swap3A_174, %swap3A_175] {strides = array<i32>} : memref<128x64xf32, #tpu.memory_space<vmem>>, vector<1x16xf32>,
      %swap3A_177 = vector.shape_cast %swap3A_176 : vector<1x16xf32> to vector<16xf32>
      %swap3A_178 = vector.shape_cast %mul3A_173 : vector<16xf32> to vector<1x16xf32>
      tpu.vector_store %arg11[%swap3A_174, %swap3A_175], %swap3A_178 {strides = array<i32>} : memref<128x64xf32, #tpu.memory_space<vmem>>, vector<1x16xf32>,
      %get3A_179 = arith.index_cast %add3A_156 : i32 to index
      %get3A_180 = arith.constant 32 : index
      %get3A_181 = tpu.vector_load %arg9[%get3A_179, %get3A_180] {strides = array<i32>} : memref<128x128xf32, #tpu.memory_space<vmem>>, vector<1x16xf32>,
      %get3A_182 = vector.shape_cast %get3A_181 : vector<1x16xf32> to vector<16xf32>
      %mul3A_183 = arith.constant 8.000000e+00 : f32
      %mul3A_184 = vector.broadcast %mul3A_183 : f32 to vector<16xf32>
      %mul3A_185 = arith.mulf %get3A_182, %mul3A_184 : vector<16xf32>
      %swap3A_186 = arith.index_cast %add3A_156 : i32 to index
      %swap3A_187 = arith.constant 32 : index
      %swap3A_188 = tpu.vector_load %arg11[%swap3A_186, %swap3A_187] {strides = array<i32>} : memref<128x64xf32, #tpu.memory_space<vmem>>, vector<1x16xf32>,
      %swap3A_189 = vector.shape_cast %swap3A_188 : vector<1x16xf32> to vector<16xf32>
      %swap3A_190 = vector.shape_cast %mul3A_185 : vector<16xf32> to vector<1x16xf32>
      tpu.vector_store %arg11[%swap3A_186, %swap3A_187], %swap3A_190 {strides = array<i32>} : memref<128x64xf32, #tpu.memory_space<vmem>>, vector<1x16xf32>,
      %get3A_191 = arith.index_cast %add3A_156 : i32 to index
      %get3A_192 = arith.constant 48 : index
      %get3A_193 = tpu.vector_load %arg9[%get3A_191, %get3A_192] {strides = array<i32>} : memref<128x128xf32, #tpu.memory_space<vmem>>, vector<1x16xf32>,
      %get3A_194 = vector.shape_cast %get3A_193 : vector<1x16xf32> to vector<16xf32>
      %mul3A_195 = arith.constant 8.000000e+00 : f32
      %mul3A_196 = vector.broadcast %mul3A_195 : f32 to vector<16xf32>
      %mul3A_197 = arith.mulf %get3A_194, %mul3A_196 : vector<16xf32>
      %swap3A_198 = arith.index_cast %add3A_156 : i32 to index
      %swap3A_199 = arith.constant 48 : index
      %swap3A_200 = tpu.vector_load %arg11[%swap3A_198, %swap3A_199] {strides = array<i32>} : memref<128x64xf32, #tpu.memory_space<vmem>>, vector<1x16xf32>,
      %swap3A_201 = vector.shape_cast %swap3A_200 : vector<1x16xf32> to vector<16xf32>
      %swap3A_202 = vector.shape_cast %mul3A_197 : vector<16xf32> to vector<1x16xf32>
      tpu.vector_store %arg11[%swap3A_198, %swap3A_199], %swap3A_202 {strides = array<i32>} : memref<128x64xf32, #tpu.memory_space<vmem>>, vector<1x16xf32>,
      %scan3A_203 = arith.constant 1 : i32
      %scan3A_204 = arith.addi %scan3A_152, %scan3A_203 : i32
      %mul3A_205 = arith.constant 1 : i32
      %mul3A_206 = arith.muli %scan3A_204, %mul3A_205 : i32
      %add3A_207 = arith.constant 0 : i32
      %add3A_208 = arith.addi %add3A_207, %mul3A_206 : i32
      %get3A_209 = arith.index_cast %add3A_208 : i32 to index
      %get3A_210 = arith.constant 0 : index
      %get3A_211 = tpu.vector_load %arg9[%get3A_209, %get3A_210] {strides = array<i32>} : memref<128x128xf32, #tpu.memory_space<vmem>>, vector<1x16xf32>,
      %get3A_212 = vector.shape_cast %get3A_211 : vector<1x16xf32> to vector<16xf32>
      %mul3A_213 = arith.constant 8.000000e+00 : f32
      %mul3A_214 = vector.broadcast %mul3A_213 : f32 to vector<16xf32>
      %mul3A_215 = arith.mulf %get3A_212, %mul3A_214 : vector<16xf32>
      %swap3A_216 = arith.index_cast %add3A_208 : i32 to index
      %swap3A_217 = arith.constant 0 : index
      %swap3A_218 = tpu.vector_load %arg11[%swap3A_216, %swap3A_217] {strides = array<i32>} : memref<128x64xf32, #tpu.memory_space<vmem>>, vector<1x16xf32>,
      %swap3A_219 = vector.shape_cast %swap3A_218 : vector<1x16xf32> to vector<16xf32>
      %swap3A_220 = vector.shape_cast %mul3A_215 : vector<16xf32> to vector<1x16xf32>
      tpu.vector_store %arg11[%swap3A_216, %swap3A_217], %swap3A_220 {strides = array<i32>} : memref<128x64xf32, #tpu.memory_space<vmem>>, vector<1x16xf32>,
      %get3A_221 = arith.index_cast %add3A_208 : i32 to index
      %get3A_222 = arith.constant 16 : index
      %get3A_223 = tpu.vector_load %arg9[%get3A_221, %get3A_222] {strides = array<i32>} : memref<128x128xf32, #tpu.memory_space<vmem>>, vector<1x16xf32>,
      %get3A_224 = vector.shape_cast %get3A_223 : vector<1x16xf32> to vector<16xf32>
      %mul3A_225 = arith.constant 8.000000e+00 : f32
      %mul3A_226 = vector.broadcast %mul3A_225 : f32 to vector<16xf32>
      %mul3A_227 = arith.mulf %get3A_224, %mul3A_226 : vector<16xf32>
      %swap3A_228 = arith.index_cast %add3A_208 : i32 to index
      %swap3A_229 = arith.constant 16 : index
      %swap3A_230 = tpu.vector_load %arg11[%swap3A_228, %swap3A_229] {strides = array<i32>} : memref<128x64xf32, #tpu.memory_space<vmem>>, vector<1x16xf32>,
      %swap3A_231 = vector.shape_cast %swap3A_230 : vector<1x16xf32> to vector<16xf32>
      %swap3A_232 = vector.shape_cast %mul3A_227 : vector<16xf32> to vector<1x16xf32>
      tpu.vector_store %arg11[%swap3A_228, %swap3A_229], %swap3A_232 {strides = array<i32>} : memref<128x64xf32, #tpu.memory_space<vmem>>, vector<1x16xf32>,
      %get3A_233 = arith.index_cast %add3A_208 : i32 to index
      %get3A_234 = arith.constant 32 : index
      %get3A_235 = tpu.vector_load %arg9[%get3A_233, %get3A_234] {strides = array<i32>} : memref<128x128xf32, #tpu.memory_space<vmem>>, vector<1x16xf32>,
      %get3A_236 = vector.shape_cast %get3A_235 : vector<1x16xf32> to vector<16xf32>
      %mul3A_237 = arith.constant 8.000000e+00 : f32
      %mul3A_238 = vector.broadcast %mul3A_237 : f32 to vector<16xf32>
      %mul3A_239 = arith.mulf %get3A_236, %mul3A_238 : vector<16xf32>
      %swap3A_240 = arith.index_cast %add3A_208 : i32 to index
      %swap3A_241 = arith.constant 32 : index
      %swap3A_242 = tpu.vector_load %arg11[%swap3A_240, %swap3A_241] {strides = array<i32>} : memref<128x64xf32, #tpu.memory_space<vmem>>, vector<1x16xf32>,
      %swap3A_243 = vector.shape_cast %swap3A_242 : vector<1x16xf32> to vector<16xf32>
      %swap3A_244 = vector.shape_cast %mul3A_239 : vector<16xf32> to vector<1x16xf32>
      tpu.vector_store %arg11[%swap3A_240, %swap3A_241], %swap3A_244 {strides = array<i32>} : memref<128x64xf32, #tpu.memory_space<vmem>>, vector<1x16xf32>,
      %get3A_245 = arith.index_cast %add3A_208 : i32 to index
      %get3A_246 = arith.constant 48 : index
      %get3A_247 = tpu.vector_load %arg9[%get3A_245, %get3A_246] {strides = array<i32>} : memref<128x128xf32, #tpu.memory_space<vmem>>, vector<1x16xf32>,
      %get3A_248 = vector.shape_cast %get3A_247 : vector<1x16xf32> to vector<16xf32>
      %mul3A_249 = arith.constant 8.000000e+00 : f32
      %mul3A_250 = vector.broadcast %mul3A_249 : f32 to vector<16xf32>
      %mul3A_251 = arith.mulf %get3A_248, %mul3A_250 : vector<16xf32>
      %swap3A_252 = arith.index_cast %add3A_208 : i32 to index
      %swap3A_253 = arith.constant 48 : index
      %swap3A_254 = tpu.vector_load %arg11[%swap3A_252, %swap3A_253] {strides = array<i32>} : memref<128x64xf32, #tpu.memory_space<vmem>>, vector<1x16xf32>,
      %swap3A_255 = vector.shape_cast %swap3A_254 : vector<1x16xf32> to vector<16xf32>
      %swap3A_256 = vector.shape_cast %mul3A_251 : vector<16xf32> to vector<1x16xf32>
      tpu.vector_store %arg11[%swap3A_252, %swap3A_253], %swap3A_256 {strides = array<i32>} : memref<128x64xf32, #tpu.memory_space<vmem>>, vector<1x16xf32>,
      %scan3A_257 = arith.constant 2 : i32
      %scan3A_258 = arith.addi %scan3A_152, %scan3A_257 : i32
      %mul3A_259 = arith.constant 1 : i32
      %mul3A_260 = arith.muli %scan3A_258, %mul3A_259 : i32
      %add3A_261 = arith.constant 0 : i32
      %add3A_262 = arith.addi %add3A_261, %mul3A_260 : i32
      %get3A_263 = arith.index_cast %add3A_262 : i32 to index
      %get3A_264 = arith.constant 0 : index
      %get3A_265 = tpu.vector_load %arg9[%get3A_263, %get3A_264] {strides = array<i32>} : memref<128x128xf32, #tpu.memory_space<vmem>>, vector<1x16xf32>,
      %get3A_266 = vector.shape_cast %get3A_265 : vector<1x16xf32> to vector<16xf32>
      %mul3A_267 = arith.constant 8.000000e+00 : f32
      %mul3A_268 = vector.broadcast %mul3A_267 : f32 to vector<16xf32>
      %mul3A_269 = arith.mulf %get3A_266, %mul3A_268 : vector<16xf32>
      %swap3A_270 = arith.index_cast %add3A_262 : i32 to index
      %swap3A_271 = arith.constant 0 : index
      %swap3A_272 = tpu.vector_load %arg11[%swap3A_270, %swap3A_271] {strides = array<i32>} : memref<128x64xf32, #tpu.memory_space<vmem>>, vector<1x16xf32>,
      %swap3A_273 = vector.shape_cast %swap3A_272 : vector<1x16xf32> to vector<16xf32>
      %swap3A_274 = vector.shape_cast %mul3A_269 : vector<16xf32> to vector<1x16xf32>
      tpu.vector_store %arg11[%swap3A_270, %swap3A_271], %swap3A_274 {strides = array<i32>} : memref<128x64xf32, #tpu.memory_space<vmem>>, vector<1x16xf32>,
      %get3A_275 = arith.index_cast %add3A_262 : i32 to index
      %get3A_276 = arith.constant 16 : index
      %get3A_277 = tpu.vector_load %arg9[%get3A_275, %get3A_276] {strides = array<i32>} : memref<128x128xf32, #tpu.memory_space<vmem>>, vector<1x16xf32>,
      %get3A_278 = vector.shape_cast %get3A_277 : vector<1x16xf32> to vector<16xf32>
      %mul3A_279 = arith.constant 8.000000e+00 : f32
      %mul3A_280 = vector.broadcast %mul3A_279 : f32 to vector<16xf32>
      %mul3A_281 = arith.mulf %get3A_278, %mul3A_280 : vector<16xf32>
      %swap3A_282 = arith.index_cast %add3A_262 : i32 to index
      %swap3A_283 = arith.constant 16 : index
      %swap3A_284 = tpu.vector_load %arg11[%swap3A_282, %swap3A_283] {strides = array<i32>} : memref<128x64xf32, #tpu.memory_space<vmem>>, vector<1x16xf32>,
      %swap3A_285 = vector.shape_cast %swap3A_284 : vector<1x16xf32> to vector<16xf32>
      %swap3A_286 = vector.shape_cast %mul3A_281 : vector<16xf32> to vector<1x16xf32>
      tpu.vector_store %arg11[%swap3A_282, %swap3A_283], %swap3A_286 {strides = array<i32>} : memref<128x64xf32, #tpu.memory_space<vmem>>, vector<1x16xf32>,
      %get3A_287 = arith.index_cast %add3A_262 : i32 to index
      %get3A_288 = arith.constant 32 : index
      %get3A_289 = tpu.vector_load %arg9[%get3A_287, %get3A_288] {strides = array<i32>} : memref<128x128xf32, #tpu.memory_space<vmem>>, vector<1x16xf32>,
      %get3A_290 = vector.shape_cast %get3A_289 : vector<1x16xf32> to vector<16xf32>
      %mul3A_291 = arith.constant 8.000000e+00 : f32
      %mul3A_292 = vector.broadcast %mul3A_291 : f32 to vector<16xf32>
      %mul3A_293 = arith.mulf %get3A_290, %mul3A_292 : vector<16xf32>
      %swap3A_294 = arith.index_cast %add3A_262 : i32 to index
      %swap3A_295 = arith.constant 32 : index
      %swap3A_296 = tpu.vector_load %arg11[%swap3A_294, %swap3A_295] {strides = array<i32>} : memref<128x64xf32, #tpu.memory_space<vmem>>, vector<1x16xf32>,
      %swap3A_297 = vector.shape_cast %swap3A_296 : vector<1x16xf32> to vector<16xf32>
      %swap3A_298 = vector.shape_cast %mul3A_293 : vector<16xf32> to vector<1x16xf32>
      tpu.vector_store %arg11[%swap3A_294, %swap3A_295], %swap3A_298 {strides = array<i32>} : memref<128x64xf32, #tpu.memory_space<vmem>>, vector<1x16xf32>,
      %get3A_299 = arith.index_cast %add3A_262 : i32 to index
      %get3A_300 = arith.constant 48 : index
      %get3A_301 = tpu.vector_load %arg9[%get3A_299, %get3A_300] {strides = array<i32>} : memref<128x128xf32, #tpu.memory_space<vmem>>, vector<1x16xf32>,
      %get3A_302 = vector.shape_cast %get3A_301 : vector<1x16xf32> to vector<16xf32>
      %mul3A_303 = arith.constant 8.000000e+00 : f32
      %mul3A_304 = vector.broadcast %mul3A_303 : f32 to vector<16xf32>
      %mul3A_305 = arith.mulf %get3A_302, %mul3A_304 : vector<16xf32>
      %swap3A_306 = arith.index_cast %add3A_262 : i32 to index
      %swap3A_307 = arith.constant 48 : index
      %swap3A_308 = tpu.vector_load %arg11[%swap3A_306, %swap3A_307] {strides = array<i32>} : memref<128x64xf32, #tpu.memory_space<vmem>>, vector<1x16xf32>,
      %swap3A_309 = vector.shape_cast %swap3A_308 : vector<1x16xf32> to vector<16xf32>
      %swap3A_310 = vector.shape_cast %mul3A_305 : vector<16xf32> to vector<1x16xf32>
      tpu.vector_store %arg11[%swap3A_306, %swap3A_307], %swap3A_310 {strides = array<i32>} : memref<128x64xf32, #tpu.memory_space<vmem>>, vector<1x16xf32>,
      %scan3A_311 = arith.constant 3 : i32
      %scan3A_312 = arith.addi %scan3A_152, %scan3A_311 : i32
      %mul3A_313 = arith.constant 1 : i32
      %mul3A_314 = arith.muli %scan3A_312, %mul3A_313 : i32
      %add3A_315 = arith.constant 0 : i32
      %add3A_316 = arith.addi %add3A_315, %mul3A_314 : i32
      %get3A_317 = arith.index_cast %add3A_316 : i32 to index
      %get3A_318 = arith.constant 0 : index
      %get3A_319 = tpu.vector_load %arg9[%get3A_317, %get3A_318] {strides = array<i32>} : memref<128x128xf32, #tpu.memory_space<vmem>>, vector<1x16xf32>,
      %get3A_320 = vector.shape_cast %get3A_319 : vector<1x16xf32> to vector<16xf32>
      %mul3A_321 = arith.constant 8.000000e+00 : f32
      %mul3A_322 = vector.broadcast %mul3A_321 : f32 to vector<16xf32>
      %mul3A_323 = arith.mulf %get3A_320, %mul3A_322 : vector<16xf32>
      %swap3A_324 = arith.index_cast %add3A_316 : i32 to index
      %swap3A_325 = arith.constant 0 : index
      %swap3A_326 = tpu.vector_load %arg11[%swap3A_324, %swap3A_325] {strides = array<i32>} : memref<128x64xf32, #tpu.memory_space<vmem>>, vector<1x16xf32>,
      %swap3A_327 = vector.shape_cast %swap3A_326 : vector<1x16xf32> to vector<16xf32>
      %swap3A_328 = vector.shape_cast %mul3A_323 : vector<16xf32> to vector<1x16xf32>
      tpu.vector_store %arg11[%swap3A_324, %swap3A_325], %swap3A_328 {strides = array<i32>} : memref<128x64xf32, #tpu.memory_space<vmem>>, vector<1x16xf32>,
      %get3A_329 = arith.index_cast %add3A_316 : i32 to index
      %get3A_330 = arith.constant 16 : index
      %get3A_331 = tpu.vector_load %arg9[%get3A_329, %get3A_330] {strides = array<i32>} : memref<128x128xf32, #tpu.memory_space<vmem>>, vector<1x16xf32>,
      %get3A_332 = vector.shape_cast %get3A_331 : vector<1x16xf32> to vector<16xf32>
      %mul3A_333 = arith.constant 8.000000e+00 : f32
      %mul3A_334 = vector.broadcast %mul3A_333 : f32 to vector<16xf32>
      %mul3A_335 = arith.mulf %get3A_332, %mul3A_334 : vector<16xf32>
      %swap3A_336 = arith.index_cast %add3A_316 : i32 to index
      %swap3A_337 = arith.constant 16 : index
      %swap3A_338 = tpu.vector_load %arg11[%swap3A_336, %swap3A_337] {strides = array<i32>} : memref<128x64xf32, #tpu.memory_space<vmem>>, vector<1x16xf32>,
      %swap3A_339 = vector.shape_cast %swap3A_338 : vector<1x16xf32> to vector<16xf32>
      %swap3A_340 = vector.shape_cast %mul3A_335 : vector<16xf32> to vector<1x16xf32>
      tpu.vector_store %arg11[%swap3A_336, %swap3A_337], %swap3A_340 {strides = array<i32>} : memref<128x64xf32, #tpu.memory_space<vmem>>, vector<1x16xf32>,
      %get3A_341 = arith.index_cast %add3A_316 : i32 to index
      %get3A_342 = arith.constant 32 : index
      %get3A_343 = tpu.vector_load %arg9[%get3A_341, %get3A_342] {strides = array<i32>} : memref<128x128xf32, #tpu.memory_space<vmem>>, vector<1x16xf32>,
      %get3A_344 = vector.shape_cast %get3A_343 : vector<1x16xf32> to vector<16xf32>
      %mul3A_345 = arith.constant 8.000000e+00 : f32
      %mul3A_346 = vector.broadcast %mul3A_345 : f32 to vector<16xf32>
      %mul3A_347 = arith.mulf %get3A_344, %mul3A_346 : vector<16xf32>
      %swap3A_348 = arith.index_cast %add3A_316 : i32 to index
      %swap3A_349 = arith.constant 32 : index
      %swap3A_350 = tpu.vector_load %arg11[%swap3A_348, %swap3A_349] {strides = array<i32>} : memref<128x64xf32, #tpu.memory_space<vmem>>, vector<1x16xf32>,
      %swap3A_351 = vector.shape_cast %swap3A_350 : vector<1x16xf32> to vector<16xf32>
      %swap3A_352 = vector.shape_cast %mul3A_347 : vector<16xf32> to vector<1x16xf32>
      tpu.vector_store %arg11[%swap3A_348, %swap3A_349], %swap3A_352 {strides = array<i32>} : memref<128x64xf32, #tpu.memory_space<vmem>>, vector<1x16xf32>,
      %get3A_353 = arith.index_cast %add3A_316 : i32 to index
      %get3A_354 = arith.constant 48 : index
      %get3A_355 = tpu.vector_load %arg9[%get3A_353, %get3A_354] {strides = array<i32>} : memref<128x128xf32, #tpu.memory_space<vmem>>, vector<1x16xf32>,
      %get3A_356 = vector.shape_cast %get3A_355 : vector<1x16xf32> to vector<16xf32>
      %mul3A_357 = arith.constant 8.000000e+00 : f32
      %mul3A_358 = vector.broadcast %mul3A_357 : f32 to vector<16xf32>
      %mul3A_359 = arith.mulf %get3A_356, %mul3A_358 : vector<16xf32>
      %swap3A_360 = arith.index_cast %add3A_316 : i32 to index
      %swap3A_361 = arith.constant 48 : index
      %swap3A_362 = tpu.vector_load %arg11[%swap3A_360, %swap3A_361] {strides = array<i32>} : memref<128x64xf32, #tpu.memory_space<vmem>>, vector<1x16xf32>,
      %swap3A_363 = vector.shape_cast %swap3A_362 : vector<1x16xf32> to vector<16xf32>
      %swap3A_364 = vector.shape_cast %mul3A_359 : vector<16xf32> to vector<1x16xf32>
      tpu.vector_store %arg11[%swap3A_360, %swap3A_361], %swap3A_364 {strides = array<i32>} : memref<128x64xf32, #tpu.memory_space<vmem>>, vector<1x16xf32>,
      %scan3A_365 = arith.constant 4 : i32
      %scan3A_366 = arith.addi %scan3A_152, %scan3A_365 : i32
      %mul3A_367 = arith.constant 1 : i32
      %mul3A_368 = arith.muli %scan3A_366, %mul3A_367 : i32
      %add3A_369 = arith.constant 0 : i32
      %add3A_370 = arith.addi %add3A_369, %mul3A_368 : i32
      %get3A_371 = arith.index_cast %add3A_370 : i32 to index
      %get3A_372 = arith.constant 0 : index
      %get3A_373 = tpu.vector_load %arg9[%get3A_371, %get3A_372] {strides = array<i32>} : memref<128x128xf32, #tpu.memory_space<vmem>>, vector<1x16xf32>,
      %get3A_374 = vector.shape_cast %get3A_373 : vector<1x16xf32> to vector<16xf32>
      %mul3A_375 = arith.constant 8.000000e+00 : f32
      %mul3A_376 = vector.broadcast %mul3A_375 : f32 to vector<16xf32>
      %mul3A_377 = arith.mulf %get3A_374, %mul3A_376 : vector<16xf32>
      %swap3A_378 = arith.index_cast %add3A_370 : i32 to index
      %swap3A_379 = arith.constant 0 : index
      %swap3A_380 = tpu.vector_load %arg11[%swap3A_378, %swap3A_379] {strides = array<i32>} : memref<128x64xf32, #tpu.memory_space<vmem>>, vector<1x16xf32>,
      %swap3A_381 = vector.shape_cast %swap3A_380 : vector<1x16xf32> to vector<16xf32>
      %swap3A_382 = vector.shape_cast %mul3A_377 : vector<16xf32> to vector<1x16xf32>
      tpu.vector_store %arg11[%swap3A_378, %swap3A_379], %swap3A_382 {strides = array<i32>} : memref<128x64xf32, #tpu.memory_space<vmem>>, vector<1x16xf32>,
      %get3A_383 = arith.index_cast %add3A_370 : i32 to index
      %get3A_384 = arith.constant 16 : index
      %get3A_385 = tpu.vector_load %arg9[%get3A_383, %get3A_384] {strides = array<i32>} : memref<128x128xf32, #tpu.memory_space<vmem>>, vector<1x16xf32>,
      %get3A_386 = vector.shape_cast %get3A_385 : vector<1x16xf32> to vector<16xf32>
      %mul3A_387 = arith.constant 8.000000e+00 : f32
      %mul3A_388 = vector.broadcast %mul3A_387 : f32 to vector<16xf32>
      %mul3A_389 = arith.mulf %get3A_386, %mul3A_388 : vector<16xf32>
      %swap3A_390 = arith.index_cast %add3A_370 : i32 to index
      %swap3A_391 = arith.constant 16 : index
      %swap3A_392 = tpu.vector_load %arg11[%swap3A_390, %swap3A_391] {strides = array<i32>} : memref<128x64xf32, #tpu.memory_space<vmem>>, vector<1x16xf32>,
      %swap3A_393 = vector.shape_cast %swap3A_392 : vector<1x16xf32> to vector<16xf32>
      %swap3A_394 = vector.shape_cast %mul3A_389 : vector<16xf32> to vector<1x16xf32>
      tpu.vector_store %arg11[%swap3A_390, %swap3A_391], %swap3A_394 {strides = array<i32>} : memref<128x64xf32, #tpu.memory_space<vmem>>, vector<1x16xf32>,
      %get3A_395 = arith.index_cast %add3A_370 : i32 to index
      %get3A_396 = arith.constant 32 : index
      %get3A_397 = tpu.vector_load %arg9[%get3A_395, %get3A_396] {strides = array<i32>} : memref<128x128xf32, #tpu.memory_space<vmem>>, vector<1x16xf32>,
      %get3A_398 = vector.shape_cast %get3A_397 : vector<1x16xf32> to vector<16xf32>
      %mul3A_399 = arith.constant 8.000000e+00 : f32
      %mul3A_400 = vector.broadcast %mul3A_399 : f32 to vector<16xf32>
      %mul3A_401 = arith.mulf %get3A_398, %mul3A_400 : vector<16xf32>
      %swap3A_402 = arith.index_cast %add3A_370 : i32 to index
      %swap3A_403 = arith.constant 32 : index
      %swap3A_404 = tpu.vector_load %arg11[%swap3A_402, %swap3A_403] {strides = array<i32>} : memref<128x64xf32, #tpu.memory_space<vmem>>, vector<1x16xf32>,
      %swap3A_405 = vector.shape_cast %swap3A_404 : vector<1x16xf32> to vector<16xf32>
      %swap3A_406 = vector.shape_cast %mul3A_401 : vector<16xf32> to vector<1x16xf32>
      tpu.vector_store %arg11[%swap3A_402, %swap3A_403], %swap3A_406 {strides = array<i32>} : memref<128x64xf32, #tpu.memory_space<vmem>>, vector<1x16xf32>,
      %get3A_407 = arith.index_cast %add3A_370 : i32 to index
      %get3A_408 = arith.constant 48 : index
      %get3A_409 = tpu.vector_load %arg9[%get3A_407, %get3A_408] {strides = array<i32>} : memref<128x128xf32, #tpu.memory_space<vmem>>, vector<1x16xf32>,
      %get3A_410 = vector.shape_cast %get3A_409 : vector<1x16xf32> to vector<16xf32>
      %mul3A_411 = arith.constant 8.000000e+00 : f32
      %mul3A_412 = vector.broadcast %mul3A_411 : f32 to vector<16xf32>
      %mul3A_413 = arith.mulf %get3A_410, %mul3A_412 : vector<16xf32>
      %swap3A_414 = arith.index_cast %add3A_370 : i32 to index
      %swap3A_415 = arith.constant 48 : index
      %swap3A_416 = tpu.vector_load %arg11[%swap3A_414, %swap3A_415] {strides = array<i32>} : memref<128x64xf32, #tpu.memory_space<vmem>>, vector<1x16xf32>,
      %swap3A_417 = vector.shape_cast %swap3A_416 : vector<1x16xf32> to vector<16xf32>
      %swap3A_418 = vector.shape_cast %mul3A_413 : vector<16xf32> to vector<1x16xf32>
      tpu.vector_store %arg11[%swap3A_414, %swap3A_415], %swap3A_418 {strides = array<i32>} : memref<128x64xf32, #tpu.memory_space<vmem>>, vector<1x16xf32>,
      %scan3A_419 = arith.constant 5 : i32
      %scan3A_420 = arith.addi %scan3A_152, %scan3A_419 : i32
      %mul3A_421 = arith.constant 1 : i32
      %mul3A_422 = arith.muli %scan3A_420, %mul3A_421 : i32
      %add3A_423 = arith.constant 0 : i32
      %add3A_424 = arith.addi %add3A_423, %mul3A_422 : i32
      %get3A_425 = arith.index_cast %add3A_424 : i32 to index
      %get3A_426 = arith.constant 0 : index
      %get3A_427 = tpu.vector_load %arg9[%get3A_425, %get3A_426] {strides = array<i32>} : memref<128x128xf32, #tpu.memory_space<vmem>>, vector<1x16xf32>,
      %get3A_428 = vector.shape_cast %get3A_427 : vector<1x16xf32> to vector<16xf32>
      %mul3A_429 = arith.constant 8.000000e+00 : f32
      %mul3A_430 = vector.broadcast %mul3A_429 : f32 to vector<16xf32>
      %mul3A_431 = arith.mulf %get3A_428, %mul3A_430 : vector<16xf32>
      %swap3A_432 = arith.index_cast %add3A_424 : i32 to index
      %swap3A_433 = arith.constant 0 : index
      %swap3A_434 = tpu.vector_load %arg11[%swap3A_432, %swap3A_433] {strides = array<i32>} : memref<128x64xf32, #tpu.memory_space<vmem>>, vector<1x16xf32>,
      %swap3A_435 = vector.shape_cast %swap3A_434 : vector<1x16xf32> to vector<16xf32>
      %swap3A_436 = vector.shape_cast %mul3A_431 : vector<16xf32> to vector<1x16xf32>
      tpu.vector_store %arg11[%swap3A_432, %swap3A_433], %swap3A_436 {strides = array<i32>} : memref<128x64xf32, #tpu.memory_space<vmem>>, vector<1x16xf32>,
      %get3A_437 = arith.index_cast %add3A_424 : i32 to index
      %get3A_438 = arith.constant 16 : index
      %get3A_439 = tpu.vector_load %arg9[%get3A_437, %get3A_438] {strides = array<i32>} : memref<128x128xf32, #tpu.memory_space<vmem>>, vector<1x16xf32>,
      %get3A_440 = vector.shape_cast %get3A_439 : vector<1x16xf32> to vector<16xf32>
      %mul3A_441 = arith.constant 8.000000e+00 : f32
      %mul3A_442 = vector.broadcast %mul3A_441 : f32 to vector<16xf32>
      %mul3A_443 = arith.mulf %get3A_440, %mul3A_442 : vector<16xf32>
      %swap3A_444 = arith.index_cast %add3A_424 : i32 to index
      %swap3A_445 = arith.constant 16 : index
      %swap3A_446 = tpu.vector_load %arg11[%swap3A_444, %swap3A_445] {strides = array<i32>} : memref<128x64xf32, #tpu.memory_space<vmem>>, vector<1x16xf32>,
      %swap3A_447 = vector.shape_cast %swap3A_446 : vector<1x16xf32> to vector<16xf32>
      %swap3A_448 = vector.shape_cast %mul3A_443 : vector<16xf32> to vector<1x16xf32>
      tpu.vector_store %arg11[%swap3A_444, %swap3A_445], %swap3A_448 {strides = array<i32>} : memref<128x64xf32, #tpu.memory_space<vmem>>, vector<1x16xf32>,
      %get3A_449 = arith.index_cast %add3A_424 : i32 to index
      %get3A_450 = arith.constant 32 : index
      %get3A_451 = tpu.vector_load %arg9[%get3A_449, %get3A_450] {strides = array<i32>} : memref<128x128xf32, #tpu.memory_space<vmem>>, vector<1x16xf32>,
      %get3A_452 = vector.shape_cast %get3A_451 : vector<1x16xf32> to vector<16xf32>
      %mul3A_453 = arith.constant 8.000000e+00 : f32
      %mul3A_454 = vector.broadcast %mul3A_453 : f32 to vector<16xf32>
      %mul3A_455 = arith.mulf %get3A_452, %mul3A_454 : vector<16xf32>
      %swap3A_456 = arith.index_cast %add3A_424 : i32 to index
      %swap3A_457 = arith.constant 32 : index
      %swap3A_458 = tpu.vector_load %arg11[%swap3A_456, %swap3A_457] {strides = array<i32>} : memref<128x64xf32, #tpu.memory_space<vmem>>, vector<1x16xf32>,
      %swap3A_459 = vector.shape_cast %swap3A_458 : vector<1x16xf32> to vector<16xf32>
      %swap3A_460 = vector.shape_cast %mul3A_455 : vector<16xf32> to vector<1x16xf32>
      tpu.vector_store %arg11[%swap3A_456, %swap3A_457], %swap3A_460 {strides = array<i32>} : memref<128x64xf32, #tpu.memory_space<vmem>>, vector<1x16xf32>,
      %get3A_461 = arith.index_cast %add3A_424 : i32 to index
      %get3A_462 = arith.constant 48 : index
      %get3A_463 = tpu.vector_load %arg9[%get3A_461, %get3A_462] {strides = array<i32>} : memref<128x128xf32, #tpu.memory_space<vmem>>, vector<1x16xf32>,
      %get3A_464 = vector.shape_cast %get3A_463 : vector<1x16xf32> to vector<16xf32>
      %mul3A_465 = arith.constant 8.000000e+00 : f32
      %mul3A_466 = vector.broadcast %mul3A_465 : f32 to vector<16xf32>
      %mul3A_467 = arith.mulf %get3A_464, %mul3A_466 : vector<16xf32>
      %swap3A_468 = arith.index_cast %add3A_424 : i32 to index
      %swap3A_469 = arith.constant 48 : index
      %swap3A_470 = tpu.vector_load %arg11[%swap3A_468, %swap3A_469] {strides = array<i32>} : memref<128x64xf32, #tpu.memory_space<vmem>>, vector<1x16xf32>,
      %swap3A_471 = vector.shape_cast %swap3A_470 : vector<1x16xf32> to vector<16xf32>
      %swap3A_472 = vector.shape_cast %mul3A_467 : vector<16xf32> to vector<1x16xf32>
      tpu.vector_store %arg11[%swap3A_468, %swap3A_469], %swap3A_472 {strides = array<i32>} : memref<128x64xf32, #tpu.memory_space<vmem>>, vector<1x16xf32>,
      %scan3A_473 = arith.constant 6 : i32
      %scan3A_474 = arith.addi %scan3A_152, %scan3A_473 : i32
      %mul3A_475 = arith.constant 1 : i32
      %mul3A_476 = arith.muli %scan3A_474, %mul3A_475 : i32
      %add3A_477 = arith.constant 0 : i32
      %add3A_478 = arith.addi %add3A_477, %mul3A_476 : i32
      %get3A_479 = arith.index_cast %add3A_478 : i32 to index
      %get3A_480 = arith.constant 0 : index
      %get3A_481 = tpu.vector_load %arg9[%get3A_479, %get3A_480] {strides = array<i32>} : memref<128x128xf32, #tpu.memory_space<vmem>>, vector<1x16xf32>,
      %get3A_482 = vector.shape_cast %get3A_481 : vector<1x16xf32> to vector<16xf32>
      %mul3A_483 = arith.constant 8.000000e+00 : f32
      %mul3A_484 = vector.broadcast %mul3A_483 : f32 to vector<16xf32>
      %mul3A_485 = arith.mulf %get3A_482, %mul3A_484 : vector<16xf32>
      %swap3A_486 = arith.index_cast %add3A_478 : i32 to index
      %swap3A_487 = arith.constant 0 : index
      %swap3A_488 = tpu.vector_load %arg11[%swap3A_486, %swap3A_487] {strides = array<i32>} : memref<128x64xf32, #tpu.memory_space<vmem>>, vector<1x16xf32>,
      %swap3A_489 = vector.shape_cast %swap3A_488 : vector<1x16xf32> to vector<16xf32>
      %swap3A_490 = vector.shape_cast %mul3A_485 : vector<16xf32> to vector<1x16xf32>
      tpu.vector_store %arg11[%swap3A_486, %swap3A_487], %swap3A_490 {strides = array<i32>} : memref<128x64xf32, #tpu.memory_space<vmem>>, vector<1x16xf32>,
      %get3A_491 = arith.index_cast %add3A_478 : i32 to index
      %get3A_492 = arith.constant 16 : index
      %get3A_493 = tpu.vector_load %arg9[%get3A_491, %get3A_492] {strides = array<i32>} : memref<128x128xf32, #tpu.memory_space<vmem>>, vector<1x16xf32>,
      %get3A_494 = vector.shape_cast %get3A_493 : vector<1x16xf32> to vector<16xf32>
      %mul3A_495 = arith.constant 8.000000e+00 : f32
      %mul3A_496 = vector.broadcast %mul3A_495 : f32 to vector<16xf32>
      %mul3A_497 = arith.mulf %get3A_494, %mul3A_496 : vector<16xf32>
      %swap3A_498 = arith.index_cast %add3A_478 : i32 to index
      %swap3A_499 = arith.constant 16 : index
      %swap3A_500 = tpu.vector_load %arg11[%swap3A_498, %swap3A_499] {strides = array<i32>} : memref<128x64xf32, #tpu.memory_space<vmem>>, vector<1x16xf32>,
      %swap3A_501 = vector.shape_cast %swap3A_500 : vector<1x16xf32> to vector<16xf32>
      %swap3A_502 = vector.shape_cast %mul3A_497 : vector<16xf32> to vector<1x16xf32>
      tpu.vector_store %arg11[%swap3A_498, %swap3A_499], %swap3A_502 {strides = array<i32>} : memref<128x64xf32, #tpu.memory_space<vmem>>, vector<1x16xf32>,
      %get3A_503 = arith.index_cast %add3A_478 : i32 to index
      %get3A_504 = arith.constant 32 : index
      %get3A_505 = tpu.vector_load %arg9[%get3A_503, %get3A_504] {strides = array<i32>} : memref<128x128xf32, #tpu.memory_space<vmem>>, vector<1x16xf32>,
      %get3A_506 = vector.shape_cast %get3A_505 : vector<1x16xf32> to vector<16xf32>
      %mul3A_507 = arith.constant 8.000000e+00 : f32
      %mul3A_508 = vector.broadcast %mul3A_507 : f32 to vector<16xf32>
      %mul3A_509 = arith.mulf %get3A_506, %mul3A_508 : vector<16xf32>
      %swap3A_510 = arith.index_cast %add3A_478 : i32 to index
      %swap3A_511 = arith.constant 32 : index
      %swap3A_512 = tpu.vector_load %arg11[%swap3A_510, %swap3A_511] {strides = array<i32>} : memref<128x64xf32, #tpu.memory_space<vmem>>, vector<1x16xf32>,
      %swap3A_513 = vector.shape_cast %swap3A_512 : vector<1x16xf32> to vector<16xf32>
      %swap3A_514 = vector.shape_cast %mul3A_509 : vector<16xf32> to vector<1x16xf32>
      tpu.vector_store %arg11[%swap3A_510, %swap3A_511], %swap3A_514 {strides = array<i32>} : memref<128x64xf32, #tpu.memory_space<vmem>>, vector<1x16xf32>,
      %get3A_515 = arith.index_cast %add3A_478 : i32 to index
      %get3A_516 = arith.constant 48 : index
      %get3A_517 = tpu.vector_load %arg9[%get3A_515, %get3A_516] {strides = array<i32>} : memref<128x128xf32, #tpu.memory_space<vmem>>, vector<1x16xf32>,
      %get3A_518 = vector.shape_cast %get3A_517 : vector<1x16xf32> to vector<16xf32>
      %mul3A_519 = arith.constant 8.000000e+00 : f32
      %mul3A_520 = vector.broadcast %mul3A_519 : f32 to vector<16xf32>
      %mul3A_521 = arith.mulf %get3A_518, %mul3A_520 : vector<16xf32>
      %swap3A_522 = arith.index_cast %add3A_478 : i32 to index
      %swap3A_523 = arith.constant 48 : index
      %swap3A_524 = tpu.vector_load %arg11[%swap3A_522, %swap3A_523] {strides = array<i32>} : memref<128x64xf32, #tpu.memory_space<vmem>>, vector<1x16xf32>,
      %swap3A_525 = vector.shape_cast %swap3A_524 : vector<1x16xf32> to vector<16xf32>
      %swap3A_526 = vector.shape_cast %mul3A_521 : vector<16xf32> to vector<1x16xf32>
      tpu.vector_store %arg11[%swap3A_522, %swap3A_523], %swap3A_526 {strides = array<i32>} : memref<128x64xf32, #tpu.memory_space<vmem>>, vector<1x16xf32>,
      %scan3A_527 = arith.constant 7 : i32
      %scan3A_528 = arith.addi %scan3A_152, %scan3A_527 : i32
      %mul3A_529 = arith.constant 1 : i32
      %mul3A_530 = arith.muli %scan3A_528, %mul3A_529 : i32
      %add3A_531 = arith.constant 0 : i32
      %add3A_532 = arith.addi %add3A_531, %mul3A_530 : i32
      %get3A_533 = arith.index_cast %add3A_532 : i32 to index
      %get3A_534 = arith.constant 0 : index
      %get3A_535 = tpu.vector_load %arg9[%get3A_533, %get3A_534] {strides = array<i32>} : memref<128x128xf32, #tpu.memory_space<vmem>>, vector<1x16xf32>,
      %get3A_536 = vector.shape_cast %get3A_535 : vector<1x16xf32> to vector<16xf32>
      %mul3A_537 = arith.constant 8.000000e+00 : f32
      %mul3A_538 = vector.broadcast %mul3A_537 : f32 to vector<16xf32>
      %mul3A_539 = arith.mulf %get3A_536, %mul3A_538 : vector<16xf32>
      %swap3A_540 = arith.index_cast %add3A_532 : i32 to index
      %swap3A_541 = arith.constant 0 : index
      %swap3A_542 = tpu.vector_load %arg11[%swap3A_540, %swap3A_541] {strides = array<i32>} : memref<128x64xf32, #tpu.memory_space<vmem>>, vector<1x16xf32>,
      %swap3A_543 = vector.shape_cast %swap3A_542 : vector<1x16xf32> to vector<16xf32>
      %swap3A_544 = vector.shape_cast %mul3A_539 : vector<16xf32> to vector<1x16xf32>
      tpu.vector_store %arg11[%swap3A_540, %swap3A_541], %swap3A_544 {strides = array<i32>} : memref<128x64xf32, #tpu.memory_space<vmem>>, vector<1x16xf32>,
      %get3A_545 = arith.index_cast %add3A_532 : i32 to index
      %get3A_546 = arith.constant 16 : index
      %get3A_547 = tpu.vector_load %arg9[%get3A_545, %get3A_546] {strides = array<i32>} : memref<128x128xf32, #tpu.memory_space<vmem>>, vector<1x16xf32>,
      %get3A_548 = vector.shape_cast %get3A_547 : vector<1x16xf32> to vector<16xf32>
      %mul3A_549 = arith.constant 8.000000e+00 : f32
      %mul3A_550 = vector.broadcast %mul3A_549 : f32 to vector<16xf32>
      %mul3A_551 = arith.mulf %get3A_548, %mul3A_550 : vector<16xf32>
      %swap3A_552 = arith.index_cast %add3A_532 : i32 to index
      %swap3A_553 = arith.constant 16 : index
      %swap3A_554 = tpu.vector_load %arg11[%swap3A_552, %swap3A_553] {strides = array<i32>} : memref<128x64xf32, #tpu.memory_space<vmem>>, vector<1x16xf32>,
      %swap3A_555 = vector.shape_cast %swap3A_554 : vector<1x16xf32> to vector<16xf32>
      %swap3A_556 = vector.shape_cast %mul3A_551 : vector<16xf32> to vector<1x16xf32>
      tpu.vector_store %arg11[%swap3A_552, %swap3A_553], %swap3A_556 {strides = array<i32>} : memref<128x64xf32, #tpu.memory_space<vmem>>, vector<1x16xf32>,
      %get3A_557 = arith.index_cast %add3A_532 : i32 to index
      %get3A_558 = arith.constant 32 : index
      %get3A_559 = tpu.vector_load %arg9[%get3A_557, %get3A_558] {strides = array<i32>} : memref<128x128xf32, #tpu.memory_space<vmem>>, vector<1x16xf32>,
      %get3A_560 = vector.shape_cast %get3A_559 : vector<1x16xf32> to vector<16xf32>
      %mul3A_561 = arith.constant 8.000000e+00 : f32
      %mul3A_562 = vector.broadcast %mul3A_561 : f32 to vector<16xf32>
      %mul3A_563 = arith.mulf %get3A_560, %mul3A_562 : vector<16xf32>
      %swap3A_564 = arith.index_cast %add3A_532 : i32 to index
      %swap3A_565 = arith.constant 32 : index
      %swap3A_566 = tpu.vector_load %arg11[%swap3A_564, %swap3A_565] {strides = array<i32>} : memref<128x64xf32, #tpu.memory_space<vmem>>, vector<1x16xf32>,
      %swap3A_567 = vector.shape_cast %swap3A_566 : vector<1x16xf32> to vector<16xf32>
      %swap3A_568 = vector.shape_cast %mul3A_563 : vector<16xf32> to vector<1x16xf32>
      tpu.vector_store %arg11[%swap3A_564, %swap3A_565], %swap3A_568 {strides = array<i32>} : memref<128x64xf32, #tpu.memory_space<vmem>>, vector<1x16xf32>,
      %get3A_569 = arith.index_cast %add3A_532 : i32 to index
      %get3A_570 = arith.constant 48 : index
      %get3A_571 = tpu.vector_load %arg9[%get3A_569, %get3A_570] {strides = array<i32>} : memref<128x128xf32, #tpu.memory_space<vmem>>, vector<1x16xf32>,
      %get3A_572 = vector.shape_cast %get3A_571 : vector<1x16xf32> to vector<16xf32>
      %mul3A_573 = arith.constant 8.000000e+00 : f32
      %mul3A_574 = vector.broadcast %mul3A_573 : f32 to vector<16xf32>
      %mul3A_575 = arith.mulf %get3A_572, %mul3A_574 : vector<16xf32>
      %swap3A_576 = arith.index_cast %add3A_532 : i32 to index
      %swap3A_577 = arith.constant 48 : index
      %swap3A_578 = tpu.vector_load %arg11[%swap3A_576, %swap3A_577] {strides = array<i32>} : memref<128x64xf32, #tpu.memory_space<vmem>>, vector<1x16xf32>,
      %swap3A_579 = vector.shape_cast %swap3A_578 : vector<1x16xf32> to vector<16xf32>
      %swap3A_580 = vector.shape_cast %mul3A_575 : vector<16xf32> to vector<1x16xf32>
      tpu.vector_store %arg11[%swap3A_576, %swap3A_577], %swap3A_580 {strides = array<i32>} : memref<128x64xf32, #tpu.memory_space<vmem>>, vector<1x16xf32>,
    }
    %scan3A_127 = arith.constant 128 : i32
    %add3A_128 = arith.constant 384 : i32
    %add3A_129 = arith.addi %mul3A_4, %add3A_128 : i32
    %multiple_of3A_130 = tpu.assume_multiple %add3A_129, 8 : i32
    %dma_start3A_131 = arith.constant 0 : i32
    %dma_start3A_132 = tpu.memref_slice %arg4[%multiple_of3A_130, %dma_start3A_131] : memref<819200x64xf32, #tpu.memory_space<hbm>> -> memref<128x64xf32, #tpu.memory_space<hbm>>
    %dma_start3A_133 = arith.constant 0 : i32
    %dma_start3A_134 = tpu.memref_slice %arg4[%multiple_of3A_130, %dma_start3A_133] : memref<819200x64xf32, #tpu.memory_space<hbm>> -> memref<128x64xf32, #tpu.memory_space<hbm>>
    tpu.enqueue_dma source(%arg11 : memref<128x64xf32, #tpu.memory_space<vmem>>) target(%dma_start3A_134 : memref<128x64xf32, #tpu.memory_space<hbm>>) target_semaphore(%arg17 : memref<!tpu.dma_semaphore, #tpu.memory_space<semaphore_mem>>)
    %scan3A_135 = arith.constant 0 : i32
    %scan3A_136 = arith.constant 49 : i32
    %scan3A_137 = arith.addi %scan3A_135, %scan3A_136 : i32
    %scan3A_138 = arith.constant 1 : i32
    scf.for %scan3A_152 = %scan3A_135 to %scan3A_137 step %scan3A_138  : i32 {
      %mul3A_153 = arith.constant 1 : i32
      %mul3A_154 = arith.muli %scan3A_152, %mul3A_153 : i32
      %add3A_155 = arith.constant 1 : i32
      %add3A_156 = arith.addi %add3A_155, %mul3A_154 : i32
      %mul3A_157 = arith.constant 4 : i32
      %mul3A_158 = arith.muli %mul3A_157, %add3A_156 : i32
      %add3A_159 = arith.constant 0 : i32
      %add3A_160 = arith.addi %mul3A_158, %add3A_159 : i32
      %add3A_161 = arith.constant 4 : i32
      %add3A_162 = arith.addi %add3A_160, %add3A_161 : i32
      %sub3A = arith.constant 1 : i32
      %sub3A_163 = arith.subi %add3A_162, %sub3A : i32
      %lt3A = arith.constant 200 : i32
      %lt3A_164 = arith.cmpi slt, %sub3A_163, %lt3A : i32
      %convert_element_type3A = arith.extui %lt3A_164 : i1 to i32
      %cond3A = arith.constant 0 : i32
      %cond3A_165 = arith.cmpi ne, %convert_element_type3A, %cond3A : i32
      scf.if %cond3A_165 {
        %add3A_299 = arith.constant 4 : i32
        %add3A_300 = arith.addi %add3A_160, %add3A_299 : i32
        %sub3A_301 = arith.constant 1 : i32
        %sub3A_302 = arith.subi %add3A_300, %sub3A_301 : i32
        %dma_start3A_303 = arith.constant 0 : i32
        %dma_start3A_304 = tpu.memref_slice %arg5[%sub3A_302, %dma_start3A_303] : memref<200x128xi32, #tpu.memory_space<vmem>> -> memref<1x128xi32, #tpu.memory_space<vmem>>
        %dma_start3A_305 = tpu.memref_squeeze %dma_start3A_304 : memref<1x128xi32, #tpu.memory_space<vmem>> -> memref<128xi32, #tpu.memory_space<vmem>>
        %dma_start3A_306 = arith.constant 0 : i32
        %dma_start3A_307 = arith.constant 0 : i32
        %dma_start3A_308 = tpu.memref_slice %arg3[%dma_start3A_306, %dma_start3A_307] : memref<1000000x128xf32, #tpu.memory_space<hbm>> -> memref<1000000x128xf32, #tpu.memory_space<hbm>>
        tpu.enqueue_indirect_dma source(%dma_start3A_308 : memref<1000000x128xf32, #tpu.memory_space<hbm>>) target(%arg9 : memref<128x128xf32, #tpu.memory_space<vmem>>) offsets(%dma_start3A_305 : memref<128xi32, #tpu.memory_space<vmem>>) semaphore(%arg15 : memref<!tpu.dma_semaphore, #tpu.memory_space<semaphore_mem>>)
      } else {
      }
      %dma_wait3A_166 = arith.constant 0 : i32
      %dma_wait3A_167 = arith.constant 0 : i32
      %dma_wait3A_168 = tpu.memref_slice %arg3[%dma_wait3A_166, %dma_wait3A_167] : memref<1000000x128xf32, #tpu.memory_space<hbm>> -> memref<128x128xf32, #tpu.memory_space<hbm>>
      %dma_wait3A_169 = arith.constant 0 : i32
      %dma_wait3A_170 = arith.constant 0 : i32
      %dma_wait3A_171 = tpu.memref_slice %arg3[%dma_wait3A_169, %dma_wait3A_170] : memref<1000000x128xf32, #tpu.memory_space<hbm>> -> memref<128x128xf32, #tpu.memory_space<hbm>>
      tpu.wait_dma2 semaphore(%arg12 : memref<!tpu.dma_semaphore, #tpu.memory_space<semaphore_mem>>) src(%dma_wait3A_171 : memref<128x128xf32, #tpu.memory_space<hbm>>) dst(%arg6 : memref<128x128xf32, #tpu.memory_space<vmem>>)
      %dma_wait3A_172 = arith.constant 0 : i32
      %dma_wait3A_173 = arith.constant 0 : i32
      %dma_wait3A_174 = tpu.memref_slice %arg4[%dma_wait3A_172, %dma_wait3A_173] : memref<819200x64xf32, #tpu.memory_space<hbm>> -> memref<128x64xf32, #tpu.memory_space<hbm>>
      %dma_wait3A_175 = arith.constant 0 : i32
      %dma_wait3A_176 = arith.constant 0 : i32
      %dma_wait3A_177 = tpu.memref_slice %arg4[%dma_wait3A_175, %dma_wait3A_176] : memref<819200x64xf32, #tpu.memory_space<hbm>> -> memref<128x64xf32, #tpu.memory_space<hbm>>
      tpu.wait_dma2 semaphore(%arg16 : memref<!tpu.dma_semaphore, #tpu.memory_space<semaphore_mem>>) src(%arg10 : memref<128x64xf32, #tpu.memory_space<vmem>>) dst(%dma_wait3A_177 : memref<128x64xf32, #tpu.memory_space<hbm>>)
      %scan3A_178 = arith.constant 0 : i32
      %scan3A_179 = arith.constant 128 : i32
      %scan3A_180 = arith.addi %scan3A_178, %scan3A_179 : i32
      %scan3A_181 = arith.constant 8 : i32
      scf.for %scan3A_299 = %scan3A_178 to %scan3A_180 step %scan3A_181  : i32 {
        %mul3A_300 = arith.constant 1 : i32
        %mul3A_301 = arith.muli %scan3A_299, %mul3A_300 : i32
        %add3A_302 = arith.constant 0 : i32
        %add3A_303 = arith.addi %add3A_302, %mul3A_301 : i32
        %get3A = arith.index_cast %add3A_303 : i32 to index
        %get3A_304 = arith.constant 0 : index
        %get3A_305 = tpu.vector_load %arg6[%get3A, %get3A_304] {strides = array<i32>} : memref<128x128xf32, #tpu.memory_space<vmem>>, vector<1x16xf32>,
        %get3A_306 = vector.shape_cast %get3A_305 : vector<1x16xf32> to vector<16xf32>
        %mul3A_307 = arith.constant 8.000000e+00 : f32
        %mul3A_308 = vector.broadcast %mul3A_307 : f32 to vector<16xf32>
        %mul3A_309 = arith.mulf %get3A_306, %mul3A_308 : vector<16xf32>
        %swap3A = arith.index_cast %add3A_303 : i32 to index
        %swap3A_310 = arith.constant 0 : index
        %swap3A_311 = tpu.vector_load %arg10[%swap3A, %swap3A_310] {strides = array<i32>} : memref<128x64xf32, #tpu.memory_space<vmem>>, vector<1x16xf32>,
        %swap3A_312 = vector.shape_cast %swap3A_311 : vector<1x16xf32> to vector<16xf32>
        %swap3A_313 = vector.shape_cast %mul3A_309 : vector<16xf32> to vector<1x16xf32>
        tpu.vector_store %arg10[%swap3A, %swap3A_310], %swap3A_313 {strides = array<i32>} : memref<128x64xf32, #tpu.memory_space<vmem>>, vector<1x16xf32>,
        %get3A_314 = arith.index_cast %add3A_303 : i32 to index
        %get3A_315 = arith.constant 16 : index
        %get3A_316 = tpu.vector_load %arg6[%get3A_314, %get3A_315] {strides = array<i32>} : memref<128x128xf32, #tpu.memory_space<vmem>>, vector<1x16xf32>,
        %get3A_317 = vector.shape_cast %get3A_316 : vector<1x16xf32> to vector<16xf32>
        %mul3A_318 = arith.constant 8.000000e+00 : f32
        %mul3A_319 = vector.broadcast %mul3A_318 : f32 to vector<16xf32>
        %mul3A_320 = arith.mulf %get3A_317, %mul3A_319 : vector<16xf32>
        %swap3A_321 = arith.index_cast %add3A_303 : i32 to index
        %swap3A_322 = arith.constant 16 : index
        %swap3A_323 = tpu.vector_load %arg10[%swap3A_321, %swap3A_322] {strides = array<i32>} : memref<128x64xf32, #tpu.memory_space<vmem>>, vector<1x16xf32>,
        %swap3A_324 = vector.shape_cast %swap3A_323 : vector<1x16xf32> to vector<16xf32>
        %swap3A_325 = vector.shape_cast %mul3A_320 : vector<16xf32> to vector<1x16xf32>
        tpu.vector_store %arg10[%swap3A_321, %swap3A_322], %swap3A_325 {strides = array<i32>} : memref<128x64xf32, #tpu.memory_space<vmem>>, vector<1x16xf32>,
        %get3A_326 = arith.index_cast %add3A_303 : i32 to index
        %get3A_327 = arith.constant 32 : index
        %get3A_328 = tpu.vector_load %arg6[%get3A_326, %get3A_327] {strides = array<i32>} : memref<128x128xf32, #tpu.memory_space<vmem>>, vector<1x16xf32>,
        %get3A_329 = vector.shape_cast %get3A_328 : vector<1x16xf32> to vector<16xf32>
        %mul3A_330 = arith.constant 8.000000e+00 : f32
        %mul3A_331 = vector.broadcast %mul3A_330 : f32 to vector<16xf32>
        %mul3A_332 = arith.mulf %get3A_329, %mul3A_331 : vector<16xf32>
        %swap3A_333 = arith.index_cast %add3A_303 : i32 to index
        %swap3A_334 = arith.constant 32 : index
        %swap3A_335 = tpu.vector_load %arg10[%swap3A_333, %swap3A_334] {strides = array<i32>} : memref<128x64xf32, #tpu.memory_space<vmem>>, vector<1x16xf32>,
        %swap3A_336 = vector.shape_cast %swap3A_335 : vector<1x16xf32> to vector<16xf32>
        %swap3A_337 = vector.shape_cast %mul3A_332 : vector<16xf32> to vector<1x16xf32>
        tpu.vector_store %arg10[%swap3A_333, %swap3A_334], %swap3A_337 {strides = array<i32>} : memref<128x64xf32, #tpu.memory_space<vmem>>, vector<1x16xf32>,
        %get3A_338 = arith.index_cast %add3A_303 : i32 to index
        %get3A_339 = arith.constant 48 : index
        %get3A_340 = tpu.vector_load %arg6[%get3A_338, %get3A_339] {strides = array<i32>} : memref<128x128xf32, #tpu.memory_space<vmem>>, vector<1x16xf32>,
        %get3A_341 = vector.shape_cast %get3A_340 : vector<1x16xf32> to vector<16xf32>
        %mul3A_342 = arith.constant 8.000000e+00 : f32
        %mul3A_343 = vector.broadcast %mul3A_342 : f32 to vector<16xf32>
        %mul3A_344 = arith.mulf %get3A_341, %mul3A_343 : vector<16xf32>
        %swap3A_345 = arith.index_cast %add3A_303 : i32 to index
        %swap3A_346 = arith.constant 48 : index
        %swap3A_347 = tpu.vector_load %arg10[%swap3A_345, %swap3A_346] {strides = array<i32>} : memref<128x64xf32, #tpu.memory_space<vmem>>, vector<1x16xf32>,
        %swap3A_348 = vector.shape_cast %swap3A_347 : vector<1x16xf32> to vector<16xf32>
        %swap3A_349 = vector.shape_cast %mul3A_344 : vector<16xf32> to vector<1x16xf32>
        tpu.vector_store %arg10[%swap3A_345, %swap3A_346], %swap3A_349 {strides = array<i32>} : memref<128x64xf32, #tpu.memory_space<vmem>>, vector<1x16xf32>,
        %scan3A_350 = arith.constant 1 : i32
        %scan3A_351 = arith.addi %scan3A_299, %scan3A_350 : i32
        %mul3A_352 = arith.constant 1 : i32
        %mul3A_353 = arith.muli %scan3A_351, %mul3A_352 : i32
        %add3A_354 = arith.constant 0 : i32
        %add3A_355 = arith.addi %add3A_354, %mul3A_353 : i32
        %get3A_356 = arith.index_cast %add3A_355 : i32 to index
        %get3A_357 = arith.constant 0 : index
        %get3A_358 = tpu.vector_load %arg6[%get3A_356, %get3A_357] {strides = array<i32>} : memref<128x128xf32, #tpu.memory_space<vmem>>, vector<1x16xf32>,
        %get3A_359 = vector.shape_cast %get3A_358 : vector<1x16xf32> to vector<16xf32>
        %mul3A_360 = arith.constant 8.000000e+00 : f32
        %mul3A_361 = vector.broadcast %mul3A_360 : f32 to vector<16xf32>
        %mul3A_362 = arith.mulf %get3A_359, %mul3A_361 : vector<16xf32>
        %swap3A_363 = arith.index_cast %add3A_355 : i32 to index
        %swap3A_364 = arith.constant 0 : index
        %swap3A_365 = tpu.vector_load %arg10[%swap3A_363, %swap3A_364] {strides = array<i32>} : memref<128x64xf32, #tpu.memory_space<vmem>>, vector<1x16xf32>,
        %swap3A_366 = vector.shape_cast %swap3A_365 : vector<1x16xf32> to vector<16xf32>
        %swap3A_367 = vector.shape_cast %mul3A_362 : vector<16xf32> to vector<1x16xf32>
        tpu.vector_store %arg10[%swap3A_363, %swap3A_364], %swap3A_367 {strides = array<i32>} : memref<128x64xf32, #tpu.memory_space<vmem>>, vector<1x16xf32>,
        %get3A_368 = arith.index_cast %add3A_355 : i32 to index
        %get3A_369 = arith.constant 16 : index
        %get3A_370 = tpu.vector_load %arg6[%get3A_368, %get3A_369] {strides = array<i32>} : memref<128x128xf32, #tpu.memory_space<vmem>>, vector<1x16xf32>,
        %get3A_371 = vector.shape_cast %get3A_370 : vector<1x16xf32> to vector<16xf32>
        %mul3A_372 = arith.constant 8.000000e+00 : f32
        %mul3A_373 = vector.broadcast %mul3A_372 : f32 to vector<16xf32>
        %mul3A_374 = arith.mulf %get3A_371, %mul3A_373 : vector<16xf32>
        %swap3A_375 = arith.index_cast %add3A_355 : i32 to index
        %swap3A_376 = arith.constant 16 : index
        %swap3A_377 = tpu.vector_load %arg10[%swap3A_375, %swap3A_376] {strides = array<i32>} : memref<128x64xf32, #tpu.memory_space<vmem>>, vector<1x16xf32>,
        %swap3A_378 = vector.shape_cast %swap3A_377 : vector<1x16xf32> to vector<16xf32>
        %swap3A_379 = vector.shape_cast %mul3A_374 : vector<16xf32> to vector<1x16xf32>
        tpu.vector_store %arg10[%swap3A_375, %swap3A_376], %swap3A_379 {strides = array<i32>} : memref<128x64xf32, #tpu.memory_space<vmem>>, vector<1x16xf32>,
        %get3A_380 = arith.index_cast %add3A_355 : i32 to index
        %get3A_381 = arith.constant 32 : index
        %get3A_382 = tpu.vector_load %arg6[%get3A_380, %get3A_381] {strides = array<i32>} : memref<128x128xf32, #tpu.memory_space<vmem>>, vector<1x16xf32>,
        %get3A_383 = vector.shape_cast %get3A_382 : vector<1x16xf32> to vector<16xf32>
        %mul3A_384 = arith.constant 8.000000e+00 : f32
        %mul3A_385 = vector.broadcast %mul3A_384 : f32 to vector<16xf32>
        %mul3A_386 = arith.mulf %get3A_383, %mul3A_385 : vector<16xf32>
        %swap3A_387 = arith.index_cast %add3A_355 : i32 to index
        %swap3A_388 = arith.constant 32 : index
        %swap3A_389 = tpu.vector_load %arg10[%swap3A_387, %swap3A_388] {strides = array<i32>} : memref<128x64xf32, #tpu.memory_space<vmem>>, vector<1x16xf32>,
        %swap3A_390 = vector.shape_cast %swap3A_389 : vector<1x16xf32> to vector<16xf32>
        %swap3A_391 = vector.shape_cast %mul3A_386 : vector<16xf32> to vector<1x16xf32>
        tpu.vector_store %arg10[%swap3A_387, %swap3A_388], %swap3A_391 {strides = array<i32>} : memref<128x64xf32, #tpu.memory_space<vmem>>, vector<1x16xf32>,
        %get3A_392 = arith.index_cast %add3A_355 : i32 to index
        %get3A_393 = arith.constant 48 : index
        %get3A_394 = tpu.vector_load %arg6[%get3A_392, %get3A_393] {strides = array<i32>} : memref<128x128xf32, #tpu.memory_space<vmem>>, vector<1x16xf32>,
        %get3A_395 = vector.shape_cast %get3A_394 : vector<1x16xf32> to vector<16xf32>
        %mul3A_396 = arith.constant 8.000000e+00 : f32
        %mul3A_397 = vector.broadcast %mul3A_396 : f32 to vector<16xf32>
        %mul3A_398 = arith.mulf %get3A_395, %mul3A_397 : vector<16xf32>
        %swap3A_399 = arith.index_cast %add3A_355 : i32 to index
        %swap3A_400 = arith.constant 48 : index
        %swap3A_401 = tpu.vector_load %arg10[%swap3A_399, %swap3A_400] {strides = array<i32>} : memref<128x64xf32, #tpu.memory_space<vmem>>, vector<1x16xf32>,
        %swap3A_402 = vector.shape_cast %swap3A_401 : vector<1x16xf32> to vector<16xf32>
        %swap3A_403 = vector.shape_cast %mul3A_398 : vector<16xf32> to vector<1x16xf32>
        tpu.vector_store %arg10[%swap3A_399, %swap3A_400], %swap3A_403 {strides = array<i32>} : memref<128x64xf32, #tpu.memory_space<vmem>>, vector<1x16xf32>,
        %scan3A_404 = arith.constant 2 : i32
        %scan3A_405 = arith.addi %scan3A_299, %scan3A_404 : i32
        %mul3A_406 = arith.constant 1 : i32
        %mul3A_407 = arith.muli %scan3A_405, %mul3A_406 : i32
        %add3A_408 = arith.constant 0 : i32
        %add3A_409 = arith.addi %add3A_408, %mul3A_407 : i32
        %get3A_410 = arith.index_cast %add3A_409 : i32 to index
        %get3A_411 = arith.constant 0 : index
        %get3A_412 = tpu.vector_load %arg6[%get3A_410, %get3A_411] {strides = array<i32>} : memref<128x128xf32, #tpu.memory_space<vmem>>, vector<1x16xf32>,
        %get3A_413 = vector.shape_cast %get3A_412 : vector<1x16xf32> to vector<16xf32>
        %mul3A_414 = arith.constant 8.000000e+00 : f32
        %mul3A_415 = vector.broadcast %mul3A_414 : f32 to vector<16xf32>
        %mul3A_416 = arith.mulf %get3A_413, %mul3A_415 : vector<16xf32>
        %swap3A_417 = arith.index_cast %add3A_409 : i32 to index
        %swap3A_418 = arith.constant 0 : index
        %swap3A_419 = tpu.vector_load %arg10[%swap3A_417, %swap3A_418] {strides = array<i32>} : memref<128x64xf32, #tpu.memory_space<vmem>>, vector<1x16xf32>,
        %swap3A_420 = vector.shape_cast %swap3A_419 : vector<1x16xf32> to vector<16xf32>
        %swap3A_421 = vector.shape_cast %mul3A_416 : vector<16xf32> to vector<1x16xf32>
        tpu.vector_store %arg10[%swap3A_417, %swap3A_418], %swap3A_421 {strides = array<i32>} : memref<128x64xf32, #tpu.memory_space<vmem>>, vector<1x16xf32>,
        %get3A_422 = arith.index_cast %add3A_409 : i32 to index
        %get3A_423 = arith.constant 16 : index
        %get3A_424 = tpu.vector_load %arg6[%get3A_422, %get3A_423] {strides = array<i32>} : memref<128x128xf32, #tpu.memory_space<vmem>>, vector<1x16xf32>,
        %get3A_425 = vector.shape_cast %get3A_424 : vector<1x16xf32> to vector<16xf32>
        %mul3A_426 = arith.constant 8.000000e+00 : f32
        %mul3A_427 = vector.broadcast %mul3A_426 : f32 to vector<16xf32>
        %mul3A_428 = arith.mulf %get3A_425, %mul3A_427 : vector<16xf32>
        %swap3A_429 = arith.index_cast %add3A_409 : i32 to index
        %swap3A_430 = arith.constant 16 : index
        %swap3A_431 = tpu.vector_load %arg10[%swap3A_429, %swap3A_430] {strides = array<i32>} : memref<128x64xf32, #tpu.memory_space<vmem>>, vector<1x16xf32>,
        %swap3A_432 = vector.shape_cast %swap3A_431 : vector<1x16xf32> to vector<16xf32>
        %swap3A_433 = vector.shape_cast %mul3A_428 : vector<16xf32> to vector<1x16xf32>
        tpu.vector_store %arg10[%swap3A_429, %swap3A_430], %swap3A_433 {strides = array<i32>} : memref<128x64xf32, #tpu.memory_space<vmem>>, vector<1x16xf32>,
        %get3A_434 = arith.index_cast %add3A_409 : i32 to index
        %get3A_435 = arith.constant 32 : index
        %get3A_436 = tpu.vector_load %arg6[%get3A_434, %get3A_435] {strides = array<i32>} : memref<128x128xf32, #tpu.memory_space<vmem>>, vector<1x16xf32>,
        %get3A_437 = vector.shape_cast %get3A_436 : vector<1x16xf32> to vector<16xf32>
        %mul3A_438 = arith.constant 8.000000e+00 : f32
        %mul3A_439 = vector.broadcast %mul3A_438 : f32 to vector<16xf32>
        %mul3A_440 = arith.mulf %get3A_437, %mul3A_439 : vector<16xf32>
        %swap3A_441 = arith.index_cast %add3A_409 : i32 to index
        %swap3A_442 = arith.constant 32 : index
        %swap3A_443 = tpu.vector_load %arg10[%swap3A_441, %swap3A_442] {strides = array<i32>} : memref<128x64xf32, #tpu.memory_space<vmem>>, vector<1x16xf32>,
        %swap3A_444 = vector.shape_cast %swap3A_443 : vector<1x16xf32> to vector<16xf32>
        %swap3A_445 = vector.shape_cast %mul3A_440 : vector<16xf32> to vector<1x16xf32>
        tpu.vector_store %arg10[%swap3A_441, %swap3A_442], %swap3A_445 {strides = array<i32>} : memref<128x64xf32, #tpu.memory_space<vmem>>, vector<1x16xf32>,
        %get3A_446 = arith.index_cast %add3A_409 : i32 to index
        %get3A_447 = arith.constant 48 : index
        %get3A_448 = tpu.vector_load %arg6[%get3A_446, %get3A_447] {strides = array<i32>} : memref<128x128xf32, #tpu.memory_space<vmem>>, vector<1x16xf32>,
        %get3A_449 = vector.shape_cast %get3A_448 : vector<1x16xf32> to vector<16xf32>
        %mul3A_450 = arith.constant 8.000000e+00 : f32
        %mul3A_451 = vector.broadcast %mul3A_450 : f32 to vector<16xf32>
        %mul3A_452 = arith.mulf %get3A_449, %mul3A_451 : vector<16xf32>
        %swap3A_453 = arith.index_cast %add3A_409 : i32 to index
        %swap3A_454 = arith.constant 48 : index
        %swap3A_455 = tpu.vector_load %arg10[%swap3A_453, %swap3A_454] {strides = array<i32>} : memref<128x64xf32, #tpu.memory_space<vmem>>, vector<1x16xf32>,
        %swap3A_456 = vector.shape_cast %swap3A_455 : vector<1x16xf32> to vector<16xf32>
        %swap3A_457 = vector.shape_cast %mul3A_452 : vector<16xf32> to vector<1x16xf32>
        tpu.vector_store %arg10[%swap3A_453, %swap3A_454], %swap3A_457 {strides = array<i32>} : memref<128x64xf32, #tpu.memory_space<vmem>>, vector<1x16xf32>,
        %scan3A_458 = arith.constant 3 : i32
        %scan3A_459 = arith.addi %scan3A_299, %scan3A_458 : i32
        %mul3A_460 = arith.constant 1 : i32
        %mul3A_461 = arith.muli %scan3A_459, %mul3A_460 : i32
        %add3A_462 = arith.constant 0 : i32
        %add3A_463 = arith.addi %add3A_462, %mul3A_461 : i32
        %get3A_464 = arith.index_cast %add3A_463 : i32 to index
        %get3A_465 = arith.constant 0 : index
        %get3A_466 = tpu.vector_load %arg6[%get3A_464, %get3A_465] {strides = array<i32>} : memref<128x128xf32, #tpu.memory_space<vmem>>, vector<1x16xf32>,
        %get3A_467 = vector.shape_cast %get3A_466 : vector<1x16xf32> to vector<16xf32>
        %mul3A_468 = arith.constant 8.000000e+00 : f32
        %mul3A_469 = vector.broadcast %mul3A_468 : f32 to vector<16xf32>
        %mul3A_470 = arith.mulf %get3A_467, %mul3A_469 : vector<16xf32>
        %swap3A_471 = arith.index_cast %add3A_463 : i32 to index
        %swap3A_472 = arith.constant 0 : index
        %swap3A_473 = tpu.vector_load %arg10[%swap3A_471, %swap3A_472] {strides = array<i32>} : memref<128x64xf32, #tpu.memory_space<vmem>>, vector<1x16xf32>,
        %swap3A_474 = vector.shape_cast %swap3A_473 : vector<1x16xf32> to vector<16xf32>
        %swap3A_475 = vector.shape_cast %mul3A_470 : vector<16xf32> to vector<1x16xf32>
        tpu.vector_store %arg10[%swap3A_471, %swap3A_472], %swap3A_475 {strides = array<i32>} : memref<128x64xf32, #tpu.memory_space<vmem>>, vector<1x16xf32>,
        %get3A_476 = arith.index_cast %add3A_463 : i32 to index
        %get3A_477 = arith.constant 16 : index
        %get3A_478 = tpu.vector_load %arg6[%get3A_476, %get3A_477] {strides = array<i32>} : memref<128x128xf32, #tpu.memory_space<vmem>>, vector<1x16xf32>,
        %get3A_479 = vector.shape_cast %get3A_478 : vector<1x16xf32> to vector<16xf32>
        %mul3A_480 = arith.constant 8.000000e+00 : f32
        %mul3A_481 = vector.broadcast %mul3A_480 : f32 to vector<16xf32>
        %mul3A_482 = arith.mulf %get3A_479, %mul3A_481 : vector<16xf32>
        %swap3A_483 = arith.index_cast %add3A_463 : i32 to index
        %swap3A_484 = arith.constant 16 : index
        %swap3A_485 = tpu.vector_load %arg10[%swap3A_483, %swap3A_484] {strides = array<i32>} : memref<128x64xf32, #tpu.memory_space<vmem>>, vector<1x16xf32>,
        %swap3A_486 = vector.shape_cast %swap3A_485 : vector<1x16xf32> to vector<16xf32>
        %swap3A_487 = vector.shape_cast %mul3A_482 : vector<16xf32> to vector<1x16xf32>
        tpu.vector_store %arg10[%swap3A_483, %swap3A_484], %swap3A_487 {strides = array<i32>} : memref<128x64xf32, #tpu.memory_space<vmem>>, vector<1x16xf32>,
        %get3A_488 = arith.index_cast %add3A_463 : i32 to index
        %get3A_489 = arith.constant 32 : index
        %get3A_490 = tpu.vector_load %arg6[%get3A_488, %get3A_489] {strides = array<i32>} : memref<128x128xf32, #tpu.memory_space<vmem>>, vector<1x16xf32>,
        %get3A_491 = vector.shape_cast %get3A_490 : vector<1x16xf32> to vector<16xf32>
        %mul3A_492 = arith.constant 8.000000e+00 : f32
        %mul3A_493 = vector.broadcast %mul3A_492 : f32 to vector<16xf32>
        %mul3A_494 = arith.mulf %get3A_491, %mul3A_493 : vector<16xf32>
        %swap3A_495 = arith.index_cast %add3A_463 : i32 to index
        %swap3A_496 = arith.constant 32 : index
        %swap3A_497 = tpu.vector_load %arg10[%swap3A_495, %swap3A_496] {strides = array<i32>} : memref<128x64xf32, #tpu.memory_space<vmem>>, vector<1x16xf32>,
        %swap3A_498 = vector.shape_cast %swap3A_497 : vector<1x16xf32> to vector<16xf32>
        %swap3A_499 = vector.shape_cast %mul3A_494 : vector<16xf32> to vector<1x16xf32>
        tpu.vector_store %arg10[%swap3A_495, %swap3A_496], %swap3A_499 {strides = array<i32>} : memref<128x64xf32, #tpu.memory_space<vmem>>, vector<1x16xf32>,
        %get3A_500 = arith.index_cast %add3A_463 : i32 to index
        %get3A_501 = arith.constant 48 : index
        %get3A_502 = tpu.vector_load %arg6[%get3A_500, %get3A_501] {strides = array<i32>} : memref<128x128xf32, #tpu.memory_space<vmem>>, vector<1x16xf32>,
        %get3A_503 = vector.shape_cast %get3A_502 : vector<1x16xf32> to vector<16xf32>
        %mul3A_504 = arith.constant 8.000000e+00 : f32
        %mul3A_505 = vector.broadcast %mul3A_504 : f32 to vector<16xf32>
        %mul3A_506 = arith.mulf %get3A_503, %mul3A_505 : vector<16xf32>
        %swap3A_507 = arith.index_cast %add3A_463 : i32 to index
        %swap3A_508 = arith.constant 48 : index
        %swap3A_509 = tpu.vector_load %arg10[%swap3A_507, %swap3A_508] {strides = array<i32>} : memref<128x64xf32, #tpu.memory_space<vmem>>, vector<1x16xf32>,
        %swap3A_510 = vector.shape_cast %swap3A_509 : vector<1x16xf32> to vector<16xf32>
        %swap3A_511 = vector.shape_cast %mul3A_506 : vector<16xf32> to vector<1x16xf32>
        tpu.vector_store %arg10[%swap3A_507, %swap3A_508], %swap3A_511 {strides = array<i32>} : memref<128x64xf32, #tpu.memory_space<vmem>>, vector<1x16xf32>,
        %scan3A_512 = arith.constant 4 : i32
        %scan3A_513 = arith.addi %scan3A_299, %scan3A_512 : i32
        %mul3A_514 = arith.constant 1 : i32
        %mul3A_515 = arith.muli %scan3A_513, %mul3A_514 : i32
        %add3A_516 = arith.constant 0 : i32
        %add3A_517 = arith.addi %add3A_516, %mul3A_515 : i32
        %get3A_518 = arith.index_cast %add3A_517 : i32 to index
        %get3A_519 = arith.constant 0 : index
        %get3A_520 = tpu.vector_load %arg6[%get3A_518, %get3A_519] {strides = array<i32>} : memref<128x128xf32, #tpu.memory_space<vmem>>, vector<1x16xf32>,
        %get3A_521 = vector.shape_cast %get3A_520 : vector<1x16xf32> to vector<16xf32>
        %mul3A_522 = arith.constant 8.000000e+00 : f32
        %mul3A_523 = vector.broadcast %mul3A_522 : f32 to vector<16xf32>
        %mul3A_524 = arith.mulf %get3A_521, %mul3A_523 : vector<16xf32>
        %swap3A_525 = arith.index_cast %add3A_517 : i32 to index
        %swap3A_526 = arith.constant 0 : index
        %swap3A_527 = tpu.vector_load %arg10[%swap3A_525, %swap3A_526] {strides = array<i32>} : memref<128x64xf32, #tpu.memory_space<vmem>>, vector<1x16xf32>,
        %swap3A_528 = vector.shape_cast %swap3A_527 : vector<1x16xf32> to vector<16xf32>
        %swap3A_529 = vector.shape_cast %mul3A_524 : vector<16xf32> to vector<1x16xf32>
        tpu.vector_store %arg10[%swap3A_525, %swap3A_526], %swap3A_529 {strides = array<i32>} : memref<128x64xf32, #tpu.memory_space<vmem>>, vector<1x16xf32>,
        %get3A_530 = arith.index_cast %add3A_517 : i32 to index
        %get3A_531 = arith.constant 16 : index
        %get3A_532 = tpu.vector_load %arg6[%get3A_530, %get3A_531] {strides = array<i32>} : memref<128x128xf32, #tpu.memory_space<vmem>>, vector<1x16xf32>,
        %get3A_533 = vector.shape_cast %get3A_532 : vector<1x16xf32> to vector<16xf32>
        %mul3A_534 = arith.constant 8.000000e+00 : f32
        %mul3A_535 = vector.broadcast %mul3A_534 : f32 to vector<16xf32>
        %mul3A_536 = arith.mulf %get3A_533, %mul3A_535 : vector<16xf32>
        %swap3A_537 = arith.index_cast %add3A_517 : i32 to index
        %swap3A_538 = arith.constant 16 : index
        %swap3A_539 = tpu.vector_load %arg10[%swap3A_537, %swap3A_538] {strides = array<i32>} : memref<128x64xf32, #tpu.memory_space<vmem>>, vector<1x16xf32>,
        %swap3A_540 = vector.shape_cast %swap3A_539 : vector<1x16xf32> to vector<16xf32>
        %swap3A_541 = vector.shape_cast %mul3A_536 : vector<16xf32> to vector<1x16xf32>
        tpu.vector_store %arg10[%swap3A_537, %swap3A_538], %swap3A_541 {strides = array<i32>} : memref<128x64xf32, #tpu.memory_space<vmem>>, vector<1x16xf32>,
        %get3A_542 = arith.index_cast %add3A_517 : i32 to index
        %get3A_543 = arith.constant 32 : index
        %get3A_544 = tpu.vector_load %arg6[%get3A_542, %get3A_543] {strides = array<i32>} : memref<128x128xf32, #tpu.memory_space<vmem>>, vector<1x16xf32>,
        %get3A_545 = vector.shape_cast %get3A_544 : vector<1x16xf32> to vector<16xf32>
        %mul3A_546 = arith.constant 8.000000e+00 : f32
        %mul3A_547 = vector.broadcast %mul3A_546 : f32 to vector<16xf32>
        %mul3A_548 = arith.mulf %get3A_545, %mul3A_547 : vector<16xf32>
        %swap3A_549 = arith.index_cast %add3A_517 : i32 to index
        %swap3A_550 = arith.constant 32 : index
        %swap3A_551 = tpu.vector_load %arg10[%swap3A_549, %swap3A_550] {strides = array<i32>} : memref<128x64xf32, #tpu.memory_space<vmem>>, vector<1x16xf32>,
        %swap3A_552 = vector.shape_cast %swap3A_551 : vector<1x16xf32> to vector<16xf32>
        %swap3A_553 = vector.shape_cast %mul3A_548 : vector<16xf32> to vector<1x16xf32>
        tpu.vector_store %arg10[%swap3A_549, %swap3A_550], %swap3A_553 {strides = array<i32>} : memref<128x64xf32, #tpu.memory_space<vmem>>, vector<1x16xf32>,
        %get3A_554 = arith.index_cast %add3A_517 : i32 to index
        %get3A_555 = arith.constant 48 : index
        %get3A_556 = tpu.vector_load %arg6[%get3A_554, %get3A_555] {strides = array<i32>} : memref<128x128xf32, #tpu.memory_space<vmem>>, vector<1x16xf32>,
        %get3A_557 = vector.shape_cast %get3A_556 : vector<1x16xf32> to vector<16xf32>
        %mul3A_558 = arith.constant 8.000000e+00 : f32
        %mul3A_559 = vector.broadcast %mul3A_558 : f32 to vector<16xf32>
        %mul3A_560 = arith.mulf %get3A_557, %mul3A_559 : vector<16xf32>
        %swap3A_561 = arith.index_cast %add3A_517 : i32 to index
        %swap3A_562 = arith.constant 48 : index
        %swap3A_563 = tpu.vector_load %arg10[%swap3A_561, %swap3A_562] {strides = array<i32>} : memref<128x64xf32, #tpu.memory_space<vmem>>, vector<1x16xf32>,
        %swap3A_564 = vector.shape_cast %swap3A_563 : vector<1x16xf32> to vector<16xf32>
        %swap3A_565 = vector.shape_cast %mul3A_560 : vector<16xf32> to vector<1x16xf32>
        tpu.vector_store %arg10[%swap3A_561, %swap3A_562], %swap3A_565 {strides = array<i32>} : memref<128x64xf32, #tpu.memory_space<vmem>>, vector<1x16xf32>,
        %scan3A_566 = arith.constant 5 : i32
        %scan3A_567 = arith.addi %scan3A_299, %scan3A_566 : i32
        %mul3A_568 = arith.constant 1 : i32
        %mul3A_569 = arith.muli %scan3A_567, %mul3A_568 : i32
        %add3A_570 = arith.constant 0 : i32
        %add3A_571 = arith.addi %add3A_570, %mul3A_569 : i32
        %get3A_572 = arith.index_cast %add3A_571 : i32 to index
        %get3A_573 = arith.constant 0 : index
        %get3A_574 = tpu.vector_load %arg6[%get3A_572, %get3A_573] {strides = array<i32>} : memref<128x128xf32, #tpu.memory_space<vmem>>, vector<1x16xf32>,
        %get3A_575 = vector.shape_cast %get3A_574 : vector<1x16xf32> to vector<16xf32>
        %mul3A_576 = arith.constant 8.000000e+00 : f32
        %mul3A_577 = vector.broadcast %mul3A_576 : f32 to vector<16xf32>
        %mul3A_578 = arith.mulf %get3A_575, %mul3A_577 : vector<16xf32>
        %swap3A_579 = arith.index_cast %add3A_571 : i32 to index
        %swap3A_580 = arith.constant 0 : index
        %swap3A_581 = tpu.vector_load %arg10[%swap3A_579, %swap3A_580] {strides = array<i32>} : memref<128x64xf32, #tpu.memory_space<vmem>>, vector<1x16xf32>,
        %swap3A_582 = vector.shape_cast %swap3A_581 : vector<1x16xf32> to vector<16xf32>
        %swap3A_583 = vector.shape_cast %mul3A_578 : vector<16xf32> to vector<1x16xf32>
        tpu.vector_store %arg10[%swap3A_579, %swap3A_580], %swap3A_583 {strides = array<i32>} : memref<128x64xf32, #tpu.memory_space<vmem>>, vector<1x16xf32>,
        %get3A_584 = arith.index_cast %add3A_571 : i32 to index
        %get3A_585 = arith.constant 16 : index
        %get3A_586 = tpu.vector_load %arg6[%get3A_584, %get3A_585] {strides = array<i32>} : memref<128x128xf32, #tpu.memory_space<vmem>>, vector<1x16xf32>,
        %get3A_587 = vector.shape_cast %get3A_586 : vector<1x16xf32> to vector<16xf32>
        %mul3A_588 = arith.constant 8.000000e+00 : f32
        %mul3A_589 = vector.broadcast %mul3A_588 : f32 to vector<16xf32>
        %mul3A_590 = arith.mulf %get3A_587, %mul3A_589 : vector<16xf32>
        %swap3A_591 = arith.index_cast %add3A_571 : i32 to index
        %swap3A_592 = arith.constant 16 : index
        %swap3A_593 = tpu.vector_load %arg10[%swap3A_591, %swap3A_592] {strides = array<i32>} : memref<128x64xf32, #tpu.memory_space<vmem>>, vector<1x16xf32>,
        %swap3A_594 = vector.shape_cast %swap3A_593 : vector<1x16xf32> to vector<16xf32>
        %swap3A_595 = vector.shape_cast %mul3A_590 : vector<16xf32> to vector<1x16xf32>
        tpu.vector_store %arg10[%swap3A_591, %swap3A_592], %swap3A_595 {strides = array<i32>} : memref<128x64xf32, #tpu.memory_space<vmem>>, vector<1x16xf32>,
        %get3A_596 = arith.index_cast %add3A_571 : i32 to index
        %get3A_597 = arith.constant 32 : index
        %get3A_598 = tpu.vector_load %arg6[%get3A_596, %get3A_597] {strides = array<i32>} : memref<128x128xf32, #tpu.memory_space<vmem>>, vector<1x16xf32>,
        %get3A_599 = vector.shape_cast %get3A_598 : vector<1x16xf32> to vector<16xf32>
        %mul3A_600 = arith.constant 8.000000e+00 : f32
        %mul3A_601 = vector.broadcast %mul3A_600 : f32 to vector<16xf32>
        %mul3A_602 = arith.mulf %get3A_599, %mul3A_601 : vector<16xf32>
        %swap3A_603 = arith.index_cast %add3A_571 : i32 to index
        %swap3A_604 = arith.constant 32 : index
        %swap3A_605 = tpu.vector_load %arg10[%swap3A_603, %swap3A_604] {strides = array<i32>} : memref<128x64xf32, #tpu.memory_space<vmem>>, vector<1x16xf32>,
        %swap3A_606 = vector.shape_cast %swap3A_605 : vector<1x16xf32> to vector<16xf32>
        %swap3A_607 = vector.shape_cast %mul3A_602 : vector<16xf32> to vector<1x16xf32>
        tpu.vector_store %arg10[%swap3A_603, %swap3A_604], %swap3A_607 {strides = array<i32>} : memref<128x64xf32, #tpu.memory_space<vmem>>, vector<1x16xf32>,
        %get3A_608 = arith.index_cast %add3A_571 : i32 to index
        %get3A_609 = arith.constant 48 : index
        %get3A_610 = tpu.vector_load %arg6[%get3A_608, %get3A_609] {strides = array<i32>} : memref<128x128xf32, #tpu.memory_space<vmem>>, vector<1x16xf32>,
        %get3A_611 = vector.shape_cast %get3A_610 : vector<1x16xf32> to vector<16xf32>
        %mul3A_612 = arith.constant 8.000000e+00 : f32
        %mul3A_613 = vector.broadcast %mul3A_612 : f32 to vector<16xf32>
        %mul3A_614 = arith.mulf %get3A_611, %mul3A_613 : vector<16xf32>
        %swap3A_615 = arith.index_cast %add3A_571 : i32 to index
        %swap3A_616 = arith.constant 48 : index
        %swap3A_617 = tpu.vector_load %arg10[%swap3A_615, %swap3A_616] {strides = array<i32>} : memref<128x64xf32, #tpu.memory_space<vmem>>, vector<1x16xf32>,
        %swap3A_618 = vector.shape_cast %swap3A_617 : vector<1x16xf32> to vector<16xf32>
        %swap3A_619 = vector.shape_cast %mul3A_614 : vector<16xf32> to vector<1x16xf32>
        tpu.vector_store %arg10[%swap3A_615, %swap3A_616], %swap3A_619 {strides = array<i32>} : memref<128x64xf32, #tpu.memory_space<vmem>>, vector<1x16xf32>,
        %scan3A_620 = arith.constant 6 : i32
        %scan3A_621 = arith.addi %scan3A_299, %scan3A_620 : i32
        %mul3A_622 = arith.constant 1 : i32
        %mul3A_623 = arith.muli %scan3A_621, %mul3A_622 : i32
        %add3A_624 = arith.constant 0 : i32
        %add3A_625 = arith.addi %add3A_624, %mul3A_623 : i32
        %get3A_626 = arith.index_cast %add3A_625 : i32 to index
        %get3A_627 = arith.constant 0 : index
        %get3A_628 = tpu.vector_load %arg6[%get3A_626, %get3A_627] {strides = array<i32>} : memref<128x128xf32, #tpu.memory_space<vmem>>, vector<1x16xf32>,
        %get3A_629 = vector.shape_cast %get3A_628 : vector<1x16xf32> to vector<16xf32>
        %mul3A_630 = arith.constant 8.000000e+00 : f32
        %mul3A_631 = vector.broadcast %mul3A_630 : f32 to vector<16xf32>
        %mul3A_632 = arith.mulf %get3A_629, %mul3A_631 : vector<16xf32>
        %swap3A_633 = arith.index_cast %add3A_625 : i32 to index
        %swap3A_634 = arith.constant 0 : index
        %swap3A_635 = tpu.vector_load %arg10[%swap3A_633, %swap3A_634] {strides = array<i32>} : memref<128x64xf32, #tpu.memory_space<vmem>>, vector<1x16xf32>,
        %swap3A_636 = vector.shape_cast %swap3A_635 : vector<1x16xf32> to vector<16xf32>
        %swap3A_637 = vector.shape_cast %mul3A_632 : vector<16xf32> to vector<1x16xf32>
        tpu.vector_store %arg10[%swap3A_633, %swap3A_634], %swap3A_637 {strides = array<i32>} : memref<128x64xf32, #tpu.memory_space<vmem>>, vector<1x16xf32>,
        %get3A_638 = arith.index_cast %add3A_625 : i32 to index
        %get3A_639 = arith.constant 16 : index
        %get3A_640 = tpu.vector_load %arg6[%get3A_638, %get3A_639] {strides = array<i32>} : memref<128x128xf32, #tpu.memory_space<vmem>>, vector<1x16xf32>,
        %get3A_641 = vector.shape_cast %get3A_640 : vector<1x16xf32> to vector<16xf32>
        %mul3A_642 = arith.constant 8.000000e+00 : f32
        %mul3A_643 = vector.broadcast %mul3A_642 : f32 to vector<16xf32>
        %mul3A_644 = arith.mulf %get3A_641, %mul3A_643 : vector<16xf32>
        %swap3A_645 = arith.index_cast %add3A_625 : i32 to index
        %swap3A_646 = arith.constant 16 : index
        %swap3A_647 = tpu.vector_load %arg10[%swap3A_645, %swap3A_646] {strides = array<i32>} : memref<128x64xf32, #tpu.memory_space<vmem>>, vector<1x16xf32>,
        %swap3A_648 = vector.shape_cast %swap3A_647 : vector<1x16xf32> to vector<16xf32>
        %swap3A_649 = vector.shape_cast %mul3A_644 : vector<16xf32> to vector<1x16xf32>
        tpu.vector_store %arg10[%swap3A_645, %swap3A_646], %swap3A_649 {strides = array<i32>} : memref<128x64xf32, #tpu.memory_space<vmem>>, vector<1x16xf32>,
        %get3A_650 = arith.index_cast %add3A_625 : i32 to index
        %get3A_651 = arith.constant 32 : index
        %get3A_652 = tpu.vector_load %arg6[%get3A_650, %get3A_651] {strides = array<i32>} : memref<128x128xf32, #tpu.memory_space<vmem>>, vector<1x16xf32>,
        %get3A_653 = vector.shape_cast %get3A_652 : vector<1x16xf32> to vector<16xf32>
        %mul3A_654 = arith.constant 8.000000e+00 : f32
        %mul3A_655 = vector.broadcast %mul3A_654 : f32 to vector<16xf32>
        %mul3A_656 = arith.mulf %get3A_653, %mul3A_655 : vector<16xf32>
        %swap3A_657 = arith.index_cast %add3A_625 : i32 to index
        %swap3A_658 = arith.constant 32 : index
        %swap3A_659 = tpu.vector_load %arg10[%swap3A_657, %swap3A_658] {strides = array<i32>} : memref<128x64xf32, #tpu.memory_space<vmem>>, vector<1x16xf32>,
        %swap3A_660 = vector.shape_cast %swap3A_659 : vector<1x16xf32> to vector<16xf32>
        %swap3A_661 = vector.shape_cast %mul3A_656 : vector<16xf32> to vector<1x16xf32>
        tpu.vector_store %arg10[%swap3A_657, %swap3A_658], %swap3A_661 {strides = array<i32>} : memref<128x64xf32, #tpu.memory_space<vmem>>, vector<1x16xf32>,
        %get3A_662 = arith.index_cast %add3A_625 : i32 to index
        %get3A_663 = arith.constant 48 : index
        %get3A_664 = tpu.vector_load %arg6[%get3A_662, %get3A_663] {strides = array<i32>} : memref<128x128xf32, #tpu.memory_space<vmem>>, vector<1x16xf32>,
        %get3A_665 = vector.shape_cast %get3A_664 : vector<1x16xf32> to vector<16xf32>
        %mul3A_666 = arith.constant 8.000000e+00 : f32
        %mul3A_667 = vector.broadcast %mul3A_666 : f32 to vector<16xf32>
        %mul3A_668 = arith.mulf %get3A_665, %mul3A_667 : vector<16xf32>
        %swap3A_669 = arith.index_cast %add3A_625 : i32 to index
        %swap3A_670 = arith.constant 48 : index
        %swap3A_671 = tpu.vector_load %arg10[%swap3A_669, %swap3A_670] {strides = array<i32>} : memref<128x64xf32, #tpu.memory_space<vmem>>, vector<1x16xf32>,
        %swap3A_672 = vector.shape_cast %swap3A_671 : vector<1x16xf32> to vector<16xf32>
        %swap3A_673 = vector.shape_cast %mul3A_668 : vector<16xf32> to vector<1x16xf32>
        tpu.vector_store %arg10[%swap3A_669, %swap3A_670], %swap3A_673 {strides = array<i32>} : memref<128x64xf32, #tpu.memory_space<vmem>>, vector<1x16xf32>,
        %scan3A_674 = arith.constant 7 : i32
        %scan3A_675 = arith.addi %scan3A_299, %scan3A_674 : i32
        %mul3A_676 = arith.constant 1 : i32
        %mul3A_677 = arith.muli %scan3A_675, %mul3A_676 : i32
        %add3A_678 = arith.constant 0 : i32
        %add3A_679 = arith.addi %add3A_678, %mul3A_677 : i32
        %get3A_680 = arith.index_cast %add3A_679 : i32 to index
        %get3A_681 = arith.constant 0 : index
        %get3A_682 = tpu.vector_load %arg6[%get3A_680, %get3A_681] {strides = array<i32>} : memref<128x128xf32, #tpu.memory_space<vmem>>, vector<1x16xf32>,
        %get3A_683 = vector.shape_cast %get3A_682 : vector<1x16xf32> to vector<16xf32>
        %mul3A_684 = arith.constant 8.000000e+00 : f32
        %mul3A_685 = vector.broadcast %mul3A_684 : f32 to vector<16xf32>
        %mul3A_686 = arith.mulf %get3A_683, %mul3A_685 : vector<16xf32>
        %swap3A_687 = arith.index_cast %add3A_679 : i32 to index
        %swap3A_688 = arith.constant 0 : index
        %swap3A_689 = tpu.vector_load %arg10[%swap3A_687, %swap3A_688] {strides = array<i32>} : memref<128x64xf32, #tpu.memory_space<vmem>>, vector<1x16xf32>,
        %swap3A_690 = vector.shape_cast %swap3A_689 : vector<1x16xf32> to vector<16xf32>
        %swap3A_691 = vector.shape_cast %mul3A_686 : vector<16xf32> to vector<1x16xf32>
        tpu.vector_store %arg10[%swap3A_687, %swap3A_688], %swap3A_691 {strides = array<i32>} : memref<128x64xf32, #tpu.memory_space<vmem>>, vector<1x16xf32>,
        %get3A_692 = arith.index_cast %add3A_679 : i32 to index
        %get3A_693 = arith.constant 16 : index
        %get3A_694 = tpu.vector_load %arg6[%get3A_692, %get3A_693] {strides = array<i32>} : memref<128x128xf32, #tpu.memory_space<vmem>>, vector<1x16xf32>,
        %get3A_695 = vector.shape_cast %get3A_694 : vector<1x16xf32> to vector<16xf32>
        %mul3A_696 = arith.constant 8.000000e+00 : f32
        %mul3A_697 = vector.broadcast %mul3A_696 : f32 to vector<16xf32>
        %mul3A_698 = arith.mulf %get3A_695, %mul3A_697 : vector<16xf32>
        %swap3A_699 = arith.index_cast %add3A_679 : i32 to index
        %swap3A_700 = arith.constant 16 : index
        %swap3A_701 = tpu.vector_load %arg10[%swap3A_699, %swap3A_700] {strides = array<i32>} : memref<128x64xf32, #tpu.memory_space<vmem>>, vector<1x16xf32>,
        %swap3A_702 = vector.shape_cast %swap3A_701 : vector<1x16xf32> to vector<16xf32>
        %swap3A_703 = vector.shape_cast %mul3A_698 : vector<16xf32> to vector<1x16xf32>
        tpu.vector_store %arg10[%swap3A_699, %swap3A_700], %swap3A_703 {strides = array<i32>} : memref<128x64xf32, #tpu.memory_space<vmem>>, vector<1x16xf32>,
        %get3A_704 = arith.index_cast %add3A_679 : i32 to index
        %get3A_705 = arith.constant 32 : index
        %get3A_706 = tpu.vector_load %arg6[%get3A_704, %get3A_705] {strides = array<i32>} : memref<128x128xf32, #tpu.memory_space<vmem>>, vector<1x16xf32>,
        %get3A_707 = vector.shape_cast %get3A_706 : vector<1x16xf32> to vector<16xf32>
        %mul3A_708 = arith.constant 8.000000e+00 : f32
        %mul3A_709 = vector.broadcast %mul3A_708 : f32 to vector<16xf32>
        %mul3A_710 = arith.mulf %get3A_707, %mul3A_709 : vector<16xf32>
        %swap3A_711 = arith.index_cast %add3A_679 : i32 to index
        %swap3A_712 = arith.constant 32 : index
        %swap3A_713 = tpu.vector_load %arg10[%swap3A_711, %swap3A_712] {strides = array<i32>} : memref<128x64xf32, #tpu.memory_space<vmem>>, vector<1x16xf32>,
        %swap3A_714 = vector.shape_cast %swap3A_713 : vector<1x16xf32> to vector<16xf32>
        %swap3A_715 = vector.shape_cast %mul3A_710 : vector<16xf32> to vector<1x16xf32>
        tpu.vector_store %arg10[%swap3A_711, %swap3A_712], %swap3A_715 {strides = array<i32>} : memref<128x64xf32, #tpu.memory_space<vmem>>, vector<1x16xf32>,
        %get3A_716 = arith.index_cast %add3A_679 : i32 to index
        %get3A_717 = arith.constant 48 : index
        %get3A_718 = tpu.vector_load %arg6[%get3A_716, %get3A_717] {strides = array<i32>} : memref<128x128xf32, #tpu.memory_space<vmem>>, vector<1x16xf32>,
        %get3A_719 = vector.shape_cast %get3A_718 : vector<1x16xf32> to vector<16xf32>
        %mul3A_720 = arith.constant 8.000000e+00 : f32
        %mul3A_721 = vector.broadcast %mul3A_720 : f32 to vector<16xf32>
        %mul3A_722 = arith.mulf %get3A_719, %mul3A_721 : vector<16xf32>
        %swap3A_723 = arith.index_cast %add3A_679 : i32 to index
        %swap3A_724 = arith.constant 48 : index
        %swap3A_725 = tpu.vector_load %arg10[%swap3A_723, %swap3A_724] {strides = array<i32>} : memref<128x64xf32, #tpu.memory_space<vmem>>, vector<1x16xf32>,
        %swap3A_726 = vector.shape_cast %swap3A_725 : vector<1x16xf32> to vector<16xf32>
        %swap3A_727 = vector.shape_cast %mul3A_722 : vector<16xf32> to vector<1x16xf32>
        tpu.vector_store %arg10[%swap3A_723, %swap3A_724], %swap3A_727 {strides = array<i32>} : memref<128x64xf32, #tpu.memory_space<vmem>>, vector<1x16xf32>,
      }
      %scan3A_182 = arith.constant 128 : i32
      %mul3A_183 = arith.constant 128 : i32
      %mul3A_184 = arith.muli %mul3A_183, %add3A_160 : i32
      %add3A_185 = arith.addi %mul3A_4, %mul3A_184 : i32
      %multiple_of3A_186 = tpu.assume_multiple %add3A_185, 8 : i32
      %dma_start3A_187 = arith.constant 0 : i32
      %dma_start3A_188 = tpu.memref_slice %arg4[%multiple_of3A_186, %dma_start3A_187] : memref<819200x64xf32, #tpu.memory_space<hbm>> -> memref<128x64xf32, #tpu.memory_space<hbm>>
      %dma_start3A_189 = arith.constant 0 : i32
      %dma_start3A_190 = tpu.memref_slice %arg4[%multiple_of3A_186, %dma_start3A_189] : memref<819200x64xf32, #tpu.memory_space<hbm>> -> memref<128x64xf32, #tpu.memory_space<hbm>>
      tpu.enqueue_dma source(%arg10 : memref<128x64xf32, #tpu.memory_space<vmem>>) target(%dma_start3A_190 : memref<128x64xf32, #tpu.memory_space<hbm>>) target_semaphore(%arg16 : memref<!tpu.dma_semaphore, #tpu.memory_space<semaphore_mem>>)
      %add3A_191 = arith.constant 1 : i32
      %add3A_192 = arith.addi %mul3A_158, %add3A_191 : i32
      %add3A_193 = arith.constant 4 : i32
      %add3A_194 = arith.addi %add3A_192, %add3A_193 : i32
      %sub3A_195 = arith.constant 1 : i32
      %sub3A_196 = arith.subi %add3A_194, %sub3A_195 : i32
      %lt3A_197 = arith.constant 200 : i32
      %lt3A_198 = arith.cmpi slt, %sub3A_196, %lt3A_197 : i32
      %convert_element_type3A_199 = arith.extui %lt3A_198 : i1 to i32
      %cond3A_200 = arith.constant 0 : i32
      %cond3A_201 = arith.cmpi ne, %convert_element_type3A_199, %cond3A_200 : i32
      scf.if %cond3A_201 {
        %add3A_299 = arith.constant 4 : i32
        %add3A_300 = arith.addi %add3A_192, %add3A_299 : i32
        %sub3A_301 = arith.constant 1 : i32
        %sub3A_302 = arith.subi %add3A_300, %sub3A_301 : i32
        %dma_start3A_303 = arith.constant 0 : i32
        %dma_start3A_304 = tpu.memref_slice %arg5[%sub3A_302, %dma_start3A_303] : memref<200x128xi32, #tpu.memory_space<vmem>> -> memref<1x128xi32, #tpu.memory_space<vmem>>
        %dma_start3A_305 = tpu.memref_squeeze %dma_start3A_304 : memref<1x128xi32, #tpu.memory_space<vmem>> -> memref<128xi32, #tpu.memory_space<vmem>>
        %dma_start3A_306 = arith.constant 0 : i32
        %dma_start3A_307 = arith.constant 0 : i32
        %dma_start3A_308 = tpu.memref_slice %arg3[%dma_start3A_306, %dma_start3A_307] : memref<1000000x128xf32, #tpu.memory_space<hbm>> -> memref<1000000x128xf32, #tpu.memory_space<hbm>>
        tpu.enqueue_indirect_dma source(%dma_start3A_308 : memref<1000000x128xf32, #tpu.memory_space<hbm>>) target(%arg6 : memref<128x128xf32, #tpu.memory_space<vmem>>) offsets(%dma_start3A_305 : memref<128xi32, #tpu.memory_space<vmem>>) semaphore(%arg12 : memref<!tpu.dma_semaphore, #tpu.memory_space<semaphore_mem>>)
      } else {
      }
      %dma_wait3A_202 = arith.constant 0 : i32
      %dma_wait3A_203 = arith.constant 0 : i32
      %dma_wait3A_204 = tpu.memref_slice %arg3[%dma_wait3A_202, %dma_wait3A_203] : memref<1000000x128xf32, #tpu.memory_space<hbm>> -> memref<128x128xf32, #tpu.memory_space<hbm>>
      %dma_wait3A_205 = arith.constant 0 : i32
      %dma_wait3A_206 = arith.constant 0 : i32
      %dma_wait3A_207 = tpu.memref_slice %arg3[%dma_wait3A_205, %dma_wait3A_206] : memref<1000000x128xf32, #tpu.memory_space<hbm>> -> memref<128x128xf32, #tpu.memory_space<hbm>>
      tpu.wait_dma2 semaphore(%arg13 : memref<!tpu.dma_semaphore, #tpu.memory_space<semaphore_mem>>) src(%dma_wait3A_207 : memref<128x128xf32, #tpu.memory_space<hbm>>) dst(%arg7 : memref<128x128xf32, #tpu.memory_space<vmem>>)
      %dma_wait3A_208 = arith.constant 0 : i32
      %dma_wait3A_209 = arith.constant 0 : i32
      %dma_wait3A_210 = tpu.memref_slice %arg4[%dma_wait3A_208, %dma_wait3A_209] : memref<819200x64xf32, #tpu.memory_space<hbm>> -> memref<128x64xf32, #tpu.memory_space<hbm>>
      %dma_wait3A_211 = arith.constant 0 : i32
      %dma_wait3A_212 = arith.constant 0 : i32
      %dma_wait3A_213 = tpu.memref_slice %arg4[%dma_wait3A_211, %dma_wait3A_212] : memref<819200x64xf32, #tpu.memory_space<hbm>> -> memref<128x64xf32, #tpu.memory_space<hbm>>
      tpu.wait_dma2 semaphore(%arg17 : memref<!tpu.dma_semaphore, #tpu.memory_space<semaphore_mem>>) src(%arg11 : memref<128x64xf32, #tpu.memory_space<vmem>>) dst(%dma_wait3A_213 : memref<128x64xf32, #tpu.memory_space<hbm>>)
      %scan3A_214 = arith.constant 0 : i32
      %scan3A_215 = arith.constant 128 : i32
      %scan3A_216 = arith.addi %scan3A_214, %scan3A_215 : i32
      %scan3A_217 = arith.constant 8 : i32
      scf.for %scan3A_299 = %scan3A_214 to %scan3A_216 step %scan3A_217  : i32 {
        %mul3A_300 = arith.constant 1 : i32
        %mul3A_301 = arith.muli %scan3A_299, %mul3A_300 : i32
        %add3A_302 = arith.constant 0 : i32
        %add3A_303 = arith.addi %add3A_302, %mul3A_301 : i32
        %get3A = arith.index_cast %add3A_303 : i32 to index
        %get3A_304 = arith.constant 0 : index
        %get3A_305 = tpu.vector_load %arg7[%get3A, %get3A_304] {strides = array<i32>} : memref<128x128xf32, #tpu.memory_space<vmem>>, vector<1x16xf32>,
        %get3A_306 = vector.shape_cast %get3A_305 : vector<1x16xf32> to vector<16xf32>
        %mul3A_307 = arith.constant 8.000000e+00 : f32
        %mul3A_308 = vector.broadcast %mul3A_307 : f32 to vector<16xf32>
        %mul3A_309 = arith.mulf %get3A_306, %mul3A_308 : vector<16xf32>
        %swap3A = arith.index_cast %add3A_303 : i32 to index
        %swap3A_310 = arith.constant 0 : index
        %swap3A_311 = tpu.vector_load %arg11[%swap3A, %swap3A_310] {strides = array<i32>} : memref<128x64xf32, #tpu.memory_space<vmem>>, vector<1x16xf32>,
        %swap3A_312 = vector.shape_cast %swap3A_311 : vector<1x16xf32> to vector<16xf32>
        %swap3A_313 = vector.shape_cast %mul3A_309 : vector<16xf32> to vector<1x16xf32>
        tpu.vector_store %arg11[%swap3A, %swap3A_310], %swap3A_313 {strides = array<i32>} : memref<128x64xf32, #tpu.memory_space<vmem>>, vector<1x16xf32>,
        %get3A_314 = arith.index_cast %add3A_303 : i32 to index
        %get3A_315 = arith.constant 16 : index
        %get3A_316 = tpu.vector_load %arg7[%get3A_314, %get3A_315] {strides = array<i32>} : memref<128x128xf32, #tpu.memory_space<vmem>>, vector<1x16xf32>,
        %get3A_317 = vector.shape_cast %get3A_316 : vector<1x16xf32> to vector<16xf32>
        %mul3A_318 = arith.constant 8.000000e+00 : f32
        %mul3A_319 = vector.broadcast %mul3A_318 : f32 to vector<16xf32>
        %mul3A_320 = arith.mulf %get3A_317, %mul3A_319 : vector<16xf32>
        %swap3A_321 = arith.index_cast %add3A_303 : i32 to index
        %swap3A_322 = arith.constant 16 : index
        %swap3A_323 = tpu.vector_load %arg11[%swap3A_321, %swap3A_322] {strides = array<i32>} : memref<128x64xf32, #tpu.memory_space<vmem>>, vector<1x16xf32>,
        %swap3A_324 = vector.shape_cast %swap3A_323 : vector<1x16xf32> to vector<16xf32>
        %swap3A_325 = vector.shape_cast %mul3A_320 : vector<16xf32> to vector<1x16xf32>
        tpu.vector_store %arg11[%swap3A_321, %swap3A_322], %swap3A_325 {strides = array<i32>} : memref<128x64xf32, #tpu.memory_space<vmem>>, vector<1x16xf32>,
        %get3A_326 = arith.index_cast %add3A_303 : i32 to index
        %get3A_327 = arith.constant 32 : index
        %get3A_328 = tpu.vector_load %arg7[%get3A_326, %get3A_327] {strides = array<i32>} : memref<128x128xf32, #tpu.memory_space<vmem>>, vector<1x16xf32>,
        %get3A_329 = vector.shape_cast %get3A_328 : vector<1x16xf32> to vector<16xf32>
        %mul3A_330 = arith.constant 8.000000e+00 : f32
        %mul3A_331 = vector.broadcast %mul3A_330 : f32 to vector<16xf32>
        %mul3A_332 = arith.mulf %get3A_329, %mul3A_331 : vector<16xf32>
        %swap3A_333 = arith.index_cast %add3A_303 : i32 to index
        %swap3A_334 = arith.constant 32 : index
        %swap3A_335 = tpu.vector_load %arg11[%swap3A_333, %swap3A_334] {strides = array<i32>} : memref<128x64xf32, #tpu.memory_space<vmem>>, vector<1x16xf32>,
        %swap3A_336 = vector.shape_cast %swap3A_335 : vector<1x16xf32> to vector<16xf32>
        %swap3A_337 = vector.shape_cast %mul3A_332 : vector<16xf32> to vector<1x16xf32>
        tpu.vector_store %arg11[%swap3A_333, %swap3A_334], %swap3A_337 {strides = array<i32>} : memref<128x64xf32, #tpu.memory_space<vmem>>, vector<1x16xf32>,
        %get3A_338 = arith.index_cast %add3A_303 : i32 to index
        %get3A_339 = arith.constant 48 : index
        %get3A_340 = tpu.vector_load %arg7[%get3A_338, %get3A_339] {strides = array<i32>} : memref<128x128xf32, #tpu.memory_space<vmem>>, vector<1x16xf32>,
        %get3A_341 = vector.shape_cast %get3A_340 : vector<1x16xf32> to vector<16xf32>
        %mul3A_342 = arith.constant 8.000000e+00 : f32
        %mul3A_343 = vector.broadcast %mul3A_342 : f32 to vector<16xf32>
        %mul3A_344 = arith.mulf %get3A_341, %mul3A_343 : vector<16xf32>
        %swap3A_345 = arith.index_cast %add3A_303 : i32 to index
        %swap3A_346 = arith.constant 48 : index
        %swap3A_347 = tpu.vector_load %arg11[%swap3A_345, %swap3A_346] {strides = array<i32>} : memref<128x64xf32, #tpu.memory_space<vmem>>, vector<1x16xf32>,
        %swap3A_348 = vector.shape_cast %swap3A_347 : vector<1x16xf32> to vector<16xf32>
        %swap3A_349 = vector.shape_cast %mul3A_344 : vector<16xf32> to vector<1x16xf32>
        tpu.vector_store %arg11[%swap3A_345, %swap3A_346], %swap3A_349 {strides = array<i32>} : memref<128x64xf32, #tpu.memory_space<vmem>>, vector<1x16xf32>,
        %scan3A_350 = arith.constant 1 : i32
        %scan3A_351 = arith.addi %scan3A_299, %scan3A_350 : i32
        %mul3A_352 = arith.constant 1 : i32
        %mul3A_353 = arith.muli %scan3A_351, %mul3A_352 : i32
        %add3A_354 = arith.constant 0 : i32
        %add3A_355 = arith.addi %add3A_354, %mul3A_353 : i32
        %get3A_356 = arith.index_cast %add3A_355 : i32 to index
        %get3A_357 = arith.constant 0 : index
        %get3A_358 = tpu.vector_load %arg7[%get3A_356, %get3A_357] {strides = array<i32>} : memref<128x128xf32, #tpu.memory_space<vmem>>, vector<1x16xf32>,
        %get3A_359 = vector.shape_cast %get3A_358 : vector<1x16xf32> to vector<16xf32>
        %mul3A_360 = arith.constant 8.000000e+00 : f32
        %mul3A_361 = vector.broadcast %mul3A_360 : f32 to vector<16xf32>
        %mul3A_362 = arith.mulf %get3A_359, %mul3A_361 : vector<16xf32>
        %swap3A_363 = arith.index_cast %add3A_355 : i32 to index
        %swap3A_364 = arith.constant 0 : index
        %swap3A_365 = tpu.vector_load %arg11[%swap3A_363, %swap3A_364] {strides = array<i32>} : memref<128x64xf32, #tpu.memory_space<vmem>>, vector<1x16xf32>,
        %swap3A_366 = vector.shape_cast %swap3A_365 : vector<1x16xf32> to vector<16xf32>
        %swap3A_367 = vector.shape_cast %mul3A_362 : vector<16xf32> to vector<1x16xf32>
        tpu.vector_store %arg11[%swap3A_363, %swap3A_364], %swap3A_367 {strides = array<i32>} : memref<128x64xf32, #tpu.memory_space<vmem>>, vector<1x16xf32>,
        %get3A_368 = arith.index_cast %add3A_355 : i32 to index
        %get3A_369 = arith.constant 16 : index
        %get3A_370 = tpu.vector_load %arg7[%get3A_368, %get3A_369] {strides = array<i32>} : memref<128x128xf32, #tpu.memory_space<vmem>>, vector<1x16xf32>,
        %get3A_371 = vector.shape_cast %get3A_370 : vector<1x16xf32> to vector<16xf32>
        %mul3A_372 = arith.constant 8.000000e+00 : f32
        %mul3A_373 = vector.broadcast %mul3A_372 : f32 to vector<16xf32>
        %mul3A_374 = arith.mulf %get3A_371, %mul3A_373 : vector<16xf32>
        %swap3A_375 = arith.index_cast %add3A_355 : i32 to index
        %swap3A_376 = arith.constant 16 : index
        %swap3A_377 = tpu.vector_load %arg11[%swap3A_375, %swap3A_376] {strides = array<i32>} : memref<128x64xf32, #tpu.memory_space<vmem>>, vector<1x16xf32>,
        %swap3A_378 = vector.shape_cast %swap3A_377 : vector<1x16xf32> to vector<16xf32>
        %swap3A_379 = vector.shape_cast %mul3A_374 : vector<16xf32> to vector<1x16xf32>
        tpu.vector_store %arg11[%swap3A_375, %swap3A_376], %swap3A_379 {strides = array<i32>} : memref<128x64xf32, #tpu.memory_space<vmem>>, vector<1x16xf32>,
        %get3A_380 = arith.index_cast %add3A_355 : i32 to index
        %get3A_381 = arith.constant 32 : index
        %get3A_382 = tpu.vector_load %arg7[%get3A_380, %get3A_381] {strides = array<i32>} : memref<128x128xf32, #tpu.memory_space<vmem>>, vector<1x16xf32>,
        %get3A_383 = vector.shape_cast %get3A_382 : vector<1x16xf32> to vector<16xf32>
        %mul3A_384 = arith.constant 8.000000e+00 : f32
        %mul3A_385 = vector.broadcast %mul3A_384 : f32 to vector<16xf32>
        %mul3A_386 = arith.mulf %get3A_383, %mul3A_385 : vector<16xf32>
        %swap3A_387 = arith.index_cast %add3A_355 : i32 to index
        %swap3A_388 = arith.constant 32 : index
        %swap3A_389 = tpu.vector_load %arg11[%swap3A_387, %swap3A_388] {strides = array<i32>} : memref<128x64xf32, #tpu.memory_space<vmem>>, vector<1x16xf32>,
        %swap3A_390 = vector.shape_cast %swap3A_389 : vector<1x16xf32> to vector<16xf32>
        %swap3A_391 = vector.shape_cast %mul3A_386 : vector<16xf32> to vector<1x16xf32>
        tpu.vector_store %arg11[%swap3A_387, %swap3A_388], %swap3A_391 {strides = array<i32>} : memref<128x64xf32, #tpu.memory_space<vmem>>, vector<1x16xf32>,
        %get3A_392 = arith.index_cast %add3A_355 : i32 to index
        %get3A_393 = arith.constant 48 : index
        %get3A_394 = tpu.vector_load %arg7[%get3A_392, %get3A_393] {strides = array<i32>} : memref<128x128xf32, #tpu.memory_space<vmem>>, vector<1x16xf32>,
        %get3A_395 = vector.shape_cast %get3A_394 : vector<1x16xf32> to vector<16xf32>
        %mul3A_396 = arith.constant 8.000000e+00 : f32
        %mul3A_397 = vector.broadcast %mul3A_396 : f32 to vector<16xf32>
        %mul3A_398 = arith.mulf %get3A_395, %mul3A_397 : vector<16xf32>
        %swap3A_399 = arith.index_cast %add3A_355 : i32 to index
        %swap3A_400 = arith.constant 48 : index
        %swap3A_401 = tpu.vector_load %arg11[%swap3A_399, %swap3A_400] {strides = array<i32>} : memref<128x64xf32, #tpu.memory_space<vmem>>, vector<1x16xf32>,
        %swap3A_402 = vector.shape_cast %swap3A_401 : vector<1x16xf32> to vector<16xf32>
        %swap3A_403 = vector.shape_cast %mul3A_398 : vector<16xf32> to vector<1x16xf32>
        tpu.vector_store %arg11[%swap3A_399, %swap3A_400], %swap3A_403 {strides = array<i32>} : memref<128x64xf32, #tpu.memory_space<vmem>>, vector<1x16xf32>,
        %scan3A_404 = arith.constant 2 : i32
        %scan3A_405 = arith.addi %scan3A_299, %scan3A_404 : i32
        %mul3A_406 = arith.constant 1 : i32
        %mul3A_407 = arith.muli %scan3A_405, %mul3A_406 : i32
        %add3A_408 = arith.constant 0 : i32
        %add3A_409 = arith.addi %add3A_408, %mul3A_407 : i32
        %get3A_410 = arith.index_cast %add3A_409 : i32 to index
        %get3A_411 = arith.constant 0 : index
        %get3A_412 = tpu.vector_load %arg7[%get3A_410, %get3A_411] {strides = array<i32>} : memref<128x128xf32, #tpu.memory_space<vmem>>, vector<1x16xf32>,
        %get3A_413 = vector.shape_cast %get3A_412 : vector<1x16xf32> to vector<16xf32>
        %mul3A_414 = arith.constant 8.000000e+00 : f32
        %mul3A_415 = vector.broadcast %mul3A_414 : f32 to vector<16xf32>
        %mul3A_416 = arith.mulf %get3A_413, %mul3A_415 : vector<16xf32>
        %swap3A_417 = arith.index_cast %add3A_409 : i32 to index
        %swap3A_418 = arith.constant 0 : index
        %swap3A_419 = tpu.vector_load %arg11[%swap3A_417, %swap3A_418] {strides = array<i32>} : memref<128x64xf32, #tpu.memory_space<vmem>>, vector<1x16xf32>,
        %swap3A_420 = vector.shape_cast %swap3A_419 : vector<1x16xf32> to vector<16xf32>
        %swap3A_421 = vector.shape_cast %mul3A_416 : vector<16xf32> to vector<1x16xf32>
        tpu.vector_store %arg11[%swap3A_417, %swap3A_418], %swap3A_421 {strides = array<i32>} : memref<128x64xf32, #tpu.memory_space<vmem>>, vector<1x16xf32>,
        %get3A_422 = arith.index_cast %add3A_409 : i32 to index
        %get3A_423 = arith.constant 16 : index
        %get3A_424 = tpu.vector_load %arg7[%get3A_422, %get3A_423] {strides = array<i32>} : memref<128x128xf32, #tpu.memory_space<vmem>>, vector<1x16xf32>,
        %get3A_425 = vector.shape_cast %get3A_424 : vector<1x16xf32> to vector<16xf32>
        %mul3A_426 = arith.constant 8.000000e+00 : f32
        %mul3A_427 = vector.broadcast %mul3A_426 : f32 to vector<16xf32>
        %mul3A_428 = arith.mulf %get3A_425, %mul3A_427 : vector<16xf32>
        %swap3A_429 = arith.index_cast %add3A_409 : i32 to index
        %swap3A_430 = arith.constant 16 : index
        %swap3A_431 = tpu.vector_load %arg11[%swap3A_429, %swap3A_430] {strides = array<i32>} : memref<128x64xf32, #tpu.memory_space<vmem>>, vector<1x16xf32>,
        %swap3A_432 = vector.shape_cast %swap3A_431 : vector<1x16xf32> to vector<16xf32>
        %swap3A_433 = vector.shape_cast %mul3A_428 : vector<16xf32> to vector<1x16xf32>
        tpu.vector_store %arg11[%swap3A_429, %swap3A_430], %swap3A_433 {strides = array<i32>} : memref<128x64xf32, #tpu.memory_space<vmem>>, vector<1x16xf32>,
        %get3A_434 = arith.index_cast %add3A_409 : i32 to index
        %get3A_435 = arith.constant 32 : index
        %get3A_436 = tpu.vector_load %arg7[%get3A_434, %get3A_435] {strides = array<i32>} : memref<128x128xf32, #tpu.memory_space<vmem>>, vector<1x16xf32>,
        %get3A_437 = vector.shape_cast %get3A_436 : vector<1x16xf32> to vector<16xf32>
        %mul3A_438 = arith.constant 8.000000e+00 : f32
        %mul3A_439 = vector.broadcast %mul3A_438 : f32 to vector<16xf32>
        %mul3A_440 = arith.mulf %get3A_437, %mul3A_439 : vector<16xf32>
        %swap3A_441 = arith.index_cast %add3A_409 : i32 to index
        %swap3A_442 = arith.constant 32 : index
        %swap3A_443 = tpu.vector_load %arg11[%swap3A_441, %swap3A_442] {strides = array<i32>} : memref<128x64xf32, #tpu.memory_space<vmem>>, vector<1x16xf32>,
        %swap3A_444 = vector.shape_cast %swap3A_443 : vector<1x16xf32> to vector<16xf32>
        %swap3A_445 = vector.shape_cast %mul3A_440 : vector<16xf32> to vector<1x16xf32>
        tpu.vector_store %arg11[%swap3A_441, %swap3A_442], %swap3A_445 {strides = array<i32>} : memref<128x64xf32, #tpu.memory_space<vmem>>, vector<1x16xf32>,
        %get3A_446 = arith.index_cast %add3A_409 : i32 to index
        %get3A_447 = arith.constant 48 : index
        %get3A_448 = tpu.vector_load %arg7[%get3A_446, %get3A_447] {strides = array<i32>} : memref<128x128xf32, #tpu.memory_space<vmem>>, vector<1x16xf32>,
        %get3A_449 = vector.shape_cast %get3A_448 : vector<1x16xf32> to vector<16xf32>
        %mul3A_450 = arith.constant 8.000000e+00 : f32
        %mul3A_451 = vector.broadcast %mul3A_450 : f32 to vector<16xf32>
        %mul3A_452 = arith.mulf %get3A_449, %mul3A_451 : vector<16xf32>
        %swap3A_453 = arith.index_cast %add3A_409 : i32 to index
        %swap3A_454 = arith.constant 48 : index
        %swap3A_455 = tpu.vector_load %arg11[%swap3A_453, %swap3A_454] {strides = array<i32>} : memref<128x64xf32, #tpu.memory_space<vmem>>, vector<1x16xf32>,
        %swap3A_456 = vector.shape_cast %swap3A_455 : vector<1x16xf32> to vector<16xf32>
        %swap3A_457 = vector.shape_cast %mul3A_452 : vector<16xf32> to vector<1x16xf32>
        tpu.vector_store %arg11[%swap3A_453, %swap3A_454], %swap3A_457 {strides = array<i32>} : memref<128x64xf32, #tpu.memory_space<vmem>>, vector<1x16xf32>,
        %scan3A_458 = arith.constant 3 : i32
        %scan3A_459 = arith.addi %scan3A_299, %scan3A_458 : i32
        %mul3A_460 = arith.constant 1 : i32
        %mul3A_461 = arith.muli %scan3A_459, %mul3A_460 : i32
        %add3A_462 = arith.constant 0 : i32
        %add3A_463 = arith.addi %add3A_462, %mul3A_461 : i32
        %get3A_464 = arith.index_cast %add3A_463 : i32 to index
        %get3A_465 = arith.constant 0 : index
        %get3A_466 = tpu.vector_load %arg7[%get3A_464, %get3A_465] {strides = array<i32>} : memref<128x128xf32, #tpu.memory_space<vmem>>, vector<1x16xf32>,
        %get3A_467 = vector.shape_cast %get3A_466 : vector<1x16xf32> to vector<16xf32>
        %mul3A_468 = arith.constant 8.000000e+00 : f32
        %mul3A_469 = vector.broadcast %mul3A_468 : f32 to vector<16xf32>
        %mul3A_470 = arith.mulf %get3A_467, %mul3A_469 : vector<16xf32>
        %swap3A_471 = arith.index_cast %add3A_463 : i32 to index
        %swap3A_472 = arith.constant 0 : index
        %swap3A_473 = tpu.vector_load %arg11[%swap3A_471, %swap3A_472] {strides = array<i32>} : memref<128x64xf32, #tpu.memory_space<vmem>>, vector<1x16xf32>,
        %swap3A_474 = vector.shape_cast %swap3A_473 : vector<1x16xf32> to vector<16xf32>
        %swap3A_475 = vector.shape_cast %mul3A_470 : vector<16xf32> to vector<1x16xf32>
        tpu.vector_store %arg11[%swap3A_471, %swap3A_472], %swap3A_475 {strides = array<i32>} : memref<128x64xf32, #tpu.memory_space<vmem>>, vector<1x16xf32>,
        %get3A_476 = arith.index_cast %add3A_463 : i32 to index
        %get3A_477 = arith.constant 16 : index
        %get3A_478 = tpu.vector_load %arg7[%get3A_476, %get3A_477] {strides = array<i32>} : memref<128x128xf32, #tpu.memory_space<vmem>>, vector<1x16xf32>,
        %get3A_479 = vector.shape_cast %get3A_478 : vector<1x16xf32> to vector<16xf32>
        %mul3A_480 = arith.constant 8.000000e+00 : f32
        %mul3A_481 = vector.broadcast %mul3A_480 : f32 to vector<16xf32>
        %mul3A_482 = arith.mulf %get3A_479, %mul3A_481 : vector<16xf32>
        %swap3A_483 = arith.index_cast %add3A_463 : i32 to index
        %swap3A_484 = arith.constant 16 : index
        %swap3A_485 = tpu.vector_load %arg11[%swap3A_483, %swap3A_484] {strides = array<i32>} : memref<128x64xf32, #tpu.memory_space<vmem>>, vector<1x16xf32>,
        %swap3A_486 = vector.shape_cast %swap3A_485 : vector<1x16xf32> to vector<16xf32>
        %swap3A_487 = vector.shape_cast %mul3A_482 : vector<16xf32> to vector<1x16xf32>
        tpu.vector_store %arg11[%swap3A_483, %swap3A_484], %swap3A_487 {strides = array<i32>} : memref<128x64xf32, #tpu.memory_space<vmem>>, vector<1x16xf32>,
        %get3A_488 = arith.index_cast %add3A_463 : i32 to index
        %get3A_489 = arith.constant 32 : index
        %get3A_490 = tpu.vector_load %arg7[%get3A_488, %get3A_489] {strides = array<i32>} : memref<128x128xf32, #tpu.memory_space<vmem>>, vector<1x16xf32>,
        %get3A_491 = vector.shape_cast %get3A_490 : vector<1x16xf32> to vector<16xf32>
        %mul3A_492 = arith.constant 8.000000e+00 : f32
        %mul3A_493 = vector.broadcast %mul3A_492 : f32 to vector<16xf32>
        %mul3A_494 = arith.mulf %get3A_491, %mul3A_493 : vector<16xf32>
        %swap3A_495 = arith.index_cast %add3A_463 : i32 to index
        %swap3A_496 = arith.constant 32 : index
        %swap3A_497 = tpu.vector_load %arg11[%swap3A_495, %swap3A_496] {strides = array<i32>} : memref<128x64xf32, #tpu.memory_space<vmem>>, vector<1x16xf32>,
        %swap3A_498 = vector.shape_cast %swap3A_497 : vector<1x16xf32> to vector<16xf32>
        %swap3A_499 = vector.shape_cast %mul3A_494 : vector<16xf32> to vector<1x16xf32>
        tpu.vector_store %arg11[%swap3A_495, %swap3A_496], %swap3A_499 {strides = array<i32>} : memref<128x64xf32, #tpu.memory_space<vmem>>, vector<1x16xf32>,
        %get3A_500 = arith.index_cast %add3A_463 : i32 to index
        %get3A_501 = arith.constant 48 : index
        %get3A_502 = tpu.vector_load %arg7[%get3A_500, %get3A_501] {strides = array<i32>} : memref<128x128xf32, #tpu.memory_space<vmem>>, vector<1x16xf32>,
        %get3A_503 = vector.shape_cast %get3A_502 : vector<1x16xf32> to vector<16xf32>
        %mul3A_504 = arith.constant 8.000000e+00 : f32
        %mul3A_505 = vector.broadcast %mul3A_504 : f32 to vector<16xf32>
        %mul3A_506 = arith.mulf %get3A_503, %mul3A_505 : vector<16xf32>
        %swap3A_507 = arith.index_cast %add3A_463 : i32 to index
        %swap3A_508 = arith.constant 48 : index
        %swap3A_509 = tpu.vector_load %arg11[%swap3A_507, %swap3A_508] {strides = array<i32>} : memref<128x64xf32, #tpu.memory_space<vmem>>, vector<1x16xf32>,
        %swap3A_510 = vector.shape_cast %swap3A_509 : vector<1x16xf32> to vector<16xf32>
        %swap3A_511 = vector.shape_cast %mul3A_506 : vector<16xf32> to vector<1x16xf32>
        tpu.vector_store %arg11[%swap3A_507, %swap3A_508], %swap3A_511 {strides = array<i32>} : memref<128x64xf32, #tpu.memory_space<vmem>>, vector<1x16xf32>,
        %scan3A_512 = arith.constant 4 : i32
        %scan3A_513 = arith.addi %scan3A_299, %scan3A_512 : i32
        %mul3A_514 = arith.constant 1 : i32
        %mul3A_515 = arith.muli %scan3A_513, %mul3A_514 : i32
        %add3A_516 = arith.constant 0 : i32
        %add3A_517 = arith.addi %add3A_516, %mul3A_515 : i32
        %get3A_518 = arith.index_cast %add3A_517 : i32 to index
        %get3A_519 = arith.constant 0 : index
        %get3A_520 = tpu.vector_load %arg7[%get3A_518, %get3A_519] {strides = array<i32>} : memref<128x128xf32, #tpu.memory_space<vmem>>, vector<1x16xf32>,
        %get3A_521 = vector.shape_cast %get3A_520 : vector<1x16xf32> to vector<16xf32>
        %mul3A_522 = arith.constant 8.000000e+00 : f32
        %mul3A_523 = vector.broadcast %mul3A_522 : f32 to vector<16xf32>
        %mul3A_524 = arith.mulf %get3A_521, %mul3A_523 : vector<16xf32>
        %swap3A_525 = arith.index_cast %add3A_517 : i32 to index
        %swap3A_526 = arith.constant 0 : index
        %swap3A_527 = tpu.vector_load %arg11[%swap3A_525, %swap3A_526] {strides = array<i32>} : memref<128x64xf32, #tpu.memory_space<vmem>>, vector<1x16xf32>,
        %swap3A_528 = vector.shape_cast %swap3A_527 : vector<1x16xf32> to vector<16xf32>
        %swap3A_529 = vector.shape_cast %mul3A_524 : vector<16xf32> to vector<1x16xf32>
        tpu.vector_store %arg11[%swap3A_525, %swap3A_526], %swap3A_529 {strides = array<i32>} : memref<128x64xf32, #tpu.memory_space<vmem>>, vector<1x16xf32>,
        %get3A_530 = arith.index_cast %add3A_517 : i32 to index
        %get3A_531 = arith.constant 16 : index
        %get3A_532 = tpu.vector_load %arg7[%get3A_530, %get3A_531] {strides = array<i32>} : memref<128x128xf32, #tpu.memory_space<vmem>>, vector<1x16xf32>,
        %get3A_533 = vector.shape_cast %get3A_532 : vector<1x16xf32> to vector<16xf32>
        %mul3A_534 = arith.constant 8.000000e+00 : f32
        %mul3A_535 = vector.broadcast %mul3A_534 : f32 to vector<16xf32>
        %mul3A_536 = arith.mulf %get3A_533, %mul3A_535 : vector<16xf32>
        %swap3A_537 = arith.index_cast %add3A_517 : i32 to index
        %swap3A_538 = arith.constant 16 : index
        %swap3A_539 = tpu.vector_load %arg11[%swap3A_537, %swap3A_538] {strides = array<i32>} : memref<128x64xf32, #tpu.memory_space<vmem>>, vector<1x16xf32>,
        %swap3A_540 = vector.shape_cast %swap3A_539 : vector<1x16xf32> to vector<16xf32>
        %swap3A_541 = vector.shape_cast %mul3A_536 : vector<16xf32> to vector<1x16xf32>
        tpu.vector_store %arg11[%swap3A_537, %swap3A_538], %swap3A_541 {strides = array<i32>} : memref<128x64xf32, #tpu.memory_space<vmem>>, vector<1x16xf32>,
        %get3A_542 = arith.index_cast %add3A_517 : i32 to index
        %get3A_543 = arith.constant 32 : index
        %get3A_544 = tpu.vector_load %arg7[%get3A_542, %get3A_543] {strides = array<i32>} : memref<128x128xf32, #tpu.memory_space<vmem>>, vector<1x16xf32>,
        %get3A_545 = vector.shape_cast %get3A_544 : vector<1x16xf32> to vector<16xf32>
        %mul3A_546 = arith.constant 8.000000e+00 : f32
        %mul3A_547 = vector.broadcast %mul3A_546 : f32 to vector<16xf32>
        %mul3A_548 = arith.mulf %get3A_545, %mul3A_547 : vector<16xf32>
        %swap3A_549 = arith.index_cast %add3A_517 : i32 to index
        %swap3A_550 = arith.constant 32 : index
        %swap3A_551 = tpu.vector_load %arg11[%swap3A_549, %swap3A_550] {strides = array<i32>} : memref<128x64xf32, #tpu.memory_space<vmem>>, vector<1x16xf32>,
        %swap3A_552 = vector.shape_cast %swap3A_551 : vector<1x16xf32> to vector<16xf32>
        %swap3A_553 = vector.shape_cast %mul3A_548 : vector<16xf32> to vector<1x16xf32>
        tpu.vector_store %arg11[%swap3A_549, %swap3A_550], %swap3A_553 {strides = array<i32>} : memref<128x64xf32, #tpu.memory_space<vmem>>, vector<1x16xf32>,
        %get3A_554 = arith.index_cast %add3A_517 : i32 to index
        %get3A_555 = arith.constant 48 : index
        %get3A_556 = tpu.vector_load %arg7[%get3A_554, %get3A_555] {strides = array<i32>} : memref<128x128xf32, #tpu.memory_space<vmem>>, vector<1x16xf32>,
        %get3A_557 = vector.shape_cast %get3A_556 : vector<1x16xf32> to vector<16xf32>
        %mul3A_558 = arith.constant 8.000000e+00 : f32
        %mul3A_559 = vector.broadcast %mul3A_558 : f32 to vector<16xf32>
        %mul3A_560 = arith.mulf %get3A_557, %mul3A_559 : vector<16xf32>
        %swap3A_561 = arith.index_cast %add3A_517 : i32 to index
        %swap3A_562 = arith.constant 48 : index
        %swap3A_563 = tpu.vector_load %arg11[%swap3A_561, %swap3A_562] {strides = array<i32>} : memref<128x64xf32, #tpu.memory_space<vmem>>, vector<1x16xf32>,
        %swap3A_564 = vector.shape_cast %swap3A_563 : vector<1x16xf32> to vector<16xf32>
        %swap3A_565 = vector.shape_cast %mul3A_560 : vector<16xf32> to vector<1x16xf32>
        tpu.vector_store %arg11[%swap3A_561, %swap3A_562], %swap3A_565 {strides = array<i32>} : memref<128x64xf32, #tpu.memory_space<vmem>>, vector<1x16xf32>,
        %scan3A_566 = arith.constant 5 : i32
        %scan3A_567 = arith.addi %scan3A_299, %scan3A_566 : i32
        %mul3A_568 = arith.constant 1 : i32
        %mul3A_569 = arith.muli %scan3A_567, %mul3A_568 : i32
        %add3A_570 = arith.constant 0 : i32
        %add3A_571 = arith.addi %add3A_570, %mul3A_569 : i32
        %get3A_572 = arith.index_cast %add3A_571 : i32 to index
        %get3A_573 = arith.constant 0 : index
        %get3A_574 = tpu.vector_load %arg7[%get3A_572, %get3A_573] {strides = array<i32>} : memref<128x128xf32, #tpu.memory_space<vmem>>, vector<1x16xf32>,
        %get3A_575 = vector.shape_cast %get3A_574 : vector<1x16xf32> to vector<16xf32>
        %mul3A_576 = arith.constant 8.000000e+00 : f32
        %mul3A_577 = vector.broadcast %mul3A_576 : f32 to vector<16xf32>
        %mul3A_578 = arith.mulf %get3A_575, %mul3A_577 : vector<16xf32>
        %swap3A_579 = arith.index_cast %add3A_571 : i32 to index
        %swap3A_580 = arith.constant 0 : index
        %swap3A_581 = tpu.vector_load %arg11[%swap3A_579, %swap3A_580] {strides = array<i32>} : memref<128x64xf32, #tpu.memory_space<vmem>>, vector<1x16xf32>,
        %swap3A_582 = vector.shape_cast %swap3A_581 : vector<1x16xf32> to vector<16xf32>
        %swap3A_583 = vector.shape_cast %mul3A_578 : vector<16xf32> to vector<1x16xf32>
        tpu.vector_store %arg11[%swap3A_579, %swap3A_580], %swap3A_583 {strides = array<i32>} : memref<128x64xf32, #tpu.memory_space<vmem>>, vector<1x16xf32>,
        %get3A_584 = arith.index_cast %add3A_571 : i32 to index
        %get3A_585 = arith.constant 16 : index
        %get3A_586 = tpu.vector_load %arg7[%get3A_584, %get3A_585] {strides = array<i32>} : memref<128x128xf32, #tpu.memory_space<vmem>>, vector<1x16xf32>,
        %get3A_587 = vector.shape_cast %get3A_586 : vector<1x16xf32> to vector<16xf32>
        %mul3A_588 = arith.constant 8.000000e+00 : f32
        %mul3A_589 = vector.broadcast %mul3A_588 : f32 to vector<16xf32>
        %mul3A_590 = arith.mulf %get3A_587, %mul3A_589 : vector<16xf32>
        %swap3A_591 = arith.index_cast %add3A_571 : i32 to index
        %swap3A_592 = arith.constant 16 : index
        %swap3A_593 = tpu.vector_load %arg11[%swap3A_591, %swap3A_592] {strides = array<i32>} : memref<128x64xf32, #tpu.memory_space<vmem>>, vector<1x16xf32>,
        %swap3A_594 = vector.shape_cast %swap3A_593 : vector<1x16xf32> to vector<16xf32>
        %swap3A_595 = vector.shape_cast %mul3A_590 : vector<16xf32> to vector<1x16xf32>
        tpu.vector_store %arg11[%swap3A_591, %swap3A_592], %swap3A_595 {strides = array<i32>} : memref<128x64xf32, #tpu.memory_space<vmem>>, vector<1x16xf32>,
        %get3A_596 = arith.index_cast %add3A_571 : i32 to index
        %get3A_597 = arith.constant 32 : index
        %get3A_598 = tpu.vector_load %arg7[%get3A_596, %get3A_597] {strides = array<i32>} : memref<128x128xf32, #tpu.memory_space<vmem>>, vector<1x16xf32>,
        %get3A_599 = vector.shape_cast %get3A_598 : vector<1x16xf32> to vector<16xf32>
        %mul3A_600 = arith.constant 8.000000e+00 : f32
        %mul3A_601 = vector.broadcast %mul3A_600 : f32 to vector<16xf32>
        %mul3A_602 = arith.mulf %get3A_599, %mul3A_601 : vector<16xf32>
        %swap3A_603 = arith.index_cast %add3A_571 : i32 to index
        %swap3A_604 = arith.constant 32 : index
        %swap3A_605 = tpu.vector_load %arg11[%swap3A_603, %swap3A_604] {strides = array<i32>} : memref<128x64xf32, #tpu.memory_space<vmem>>, vector<1x16xf32>,
        %swap3A_606 = vector.shape_cast %swap3A_605 : vector<1x16xf32> to vector<16xf32>
        %swap3A_607 = vector.shape_cast %mul3A_602 : vector<16xf32> to vector<1x16xf32>
        tpu.vector_store %arg11[%swap3A_603, %swap3A_604], %swap3A_607 {strides = array<i32>} : memref<128x64xf32, #tpu.memory_space<vmem>>, vector<1x16xf32>,
        %get3A_608 = arith.index_cast %add3A_571 : i32 to index
        %get3A_609 = arith.constant 48 : index
        %get3A_610 = tpu.vector_load %arg7[%get3A_608, %get3A_609] {strides = array<i32>} : memref<128x128xf32, #tpu.memory_space<vmem>>, vector<1x16xf32>,
        %get3A_611 = vector.shape_cast %get3A_610 : vector<1x16xf32> to vector<16xf32>
        %mul3A_612 = arith.constant 8.000000e+00 : f32
        %mul3A_613 = vector.broadcast %mul3A_612 : f32 to vector<16xf32>
        %mul3A_614 = arith.mulf %get3A_611, %mul3A_613 : vector<16xf32>
        %swap3A_615 = arith.index_cast %add3A_571 : i32 to index
        %swap3A_616 = arith.constant 48 : index
        %swap3A_617 = tpu.vector_load %arg11[%swap3A_615, %swap3A_616] {strides = array<i32>} : memref<128x64xf32, #tpu.memory_space<vmem>>, vector<1x16xf32>,
        %swap3A_618 = vector.shape_cast %swap3A_617 : vector<1x16xf32> to vector<16xf32>
        %swap3A_619 = vector.shape_cast %mul3A_614 : vector<16xf32> to vector<1x16xf32>
        tpu.vector_store %arg11[%swap3A_615, %swap3A_616], %swap3A_619 {strides = array<i32>} : memref<128x64xf32, #tpu.memory_space<vmem>>, vector<1x16xf32>,
        %scan3A_620 = arith.constant 6 : i32
        %scan3A_621 = arith.addi %scan3A_299, %scan3A_620 : i32
        %mul3A_622 = arith.constant 1 : i32
        %mul3A_623 = arith.muli %scan3A_621, %mul3A_622 : i32
        %add3A_624 = arith.constant 0 : i32
        %add3A_625 = arith.addi %add3A_624, %mul3A_623 : i32
        %get3A_626 = arith.index_cast %add3A_625 : i32 to index
        %get3A_627 = arith.constant 0 : index
        %get3A_628 = tpu.vector_load %arg7[%get3A_626, %get3A_627] {strides = array<i32>} : memref<128x128xf32, #tpu.memory_space<vmem>>, vector<1x16xf32>,
        %get3A_629 = vector.shape_cast %get3A_628 : vector<1x16xf32> to vector<16xf32>
        %mul3A_630 = arith.constant 8.000000e+00 : f32
        %mul3A_631 = vector.broadcast %mul3A_630 : f32 to vector<16xf32>
        %mul3A_632 = arith.mulf %get3A_629, %mul3A_631 : vector<16xf32>
        %swap3A_633 = arith.index_cast %add3A_625 : i32 to index
        %swap3A_634 = arith.constant 0 : index
        %swap3A_635 = tpu.vector_load %arg11[%swap3A_633, %swap3A_634] {strides = array<i32>} : memref<128x64xf32, #tpu.memory_space<vmem>>, vector<1x16xf32>,
        %swap3A_636 = vector.shape_cast %swap3A_635 : vector<1x16xf32> to vector<16xf32>
        %swap3A_637 = vector.shape_cast %mul3A_632 : vector<16xf32> to vector<1x16xf32>
        tpu.vector_store %arg11[%swap3A_633, %swap3A_634], %swap3A_637 {strides = array<i32>} : memref<128x64xf32, #tpu.memory_space<vmem>>, vector<1x16xf32>,
        %get3A_638 = arith.index_cast %add3A_625 : i32 to index
        %get3A_639 = arith.constant 16 : index
        %get3A_640 = tpu.vector_load %arg7[%get3A_638, %get3A_639] {strides = array<i32>} : memref<128x128xf32, #tpu.memory_space<vmem>>, vector<1x16xf32>,
        %get3A_641 = vector.shape_cast %get3A_640 : vector<1x16xf32> to vector<16xf32>
        %mul3A_642 = arith.constant 8.000000e+00 : f32
        %mul3A_643 = vector.broadcast %mul3A_642 : f32 to vector<16xf32>
        %mul3A_644 = arith.mulf %get3A_641, %mul3A_643 : vector<16xf32>
        %swap3A_645 = arith.index_cast %add3A_625 : i32 to index
        %swap3A_646 = arith.constant 16 : index
        %swap3A_647 = tpu.vector_load %arg11[%swap3A_645, %swap3A_646] {strides = array<i32>} : memref<128x64xf32, #tpu.memory_space<vmem>>, vector<1x16xf32>,
        %swap3A_648 = vector.shape_cast %swap3A_647 : vector<1x16xf32> to vector<16xf32>
        %swap3A_649 = vector.shape_cast %mul3A_644 : vector<16xf32> to vector<1x16xf32>
        tpu.vector_store %arg11[%swap3A_645, %swap3A_646], %swap3A_649 {strides = array<i32>} : memref<128x64xf32, #tpu.memory_space<vmem>>, vector<1x16xf32>,
        %get3A_650 = arith.index_cast %add3A_625 : i32 to index
        %get3A_651 = arith.constant 32 : index
        %get3A_652 = tpu.vector_load %arg7[%get3A_650, %get3A_651] {strides = array<i32>} : memref<128x128xf32, #tpu.memory_space<vmem>>, vector<1x16xf32>,
        %get3A_653 = vector.shape_cast %get3A_652 : vector<1x16xf32> to vector<16xf32>
        %mul3A_654 = arith.constant 8.000000e+00 : f32
        %mul3A_655 = vector.broadcast %mul3A_654 : f32 to vector<16xf32>
        %mul3A_656 = arith.mulf %get3A_653, %mul3A_655 : vector<16xf32>
        %swap3A_657 = arith.index_cast %add3A_625 : i32 to index
        %swap3A_658 = arith.constant 32 : index
        %swap3A_659 = tpu.vector_load %arg11[%swap3A_657, %swap3A_658] {strides = array<i32>} : memref<128x64xf32, #tpu.memory_space<vmem>>, vector<1x16xf32>,
        %swap3A_660 = vector.shape_cast %swap3A_659 : vector<1x16xf32> to vector<16xf32>
        %swap3A_661 = vector.shape_cast %mul3A_656 : vector<16xf32> to vector<1x16xf32>
        tpu.vector_store %arg11[%swap3A_657, %swap3A_658], %swap3A_661 {strides = array<i32>} : memref<128x64xf32, #tpu.memory_space<vmem>>, vector<1x16xf32>,
        %get3A_662 = arith.index_cast %add3A_625 : i32 to index
        %get3A_663 = arith.constant 48 : index
        %get3A_664 = tpu.vector_load %arg7[%get3A_662, %get3A_663] {strides = array<i32>} : memref<128x128xf32, #tpu.memory_space<vmem>>, vector<1x16xf32>,
        %get3A_665 = vector.shape_cast %get3A_664 : vector<1x16xf32> to vector<16xf32>
        %mul3A_666 = arith.constant 8.000000e+00 : f32
        %mul3A_667 = vector.broadcast %mul3A_666 : f32 to vector<16xf32>
        %mul3A_668 = arith.mulf %get3A_665, %mul3A_667 : vector<16xf32>
        %swap3A_669 = arith.index_cast %add3A_625 : i32 to index
        %swap3A_670 = arith.constant 48 : index
        %swap3A_671 = tpu.vector_load %arg11[%swap3A_669, %swap3A_670] {strides = array<i32>} : memref<128x64xf32, #tpu.memory_space<vmem>>, vector<1x16xf32>,
        %swap3A_672 = vector.shape_cast %swap3A_671 : vector<1x16xf32> to vector<16xf32>
        %swap3A_673 = vector.shape_cast %mul3A_668 : vector<16xf32> to vector<1x16xf32>
        tpu.vector_store %arg11[%swap3A_669, %swap3A_670], %swap3A_673 {strides = array<i32>} : memref<128x64xf32, #tpu.memory_space<vmem>>, vector<1x16xf32>,
        %scan3A_674 = arith.constant 7 : i32
        %scan3A_675 = arith.addi %scan3A_299, %scan3A_674 : i32
        %mul3A_676 = arith.constant 1 : i32
        %mul3A_677 = arith.muli %scan3A_675, %mul3A_676 : i32
        %add3A_678 = arith.constant 0 : i32
        %add3A_679 = arith.addi %add3A_678, %mul3A_677 : i32
        %get3A_680 = arith.index_cast %add3A_679 : i32 to index
        %get3A_681 = arith.constant 0 : index
        %get3A_682 = tpu.vector_load %arg7[%get3A_680, %get3A_681] {strides = array<i32>} : memref<128x128xf32, #tpu.memory_space<vmem>>, vector<1x16xf32>,
        %get3A_683 = vector.shape_cast %get3A_682 : vector<1x16xf32> to vector<16xf32>
        %mul3A_684 = arith.constant 8.000000e+00 : f32
        %mul3A_685 = vector.broadcast %mul3A_684 : f32 to vector<16xf32>
        %mul3A_686 = arith.mulf %get3A_683, %mul3A_685 : vector<16xf32>
        %swap3A_687 = arith.index_cast %add3A_679 : i32 to index
        %swap3A_688 = arith.constant 0 : index
        %swap3A_689 = tpu.vector_load %arg11[%swap3A_687, %swap3A_688] {strides = array<i32>} : memref<128x64xf32, #tpu.memory_space<vmem>>, vector<1x16xf32>,
        %swap3A_690 = vector.shape_cast %swap3A_689 : vector<1x16xf32> to vector<16xf32>
        %swap3A_691 = vector.shape_cast %mul3A_686 : vector<16xf32> to vector<1x16xf32>
        tpu.vector_store %arg11[%swap3A_687, %swap3A_688], %swap3A_691 {strides = array<i32>} : memref<128x64xf32, #tpu.memory_space<vmem>>, vector<1x16xf32>,
        %get3A_692 = arith.index_cast %add3A_679 : i32 to index
        %get3A_693 = arith.constant 16 : index
        %get3A_694 = tpu.vector_load %arg7[%get3A_692, %get3A_693] {strides = array<i32>} : memref<128x128xf32, #tpu.memory_space<vmem>>, vector<1x16xf32>,
        %get3A_695 = vector.shape_cast %get3A_694 : vector<1x16xf32> to vector<16xf32>
        %mul3A_696 = arith.constant 8.000000e+00 : f32
        %mul3A_697 = vector.broadcast %mul3A_696 : f32 to vector<16xf32>
        %mul3A_698 = arith.mulf %get3A_695, %mul3A_697 : vector<16xf32>
        %swap3A_699 = arith.index_cast %add3A_679 : i32 to index
        %swap3A_700 = arith.constant 16 : index
        %swap3A_701 = tpu.vector_load %arg11[%swap3A_699, %swap3A_700] {strides = array<i32>} : memref<128x64xf32, #tpu.memory_space<vmem>>, vector<1x16xf32>,
        %swap3A_702 = vector.shape_cast %swap3A_701 : vector<1x16xf32> to vector<16xf32>
        %swap3A_703 = vector.shape_cast %mul3A_698 : vector<16xf32> to vector<1x16xf32>
        tpu.vector_store %arg11[%swap3A_699, %swap3A_700], %swap3A_703 {strides = array<i32>} : memref<128x64xf32, #tpu.memory_space<vmem>>, vector<1x16xf32>,
        %get3A_704 = arith.index_cast %add3A_679 : i32 to index
        %get3A_705 = arith.constant 32 : index
        %get3A_706 = tpu.vector_load %arg7[%get3A_704, %get3A_705] {strides = array<i32>} : memref<128x128xf32, #tpu.memory_space<vmem>>, vector<1x16xf32>,
        %get3A_707 = vector.shape_cast %get3A_706 : vector<1x16xf32> to vector<16xf32>
        %mul3A_708 = arith.constant 8.000000e+00 : f32
        %mul3A_709 = vector.broadcast %mul3A_708 : f32 to vector<16xf32>
        %mul3A_710 = arith.mulf %get3A_707, %mul3A_709 : vector<16xf32>
        %swap3A_711 = arith.index_cast %add3A_679 : i32 to index
        %swap3A_712 = arith.constant 32 : index
        %swap3A_713 = tpu.vector_load %arg11[%swap3A_711, %swap3A_712] {strides = array<i32>} : memref<128x64xf32, #tpu.memory_space<vmem>>, vector<1x16xf32>,
        %swap3A_714 = vector.shape_cast %swap3A_713 : vector<1x16xf32> to vector<16xf32>
        %swap3A_715 = vector.shape_cast %mul3A_710 : vector<16xf32> to vector<1x16xf32>
        tpu.vector_store %arg11[%swap3A_711, %swap3A_712], %swap3A_715 {strides = array<i32>} : memref<128x64xf32, #tpu.memory_space<vmem>>, vector<1x16xf32>,
        %get3A_716 = arith.index_cast %add3A_679 : i32 to index
        %get3A_717 = arith.constant 48 : index
        %get3A_718 = tpu.vector_load %arg7[%get3A_716, %get3A_717] {strides = array<i32>} : memref<128x128xf32, #tpu.memory_space<vmem>>, vector<1x16xf32>,
        %get3A_719 = vector.shape_cast %get3A_718 : vector<1x16xf32> to vector<16xf32>
        %mul3A_720 = arith.constant 8.000000e+00 : f32
        %mul3A_721 = vector.broadcast %mul3A_720 : f32 to vector<16xf32>
        %mul3A_722 = arith.mulf %get3A_719, %mul3A_721 : vector<16xf32>
        %swap3A_723 = arith.index_cast %add3A_679 : i32 to index
        %swap3A_724 = arith.constant 48 : index
        %swap3A_725 = tpu.vector_load %arg11[%swap3A_723, %swap3A_724] {strides = array<i32>} : memref<128x64xf32, #tpu.memory_space<vmem>>, vector<1x16xf32>,
        %swap3A_726 = vector.shape_cast %swap3A_725 : vector<1x16xf32> to vector<16xf32>
        %swap3A_727 = vector.shape_cast %mul3A_722 : vector<16xf32> to vector<1x16xf32>
        tpu.vector_store %arg11[%swap3A_723, %swap3A_724], %swap3A_727 {strides = array<i32>} : memref<128x64xf32, #tpu.memory_space<vmem>>, vector<1x16xf32>,
      }
      %scan3A_218 = arith.constant 128 : i32
      %mul3A_219 = arith.constant 128 : i32
      %mul3A_220 = arith.muli %mul3A_219, %add3A_192 : i32
      %add3A_221 = arith.addi %mul3A_4, %mul3A_220 : i32
      %multiple_of3A_222 = tpu.assume_multiple %add3A_221, 8 : i32
      %dma_start3A_223 = arith.constant 0 : i32
      %dma_start3A_224 = tpu.memref_slice %arg4[%multiple_of3A_222, %dma_start3A_223] : memref<819200x64xf32, #tpu.memory_space<hbm>> -> memref<128x64xf32, #tpu.memory_space<hbm>>
      %dma_start3A_225 = arith.constant 0 : i32
      %dma_start3A_226 = tpu.memref_slice %arg4[%multiple_of3A_222, %dma_start3A_225] : memref<819200x64xf32, #tpu.memory_space<hbm>> -> memref<128x64xf32, #tpu.memory_space<hbm>>
      tpu.enqueue_dma source(%arg11 : memref<128x64xf32, #tpu.memory_space<vmem>>) target(%dma_start3A_226 : memref<128x64xf32, #tpu.memory_space<hbm>>) target_semaphore(%arg17 : memref<!tpu.dma_semaphore, #tpu.memory_space<semaphore_mem>>)
      %add3A_227 = arith.constant 2 : i32
      %add3A_228 = arith.addi %mul3A_158, %add3A_227 : i32
      %add3A_229 = arith.constant 4 : i32
      %add3A_230 = arith.addi %add3A_228, %add3A_229 : i32
      %sub3A_231 = arith.constant 1 : i32
      %sub3A_232 = arith.subi %add3A_230, %sub3A_231 : i32
      %lt3A_233 = arith.constant 200 : i32
      %lt3A_234 = arith.cmpi slt, %sub3A_232, %lt3A_233 : i32
      %convert_element_type3A_235 = arith.extui %lt3A_234 : i1 to i32
      %cond3A_236 = arith.constant 0 : i32
      %cond3A_237 = arith.cmpi ne, %convert_element_type3A_235, %cond3A_236 : i32
      scf.if %cond3A_237 {
        %add3A_299 = arith.constant 4 : i32
        %add3A_300 = arith.addi %add3A_228, %add3A_299 : i32
        %sub3A_301 = arith.constant 1 : i32
        %sub3A_302 = arith.subi %add3A_300, %sub3A_301 : i32
        %dma_start3A_303 = arith.constant 0 : i32
        %dma_start3A_304 = tpu.memref_slice %arg5[%sub3A_302, %dma_start3A_303] : memref<200x128xi32, #tpu.memory_space<vmem>> -> memref<1x128xi32, #tpu.memory_space<vmem>>
        %dma_start3A_305 = tpu.memref_squeeze %dma_start3A_304 : memref<1x128xi32, #tpu.memory_space<vmem>> -> memref<128xi32, #tpu.memory_space<vmem>>
        %dma_start3A_306 = arith.constant 0 : i32
        %dma_start3A_307 = arith.constant 0 : i32
        %dma_start3A_308 = tpu.memref_slice %arg3[%dma_start3A_306, %dma_start3A_307] : memref<1000000x128xf32, #tpu.memory_space<hbm>> -> memref<1000000x128xf32, #tpu.memory_space<hbm>>
        tpu.enqueue_indirect_dma source(%dma_start3A_308 : memref<1000000x128xf32, #tpu.memory_space<hbm>>) target(%arg7 : memref<128x128xf32, #tpu.memory_space<vmem>>) offsets(%dma_start3A_305 : memref<128xi32, #tpu.memory_space<vmem>>) semaphore(%arg13 : memref<!tpu.dma_semaphore, #tpu.memory_space<semaphore_mem>>)
      } else {
      }
      %dma_wait3A_238 = arith.constant 0 : i32
      %dma_wait3A_239 = arith.constant 0 : i32
      %dma_wait3A_240 = tpu.memref_slice %arg3[%dma_wait3A_238, %dma_wait3A_239] : memref<1000000x128xf32, #tpu.memory_space<hbm>> -> memref<128x128xf32, #tpu.memory_space<hbm>>
      %dma_wait3A_241 = arith.constant 0 : i32
      %dma_wait3A_242 = arith.constant 0 : i32
      %dma_wait3A_243 = tpu.memref_slice %arg3[%dma_wait3A_241, %dma_wait3A_242] : memref<1000000x128xf32, #tpu.memory_space<hbm>> -> memref<128x128xf32, #tpu.memory_space<hbm>>
      tpu.wait_dma2 semaphore(%arg14 : memref<!tpu.dma_semaphore, #tpu.memory_space<semaphore_mem>>) src(%dma_wait3A_243 : memref<128x128xf32, #tpu.memory_space<hbm>>) dst(%arg8 : memref<128x128xf32, #tpu.memory_space<vmem>>)
      %dma_wait3A_244 = arith.constant 0 : i32
      %dma_wait3A_245 = arith.constant 0 : i32
      %dma_wait3A_246 = tpu.memref_slice %arg4[%dma_wait3A_244, %dma_wait3A_245] : memref<819200x64xf32, #tpu.memory_space<hbm>> -> memref<128x64xf32, #tpu.memory_space<hbm>>
      %dma_wait3A_247 = arith.constant 0 : i32
      %dma_wait3A_248 = arith.constant 0 : i32
      %dma_wait3A_249 = tpu.memref_slice %arg4[%dma_wait3A_247, %dma_wait3A_248] : memref<819200x64xf32, #tpu.memory_space<hbm>> -> memref<128x64xf32, #tpu.memory_space<hbm>>
      tpu.wait_dma2 semaphore(%arg16 : memref<!tpu.dma_semaphore, #tpu.memory_space<semaphore_mem>>) src(%arg10 : memref<128x64xf32, #tpu.memory_space<vmem>>) dst(%dma_wait3A_249 : memref<128x64xf32, #tpu.memory_space<hbm>>)
      %scan3A_250 = arith.constant 0 : i32
      %scan3A_251 = arith.constant 128 : i32
      %scan3A_252 = arith.addi %scan3A_250, %scan3A_251 : i32
      %scan3A_253 = arith.constant 8 : i32
      scf.for %scan3A_299 = %scan3A_250 to %scan3A_252 step %scan3A_253  : i32 {
        %mul3A_300 = arith.constant 1 : i32
        %mul3A_301 = arith.muli %scan3A_299, %mul3A_300 : i32
        %add3A_302 = arith.constant 0 : i32
        %add3A_303 = arith.addi %add3A_302, %mul3A_301 : i32
        %get3A = arith.index_cast %add3A_303 : i32 to index
        %get3A_304 = arith.constant 0 : index
        %get3A_305 = tpu.vector_load %arg8[%get3A, %get3A_304] {strides = array<i32>} : memref<128x128xf32, #tpu.memory_space<vmem>>, vector<1x16xf32>,
        %get3A_306 = vector.shape_cast %get3A_305 : vector<1x16xf32> to vector<16xf32>
        %mul3A_307 = arith.constant 8.000000e+00 : f32
        %mul3A_308 = vector.broadcast %mul3A_307 : f32 to vector<16xf32>
        %mul3A_309 = arith.mulf %get3A_306, %mul3A_308 : vector<16xf32>
        %swap3A = arith.index_cast %add3A_303 : i32 to index
        %swap3A_310 = arith.constant 0 : index
        %swap3A_311 = tpu.vector_load %arg10[%swap3A, %swap3A_310] {strides = array<i32>} : memref<128x64xf32, #tpu.memory_space<vmem>>, vector<1x16xf32>,
        %swap3A_312 = vector.shape_cast %swap3A_311 : vector<1x16xf32> to vector<16xf32>
        %swap3A_313 = vector.shape_cast %mul3A_309 : vector<16xf32> to vector<1x16xf32>
        tpu.vector_store %arg10[%swap3A, %swap3A_310], %swap3A_313 {strides = array<i32>} : memref<128x64xf32, #tpu.memory_space<vmem>>, vector<1x16xf32>,
        %get3A_314 = arith.index_cast %add3A_303 : i32 to index
        %get3A_315 = arith.constant 16 : index
        %get3A_316 = tpu.vector_load %arg8[%get3A_314, %get3A_315] {strides = array<i32>} : memref<128x128xf32, #tpu.memory_space<vmem>>, vector<1x16xf32>,
        %get3A_317 = vector.shape_cast %get3A_316 : vector<1x16xf32> to vector<16xf32>
        %mul3A_318 = arith.constant 8.000000e+00 : f32
        %mul3A_319 = vector.broadcast %mul3A_318 : f32 to vector<16xf32>
        %mul3A_320 = arith.mulf %get3A_317, %mul3A_319 : vector<16xf32>
        %swap3A_321 = arith.index_cast %add3A_303 : i32 to index
        %swap3A_322 = arith.constant 16 : index
        %swap3A_323 = tpu.vector_load %arg10[%swap3A_321, %swap3A_322] {strides = array<i32>} : memref<128x64xf32, #tpu.memory_space<vmem>>, vector<1x16xf32>,
        %swap3A_324 = vector.shape_cast %swap3A_323 : vector<1x16xf32> to vector<16xf32>
        %swap3A_325 = vector.shape_cast %mul3A_320 : vector<16xf32> to vector<1x16xf32>
        tpu.vector_store %arg10[%swap3A_321, %swap3A_322], %swap3A_325 {strides = array<i32>} : memref<128x64xf32, #tpu.memory_space<vmem>>, vector<1x16xf32>,
        %get3A_326 = arith.index_cast %add3A_303 : i32 to index
        %get3A_327 = arith.constant 32 : index
        %get3A_328 = tpu.vector_load %arg8[%get3A_326, %get3A_327] {strides = array<i32>} : memref<128x128xf32, #tpu.memory_space<vmem>>, vector<1x16xf32>,
        %get3A_329 = vector.shape_cast %get3A_328 : vector<1x16xf32> to vector<16xf32>
        %mul3A_330 = arith.constant 8.000000e+00 : f32
        %mul3A_331 = vector.broadcast %mul3A_330 : f32 to vector<16xf32>
        %mul3A_332 = arith.mulf %get3A_329, %mul3A_331 : vector<16xf32>
        %swap3A_333 = arith.index_cast %add3A_303 : i32 to index
        %swap3A_334 = arith.constant 32 : index
        %swap3A_335 = tpu.vector_load %arg10[%swap3A_333, %swap3A_334] {strides = array<i32>} : memref<128x64xf32, #tpu.memory_space<vmem>>, vector<1x16xf32>,
        %swap3A_336 = vector.shape_cast %swap3A_335 : vector<1x16xf32> to vector<16xf32>
        %swap3A_337 = vector.shape_cast %mul3A_332 : vector<16xf32> to vector<1x16xf32>
        tpu.vector_store %arg10[%swap3A_333, %swap3A_334], %swap3A_337 {strides = array<i32>} : memref<128x64xf32, #tpu.memory_space<vmem>>, vector<1x16xf32>,
        %get3A_338 = arith.index_cast %add3A_303 : i32 to index
        %get3A_339 = arith.constant 48 : index
        %get3A_340 = tpu.vector_load %arg8[%get3A_338, %get3A_339] {strides = array<i32>} : memref<128x128xf32, #tpu.memory_space<vmem>>, vector<1x16xf32>,
        %get3A_341 = vector.shape_cast %get3A_340 : vector<1x16xf32> to vector<16xf32>
        %mul3A_342 = arith.constant 8.000000e+00 : f32
        %mul3A_343 = vector.broadcast %mul3A_342 : f32 to vector<16xf32>
        %mul3A_344 = arith.mulf %get3A_341, %mul3A_343 : vector<16xf32>
        %swap3A_345 = arith.index_cast %add3A_303 : i32 to index
        %swap3A_346 = arith.constant 48 : index
        %swap3A_347 = tpu.vector_load %arg10[%swap3A_345, %swap3A_346] {strides = array<i32>} : memref<128x64xf32, #tpu.memory_space<vmem>>, vector<1x16xf32>,
        %swap3A_348 = vector.shape_cast %swap3A_347 : vector<1x16xf32> to vector<16xf32>
        %swap3A_349 = vector.shape_cast %mul3A_344 : vector<16xf32> to vector<1x16xf32>
        tpu.vector_store %arg10[%swap3A_345, %swap3A_346], %swap3A_349 {strides = array<i32>} : memref<128x64xf32, #tpu.memory_space<vmem>>, vector<1x16xf32>,
        %scan3A_350 = arith.constant 1 : i32
        %scan3A_351 = arith.addi %scan3A_299, %scan3A_350 : i32
        %mul3A_352 = arith.constant 1 : i32
        %mul3A_353 = arith.muli %scan3A_351, %mul3A_352 : i32
        %add3A_354 = arith.constant 0 : i32
        %add3A_355 = arith.addi %add3A_354, %mul3A_353 : i32
        %get3A_356 = arith.index_cast %add3A_355 : i32 to index
        %get3A_357 = arith.constant 0 : index
        %get3A_358 = tpu.vector_load %arg8[%get3A_356, %get3A_357] {strides = array<i32>} : memref<128x128xf32, #tpu.memory_space<vmem>>, vector<1x16xf32>,
        %get3A_359 = vector.shape_cast %get3A_358 : vector<1x16xf32> to vector<16xf32>
        %mul3A_360 = arith.constant 8.000000e+00 : f32
        %mul3A_361 = vector.broadcast %mul3A_360 : f32 to vector<16xf32>
        %mul3A_362 = arith.mulf %get3A_359, %mul3A_361 : vector<16xf32>
        %swap3A_363 = arith.index_cast %add3A_355 : i32 to index
        %swap3A_364 = arith.constant 0 : index
        %swap3A_365 = tpu.vector_load %arg10[%swap3A_363, %swap3A_364] {strides = array<i32>} : memref<128x64xf32, #tpu.memory_space<vmem>>, vector<1x16xf32>,
        %swap3A_366 = vector.shape_cast %swap3A_365 : vector<1x16xf32> to vector<16xf32>
        %swap3A_367 = vector.shape_cast %mul3A_362 : vector<16xf32> to vector<1x16xf32>
        tpu.vector_store %arg10[%swap3A_363, %swap3A_364], %swap3A_367 {strides = array<i32>} : memref<128x64xf32, #tpu.memory_space<vmem>>, vector<1x16xf32>,
        %get3A_368 = arith.index_cast %add3A_355 : i32 to index
        %get3A_369 = arith.constant 16 : index
        %get3A_370 = tpu.vector_load %arg8[%get3A_368, %get3A_369] {strides = array<i32>} : memref<128x128xf32, #tpu.memory_space<vmem>>, vector<1x16xf32>,
        %get3A_371 = vector.shape_cast %get3A_370 : vector<1x16xf32> to vector<16xf32>
        %mul3A_372 = arith.constant 8.000000e+00 : f32
        %mul3A_373 = vector.broadcast %mul3A_372 : f32 to vector<16xf32>
        %mul3A_374 = arith.mulf %get3A_371, %mul3A_373 : vector<16xf32>
        %swap3A_375 = arith.index_cast %add3A_355 : i32 to index
        %swap3A_376 = arith.constant 16 : index
        %swap3A_377 = tpu.vector_load %arg10[%swap3A_375, %swap3A_376] {strides = array<i32>} : memref<128x64xf32, #tpu.memory_space<vmem>>, vector<1x16xf32>,
        %swap3A_378 = vector.shape_cast %swap3A_377 : vector<1x16xf32> to vector<16xf32>
        %swap3A_379 = vector.shape_cast %mul3A_374 : vector<16xf32> to vector<1x16xf32>
        tpu.vector_store %arg10[%swap3A_375, %swap3A_376], %swap3A_379 {strides = array<i32>} : memref<128x64xf32, #tpu.memory_space<vmem>>, vector<1x16xf32>,
        %get3A_380 = arith.index_cast %add3A_355 : i32 to index
        %get3A_381 = arith.constant 32 : index
        %get3A_382 = tpu.vector_load %arg8[%get3A_380, %get3A_381] {strides = array<i32>} : memref<128x128xf32, #tpu.memory_space<vmem>>, vector<1x16xf32>,
        %get3A_383 = vector.shape_cast %get3A_382 : vector<1x16xf32> to vector<16xf32>
        %mul3A_384 = arith.constant 8.000000e+00 : f32
        %mul3A_385 = vector.broadcast %mul3A_384 : f32 to vector<16xf32>
        %mul3A_386 = arith.mulf %get3A_383, %mul3A_385 : vector<16xf32>
        %swap3A_387 = arith.index_cast %add3A_355 : i32 to index
        %swap3A_388 = arith.constant 32 : index
        %swap3A_389 = tpu.vector_load %arg10[%swap3A_387, %swap3A_388] {strides = array<i32>} : memref<128x64xf32, #tpu.memory_space<vmem>>, vector<1x16xf32>,
        %swap3A_390 = vector.shape_cast %swap3A_389 : vector<1x16xf32> to vector<16xf32>
        %swap3A_391 = vector.shape_cast %mul3A_386 : vector<16xf32> to vector<1x16xf32>
        tpu.vector_store %arg10[%swap3A_387, %swap3A_388], %swap3A_391 {strides = array<i32>} : memref<128x64xf32, #tpu.memory_space<vmem>>, vector<1x16xf32>,
        %get3A_392 = arith.index_cast %add3A_355 : i32 to index
        %get3A_393 = arith.constant 48 : index
        %get3A_394 = tpu.vector_load %arg8[%get3A_392, %get3A_393] {strides = array<i32>} : memref<128x128xf32, #tpu.memory_space<vmem>>, vector<1x16xf32>,
        %get3A_395 = vector.shape_cast %get3A_394 : vector<1x16xf32> to vector<16xf32>
        %mul3A_396 = arith.constant 8.000000e+00 : f32
        %mul3A_397 = vector.broadcast %mul3A_396 : f32 to vector<16xf32>
        %mul3A_398 = arith.mulf %get3A_395, %mul3A_397 : vector<16xf32>
        %swap3A_399 = arith.index_cast %add3A_355 : i32 to index
        %swap3A_400 = arith.constant 48 : index
        %swap3A_401 = tpu.vector_load %arg10[%swap3A_399, %swap3A_400] {strides = array<i32>} : memref<128x64xf32, #tpu.memory_space<vmem>>, vector<1x16xf32>,
        %swap3A_402 = vector.shape_cast %swap3A_401 : vector<1x16xf32> to vector<16xf32>
        %swap3A_403 = vector.shape_cast %mul3A_398 : vector<16xf32> to vector<1x16xf32>
        tpu.vector_store %arg10[%swap3A_399, %swap3A_400], %swap3A_403 {strides = array<i32>} : memref<128x64xf32, #tpu.memory_space<vmem>>, vector<1x16xf32>,
        %scan3A_404 = arith.constant 2 : i32
        %scan3A_405 = arith.addi %scan3A_299, %scan3A_404 : i32
        %mul3A_406 = arith.constant 1 : i32
        %mul3A_407 = arith.muli %scan3A_405, %mul3A_406 : i32
        %add3A_408 = arith.constant 0 : i32
        %add3A_409 = arith.addi %add3A_408, %mul3A_407 : i32
        %get3A_410 = arith.index_cast %add3A_409 : i32 to index
        %get3A_411 = arith.constant 0 : index
        %get3A_412 = tpu.vector_load %arg8[%get3A_410, %get3A_411] {strides = array<i32>} : memref<128x128xf32, #tpu.memory_space<vmem>>, vector<1x16xf32>,
        %get3A_413 = vector.shape_cast %get3A_412 : vector<1x16xf32> to vector<16xf32>
        %mul3A_414 = arith.constant 8.000000e+00 : f32
        %mul3A_415 = vector.broadcast %mul3A_414 : f32 to vector<16xf32>
        %mul3A_416 = arith.mulf %get3A_413, %mul3A_415 : vector<16xf32>
        %swap3A_417 = arith.index_cast %add3A_409 : i32 to index
        %swap3A_418 = arith.constant 0 : index
        %swap3A_419 = tpu.vector_load %arg10[%swap3A_417, %swap3A_418] {strides = array<i32>} : memref<128x64xf32, #tpu.memory_space<vmem>>, vector<1x16xf32>,
        %swap3A_420 = vector.shape_cast %swap3A_419 : vector<1x16xf32> to vector<16xf32>
        %swap3A_421 = vector.shape_cast %mul3A_416 : vector<16xf32> to vector<1x16xf32>
        tpu.vector_store %arg10[%swap3A_417, %swap3A_418], %swap3A_421 {strides = array<i32>} : memref<128x64xf32, #tpu.memory_space<vmem>>, vector<1x16xf32>,
        %get3A_422 = arith.index_cast %add3A_409 : i32 to index
        %get3A_423 = arith.constant 16 : index
        %get3A_424 = tpu.vector_load %arg8[%get3A_422, %get3A_423] {strides = array<i32>} : memref<128x128xf32, #tpu.memory_space<vmem>>, vector<1x16xf32>,
        %get3A_425 = vector.shape_cast %get3A_424 : vector<1x16xf32> to vector<16xf32>
        %mul3A_426 = arith.constant 8.000000e+00 : f32
        %mul3A_427 = vector.broadcast %mul3A_426 : f32 to vector<16xf32>
        %mul3A_428 = arith.mulf %get3A_425, %mul3A_427 : vector<16xf32>
        %swap3A_429 = arith.index_cast %add3A_409 : i32 to index
        %swap3A_430 = arith.constant 16 : index
        %swap3A_431 = tpu.vector_load %arg10[%swap3A_429, %swap3A_430] {strides = array<i32>} : memref<128x64xf32, #tpu.memory_space<vmem>>, vector<1x16xf32>,
        %swap3A_432 = vector.shape_cast %swap3A_431 : vector<1x16xf32> to vector<16xf32>
        %swap3A_433 = vector.shape_cast %mul3A_428 : vector<16xf32> to vector<1x16xf32>
        tpu.vector_store %arg10[%swap3A_429, %swap3A_430], %swap3A_433 {strides = array<i32>} : memref<128x64xf32, #tpu.memory_space<vmem>>, vector<1x16xf32>,
        %get3A_434 = arith.index_cast %add3A_409 : i32 to index
        %get3A_435 = arith.constant 32 : index
        %get3A_436 = tpu.vector_load %arg8[%get3A_434, %get3A_435] {strides = array<i32>} : memref<128x128xf32, #tpu.memory_space<vmem>>, vector<1x16xf32>,
        %get3A_437 = vector.shape_cast %get3A_436 : vector<1x16xf32> to vector<16xf32>
        %mul3A_438 = arith.constant 8.000000e+00 : f32
        %mul3A_439 = vector.broadcast %mul3A_438 : f32 to vector<16xf32>
        %mul3A_440 = arith.mulf %get3A_437, %mul3A_439 : vector<16xf32>
        %swap3A_441 = arith.index_cast %add3A_409 : i32 to index
        %swap3A_442 = arith.constant 32 : index
        %swap3A_443 = tpu.vector_load %arg10[%swap3A_441, %swap3A_442] {strides = array<i32>} : memref<128x64xf32, #tpu.memory_space<vmem>>, vector<1x16xf32>,
        %swap3A_444 = vector.shape_cast %swap3A_443 : vector<1x16xf32> to vector<16xf32>
        %swap3A_445 = vector.shape_cast %mul3A_440 : vector<16xf32> to vector<1x16xf32>
        tpu.vector_store %arg10[%swap3A_441, %swap3A_442], %swap3A_445 {strides = array<i32>} : memref<128x64xf32, #tpu.memory_space<vmem>>, vector<1x16xf32>,
        %get3A_446 = arith.index_cast %add3A_409 : i32 to index
        %get3A_447 = arith.constant 48 : index
        %get3A_448 = tpu.vector_load %arg8[%get3A_446, %get3A_447] {strides = array<i32>} : memref<128x128xf32, #tpu.memory_space<vmem>>, vector<1x16xf32>,
        %get3A_449 = vector.shape_cast %get3A_448 : vector<1x16xf32> to vector<16xf32>
        %mul3A_450 = arith.constant 8.000000e+00 : f32
        %mul3A_451 = vector.broadcast %mul3A_450 : f32 to vector<16xf32>
        %mul3A_452 = arith.mulf %get3A_449, %mul3A_451 : vector<16xf32>
        %swap3A_453 = arith.index_cast %add3A_409 : i32 to index
        %swap3A_454 = arith.constant 48 : index
        %swap3A_455 = tpu.vector_load %arg10[%swap3A_453, %swap3A_454] {strides = array<i32>} : memref<128x64xf32, #tpu.memory_space<vmem>>, vector<1x16xf32>,
        %swap3A_456 = vector.shape_cast %swap3A_455 : vector<1x16xf32> to vector<16xf32>
        %swap3A_457 = vector.shape_cast %mul3A_452 : vector<16xf32> to vector<1x16xf32>
        tpu.vector_store %arg10[%swap3A_453, %swap3A_454], %swap3A_457 {strides = array<i32>} : memref<128x64xf32, #tpu.memory_space<vmem>>, vector<1x16xf32>,
        %scan3A_458 = arith.constant 3 : i32
        %scan3A_459 = arith.addi %scan3A_299, %scan3A_458 : i32
        %mul3A_460 = arith.constant 1 : i32
        %mul3A_461 = arith.muli %scan3A_459, %mul3A_460 : i32
        %add3A_462 = arith.constant 0 : i32
        %add3A_463 = arith.addi %add3A_462, %mul3A_461 : i32
        %get3A_464 = arith.index_cast %add3A_463 : i32 to index
        %get3A_465 = arith.constant 0 : index
        %get3A_466 = tpu.vector_load %arg8[%get3A_464, %get3A_465] {strides = array<i32>} : memref<128x128xf32, #tpu.memory_space<vmem>>, vector<1x16xf32>,
        %get3A_467 = vector.shape_cast %get3A_466 : vector<1x16xf32> to vector<16xf32>
        %mul3A_468 = arith.constant 8.000000e+00 : f32
        %mul3A_469 = vector.broadcast %mul3A_468 : f32 to vector<16xf32>
        %mul3A_470 = arith.mulf %get3A_467, %mul3A_469 : vector<16xf32>
        %swap3A_471 = arith.index_cast %add3A_463 : i32 to index
        %swap3A_472 = arith.constant 0 : index
        %swap3A_473 = tpu.vector_load %arg10[%swap3A_471, %swap3A_472] {strides = array<i32>} : memref<128x64xf32, #tpu.memory_space<vmem>>, vector<1x16xf32>,
        %swap3A_474 = vector.shape_cast %swap3A_473 : vector<1x16xf32> to vector<16xf32>
        %swap3A_475 = vector.shape_cast %mul3A_470 : vector<16xf32> to vector<1x16xf32>
        tpu.vector_store %arg10[%swap3A_471, %swap3A_472], %swap3A_475 {strides = array<i32>} : memref<128x64xf32, #tpu.memory_space<vmem>>, vector<1x16xf32>,
        %get3A_476 = arith.index_cast %add3A_463 : i32 to index
        %get3A_477 = arith.constant 16 : index
        %get3A_478 = tpu.vector_load %arg8[%get3A_476, %get3A_477] {strides = array<i32>} : memref<128x128xf32, #tpu.memory_space<vmem>>, vector<1x16xf32>,
        %get3A_479 = vector.shape_cast %get3A_478 : vector<1x16xf32> to vector<16xf32>
        %mul3A_480 = arith.constant 8.000000e+00 : f32
        %mul3A_481 = vector.broadcast %mul3A_480 : f32 to vector<16xf32>
        %mul3A_482 = arith.mulf %get3A_479, %mul3A_481 : vector<16xf32>
        %swap3A_483 = arith.index_cast %add3A_463 : i32 to index
        %swap3A_484 = arith.constant 16 : index
        %swap3A_485 = tpu.vector_load %arg10[%swap3A_483, %swap3A_484] {strides = array<i32>} : memref<128x64xf32, #tpu.memory_space<vmem>>, vector<1x16xf32>,
        %swap3A_486 = vector.shape_cast %swap3A_485 : vector<1x16xf32> to vector<16xf32>
        %swap3A_487 = vector.shape_cast %mul3A_482 : vector<16xf32> to vector<1x16xf32>
        tpu.vector_store %arg10[%swap3A_483, %swap3A_484], %swap3A_487 {strides = array<i32>} : memref<128x64xf32, #tpu.memory_space<vmem>>, vector<1x16xf32>,
        %get3A_488 = arith.index_cast %add3A_463 : i32 to index
        %get3A_489 = arith.constant 32 : index
        %get3A_490 = tpu.vector_load %arg8[%get3A_488, %get3A_489] {strides = array<i32>} : memref<128x128xf32, #tpu.memory_space<vmem>>, vector<1x16xf32>,
        %get3A_491 = vector.shape_cast %get3A_490 : vector<1x16xf32> to vector<16xf32>
        %mul3A_492 = arith.constant 8.000000e+00 : f32
        %mul3A_493 = vector.broadcast %mul3A_492 : f32 to vector<16xf32>
        %mul3A_494 = arith.mulf %get3A_491, %mul3A_493 : vector<16xf32>
        %swap3A_495 = arith.index_cast %add3A_463 : i32 to index
        %swap3A_496 = arith.constant 32 : index
        %swap3A_497 = tpu.vector_load %arg10[%swap3A_495, %swap3A_496] {strides = array<i32>} : memref<128x64xf32, #tpu.memory_space<vmem>>, vector<1x16xf32>,
        %swap3A_498 = vector.shape_cast %swap3A_497 : vector<1x16xf32> to vector<16xf32>
        %swap3A_499 = vector.shape_cast %mul3A_494 : vector<16xf32> to vector<1x16xf32>
        tpu.vector_store %arg10[%swap3A_495, %swap3A_496], %swap3A_499 {strides = array<i32>} : memref<128x64xf32, #tpu.memory_space<vmem>>, vector<1x16xf32>,
        %get3A_500 = arith.index_cast %add3A_463 : i32 to index
        %get3A_501 = arith.constant 48 : index
        %get3A_502 = tpu.vector_load %arg8[%get3A_500, %get3A_501] {strides = array<i32>} : memref<128x128xf32, #tpu.memory_space<vmem>>, vector<1x16xf32>,
        %get3A_503 = vector.shape_cast %get3A_502 : vector<1x16xf32> to vector<16xf32>
        %mul3A_504 = arith.constant 8.000000e+00 : f32
        %mul3A_505 = vector.broadcast %mul3A_504 : f32 to vector<16xf32>
        %mul3A_506 = arith.mulf %get3A_503, %mul3A_505 : vector<16xf32>
        %swap3A_507 = arith.index_cast %add3A_463 : i32 to index
        %swap3A_508 = arith.constant 48 : index
        %swap3A_509 = tpu.vector_load %arg10[%swap3A_507, %swap3A_508] {strides = array<i32>} : memref<128x64xf32, #tpu.memory_space<vmem>>, vector<1x16xf32>,
        %swap3A_510 = vector.shape_cast %swap3A_509 : vector<1x16xf32> to vector<16xf32>
        %swap3A_511 = vector.shape_cast %mul3A_506 : vector<16xf32> to vector<1x16xf32>
        tpu.vector_store %arg10[%swap3A_507, %swap3A_508], %swap3A_511 {strides = array<i32>} : memref<128x64xf32, #tpu.memory_space<vmem>>, vector<1x16xf32>,
        %scan3A_512 = arith.constant 4 : i32
        %scan3A_513 = arith.addi %scan3A_299, %scan3A_512 : i32
        %mul3A_514 = arith.constant 1 : i32
        %mul3A_515 = arith.muli %scan3A_513, %mul3A_514 : i32
        %add3A_516 = arith.constant 0 : i32
        %add3A_517 = arith.addi %add3A_516, %mul3A_515 : i32
        %get3A_518 = arith.index_cast %add3A_517 : i32 to index
        %get3A_519 = arith.constant 0 : index
        %get3A_520 = tpu.vector_load %arg8[%get3A_518, %get3A_519] {strides = array<i32>} : memref<128x128xf32, #tpu.memory_space<vmem>>, vector<1x16xf32>,
        %get3A_521 = vector.shape_cast %get3A_520 : vector<1x16xf32> to vector<16xf32>
        %mul3A_522 = arith.constant 8.000000e+00 : f32
        %mul3A_523 = vector.broadcast %mul3A_522 : f32 to vector<16xf32>
        %mul3A_524 = arith.mulf %get3A_521, %mul3A_523 : vector<16xf32>
        %swap3A_525 = arith.index_cast %add3A_517 : i32 to index
        %swap3A_526 = arith.constant 0 : index
        %swap3A_527 = tpu.vector_load %arg10[%swap3A_525, %swap3A_526] {strides = array<i32>} : memref<128x64xf32, #tpu.memory_space<vmem>>, vector<1x16xf32>,
        %swap3A_528 = vector.shape_cast %swap3A_527 : vector<1x16xf32> to vector<16xf32>
        %swap3A_529 = vector.shape_cast %mul3A_524 : vector<16xf32> to vector<1x16xf32>
        tpu.vector_store %arg10[%swap3A_525, %swap3A_526], %swap3A_529 {strides = array<i32>} : memref<128x64xf32, #tpu.memory_space<vmem>>, vector<1x16xf32>,
        %get3A_530 = arith.index_cast %add3A_517 : i32 to index
        %get3A_531 = arith.constant 16 : index
        %get3A_532 = tpu.vector_load %arg8[%get3A_530, %get3A_531] {strides = array<i32>} : memref<128x128xf32, #tpu.memory_space<vmem>>, vector<1x16xf32>,
        %get3A_533 = vector.shape_cast %get3A_532 : vector<1x16xf32> to vector<16xf32>
        %mul3A_534 = arith.constant 8.000000e+00 : f32
        %mul3A_535 = vector.broadcast %mul3A_534 : f32 to vector<16xf32>
        %mul3A_536 = arith.mulf %get3A_533, %mul3A_535 : vector<16xf32>
        %swap3A_537 = arith.index_cast %add3A_517 : i32 to index
        %swap3A_538 = arith.constant 16 : index
        %swap3A_539 = tpu.vector_load %arg10[%swap3A_537, %swap3A_538] {strides = array<i32>} : memref<128x64xf32, #tpu.memory_space<vmem>>, vector<1x16xf32>,
        %swap3A_540 = vector.shape_cast %swap3A_539 : vector<1x16xf32> to vector<16xf32>
        %swap3A_541 = vector.shape_cast %mul3A_536 : vector<16xf32> to vector<1x16xf32>
        tpu.vector_store %arg10[%swap3A_537, %swap3A_538], %swap3A_541 {strides = array<i32>} : memref<128x64xf32, #tpu.memory_space<vmem>>, vector<1x16xf32>,
        %get3A_542 = arith.index_cast %add3A_517 : i32 to index
        %get3A_543 = arith.constant 32 : index
        %get3A_544 = tpu.vector_load %arg8[%get3A_542, %get3A_543] {strides = array<i32>} : memref<128x128xf32, #tpu.memory_space<vmem>>, vector<1x16xf32>,
        %get3A_545 = vector.shape_cast %get3A_544 : vector<1x16xf32> to vector<16xf32>
        %mul3A_546 = arith.constant 8.000000e+00 : f32
        %mul3A_547 = vector.broadcast %mul3A_546 : f32 to vector<16xf32>
        %mul3A_548 = arith.mulf %get3A_545, %mul3A_547 : vector<16xf32>
        %swap3A_549 = arith.index_cast %add3A_517 : i32 to index
        %swap3A_550 = arith.constant 32 : index
        %swap3A_551 = tpu.vector_load %arg10[%swap3A_549, %swap3A_550] {strides = array<i32>} : memref<128x64xf32, #tpu.memory_space<vmem>>, vector<1x16xf32>,
        %swap3A_552 = vector.shape_cast %swap3A_551 : vector<1x16xf32> to vector<16xf32>
        %swap3A_553 = vector.shape_cast %mul3A_548 : vector<16xf32> to vector<1x16xf32>
        tpu.vector_store %arg10[%swap3A_549, %swap3A_550], %swap3A_553 {strides = array<i32>} : memref<128x64xf32, #tpu.memory_space<vmem>>, vector<1x16xf32>,
        %get3A_554 = arith.index_cast %add3A_517 : i32 to index
        %get3A_555 = arith.constant 48 : index
        %get3A_556 = tpu.vector_load %arg8[%get3A_554, %get3A_555] {strides = array<i32>} : memref<128x128xf32, #tpu.memory_space<vmem>>, vector<1x16xf32>,
        %get3A_557 = vector.shape_cast %get3A_556 : vector<1x16xf32> to vector<16xf32>
        %mul3A_558 = arith.constant 8.000000e+00 : f32
        %mul3A_559 = vector.broadcast %mul3A_558 : f32 to vector<16xf32>
        %mul3A_560 = arith.mulf %get3A_557, %mul3A_559 : vector<16xf32>
        %swap3A_561 = arith.index_cast %add3A_517 : i32 to index
        %swap3A_562 = arith.constant 48 : index
        %swap3A_563 = tpu.vector_load %arg10[%swap3A_561, %swap3A_562] {strides = array<i32>} : memref<128x64xf32, #tpu.memory_space<vmem>>, vector<1x16xf32>,
        %swap3A_564 = vector.shape_cast %swap3A_563 : vector<1x16xf32> to vector<16xf32>
        %swap3A_565 = vector.shape_cast %mul3A_560 : vector<16xf32> to vector<1x16xf32>
        tpu.vector_store %arg10[%swap3A_561, %swap3A_562], %swap3A_565 {strides = array<i32>} : memref<128x64xf32, #tpu.memory_space<vmem>>, vector<1x16xf32>,
        %scan3A_566 = arith.constant 5 : i32
        %scan3A_567 = arith.addi %scan3A_299, %scan3A_566 : i32
        %mul3A_568 = arith.constant 1 : i32
        %mul3A_569 = arith.muli %scan3A_567, %mul3A_568 : i32
        %add3A_570 = arith.constant 0 : i32
        %add3A_571 = arith.addi %add3A_570, %mul3A_569 : i32
        %get3A_572 = arith.index_cast %add3A_571 : i32 to index
        %get3A_573 = arith.constant 0 : index
        %get3A_574 = tpu.vector_load %arg8[%get3A_572, %get3A_573] {strides = array<i32>} : memref<128x128xf32, #tpu.memory_space<vmem>>, vector<1x16xf32>,
        %get3A_575 = vector.shape_cast %get3A_574 : vector<1x16xf32> to vector<16xf32>
        %mul3A_576 = arith.constant 8.000000e+00 : f32
        %mul3A_577 = vector.broadcast %mul3A_576 : f32 to vector<16xf32>
        %mul3A_578 = arith.mulf %get3A_575, %mul3A_577 : vector<16xf32>
        %swap3A_579 = arith.index_cast %add3A_571 : i32 to index
        %swap3A_580 = arith.constant 0 : index
        %swap3A_581 = tpu.vector_load %arg10[%swap3A_579, %swap3A_580] {strides = array<i32>} : memref<128x64xf32, #tpu.memory_space<vmem>>, vector<1x16xf32>,
        %swap3A_582 = vector.shape_cast %swap3A_581 : vector<1x16xf32> to vector<16xf32>
        %swap3A_583 = vector.shape_cast %mul3A_578 : vector<16xf32> to vector<1x16xf32>
        tpu.vector_store %arg10[%swap3A_579, %swap3A_580], %swap3A_583 {strides = array<i32>} : memref<128x64xf32, #tpu.memory_space<vmem>>, vector<1x16xf32>,
        %get3A_584 = arith.index_cast %add3A_571 : i32 to index
        %get3A_585 = arith.constant 16 : index
        %get3A_586 = tpu.vector_load %arg8[%get3A_584, %get3A_585] {strides = array<i32>} : memref<128x128xf32, #tpu.memory_space<vmem>>, vector<1x16xf32>,
        %get3A_587 = vector.shape_cast %get3A_586 : vector<1x16xf32> to vector<16xf32>
        %mul3A_588 = arith.constant 8.000000e+00 : f32
        %mul3A_589 = vector.broadcast %mul3A_588 : f32 to vector<16xf32>
        %mul3A_590 = arith.mulf %get3A_587, %mul3A_589 : vector<16xf32>
        %swap3A_591 = arith.index_cast %add3A_571 : i32 to index
        %swap3A_592 = arith.constant 16 : index
        %swap3A_593 = tpu.vector_load %arg10[%swap3A_591, %swap3A_592] {strides = array<i32>} : memref<128x64xf32, #tpu.memory_space<vmem>>, vector<1x16xf32>,
        %swap3A_594 = vector.shape_cast %swap3A_593 : vector<1x16xf32> to vector<16xf32>
        %swap3A_595 = vector.shape_cast %mul3A_590 : vector<16xf32> to vector<1x16xf32>
        tpu.vector_store %arg10[%swap3A_591, %swap3A_592], %swap3A_595 {strides = array<i32>} : memref<128x64xf32, #tpu.memory_space<vmem>>, vector<1x16xf32>,
        %get3A_596 = arith.index_cast %add3A_571 : i32 to index
        %get3A_597 = arith.constant 32 : index
        %get3A_598 = tpu.vector_load %arg8[%get3A_596, %get3A_597] {strides = array<i32>} : memref<128x128xf32, #tpu.memory_space<vmem>>, vector<1x16xf32>,
        %get3A_599 = vector.shape_cast %get3A_598 : vector<1x16xf32> to vector<16xf32>
        %mul3A_600 = arith.constant 8.000000e+00 : f32
        %mul3A_601 = vector.broadcast %mul3A_600 : f32 to vector<16xf32>
        %mul3A_602 = arith.mulf %get3A_599, %mul3A_601 : vector<16xf32>
        %swap3A_603 = arith.index_cast %add3A_571 : i32 to index
        %swap3A_604 = arith.constant 32 : index
        %swap3A_605 = tpu.vector_load %arg10[%swap3A_603, %swap3A_604] {strides = array<i32>} : memref<128x64xf32, #tpu.memory_space<vmem>>, vector<1x16xf32>,
        %swap3A_606 = vector.shape_cast %swap3A_605 : vector<1x16xf32> to vector<16xf32>
        %swap3A_607 = vector.shape_cast %mul3A_602 : vector<16xf32> to vector<1x16xf32>
        tpu.vector_store %arg10[%swap3A_603, %swap3A_604], %swap3A_607 {strides = array<i32>} : memref<128x64xf32, #tpu.memory_space<vmem>>, vector<1x16xf32>,
        %get3A_608 = arith.index_cast %add3A_571 : i32 to index
        %get3A_609 = arith.constant 48 : index
        %get3A_610 = tpu.vector_load %arg8[%get3A_608, %get3A_609] {strides = array<i32>} : memref<128x128xf32, #tpu.memory_space<vmem>>, vector<1x16xf32>,
        %get3A_611 = vector.shape_cast %get3A_610 : vector<1x16xf32> to vector<16xf32>
        %mul3A_612 = arith.constant 8.000000e+00 : f32
        %mul3A_613 = vector.broadcast %mul3A_612 : f32 to vector<16xf32>
        %mul3A_614 = arith.mulf %get3A_611, %mul3A_613 : vector<16xf32>
        %swap3A_615 = arith.index_cast %add3A_571 : i32 to index
        %swap3A_616 = arith.constant 48 : index
        %swap3A_617 = tpu.vector_load %arg10[%swap3A_615, %swap3A_616] {strides = array<i32>} : memref<128x64xf32, #tpu.memory_space<vmem>>, vector<1x16xf32>,
        %swap3A_618 = vector.shape_cast %swap3A_617 : vector<1x16xf32> to vector<16xf32>
        %swap3A_619 = vector.shape_cast %mul3A_614 : vector<16xf32> to vector<1x16xf32>
        tpu.vector_store %arg10[%swap3A_615, %swap3A_616], %swap3A_619 {strides = array<i32>} : memref<128x64xf32, #tpu.memory_space<vmem>>, vector<1x16xf32>,
        %scan3A_620 = arith.constant 6 : i32
        %scan3A_621 = arith.addi %scan3A_299, %scan3A_620 : i32
        %mul3A_622 = arith.constant 1 : i32
        %mul3A_623 = arith.muli %scan3A_621, %mul3A_622 : i32
        %add3A_624 = arith.constant 0 : i32
        %add3A_625 = arith.addi %add3A_624, %mul3A_623 : i32
        %get3A_626 = arith.index_cast %add3A_625 : i32 to index
        %get3A_627 = arith.constant 0 : index
        %get3A_628 = tpu.vector_load %arg8[%get3A_626, %get3A_627] {strides = array<i32>} : memref<128x128xf32, #tpu.memory_space<vmem>>, vector<1x16xf32>,
        %get3A_629 = vector.shape_cast %get3A_628 : vector<1x16xf32> to vector<16xf32>
        %mul3A_630 = arith.constant 8.000000e+00 : f32
        %mul3A_631 = vector.broadcast %mul3A_630 : f32 to vector<16xf32>
        %mul3A_632 = arith.mulf %get3A_629, %mul3A_631 : vector<16xf32>
        %swap3A_633 = arith.index_cast %add3A_625 : i32 to index
        %swap3A_634 = arith.constant 0 : index
        %swap3A_635 = tpu.vector_load %arg10[%swap3A_633, %swap3A_634] {strides = array<i32>} : memref<128x64xf32, #tpu.memory_space<vmem>>, vector<1x16xf32>,
        %swap3A_636 = vector.shape_cast %swap3A_635 : vector<1x16xf32> to vector<16xf32>
        %swap3A_637 = vector.shape_cast %mul3A_632 : vector<16xf32> to vector<1x16xf32>
        tpu.vector_store %arg10[%swap3A_633, %swap3A_634], %swap3A_637 {strides = array<i32>} : memref<128x64xf32, #tpu.memory_space<vmem>>, vector<1x16xf32>,
        %get3A_638 = arith.index_cast %add3A_625 : i32 to index
        %get3A_639 = arith.constant 16 : index
        %get3A_640 = tpu.vector_load %arg8[%get3A_638, %get3A_639] {strides = array<i32>} : memref<128x128xf32, #tpu.memory_space<vmem>>, vector<1x16xf32>,
        %get3A_641 = vector.shape_cast %get3A_640 : vector<1x16xf32> to vector<16xf32>
        %mul3A_642 = arith.constant 8.000000e+00 : f32
        %mul3A_643 = vector.broadcast %mul3A_642 : f32 to vector<16xf32>
        %mul3A_644 = arith.mulf %get3A_641, %mul3A_643 : vector<16xf32>
        %swap3A_645 = arith.index_cast %add3A_625 : i32 to index
        %swap3A_646 = arith.constant 16 : index
        %swap3A_647 = tpu.vector_load %arg10[%swap3A_645, %swap3A_646] {strides = array<i32>} : memref<128x64xf32, #tpu.memory_space<vmem>>, vector<1x16xf32>,
        %swap3A_648 = vector.shape_cast %swap3A_647 : vector<1x16xf32> to vector<16xf32>
        %swap3A_649 = vector.shape_cast %mul3A_644 : vector<16xf32> to vector<1x16xf32>
        tpu.vector_store %arg10[%swap3A_645, %swap3A_646], %swap3A_649 {strides = array<i32>} : memref<128x64xf32, #tpu.memory_space<vmem>>, vector<1x16xf32>,
        %get3A_650 = arith.index_cast %add3A_625 : i32 to index
        %get3A_651 = arith.constant 32 : index
        %get3A_652 = tpu.vector_load %arg8[%get3A_650, %get3A_651] {strides = array<i32>} : memref<128x128xf32, #tpu.memory_space<vmem>>, vector<1x16xf32>,
        %get3A_653 = vector.shape_cast %get3A_652 : vector<1x16xf32> to vector<16xf32>
        %mul3A_654 = arith.constant 8.000000e+00 : f32
        %mul3A_655 = vector.broadcast %mul3A_654 : f32 to vector<16xf32>
        %mul3A_656 = arith.mulf %get3A_653, %mul3A_655 : vector<16xf32>
        %swap3A_657 = arith.index_cast %add3A_625 : i32 to index
        %swap3A_658 = arith.constant 32 : index
        %swap3A_659 = tpu.vector_load %arg10[%swap3A_657, %swap3A_658] {strides = array<i32>} : memref<128x64xf32, #tpu.memory_space<vmem>>, vector<1x16xf32>,
        %swap3A_660 = vector.shape_cast %swap3A_659 : vector<1x16xf32> to vector<16xf32>
        %swap3A_661 = vector.shape_cast %mul3A_656 : vector<16xf32> to vector<1x16xf32>
        tpu.vector_store %arg10[%swap3A_657, %swap3A_658], %swap3A_661 {strides = array<i32>} : memref<128x64xf32, #tpu.memory_space<vmem>>, vector<1x16xf32>,
        %get3A_662 = arith.index_cast %add3A_625 : i32 to index
        %get3A_663 = arith.constant 48 : index
        %get3A_664 = tpu.vector_load %arg8[%get3A_662, %get3A_663] {strides = array<i32>} : memref<128x128xf32, #tpu.memory_space<vmem>>, vector<1x16xf32>,
        %get3A_665 = vector.shape_cast %get3A_664 : vector<1x16xf32> to vector<16xf32>
        %mul3A_666 = arith.constant 8.000000e+00 : f32
        %mul3A_667 = vector.broadcast %mul3A_666 : f32 to vector<16xf32>
        %mul3A_668 = arith.mulf %get3A_665, %mul3A_667 : vector<16xf32>
        %swap3A_669 = arith.index_cast %add3A_625 : i32 to index
        %swap3A_670 = arith.constant 48 : index
        %swap3A_671 = tpu.vector_load %arg10[%swap3A_669, %swap3A_670] {strides = array<i32>} : memref<128x64xf32, #tpu.memory_space<vmem>>, vector<1x16xf32>,
        %swap3A_672 = vector.shape_cast %swap3A_671 : vector<1x16xf32> to vector<16xf32>
        %swap3A_673 = vector.shape_cast %mul3A_668 : vector<16xf32> to vector<1x16xf32>
        tpu.vector_store %arg10[%swap3A_669, %swap3A_670], %swap3A_673 {strides = array<i32>} : memref<128x64xf32, #tpu.memory_space<vmem>>, vector<1x16xf32>,
        %scan3A_674 = arith.constant 7 : i32
        %scan3A_675 = arith.addi %scan3A_299, %scan3A_674 : i32
        %mul3A_676 = arith.constant 1 : i32
        %mul3A_677 = arith.muli %scan3A_675, %mul3A_676 : i32
        %add3A_678 = arith.constant 0 : i32
        %add3A_679 = arith.addi %add3A_678, %mul3A_677 : i32
        %get3A_680 = arith.index_cast %add3A_679 : i32 to index
        %get3A_681 = arith.constant 0 : index
        %get3A_682 = tpu.vector_load %arg8[%get3A_680, %get3A_681] {strides = array<i32>} : memref<128x128xf32, #tpu.memory_space<vmem>>, vector<1x16xf32>,
        %get3A_683 = vector.shape_cast %get3A_682 : vector<1x16xf32> to vector<16xf32>
        %mul3A_684 = arith.constant 8.000000e+00 : f32
        %mul3A_685 = vector.broadcast %mul3A_684 : f32 to vector<16xf32>
        %mul3A_686 = arith.mulf %get3A_683, %mul3A_685 : vector<16xf32>
        %swap3A_687 = arith.index_cast %add3A_679 : i32 to index
        %swap3A_688 = arith.constant 0 : index
        %swap3A_689 = tpu.vector_load %arg10[%swap3A_687, %swap3A_688] {strides = array<i32>} : memref<128x64xf32, #tpu.memory_space<vmem>>, vector<1x16xf32>,
        %swap3A_690 = vector.shape_cast %swap3A_689 : vector<1x16xf32> to vector<16xf32>
        %swap3A_691 = vector.shape_cast %mul3A_686 : vector<16xf32> to vector<1x16xf32>
        tpu.vector_store %arg10[%swap3A_687, %swap3A_688], %swap3A_691 {strides = array<i32>} : memref<128x64xf32, #tpu.memory_space<vmem>>, vector<1x16xf32>,
        %get3A_692 = arith.index_cast %add3A_679 : i32 to index
        %get3A_693 = arith.constant 16 : index
        %get3A_694 = tpu.vector_load %arg8[%get3A_692, %get3A_693] {strides = array<i32>} : memref<128x128xf32, #tpu.memory_space<vmem>>, vector<1x16xf32>,
        %get3A_695 = vector.shape_cast %get3A_694 : vector<1x16xf32> to vector<16xf32>
        %mul3A_696 = arith.constant 8.000000e+00 : f32
        %mul3A_697 = vector.broadcast %mul3A_696 : f32 to vector<16xf32>
        %mul3A_698 = arith.mulf %get3A_695, %mul3A_697 : vector<16xf32>
        %swap3A_699 = arith.index_cast %add3A_679 : i32 to index
        %swap3A_700 = arith.constant 16 : index
        %swap3A_701 = tpu.vector_load %arg10[%swap3A_699, %swap3A_700] {strides = array<i32>} : memref<128x64xf32, #tpu.memory_space<vmem>>, vector<1x16xf32>,
        %swap3A_702 = vector.shape_cast %swap3A_701 : vector<1x16xf32> to vector<16xf32>
        %swap3A_703 = vector.shape_cast %mul3A_698 : vector<16xf32> to vector<1x16xf32>
        tpu.vector_store %arg10[%swap3A_699, %swap3A_700], %swap3A_703 {strides = array<i32>} : memref<128x64xf32, #tpu.memory_space<vmem>>, vector<1x16xf32>,
        %get3A_704 = arith.index_cast %add3A_679 : i32 to index
        %get3A_705 = arith.constant 32 : index
        %get3A_706 = tpu.vector_load %arg8[%get3A_704, %get3A_705] {strides = array<i32>} : memref<128x128xf32, #tpu.memory_space<vmem>>, vector<1x16xf32>,
        %get3A_707 = vector.shape_cast %get3A_706 : vector<1x16xf32> to vector<16xf32>
        %mul3A_708 = arith.constant 8.000000e+00 : f32
        %mul3A_709 = vector.broadcast %mul3A_708 : f32 to vector<16xf32>
        %mul3A_710 = arith.mulf %get3A_707, %mul3A_709 : vector<16xf32>
        %swap3A_711 = arith.index_cast %add3A_679 : i32 to index
        %swap3A_712 = arith.constant 32 : index
        %swap3A_713 = tpu.vector_load %arg10[%swap3A_711, %swap3A_712] {strides = array<i32>} : memref<128x64xf32, #tpu.memory_space<vmem>>, vector<1x16xf32>,
        %swap3A_714 = vector.shape_cast %swap3A_713 : vector<1x16xf32> to vector<16xf32>
        %swap3A_715 = vector.shape_cast %mul3A_710 : vector<16xf32> to vector<1x16xf32>
        tpu.vector_store %arg10[%swap3A_711, %swap3A_712], %swap3A_715 {strides = array<i32>} : memref<128x64xf32, #tpu.memory_space<vmem>>, vector<1x16xf32>,
        %get3A_716 = arith.index_cast %add3A_679 : i32 to index
        %get3A_717 = arith.constant 48 : index
        %get3A_718 = tpu.vector_load %arg8[%get3A_716, %get3A_717] {strides = array<i32>} : memref<128x128xf32, #tpu.memory_space<vmem>>, vector<1x16xf32>,
        %get3A_719 = vector.shape_cast %get3A_718 : vector<1x16xf32> to vector<16xf32>
        %mul3A_720 = arith.constant 8.000000e+00 : f32
        %mul3A_721 = vector.broadcast %mul3A_720 : f32 to vector<16xf32>
        %mul3A_722 = arith.mulf %get3A_719, %mul3A_721 : vector<16xf32>
        %swap3A_723 = arith.index_cast %add3A_679 : i32 to index
        %swap3A_724 = arith.constant 48 : index
        %swap3A_725 = tpu.vector_load %arg10[%swap3A_723, %swap3A_724] {strides = array<i32>} : memref<128x64xf32, #tpu.memory_space<vmem>>, vector<1x16xf32>,
        %swap3A_726 = vector.shape_cast %swap3A_725 : vector<1x16xf32> to vector<16xf32>
        %swap3A_727 = vector.shape_cast %mul3A_722 : vector<16xf32> to vector<1x16xf32>
        tpu.vector_store %arg10[%swap3A_723, %swap3A_724], %swap3A_727 {strides = array<i32>} : memref<128x64xf32, #tpu.memory_space<vmem>>, vector<1x16xf32>,
      }
      %scan3A_254 = arith.constant 128 : i32
      %mul3A_255 = arith.constant 128 : i32
      %mul3A_256 = arith.muli %mul3A_255, %add3A_228 : i32
      %add3A_257 = arith.addi %mul3A_4, %mul3A_256 : i32
      %multiple_of3A_258 = tpu.assume_multiple %add3A_257, 8 : i32
      %dma_start3A_259 = arith.constant 0 : i32
      %dma_start3A_260 = tpu.memref_slice %arg4[%multiple_of3A_258, %dma_start3A_259] : memref<819200x64xf32, #tpu.memory_space<hbm>> -> memref<128x64xf32, #tpu.memory_space<hbm>>
      %dma_start3A_261 = arith.constant 0 : i32
      %dma_start3A_262 = tpu.memref_slice %arg4[%multiple_of3A_258, %dma_start3A_261] : memref<819200x64xf32, #tpu.memory_space<hbm>> -> memref<128x64xf32, #tpu.memory_space<hbm>>
      tpu.enqueue_dma source(%arg10 : memref<128x64xf32, #tpu.memory_space<vmem>>) target(%dma_start3A_262 : memref<128x64xf32, #tpu.memory_space<hbm>>) target_semaphore(%arg16 : memref<!tpu.dma_semaphore, #tpu.memory_space<semaphore_mem>>)
      %add3A_263 = arith.constant 3 : i32
      %add3A_264 = arith.addi %mul3A_158, %add3A_263 : i32
      %add3A_265 = arith.constant 4 : i32
      %add3A_266 = arith.addi %add3A_264, %add3A_265 : i32
      %sub3A_267 = arith.constant 1 : i32
      %sub3A_268 = arith.subi %add3A_266, %sub3A_267 : i32
      %lt3A_269 = arith.constant 200 : i32
      %lt3A_270 = arith.cmpi slt, %sub3A_268, %lt3A_269 : i32
      %convert_element_type3A_271 = arith.extui %lt3A_270 : i1 to i32
      %cond3A_272 = arith.constant 0 : i32
      %cond3A_273 = arith.cmpi ne, %convert_element_type3A_271, %cond3A_272 : i32
      scf.if %cond3A_273 {
        %add3A_299 = arith.constant 4 : i32
        %add3A_300 = arith.addi %add3A_264, %add3A_299 : i32
        %sub3A_301 = arith.constant 1 : i32
        %sub3A_302 = arith.subi %add3A_300, %sub3A_301 : i32
        %dma_start3A_303 = arith.constant 0 : i32
        %dma_start3A_304 = tpu.memref_slice %arg5[%sub3A_302, %dma_start3A_303] : memref<200x128xi32, #tpu.memory_space<vmem>> -> memref<1x128xi32, #tpu.memory_space<vmem>>
        %dma_start3A_305 = tpu.memref_squeeze %dma_start3A_304 : memref<1x128xi32, #tpu.memory_space<vmem>> -> memref<128xi32, #tpu.memory_space<vmem>>
        %dma_start3A_306 = arith.constant 0 : i32
        %dma_start3A_307 = arith.constant 0 : i32
        %dma_start3A_308 = tpu.memref_slice %arg3[%dma_start3A_306, %dma_start3A_307] : memref<1000000x128xf32, #tpu.memory_space<hbm>> -> memref<1000000x128xf32, #tpu.memory_space<hbm>>
        tpu.enqueue_indirect_dma source(%dma_start3A_308 : memref<1000000x128xf32, #tpu.memory_space<hbm>>) target(%arg8 : memref<128x128xf32, #tpu.memory_space<vmem>>) offsets(%dma_start3A_305 : memref<128xi32, #tpu.memory_space<vmem>>) semaphore(%arg14 : memref<!tpu.dma_semaphore, #tpu.memory_space<semaphore_mem>>)
      } else {
      }
      %dma_wait3A_274 = arith.constant 0 : i32
      %dma_wait3A_275 = arith.constant 0 : i32
      %dma_wait3A_276 = tpu.memref_slice %arg3[%dma_wait3A_274, %dma_wait3A_275] : memref<1000000x128xf32, #tpu.memory_space<hbm>> -> memref<128x128xf32, #tpu.memory_space<hbm>>
      %dma_wait3A_277 = arith.constant 0 : i32
      %dma_wait3A_278 = arith.constant 0 : i32
      %dma_wait3A_279 = tpu.memref_slice %arg3[%dma_wait3A_277, %dma_wait3A_278] : memref<1000000x128xf32, #tpu.memory_space<hbm>> -> memref<128x128xf32, #tpu.memory_space<hbm>>
      tpu.wait_dma2 semaphore(%arg15 : memref<!tpu.dma_semaphore, #tpu.memory_space<semaphore_mem>>) src(%dma_wait3A_279 : memref<128x128xf32, #tpu.memory_space<hbm>>) dst(%arg9 : memref<128x128xf32, #tpu.memory_space<vmem>>)
      %dma_wait3A_280 = arith.constant 0 : i32
      %dma_wait3A_281 = arith.constant 0 : i32
      %dma_wait3A_282 = tpu.memref_slice %arg4[%dma_wait3A_280, %dma_wait3A_281] : memref<819200x64xf32, #tpu.memory_space<hbm>> -> memref<128x64xf32, #tpu.memory_space<hbm>>
      %dma_wait3A_283 = arith.constant 0 : i32
      %dma_wait3A_284 = arith.constant 0 : i32
      %dma_wait3A_285 = tpu.memref_slice %arg4[%dma_wait3A_283, %dma_wait3A_284] : memref<819200x64xf32, #tpu.memory_space<hbm>> -> memref<128x64xf32, #tpu.memory_space<hbm>>
      tpu.wait_dma2 semaphore(%arg17 : memref<!tpu.dma_semaphore, #tpu.memory_space<semaphore_mem>>) src(%arg11 : memref<128x64xf32, #tpu.memory_space<vmem>>) dst(%dma_wait3A_285 : memref<128x64xf32, #tpu.memory_space<hbm>>)
      %scan3A_286 = arith.constant 0 : i32
      %scan3A_287 = arith.constant 128 : i32
      %scan3A_288 = arith.addi %scan3A_286, %scan3A_287 : i32
      %scan3A_289 = arith.constant 8 : i32
      scf.for %scan3A_299 = %scan3A_286 to %scan3A_288 step %scan3A_289  : i32 {
        %mul3A_300 = arith.constant 1 : i32
        %mul3A_301 = arith.muli %scan3A_299, %mul3A_300 : i32
        %add3A_302 = arith.constant 0 : i32
        %add3A_303 = arith.addi %add3A_302, %mul3A_301 : i32
        %get3A = arith.index_cast %add3A_303 : i32 to index
        %get3A_304 = arith.constant 0 : index
        %get3A_305 = tpu.vector_load %arg9[%get3A, %get3A_304] {strides = array<i32>} : memref<128x128xf32, #tpu.memory_space<vmem>>, vector<1x16xf32>,
        %get3A_306 = vector.shape_cast %get3A_305 : vector<1x16xf32> to vector<16xf32>
        %mul3A_307 = arith.constant 8.000000e+00 : f32
        %mul3A_308 = vector.broadcast %mul3A_307 : f32 to vector<16xf32>
        %mul3A_309 = arith.mulf %get3A_306, %mul3A_308 : vector<16xf32>
        %swap3A = arith.index_cast %add3A_303 : i32 to index
        %swap3A_310 = arith.constant 0 : index
        %swap3A_311 = tpu.vector_load %arg11[%swap3A, %swap3A_310] {strides = array<i32>} : memref<128x64xf32, #tpu.memory_space<vmem>>, vector<1x16xf32>,
        %swap3A_312 = vector.shape_cast %swap3A_311 : vector<1x16xf32> to vector<16xf32>
        %swap3A_313 = vector.shape_cast %mul3A_309 : vector<16xf32> to vector<1x16xf32>
        tpu.vector_store %arg11[%swap3A, %swap3A_310], %swap3A_313 {strides = array<i32>} : memref<128x64xf32, #tpu.memory_space<vmem>>, vector<1x16xf32>,
        %get3A_314 = arith.index_cast %add3A_303 : i32 to index
        %get3A_315 = arith.constant 16 : index
        %get3A_316 = tpu.vector_load %arg9[%get3A_314, %get3A_315] {strides = array<i32>} : memref<128x128xf32, #tpu.memory_space<vmem>>, vector<1x16xf32>,
        %get3A_317 = vector.shape_cast %get3A_316 : vector<1x16xf32> to vector<16xf32>
        %mul3A_318 = arith.constant 8.000000e+00 : f32
        %mul3A_319 = vector.broadcast %mul3A_318 : f32 to vector<16xf32>
        %mul3A_320 = arith.mulf %get3A_317, %mul3A_319 : vector<16xf32>
        %swap3A_321 = arith.index_cast %add3A_303 : i32 to index
        %swap3A_322 = arith.constant 16 : index
        %swap3A_323 = tpu.vector_load %arg11[%swap3A_321, %swap3A_322] {strides = array<i32>} : memref<128x64xf32, #tpu.memory_space<vmem>>, vector<1x16xf32>,
        %swap3A_324 = vector.shape_cast %swap3A_323 : vector<1x16xf32> to vector<16xf32>
        %swap3A_325 = vector.shape_cast %mul3A_320 : vector<16xf32> to vector<1x16xf32>
        tpu.vector_store %arg11[%swap3A_321, %swap3A_322], %swap3A_325 {strides = array<i32>} : memref<128x64xf32, #tpu.memory_space<vmem>>, vector<1x16xf32>,
        %get3A_326 = arith.index_cast %add3A_303 : i32 to index
        %get3A_327 = arith.constant 32 : index
        %get3A_328 = tpu.vector_load %arg9[%get3A_326, %get3A_327] {strides = array<i32>} : memref<128x128xf32, #tpu.memory_space<vmem>>, vector<1x16xf32>,
        %get3A_329 = vector.shape_cast %get3A_328 : vector<1x16xf32> to vector<16xf32>
        %mul3A_330 = arith.constant 8.000000e+00 : f32
        %mul3A_331 = vector.broadcast %mul3A_330 : f32 to vector<16xf32>
        %mul3A_332 = arith.mulf %get3A_329, %mul3A_331 : vector<16xf32>
        %swap3A_333 = arith.index_cast %add3A_303 : i32 to index
        %swap3A_334 = arith.constant 32 : index
        %swap3A_335 = tpu.vector_load %arg11[%swap3A_333, %swap3A_334] {strides = array<i32>} : memref<128x64xf32, #tpu.memory_space<vmem>>, vector<1x16xf32>,
        %swap3A_336 = vector.shape_cast %swap3A_335 : vector<1x16xf32> to vector<16xf32>
        %swap3A_337 = vector.shape_cast %mul3A_332 : vector<16xf32> to vector<1x16xf32>
        tpu.vector_store %arg11[%swap3A_333, %swap3A_334], %swap3A_337 {strides = array<i32>} : memref<128x64xf32, #tpu.memory_space<vmem>>, vector<1x16xf32>,
        %get3A_338 = arith.index_cast %add3A_303 : i32 to index
        %get3A_339 = arith.constant 48 : index
        %get3A_340 = tpu.vector_load %arg9[%get3A_338, %get3A_339] {strides = array<i32>} : memref<128x128xf32, #tpu.memory_space<vmem>>, vector<1x16xf32>,
        %get3A_341 = vector.shape_cast %get3A_340 : vector<1x16xf32> to vector<16xf32>
        %mul3A_342 = arith.constant 8.000000e+00 : f32
        %mul3A_343 = vector.broadcast %mul3A_342 : f32 to vector<16xf32>
        %mul3A_344 = arith.mulf %get3A_341, %mul3A_343 : vector<16xf32>
        %swap3A_345 = arith.index_cast %add3A_303 : i32 to index
        %swap3A_346 = arith.constant 48 : index
        %swap3A_347 = tpu.vector_load %arg11[%swap3A_345, %swap3A_346] {strides = array<i32>} : memref<128x64xf32, #tpu.memory_space<vmem>>, vector<1x16xf32>,
        %swap3A_348 = vector.shape_cast %swap3A_347 : vector<1x16xf32> to vector<16xf32>
        %swap3A_349 = vector.shape_cast %mul3A_344 : vector<16xf32> to vector<1x16xf32>
        tpu.vector_store %arg11[%swap3A_345, %swap3A_346], %swap3A_349 {strides = array<i32>} : memref<128x64xf32, #tpu.memory_space<vmem>>, vector<1x16xf32>,
        %scan3A_350 = arith.constant 1 : i32
        %scan3A_351 = arith.addi %scan3A_299, %scan3A_350 : i32
        %mul3A_352 = arith.constant 1 : i32
        %mul3A_353 = arith.muli %scan3A_351, %mul3A_352 : i32
        %add3A_354 = arith.constant 0 : i32
        %add3A_355 = arith.addi %add3A_354, %mul3A_353 : i32
        %get3A_356 = arith.index_cast %add3A_355 : i32 to index
        %get3A_357 = arith.constant 0 : index
        %get3A_358 = tpu.vector_load %arg9[%get3A_356, %get3A_357] {strides = array<i32>} : memref<128x128xf32, #tpu.memory_space<vmem>>, vector<1x16xf32>,
        %get3A_359 = vector.shape_cast %get3A_358 : vector<1x16xf32> to vector<16xf32>
        %mul3A_360 = arith.constant 8.000000e+00 : f32
        %mul3A_361 = vector.broadcast %mul3A_360 : f32 to vector<16xf32>
        %mul3A_362 = arith.mulf %get3A_359, %mul3A_361 : vector<16xf32>
        %swap3A_363 = arith.index_cast %add3A_355 : i32 to index
        %swap3A_364 = arith.constant 0 : index
        %swap3A_365 = tpu.vector_load %arg11[%swap3A_363, %swap3A_364] {strides = array<i32>} : memref<128x64xf32, #tpu.memory_space<vmem>>, vector<1x16xf32>,
        %swap3A_366 = vector.shape_cast %swap3A_365 : vector<1x16xf32> to vector<16xf32>
        %swap3A_367 = vector.shape_cast %mul3A_362 : vector<16xf32> to vector<1x16xf32>
        tpu.vector_store %arg11[%swap3A_363, %swap3A_364], %swap3A_367 {strides = array<i32>} : memref<128x64xf32, #tpu.memory_space<vmem>>, vector<1x16xf32>,
        %get3A_368 = arith.index_cast %add3A_355 : i32 to index
        %get3A_369 = arith.constant 16 : index
        %get3A_370 = tpu.vector_load %arg9[%get3A_368, %get3A_369] {strides = array<i32>} : memref<128x128xf32, #tpu.memory_space<vmem>>, vector<1x16xf32>,
        %get3A_371 = vector.shape_cast %get3A_370 : vector<1x16xf32> to vector<16xf32>
        %mul3A_372 = arith.constant 8.000000e+00 : f32
        %mul3A_373 = vector.broadcast %mul3A_372 : f32 to vector<16xf32>
        %mul3A_374 = arith.mulf %get3A_371, %mul3A_373 : vector<16xf32>
        %swap3A_375 = arith.index_cast %add3A_355 : i32 to index
        %swap3A_376 = arith.constant 16 : index
        %swap3A_377 = tpu.vector_load %arg11[%swap3A_375, %swap3A_376] {strides = array<i32>} : memref<128x64xf32, #tpu.memory_space<vmem>>, vector<1x16xf32>,
        %swap3A_378 = vector.shape_cast %swap3A_377 : vector<1x16xf32> to vector<16xf32>
        %swap3A_379 = vector.shape_cast %mul3A_374 : vector<16xf32> to vector<1x16xf32>
        tpu.vector_store %arg11[%swap3A_375, %swap3A_376], %swap3A_379 {strides = array<i32>} : memref<128x64xf32, #tpu.memory_space<vmem>>, vector<1x16xf32>,
        %get3A_380 = arith.index_cast %add3A_355 : i32 to index
        %get3A_381 = arith.constant 32 : index
        %get3A_382 = tpu.vector_load %arg9[%get3A_380, %get3A_381] {strides = array<i32>} : memref<128x128xf32, #tpu.memory_space<vmem>>, vector<1x16xf32>,
        %get3A_383 = vector.shape_cast %get3A_382 : vector<1x16xf32> to vector<16xf32>
        %mul3A_384 = arith.constant 8.000000e+00 : f32
        %mul3A_385 = vector.broadcast %mul3A_384 : f32 to vector<16xf32>
        %mul3A_386 = arith.mulf %get3A_383, %mul3A_385 : vector<16xf32>
        %swap3A_387 = arith.index_cast %add3A_355 : i32 to index
        %swap3A_388 = arith.constant 32 : index
        %swap3A_389 = tpu.vector_load %arg11[%swap3A_387, %swap3A_388] {strides = array<i32>} : memref<128x64xf32, #tpu.memory_space<vmem>>, vector<1x16xf32>,
        %swap3A_390 = vector.shape_cast %swap3A_389 : vector<1x16xf32> to vector<16xf32>
        %swap3A_391 = vector.shape_cast %mul3A_386 : vector<16xf32> to vector<1x16xf32>
        tpu.vector_store %arg11[%swap3A_387, %swap3A_388], %swap3A_391 {strides = array<i32>} : memref<128x64xf32, #tpu.memory_space<vmem>>, vector<1x16xf32>,
        %get3A_392 = arith.index_cast %add3A_355 : i32 to index
        %get3A_393 = arith.constant 48 : index
        %get3A_394 = tpu.vector_load %arg9[%get3A_392, %get3A_393] {strides = array<i32>} : memref<128x128xf32, #tpu.memory_space<vmem>>, vector<1x16xf32>,
        %get3A_395 = vector.shape_cast %get3A_394 : vector<1x16xf32> to vector<16xf32>
        %mul3A_396 = arith.constant 8.000000e+00 : f32
        %mul3A_397 = vector.broadcast %mul3A_396 : f32 to vector<16xf32>
        %mul3A_398 = arith.mulf %get3A_395, %mul3A_397 : vector<16xf32>
        %swap3A_399 = arith.index_cast %add3A_355 : i32 to index
        %swap3A_400 = arith.constant 48 : index
        %swap3A_401 = tpu.vector_load %arg11[%swap3A_399, %swap3A_400] {strides = array<i32>} : memref<128x64xf32, #tpu.memory_space<vmem>>, vector<1x16xf32>,
        %swap3A_402 = vector.shape_cast %swap3A_401 : vector<1x16xf32> to vector<16xf32>
        %swap3A_403 = vector.shape_cast %mul3A_398 : vector<16xf32> to vector<1x16xf32>
        tpu.vector_store %arg11[%swap3A_399, %swap3A_400], %swap3A_403 {strides = array<i32>} : memref<128x64xf32, #tpu.memory_space<vmem>>, vector<1x16xf32>,
        %scan3A_404 = arith.constant 2 : i32
        %scan3A_405 = arith.addi %scan3A_299, %scan3A_404 : i32
        %mul3A_406 = arith.constant 1 : i32
        %mul3A_407 = arith.muli %scan3A_405, %mul3A_406 : i32
        %add3A_408 = arith.constant 0 : i32
        %add3A_409 = arith.addi %add3A_408, %mul3A_407 : i32
        %get3A_410 = arith.index_cast %add3A_409 : i32 to index
        %get3A_411 = arith.constant 0 : index
        %get3A_412 = tpu.vector_load %arg9[%get3A_410, %get3A_411] {strides = array<i32>} : memref<128x128xf32, #tpu.memory_space<vmem>>, vector<1x16xf32>,
        %get3A_413 = vector.shape_cast %get3A_412 : vector<1x16xf32> to vector<16xf32>
        %mul3A_414 = arith.constant 8.000000e+00 : f32
        %mul3A_415 = vector.broadcast %mul3A_414 : f32 to vector<16xf32>
        %mul3A_416 = arith.mulf %get3A_413, %mul3A_415 : vector<16xf32>
        %swap3A_417 = arith.index_cast %add3A_409 : i32 to index
        %swap3A_418 = arith.constant 0 : index
        %swap3A_419 = tpu.vector_load %arg11[%swap3A_417, %swap3A_418] {strides = array<i32>} : memref<128x64xf32, #tpu.memory_space<vmem>>, vector<1x16xf32>,
        %swap3A_420 = vector.shape_cast %swap3A_419 : vector<1x16xf32> to vector<16xf32>
        %swap3A_421 = vector.shape_cast %mul3A_416 : vector<16xf32> to vector<1x16xf32>
        tpu.vector_store %arg11[%swap3A_417, %swap3A_418], %swap3A_421 {strides = array<i32>} : memref<128x64xf32, #tpu.memory_space<vmem>>, vector<1x16xf32>,
        %get3A_422 = arith.index_cast %add3A_409 : i32 to index
        %get3A_423 = arith.constant 16 : index
        %get3A_424 = tpu.vector_load %arg9[%get3A_422, %get3A_423] {strides = array<i32>} : memref<128x128xf32, #tpu.memory_space<vmem>>, vector<1x16xf32>,
        %get3A_425 = vector.shape_cast %get3A_424 : vector<1x16xf32> to vector<16xf32>
        %mul3A_426 = arith.constant 8.000000e+00 : f32
        %mul3A_427 = vector.broadcast %mul3A_426 : f32 to vector<16xf32>
        %mul3A_428 = arith.mulf %get3A_425, %mul3A_427 : vector<16xf32>
        %swap3A_429 = arith.index_cast %add3A_409 : i32 to index
        %swap3A_430 = arith.constant 16 : index
        %swap3A_431 = tpu.vector_load %arg11[%swap3A_429, %swap3A_430] {strides = array<i32>} : memref<128x64xf32, #tpu.memory_space<vmem>>, vector<1x16xf32>,
        %swap3A_432 = vector.shape_cast %swap3A_431 : vector<1x16xf32> to vector<16xf32>
        %swap3A_433 = vector.shape_cast %mul3A_428 : vector<16xf32> to vector<1x16xf32>
        tpu.vector_store %arg11[%swap3A_429, %swap3A_430], %swap3A_433 {strides = array<i32>} : memref<128x64xf32, #tpu.memory_space<vmem>>, vector<1x16xf32>,
        %get3A_434 = arith.index_cast %add3A_409 : i32 to index
        %get3A_435 = arith.constant 32 : index
        %get3A_436 = tpu.vector_load %arg9[%get3A_434, %get3A_435] {strides = array<i32>} : memref<128x128xf32, #tpu.memory_space<vmem>>, vector<1x16xf32>,
        %get3A_437 = vector.shape_cast %get3A_436 : vector<1x16xf32> to vector<16xf32>
        %mul3A_438 = arith.constant 8.000000e+00 : f32
        %mul3A_439 = vector.broadcast %mul3A_438 : f32 to vector<16xf32>
        %mul3A_440 = arith.mulf %get3A_437, %mul3A_439 : vector<16xf32>
        %swap3A_441 = arith.index_cast %add3A_409 : i32 to index
        %swap3A_442 = arith.constant 32 : index
        %swap3A_443 = tpu.vector_load %arg11[%swap3A_441, %swap3A_442] {strides = array<i32>} : memref<128x64xf32, #tpu.memory_space<vmem>>, vector<1x16xf32>,
        %swap3A_444 = vector.shape_cast %swap3A_443 : vector<1x16xf32> to vector<16xf32>
        %swap3A_445 = vector.shape_cast %mul3A_440 : vector<16xf32> to vector<1x16xf32>
        tpu.vector_store %arg11[%swap3A_441, %swap3A_442], %swap3A_445 {strides = array<i32>} : memref<128x64xf32, #tpu.memory_space<vmem>>, vector<1x16xf32>,
        %get3A_446 = arith.index_cast %add3A_409 : i32 to index
        %get3A_447 = arith.constant 48 : index
        %get3A_448 = tpu.vector_load %arg9[%get3A_446, %get3A_447] {strides = array<i32>} : memref<128x128xf32, #tpu.memory_space<vmem>>, vector<1x16xf32>,
        %get3A_449 = vector.shape_cast %get3A_448 : vector<1x16xf32> to vector<16xf32>
        %mul3A_450 = arith.constant 8.000000e+00 : f32
        %mul3A_451 = vector.broadcast %mul3A_450 : f32 to vector<16xf32>
        %mul3A_452 = arith.mulf %get3A_449, %mul3A_451 : vector<16xf32>
        %swap3A_453 = arith.index_cast %add3A_409 : i32 to index
        %swap3A_454 = arith.constant 48 : index
        %swap3A_455 = tpu.vector_load %arg11[%swap3A_453, %swap3A_454] {strides = array<i32>} : memref<128x64xf32, #tpu.memory_space<vmem>>, vector<1x16xf32>,
        %swap3A_456 = vector.shape_cast %swap3A_455 : vector<1x16xf32> to vector<16xf32>
        %swap3A_457 = vector.shape_cast %mul3A_452 : vector<16xf32> to vector<1x16xf32>
        tpu.vector_store %arg11[%swap3A_453, %swap3A_454], %swap3A_457 {strides = array<i32>} : memref<128x64xf32, #tpu.memory_space<vmem>>, vector<1x16xf32>,
        %scan3A_458 = arith.constant 3 : i32
        %scan3A_459 = arith.addi %scan3A_299, %scan3A_458 : i32
        %mul3A_460 = arith.constant 1 : i32
        %mul3A_461 = arith.muli %scan3A_459, %mul3A_460 : i32
        %add3A_462 = arith.constant 0 : i32
        %add3A_463 = arith.addi %add3A_462, %mul3A_461 : i32
        %get3A_464 = arith.index_cast %add3A_463 : i32 to index
        %get3A_465 = arith.constant 0 : index
        %get3A_466 = tpu.vector_load %arg9[%get3A_464, %get3A_465] {strides = array<i32>} : memref<128x128xf32, #tpu.memory_space<vmem>>, vector<1x16xf32>,
        %get3A_467 = vector.shape_cast %get3A_466 : vector<1x16xf32> to vector<16xf32>
        %mul3A_468 = arith.constant 8.000000e+00 : f32
        %mul3A_469 = vector.broadcast %mul3A_468 : f32 to vector<16xf32>
        %mul3A_470 = arith.mulf %get3A_467, %mul3A_469 : vector<16xf32>
        %swap3A_471 = arith.index_cast %add3A_463 : i32 to index
        %swap3A_472 = arith.constant 0 : index
        %swap3A_473 = tpu.vector_load %arg11[%swap3A_471, %swap3A_472] {strides = array<i32>} : memref<128x64xf32, #tpu.memory_space<vmem>>, vector<1x16xf32>,
        %swap3A_474 = vector.shape_cast %swap3A_473 : vector<1x16xf32> to vector<16xf32>
        %swap3A_475 = vector.shape_cast %mul3A_470 : vector<16xf32> to vector<1x16xf32>
        tpu.vector_store %arg11[%swap3A_471, %swap3A_472], %swap3A_475 {strides = array<i32>} : memref<128x64xf32, #tpu.memory_space<vmem>>, vector<1x16xf32>,
        %get3A_476 = arith.index_cast %add3A_463 : i32 to index
        %get3A_477 = arith.constant 16 : index
        %get3A_478 = tpu.vector_load %arg9[%get3A_476, %get3A_477] {strides = array<i32>} : memref<128x128xf32, #tpu.memory_space<vmem>>, vector<1x16xf32>,
        %get3A_479 = vector.shape_cast %get3A_478 : vector<1x16xf32> to vector<16xf32>
        %mul3A_480 = arith.constant 8.000000e+00 : f32
        %mul3A_481 = vector.broadcast %mul3A_480 : f32 to vector<16xf32>
        %mul3A_482 = arith.mulf %get3A_479, %mul3A_481 : vector<16xf32>
        %swap3A_483 = arith.index_cast %add3A_463 : i32 to index
        %swap3A_484 = arith.constant 16 : index
        %swap3A_485 = tpu.vector_load %arg11[%swap3A_483, %swap3A_484] {strides = array<i32>} : memref<128x64xf32, #tpu.memory_space<vmem>>, vector<1x16xf32>,
        %swap3A_486 = vector.shape_cast %swap3A_485 : vector<1x16xf32> to vector<16xf32>
        %swap3A_487 = vector.shape_cast %mul3A_482 : vector<16xf32> to vector<1x16xf32>
        tpu.vector_store %arg11[%swap3A_483, %swap3A_484], %swap3A_487 {strides = array<i32>} : memref<128x64xf32, #tpu.memory_space<vmem>>, vector<1x16xf32>,
        %get3A_488 = arith.index_cast %add3A_463 : i32 to index
        %get3A_489 = arith.constant 32 : index
        %get3A_490 = tpu.vector_load %arg9[%get3A_488, %get3A_489] {strides = array<i32>} : memref<128x128xf32, #tpu.memory_space<vmem>>, vector<1x16xf32>,
        %get3A_491 = vector.shape_cast %get3A_490 : vector<1x16xf32> to vector<16xf32>
        %mul3A_492 = arith.constant 8.000000e+00 : f32
        %mul3A_493 = vector.broadcast %mul3A_492 : f32 to vector<16xf32>
        %mul3A_494 = arith.mulf %get3A_491, %mul3A_493 : vector<16xf32>
        %swap3A_495 = arith.index_cast %add3A_463 : i32 to index
        %swap3A_496 = arith.constant 32 : index
        %swap3A_497 = tpu.vector_load %arg11[%swap3A_495, %swap3A_496] {strides = array<i32>} : memref<128x64xf32, #tpu.memory_space<vmem>>, vector<1x16xf32>,
        %swap3A_498 = vector.shape_cast %swap3A_497 : vector<1x16xf32> to vector<16xf32>
        %swap3A_499 = vector.shape_cast %mul3A_494 : vector<16xf32> to vector<1x16xf32>
        tpu.vector_store %arg11[%swap3A_495, %swap3A_496], %swap3A_499 {strides = array<i32>} : memref<128x64xf32, #tpu.memory_space<vmem>>, vector<1x16xf32>,
        %get3A_500 = arith.index_cast %add3A_463 : i32 to index
        %get3A_501 = arith.constant 48 : index
        %get3A_502 = tpu.vector_load %arg9[%get3A_500, %get3A_501] {strides = array<i32>} : memref<128x128xf32, #tpu.memory_space<vmem>>, vector<1x16xf32>,
        %get3A_503 = vector.shape_cast %get3A_502 : vector<1x16xf32> to vector<16xf32>
        %mul3A_504 = arith.constant 8.000000e+00 : f32
        %mul3A_505 = vector.broadcast %mul3A_504 : f32 to vector<16xf32>
        %mul3A_506 = arith.mulf %get3A_503, %mul3A_505 : vector<16xf32>
        %swap3A_507 = arith.index_cast %add3A_463 : i32 to index
        %swap3A_508 = arith.constant 48 : index
        %swap3A_509 = tpu.vector_load %arg11[%swap3A_507, %swap3A_508] {strides = array<i32>} : memref<128x64xf32, #tpu.memory_space<vmem>>, vector<1x16xf32>,
        %swap3A_510 = vector.shape_cast %swap3A_509 : vector<1x16xf32> to vector<16xf32>
        %swap3A_511 = vector.shape_cast %mul3A_506 : vector<16xf32> to vector<1x16xf32>
        tpu.vector_store %arg11[%swap3A_507, %swap3A_508], %swap3A_511 {strides = array<i32>} : memref<128x64xf32, #tpu.memory_space<vmem>>, vector<1x16xf32>,
        %scan3A_512 = arith.constant 4 : i32
        %scan3A_513 = arith.addi %scan3A_299, %scan3A_512 : i32
        %mul3A_514 = arith.constant 1 : i32
        %mul3A_515 = arith.muli %scan3A_513, %mul3A_514 : i32
        %add3A_516 = arith.constant 0 : i32
        %add3A_517 = arith.addi %add3A_516, %mul3A_515 : i32
        %get3A_518 = arith.index_cast %add3A_517 : i32 to index
        %get3A_519 = arith.constant 0 : index
        %get3A_520 = tpu.vector_load %arg9[%get3A_518, %get3A_519] {strides = array<i32>} : memref<128x128xf32, #tpu.memory_space<vmem>>, vector<1x16xf32>,
        %get3A_521 = vector.shape_cast %get3A_520 : vector<1x16xf32> to vector<16xf32>
        %mul3A_522 = arith.constant 8.000000e+00 : f32
        %mul3A_523 = vector.broadcast %mul3A_522 : f32 to vector<16xf32>
        %mul3A_524 = arith.mulf %get3A_521, %mul3A_523 : vector<16xf32>
        %swap3A_525 = arith.index_cast %add3A_517 : i32 to index
        %swap3A_526 = arith.constant 0 : index
        %swap3A_527 = tpu.vector_load %arg11[%swap3A_525, %swap3A_526] {strides = array<i32>} : memref<128x64xf32, #tpu.memory_space<vmem>>, vector<1x16xf32>,
        %swap3A_528 = vector.shape_cast %swap3A_527 : vector<1x16xf32> to vector<16xf32>
        %swap3A_529 = vector.shape_cast %mul3A_524 : vector<16xf32> to vector<1x16xf32>
        tpu.vector_store %arg11[%swap3A_525, %swap3A_526], %swap3A_529 {strides = array<i32>} : memref<128x64xf32, #tpu.memory_space<vmem>>, vector<1x16xf32>,
        %get3A_530 = arith.index_cast %add3A_517 : i32 to index
        %get3A_531 = arith.constant 16 : index
        %get3A_532 = tpu.vector_load %arg9[%get3A_530, %get3A_531] {strides = array<i32>} : memref<128x128xf32, #tpu.memory_space<vmem>>, vector<1x16xf32>,
        %get3A_533 = vector.shape_cast %get3A_532 : vector<1x16xf32> to vector<16xf32>
        %mul3A_534 = arith.constant 8.000000e+00 : f32
        %mul3A_535 = vector.broadcast %mul3A_534 : f32 to vector<16xf32>
        %mul3A_536 = arith.mulf %get3A_533, %mul3A_535 : vector<16xf32>
        %swap3A_537 = arith.index_cast %add3A_517 : i32 to index
        %swap3A_538 = arith.constant 16 : index
        %swap3A_539 = tpu.vector_load %arg11[%swap3A_537, %swap3A_538] {strides = array<i32>} : memref<128x64xf32, #tpu.memory_space<vmem>>, vector<1x16xf32>,
        %swap3A_540 = vector.shape_cast %swap3A_539 : vector<1x16xf32> to vector<16xf32>
        %swap3A_541 = vector.shape_cast %mul3A_536 : vector<16xf32> to vector<1x16xf32>
        tpu.vector_store %arg11[%swap3A_537, %swap3A_538], %swap3A_541 {strides = array<i32>} : memref<128x64xf32, #tpu.memory_space<vmem>>, vector<1x16xf32>,
        %get3A_542 = arith.index_cast %add3A_517 : i32 to index
        %get3A_543 = arith.constant 32 : index
        %get3A_544 = tpu.vector_load %arg9[%get3A_542, %get3A_543] {strides = array<i32>} : memref<128x128xf32, #tpu.memory_space<vmem>>, vector<1x16xf32>,
        %get3A_545 = vector.shape_cast %get3A_544 : vector<1x16xf32> to vector<16xf32>
        %mul3A_546 = arith.constant 8.000000e+00 : f32
        %mul3A_547 = vector.broadcast %mul3A_546 : f32 to vector<16xf32>
        %mul3A_548 = arith.mulf %get3A_545, %mul3A_547 : vector<16xf32>
        %swap3A_549 = arith.index_cast %add3A_517 : i32 to index
        %swap3A_550 = arith.constant 32 : index
        %swap3A_551 = tpu.vector_load %arg11[%swap3A_549, %swap3A_550] {strides = array<i32>} : memref<128x64xf32, #tpu.memory_space<vmem>>, vector<1x16xf32>,
        %swap3A_552 = vector.shape_cast %swap3A_551 : vector<1x16xf32> to vector<16xf32>
        %swap3A_553 = vector.shape_cast %mul3A_548 : vector<16xf32> to vector<1x16xf32>
        tpu.vector_store %arg11[%swap3A_549, %swap3A_550], %swap3A_553 {strides = array<i32>} : memref<128x64xf32, #tpu.memory_space<vmem>>, vector<1x16xf32>,
        %get3A_554 = arith.index_cast %add3A_517 : i32 to index
        %get3A_555 = arith.constant 48 : index
        %get3A_556 = tpu.vector_load %arg9[%get3A_554, %get3A_555] {strides = array<i32>} : memref<128x128xf32, #tpu.memory_space<vmem>>, vector<1x16xf32>,
        %get3A_557 = vector.shape_cast %get3A_556 : vector<1x16xf32> to vector<16xf32>
        %mul3A_558 = arith.constant 8.000000e+00 : f32
        %mul3A_559 = vector.broadcast %mul3A_558 : f32 to vector<16xf32>
        %mul3A_560 = arith.mulf %get3A_557, %mul3A_559 : vector<16xf32>
        %swap3A_561 = arith.index_cast %add3A_517 : i32 to index
        %swap3A_562 = arith.constant 48 : index
        %swap3A_563 = tpu.vector_load %arg11[%swap3A_561, %swap3A_562] {strides = array<i32>} : memref<128x64xf32, #tpu.memory_space<vmem>>, vector<1x16xf32>,
        %swap3A_564 = vector.shape_cast %swap3A_563 : vector<1x16xf32> to vector<16xf32>
        %swap3A_565 = vector.shape_cast %mul3A_560 : vector<16xf32> to vector<1x16xf32>
        tpu.vector_store %arg11[%swap3A_561, %swap3A_562], %swap3A_565 {strides = array<i32>} : memref<128x64xf32, #tpu.memory_space<vmem>>, vector<1x16xf32>,
        %scan3A_566 = arith.constant 5 : i32
        %scan3A_567 = arith.addi %scan3A_299, %scan3A_566 : i32
        %mul3A_568 = arith.constant 1 : i32
        %mul3A_569 = arith.muli %scan3A_567, %mul3A_568 : i32
        %add3A_570 = arith.constant 0 : i32
        %add3A_571 = arith.addi %add3A_570, %mul3A_569 : i32
        %get3A_572 = arith.index_cast %add3A_571 : i32 to index
        %get3A_573 = arith.constant 0 : index
        %get3A_574 = tpu.vector_load %arg9[%get3A_572, %get3A_573] {strides = array<i32>} : memref<128x128xf32, #tpu.memory_space<vmem>>, vector<1x16xf32>,
        %get3A_575 = vector.shape_cast %get3A_574 : vector<1x16xf32> to vector<16xf32>
        %mul3A_576 = arith.constant 8.000000e+00 : f32
        %mul3A_577 = vector.broadcast %mul3A_576 : f32 to vector<16xf32>
        %mul3A_578 = arith.mulf %get3A_575, %mul3A_577 : vector<16xf32>
        %swap3A_579 = arith.index_cast %add3A_571 : i32 to index
        %swap3A_580 = arith.constant 0 : index
        %swap3A_581 = tpu.vector_load %arg11[%swap3A_579, %swap3A_580] {strides = array<i32>} : memref<128x64xf32, #tpu.memory_space<vmem>>, vector<1x16xf32>,
        %swap3A_582 = vector.shape_cast %swap3A_581 : vector<1x16xf32> to vector<16xf32>
        %swap3A_583 = vector.shape_cast %mul3A_578 : vector<16xf32> to vector<1x16xf32>
        tpu.vector_store %arg11[%swap3A_579, %swap3A_580], %swap3A_583 {strides = array<i32>} : memref<128x64xf32, #tpu.memory_space<vmem>>, vector<1x16xf32>,
        %get3A_584 = arith.index_cast %add3A_571 : i32 to index
        %get3A_585 = arith.constant 16 : index
        %get3A_586 = tpu.vector_load %arg9[%get3A_584, %get3A_585] {strides = array<i32>} : memref<128x128xf32, #tpu.memory_space<vmem>>, vector<1x16xf32>,
        %get3A_587 = vector.shape_cast %get3A_586 : vector<1x16xf32> to vector<16xf32>
        %mul3A_588 = arith.constant 8.000000e+00 : f32
        %mul3A_589 = vector.broadcast %mul3A_588 : f32 to vector<16xf32>
        %mul3A_590 = arith.mulf %get3A_587, %mul3A_589 : vector<16xf32>
        %swap3A_591 = arith.index_cast %add3A_571 : i32 to index
        %swap3A_592 = arith.constant 16 : index
        %swap3A_593 = tpu.vector_load %arg11[%swap3A_591, %swap3A_592] {strides = array<i32>} : memref<128x64xf32, #tpu.memory_space<vmem>>, vector<1x16xf32>,
        %swap3A_594 = vector.shape_cast %swap3A_593 : vector<1x16xf32> to vector<16xf32>
        %swap3A_595 = vector.shape_cast %mul3A_590 : vector<16xf32> to vector<1x16xf32>
        tpu.vector_store %arg11[%swap3A_591, %swap3A_592], %swap3A_595 {strides = array<i32>} : memref<128x64xf32, #tpu.memory_space<vmem>>, vector<1x16xf32>,
        %get3A_596 = arith.index_cast %add3A_571 : i32 to index
        %get3A_597 = arith.constant 32 : index
        %get3A_598 = tpu.vector_load %arg9[%get3A_596, %get3A_597] {strides = array<i32>} : memref<128x128xf32, #tpu.memory_space<vmem>>, vector<1x16xf32>,
        %get3A_599 = vector.shape_cast %get3A_598 : vector<1x16xf32> to vector<16xf32>
        %mul3A_600 = arith.constant 8.000000e+00 : f32
        %mul3A_601 = vector.broadcast %mul3A_600 : f32 to vector<16xf32>
        %mul3A_602 = arith.mulf %get3A_599, %mul3A_601 : vector<16xf32>
        %swap3A_603 = arith.index_cast %add3A_571 : i32 to index
        %swap3A_604 = arith.constant 32 : index
        %swap3A_605 = tpu.vector_load %arg11[%swap3A_603, %swap3A_604] {strides = array<i32>} : memref<128x64xf32, #tpu.memory_space<vmem>>, vector<1x16xf32>,
        %swap3A_606 = vector.shape_cast %swap3A_605 : vector<1x16xf32> to vector<16xf32>
        %swap3A_607 = vector.shape_cast %mul3A_602 : vector<16xf32> to vector<1x16xf32>
        tpu.vector_store %arg11[%swap3A_603, %swap3A_604], %swap3A_607 {strides = array<i32>} : memref<128x64xf32, #tpu.memory_space<vmem>>, vector<1x16xf32>,
        %get3A_608 = arith.index_cast %add3A_571 : i32 to index
        %get3A_609 = arith.constant 48 : index
        %get3A_610 = tpu.vector_load %arg9[%get3A_608, %get3A_609] {strides = array<i32>} : memref<128x128xf32, #tpu.memory_space<vmem>>, vector<1x16xf32>,
        %get3A_611 = vector.shape_cast %get3A_610 : vector<1x16xf32> to vector<16xf32>
        %mul3A_612 = arith.constant 8.000000e+00 : f32
        %mul3A_613 = vector.broadcast %mul3A_612 : f32 to vector<16xf32>
        %mul3A_614 = arith.mulf %get3A_611, %mul3A_613 : vector<16xf32>
        %swap3A_615 = arith.index_cast %add3A_571 : i32 to index
        %swap3A_616 = arith.constant 48 : index
        %swap3A_617 = tpu.vector_load %arg11[%swap3A_615, %swap3A_616] {strides = array<i32>} : memref<128x64xf32, #tpu.memory_space<vmem>>, vector<1x16xf32>,
        %swap3A_618 = vector.shape_cast %swap3A_617 : vector<1x16xf32> to vector<16xf32>
        %swap3A_619 = vector.shape_cast %mul3A_614 : vector<16xf32> to vector<1x16xf32>
        tpu.vector_store %arg11[%swap3A_615, %swap3A_616], %swap3A_619 {strides = array<i32>} : memref<128x64xf32, #tpu.memory_space<vmem>>, vector<1x16xf32>,
        %scan3A_620 = arith.constant 6 : i32
        %scan3A_621 = arith.addi %scan3A_299, %scan3A_620 : i32
        %mul3A_622 = arith.constant 1 : i32
        %mul3A_623 = arith.muli %scan3A_621, %mul3A_622 : i32
        %add3A_624 = arith.constant 0 : i32
        %add3A_625 = arith.addi %add3A_624, %mul3A_623 : i32
        %get3A_626 = arith.index_cast %add3A_625 : i32 to index
        %get3A_627 = arith.constant 0 : index
        %get3A_628 = tpu.vector_load %arg9[%get3A_626, %get3A_627] {strides = array<i32>} : memref<128x128xf32, #tpu.memory_space<vmem>>, vector<1x16xf32>,
        %get3A_629 = vector.shape_cast %get3A_628 : vector<1x16xf32> to vector<16xf32>
        %mul3A_630 = arith.constant 8.000000e+00 : f32
        %mul3A_631 = vector.broadcast %mul3A_630 : f32 to vector<16xf32>
        %mul3A_632 = arith.mulf %get3A_629, %mul3A_631 : vector<16xf32>
        %swap3A_633 = arith.index_cast %add3A_625 : i32 to index
        %swap3A_634 = arith.constant 0 : index
        %swap3A_635 = tpu.vector_load %arg11[%swap3A_633, %swap3A_634] {strides = array<i32>} : memref<128x64xf32, #tpu.memory_space<vmem>>, vector<1x16xf32>,
        %swap3A_636 = vector.shape_cast %swap3A_635 : vector<1x16xf32> to vector<16xf32>
        %swap3A_637 = vector.shape_cast %mul3A_632 : vector<16xf32> to vector<1x16xf32>
        tpu.vector_store %arg11[%swap3A_633, %swap3A_634], %swap3A_637 {strides = array<i32>} : memref<128x64xf32, #tpu.memory_space<vmem>>, vector<1x16xf32>,
        %get3A_638 = arith.index_cast %add3A_625 : i32 to index
        %get3A_639 = arith.constant 16 : index
        %get3A_640 = tpu.vector_load %arg9[%get3A_638, %get3A_639] {strides = array<i32>} : memref<128x128xf32, #tpu.memory_space<vmem>>, vector<1x16xf32>,
        %get3A_641 = vector.shape_cast %get3A_640 : vector<1x16xf32> to vector<16xf32>
        %mul3A_642 = arith.constant 8.000000e+00 : f32
        %mul3A_643 = vector.broadcast %mul3A_642 : f32 to vector<16xf32>
        %mul3A_644 = arith.mulf %get3A_641, %mul3A_643 : vector<16xf32>
        %swap3A_645 = arith.index_cast %add3A_625 : i32 to index
        %swap3A_646 = arith.constant 16 : index
        %swap3A_647 = tpu.vector_load %arg11[%swap3A_645, %swap3A_646] {strides = array<i32>} : memref<128x64xf32, #tpu.memory_space<vmem>>, vector<1x16xf32>,
        %swap3A_648 = vector.shape_cast %swap3A_647 : vector<1x16xf32> to vector<16xf32>
        %swap3A_649 = vector.shape_cast %mul3A_644 : vector<16xf32> to vector<1x16xf32>
        tpu.vector_store %arg11[%swap3A_645, %swap3A_646], %swap3A_649 {strides = array<i32>} : memref<128x64xf32, #tpu.memory_space<vmem>>, vector<1x16xf32>,
        %get3A_650 = arith.index_cast %add3A_625 : i32 to index
        %get3A_651 = arith.constant 32 : index
        %get3A_652 = tpu.vector_load %arg9[%get3A_650, %get3A_651] {strides = array<i32>} : memref<128x128xf32, #tpu.memory_space<vmem>>, vector<1x16xf32>,
        %get3A_653 = vector.shape_cast %get3A_652 : vector<1x16xf32> to vector<16xf32>
        %mul3A_654 = arith.constant 8.000000e+00 : f32
        %mul3A_655 = vector.broadcast %mul3A_654 : f32 to vector<16xf32>
        %mul3A_656 = arith.mulf %get3A_653, %mul3A_655 : vector<16xf32>
        %swap3A_657 = arith.index_cast %add3A_625 : i32 to index
        %swap3A_658 = arith.constant 32 : index
        %swap3A_659 = tpu.vector_load %arg11[%swap3A_657, %swap3A_658] {strides = array<i32>} : memref<128x64xf32, #tpu.memory_space<vmem>>, vector<1x16xf32>,
        %swap3A_660 = vector.shape_cast %swap3A_659 : vector<1x16xf32> to vector<16xf32>
        %swap3A_661 = vector.shape_cast %mul3A_656 : vector<16xf32> to vector<1x16xf32>
        tpu.vector_store %arg11[%swap3A_657, %swap3A_658], %swap3A_661 {strides = array<i32>} : memref<128x64xf32, #tpu.memory_space<vmem>>, vector<1x16xf32>,
        %get3A_662 = arith.index_cast %add3A_625 : i32 to index
        %get3A_663 = arith.constant 48 : index
        %get3A_664 = tpu.vector_load %arg9[%get3A_662, %get3A_663] {strides = array<i32>} : memref<128x128xf32, #tpu.memory_space<vmem>>, vector<1x16xf32>,
        %get3A_665 = vector.shape_cast %get3A_664 : vector<1x16xf32> to vector<16xf32>
        %mul3A_666 = arith.constant 8.000000e+00 : f32
        %mul3A_667 = vector.broadcast %mul3A_666 : f32 to vector<16xf32>
        %mul3A_668 = arith.mulf %get3A_665, %mul3A_667 : vector<16xf32>
        %swap3A_669 = arith.index_cast %add3A_625 : i32 to index
        %swap3A_670 = arith.constant 48 : index
        %swap3A_671 = tpu.vector_load %arg11[%swap3A_669, %swap3A_670] {strides = array<i32>} : memref<128x64xf32, #tpu.memory_space<vmem>>, vector<1x16xf32>,
        %swap3A_672 = vector.shape_cast %swap3A_671 : vector<1x16xf32> to vector<16xf32>
        %swap3A_673 = vector.shape_cast %mul3A_668 : vector<16xf32> to vector<1x16xf32>
        tpu.vector_store %arg11[%swap3A_669, %swap3A_670], %swap3A_673 {strides = array<i32>} : memref<128x64xf32, #tpu.memory_space<vmem>>, vector<1x16xf32>,
        %scan3A_674 = arith.constant 7 : i32
        %scan3A_675 = arith.addi %scan3A_299, %scan3A_674 : i32
        %mul3A_676 = arith.constant 1 : i32
        %mul3A_677 = arith.muli %scan3A_675, %mul3A_676 : i32
        %add3A_678 = arith.constant 0 : i32
        %add3A_679 = arith.addi %add3A_678, %mul3A_677 : i32
        %get3A_680 = arith.index_cast %add3A_679 : i32 to index
        %get3A_681 = arith.constant 0 : index
        %get3A_682 = tpu.vector_load %arg9[%get3A_680, %get3A_681] {strides = array<i32>} : memref<128x128xf32, #tpu.memory_space<vmem>>, vector<1x16xf32>,
        %get3A_683 = vector.shape_cast %get3A_682 : vector<1x16xf32> to vector<16xf32>
        %mul3A_684 = arith.constant 8.000000e+00 : f32
        %mul3A_685 = vector.broadcast %mul3A_684 : f32 to vector<16xf32>
        %mul3A_686 = arith.mulf %get3A_683, %mul3A_685 : vector<16xf32>
        %swap3A_687 = arith.index_cast %add3A_679 : i32 to index
        %swap3A_688 = arith.constant 0 : index
        %swap3A_689 = tpu.vector_load %arg11[%swap3A_687, %swap3A_688] {strides = array<i32>} : memref<128x64xf32, #tpu.memory_space<vmem>>, vector<1x16xf32>,
        %swap3A_690 = vector.shape_cast %swap3A_689 : vector<1x16xf32> to vector<16xf32>
        %swap3A_691 = vector.shape_cast %mul3A_686 : vector<16xf32> to vector<1x16xf32>
        tpu.vector_store %arg11[%swap3A_687, %swap3A_688], %swap3A_691 {strides = array<i32>} : memref<128x64xf32, #tpu.memory_space<vmem>>, vector<1x16xf32>,
        %get3A_692 = arith.index_cast %add3A_679 : i32 to index
        %get3A_693 = arith.constant 16 : index
        %get3A_694 = tpu.vector_load %arg9[%get3A_692, %get3A_693] {strides = array<i32>} : memref<128x128xf32, #tpu.memory_space<vmem>>, vector<1x16xf32>,
        %get3A_695 = vector.shape_cast %get3A_694 : vector<1x16xf32> to vector<16xf32>
        %mul3A_696 = arith.constant 8.000000e+00 : f32
        %mul3A_697 = vector.broadcast %mul3A_696 : f32 to vector<16xf32>
        %mul3A_698 = arith.mulf %get3A_695, %mul3A_697 : vector<16xf32>
        %swap3A_699 = arith.index_cast %add3A_679 : i32 to index
        %swap3A_700 = arith.constant 16 : index
        %swap3A_701 = tpu.vector_load %arg11[%swap3A_699, %swap3A_700] {strides = array<i32>} : memref<128x64xf32, #tpu.memory_space<vmem>>, vector<1x16xf32>,
        %swap3A_702 = vector.shape_cast %swap3A_701 : vector<1x16xf32> to vector<16xf32>
        %swap3A_703 = vector.shape_cast %mul3A_698 : vector<16xf32> to vector<1x16xf32>
        tpu.vector_store %arg11[%swap3A_699, %swap3A_700], %swap3A_703 {strides = array<i32>} : memref<128x64xf32, #tpu.memory_space<vmem>>, vector<1x16xf32>,
        %get3A_704 = arith.index_cast %add3A_679 : i32 to index
        %get3A_705 = arith.constant 32 : index
        %get3A_706 = tpu.vector_load %arg9[%get3A_704, %get3A_705] {strides = array<i32>} : memref<128x128xf32, #tpu.memory_space<vmem>>, vector<1x16xf32>,
        %get3A_707 = vector.shape_cast %get3A_706 : vector<1x16xf32> to vector<16xf32>
        %mul3A_708 = arith.constant 8.000000e+00 : f32
        %mul3A_709 = vector.broadcast %mul3A_708 : f32 to vector<16xf32>
        %mul3A_710 = arith.mulf %get3A_707, %mul3A_709 : vector<16xf32>
        %swap3A_711 = arith.index_cast %add3A_679 : i32 to index
        %swap3A_712 = arith.constant 32 : index
        %swap3A_713 = tpu.vector_load %arg11[%swap3A_711, %swap3A_712] {strides = array<i32>} : memref<128x64xf32, #tpu.memory_space<vmem>>, vector<1x16xf32>,
        %swap3A_714 = vector.shape_cast %swap3A_713 : vector<1x16xf32> to vector<16xf32>
        %swap3A_715 = vector.shape_cast %mul3A_710 : vector<16xf32> to vector<1x16xf32>
        tpu.vector_store %arg11[%swap3A_711, %swap3A_712], %swap3A_715 {strides = array<i32>} : memref<128x64xf32, #tpu.memory_space<vmem>>, vector<1x16xf32>,
        %get3A_716 = arith.index_cast %add3A_679 : i32 to index
        %get3A_717 = arith.constant 48 : index
        %get3A_718 = tpu.vector_load %arg9[%get3A_716, %get3A_717] {strides = array<i32>} : memref<128x128xf32, #tpu.memory_space<vmem>>, vector<1x16xf32>,
        %get3A_719 = vector.shape_cast %get3A_718 : vector<1x16xf32> to vector<16xf32>
        %mul3A_720 = arith.constant 8.000000e+00 : f32
        %mul3A_721 = vector.broadcast %mul3A_720 : f32 to vector<16xf32>
        %mul3A_722 = arith.mulf %get3A_719, %mul3A_721 : vector<16xf32>
        %swap3A_723 = arith.index_cast %add3A_679 : i32 to index
        %swap3A_724 = arith.constant 48 : index
        %swap3A_725 = tpu.vector_load %arg11[%swap3A_723, %swap3A_724] {strides = array<i32>} : memref<128x64xf32, #tpu.memory_space<vmem>>, vector<1x16xf32>,
        %swap3A_726 = vector.shape_cast %swap3A_725 : vector<1x16xf32> to vector<16xf32>
        %swap3A_727 = vector.shape_cast %mul3A_722 : vector<16xf32> to vector<1x16xf32>
        tpu.vector_store %arg11[%swap3A_723, %swap3A_724], %swap3A_727 {strides = array<i32>} : memref<128x64xf32, #tpu.memory_space<vmem>>, vector<1x16xf32>,
      }
      %scan3A_290 = arith.constant 128 : i32
      %mul3A_291 = arith.constant 128 : i32
      %mul3A_292 = arith.muli %mul3A_291, %add3A_264 : i32
      %add3A_293 = arith.addi %mul3A_4, %mul3A_292 : i32
      %multiple_of3A_294 = tpu.assume_multiple %add3A_293, 8 : i32
      %dma_start3A_295 = arith.constant 0 : i32
      %dma_start3A_296 = tpu.memref_slice %arg4[%multiple_of3A_294, %dma_start3A_295] : memref<819200x64xf32, #tpu.memory_space<hbm>> -> memref<128x64xf32, #tpu.memory_space<hbm>>
      %dma_start3A_297 = arith.constant 0 : i32
      %dma_start3A_298 = tpu.memref_slice %arg4[%multiple_of3A_294, %dma_start3A_297] : memref<819200x64xf32, #tpu.memory_space<hbm>> -> memref<128x64xf32, #tpu.memory_space<hbm>>
      tpu.enqueue_dma source(%arg11 : memref<128x64xf32, #tpu.memory_space<vmem>>) target(%dma_start3A_298 : memref<128x64xf32, #tpu.memory_space<hbm>>) target_semaphore(%arg17 : memref<!tpu.dma_semaphore, #tpu.memory_space<semaphore_mem>>)
    }
    %scan3A_139 = arith.constant 49 : i32
    %dma_wait3A_140 = arith.constant 0 : i32
    %dma_wait3A_141 = arith.constant 0 : i32
    %dma_wait3A_142 = tpu.memref_slice %arg4[%dma_wait3A_140, %dma_wait3A_141] : memref<819200x64xf32, #tpu.memory_space<hbm>> -> memref<128x64xf32, #tpu.memory_space<hbm>>
    %dma_wait3A_143 = arith.constant 0 : i32
    %dma_wait3A_144 = arith.constant 0 : i32
    %dma_wait3A_145 = tpu.memref_slice %arg4[%dma_wait3A_143, %dma_wait3A_144] : memref<819200x64xf32, #tpu.memory_space<hbm>> -> memref<128x64xf32, #tpu.memory_space<hbm>>
    tpu.wait_dma2 semaphore(%arg16 : memref<!tpu.dma_semaphore, #tpu.memory_space<semaphore_mem>>) src(%arg10 : memref<128x64xf32, #tpu.memory_space<vmem>>) dst(%dma_wait3A_145 : memref<128x64xf32, #tpu.memory_space<hbm>>)
    %dma_wait3A_146 = arith.constant 0 : i32
    %dma_wait3A_147 = arith.constant 0 : i32
    %dma_wait3A_148 = tpu.memref_slice %arg4[%dma_wait3A_146, %dma_wait3A_147] : memref<819200x64xf32, #tpu.memory_space<hbm>> -> memref<128x64xf32, #tpu.memory_space<hbm>>
    %dma_wait3A_149 = arith.constant 0 : i32
    %dma_wait3A_150 = arith.constant 0 : i32
    %dma_wait3A_151 = tpu.memref_slice %arg4[%dma_wait3A_149, %dma_wait3A_150] : memref<819200x64xf32, #tpu.memory_space<hbm>> -> memref<128x64xf32, #tpu.memory_space<hbm>>
    tpu.wait_dma2 semaphore(%arg17 : memref<!tpu.dma_semaphore, #tpu.memory_space<semaphore_mem>>) src(%arg11 : memref<128x64xf32, #tpu.memory_space<vmem>>) dst(%dma_wait3A_151 : memref<128x64xf32, #tpu.memory_space<hbm>>)
    return
  }
}

module attributes {stable_mosaic.version = 14 : i64} {
  func.func @body(%arg0: i32, %arg1: memref<64x16384xf32, #tpu.memory_space<vmem>>, %arg2: memref<16384x128xf32, #tpu.memory_space<vmem>>) attributes {dimension_semantics = [#tpu.dimension_semantics<arbitrary>], iteration_bounds = array<i64: 62>, scalar_prefetch = 0 : i64, scratch_operands = 0 : i64, tpu.core_type = #tpu.core_type<tc>, window_params = [{transform_indices = @transform_0, window_bounds = array<i64: 64, 16384>}, {transform_indices = @transform_1, window_bounds = array<i64: 16384, 128>}]} {
    %get3A = arith.constant 0 : index
    %get3A_0 = arith.constant 0 : index
    %get3A_1 = vector.load %arg1[%get3A, %get3A_0] : memref<64x16384xf32, #tpu.memory_space<vmem>>, vector<64x16384xf32>
    %transpose3A = tpu.transpose %get3A_1, [1, 0] : vector<64x16384xf32> -> vector<16384x64xf32>
    %concatenate3A = tpu.concatenate %transpose3A, %transpose3A in 1 : vector<16384x64xf32>, vector<16384x64xf32> -> vector<16384x128xf32>
    %swap3A = arith.constant 0 : index
    %swap3A_2 = arith.constant 0 : index
    %swap3A_3 = vector.load %arg2[%swap3A, %swap3A_2] : memref<16384x128xf32, #tpu.memory_space<vmem>>, vector<16384x128xf32>
    tpu.vector_store %arg2[%swap3A, %swap3A_2], %concatenate3A {strides = array<i32>} : memref<16384x128xf32, #tpu.memory_space<vmem>>, vector<16384x128xf32>,
    return
  }
  func.func @transform_0(%arg0: i32) -> (i32, i32) {
    %c0_i32 = arith.constant 0 : i32
    %c0_i32_0 = arith.constant 0 : i32
    return %c0_i32, %arg0 : i32, i32
  }
  func.func @transform_1(%arg0: i32) -> (i32, i32) {
    %c0_i32 = arith.constant 0 : i32
    %c0_i32_0 = arith.constant 0 : i32
    return %arg0, %c0_i32 : i32, i32
  }
}

</mosaic_0001>

<sc_bundles>
// kernel: kernel.4.cloned.1.call-start
scs
__scs_entry_jumppad:
0x0: {  	(pc) =	sbr.rel $0x88, $3  }
0x1: {  	(tag) =	ssettag $0x0;
	lr =	simm.s32 $0x1  }
0x2: {  	[smem:$0x3F9F] =	sst lr;
	_ =	strace $0xD0000000  }
0x3: {  	_ = 	snop  }
0x4: {  	_ = 	snop  }
0x5: {  	_ = 	snop  }
0x6: {  	_ = 	snop  }
0x7: {  	_ = 	snop  }
__scs_overlays_trampoline_lowered:
0x8: {  	[smem:$0x3FAE] =	sst s0  }
0x9: {  	[smem:$0x3FAF] =	sst s1  }
0xa: {  	[smem:$0x3FB0] =	sst s2  }
0xb: {  	[smem:$0x3FB1] =	sst s3  }
0xc: {  	[smem:$0x3FB2] =	sst s4  }
0xd: {  	[smem:$0x3FB3] =	sst s5  }
0xe: {  	[smem:$0x3FB4] =	sst s6  }
0xf: {  	[smem:$0x3FB5] =	sst s7  }
0x10: {  	[smem:$0x3FB6] =	sst s8  }
0x11: {  	[smem:$0x3FB7] =	sst s9;
	s0 =	simm.s32 @!p0 $0x0  }
0x12: {  	s1 =	sld [smem:$0x3F9D];
	s0 =	simm.s32 @p0 $0x1  }
0x13: {  	[smem:$0x3FB8] =	sst s0;
	s0 =	simm.s32 @!p1 $0x0  }
0x14: {  	s2 =	sld [smem:$0x3F9C];
	s0 =	simm.s32 @p1 $0x1  }
0x15: {  	[smem:$0x3FB9] =	sst s0;
	s0 =	simm.s32 @!p2 $0x0  }
0x16: {  	s3 =	sld [smem:$0x3FDB];
	s0 =	simm.s32 @p2 $0x1  }
0x17: {  	s4 =	simm.s32 $0x1BF5;
	[smem:$0x3FBB] =	sst s0  }
0x18: {  	s0 =	sld [smem:$0x3F9E];
	_ =	swait.ge [sflag:s4], $0x0  }
0x19: {  	s7 =	sld [smem:$0x3F9F]  }
0x1a: {  	s8 =	sadd.s32 $0xFFFFE003, lr  }
0x1b: {  	s9 =	sadd.s32 $0xFFFFFEF7, lr;
	s5 =	simm.s32 $0xFFFFFFFF;
	p2 =	slt.u32 s8, $0xFFFFF086  }
0x1c: {  	p1 =	slt.u32 s9, $0xF7A;
	s5 =	simm.s32 @!p2 $0x0  }
0x1d: {  	s5 =	simm.s32 @p1 $0x1;
	p0 =	seq.s32 s7, s2  }
0x1e: {  	s7 =	smul.u32 @!p0 $0xF7A, s2;
	p2 =	seq.s32 @!p0 s5, $0x0  }
0x1f: {  	s9 =	smul.u32 $0xF7A, s1;
	s8 =	simm.s32 @!p0 $0x1BF5;
	p2 =	por !p2, p0  }
0x20: {  	[sflag:s8] =	ssyncset.s32 @!p0 $0xFFFFF086;
	s6 =	sadd.s32 @!p0 s3, s7;
	s7 =	simm.s32 @!p0 $0x108  }
0x21: {  	s3 =	sadd.s32 s3, s9;
	s6 =	sadd.s32 @!p0 $0x88, s6;
	s7 =	simm.s32 @p2 $0x1082  }
0x22: {  	[simem:s7], [sflag:s8] =	dma.local @!p0 [hbm:s6], $0xF7A  }
0x23: {  	s9 =	sor.u32 $0xD0000000, s2;
	s6 =	simm.s32 $0x108;
	_ =	swait.ge @!p0 [sflag:s8], $0x0  }
0x24: {  	s3 =	sadd.s32 $0x88, s3;
	s6 =	simm.s32 @!p1 $0x1082;
	[sflag:s4] =	ssyncset.s32 $0xFFFFF086  }
0x25: {  	[simem:s6], [sflag:s4] =	dma.local [hbm:s3], $0xF7A  }
0x26: {  	[smem:$0x3F9F] =	sst s1;
	(tag) =	ssettag s2;
	_ =	strace s9  }
0x27: {  	s1 =	sld [smem:$0x3FAF]  }
0x28: {  	s2 =	sld [smem:$0x3FB0]  }
0x29: {  	s4 =	sld [smem:$0x3FB2]  }
0x2a: {  	p0 =	seq.s32 s5, $0x0;
	s5 =	sld [smem:$0x3FB3]  }
0x2b: {  	s6 =	sld [smem:$0x3FB4]  }
0x2c: {  	s7 =	sld [smem:$0x3FB5]  }
0x2d: {  	s3 =	simm.s32 $0x108;
	s8 =	sld [smem:$0x3FB6]  }
0x2e: {  	s3 =	simm.s32 @!p0 $0x1082;
	s9 =	sld [smem:$0x3FB7]  }
0x2f: {  	lr =	sadd.s32 s0, s3;
	s0 =	sld [smem:$0x3FAE]  }
0x30: {  	s3 =	sld [smem:$0x3FB1]  }
0x31: {  	[smem:$0x3FBA] =	sst s10  }
0x32: {  	s10 =	sld [smem:$0x3FB8];
	_ =	sdelay $0x3  }
0x33: {  	p0 =	seq.s32 s10, $0x1;
	s10 =	sld [smem:$0x3FBA];
	_ =	sdelay $0x3  }
0x34: {  	[smem:$0x3FBA] =	sst s10  }
0x35: {  	s10 =	sld [smem:$0x3FB9];
	_ =	sdelay $0x3  }
0x36: {  	p1 =	seq.s32 s10, $0x1;
	s10 =	sld [smem:$0x3FBA];
	_ =	sdelay $0x3  }
0x37: {  	[smem:$0x3FBA] =	sst s10  }
0x38: {  	s10 =	sld [smem:$0x3FBB]  }
0x39: {  	_ = 	snop;
	(pc) =	sbr.ind lr, $3  }
0x3a: {  	_ = 	snop  }
0x3b: {  	_ = 	snop  }
0x3c: {  	p2 =	seq.s32 s10, $0x1;
	s10 =	sld [smem:$0x3FBA]  }
0x3d: {  	_ =	shalt  }
0x3e: {  	_ =	shalt  }
0x3f: {  	_ =	shalt  }
0x40: {  	_ =	shalt  }
0x41: {  	_ =	shalt  }
0x42: {  	_ =	shalt  }
0x43: {  	_ =	shalt  }
0x44: {  	_ =	shalt  }
0x45: {  	_ =	shalt  }
0x46: {  	_ =	shalt  }
0x47: {  	_ =	shalt  }
0x48: {  	_ =	shalt  }
0x49: {  	_ =	shalt  }
0x4a: {  	_ =	shalt  }
0x4b: {  	_ =	shalt  }
0x4c: {  	_ =	shalt  }
0x4d: {  	_ =	shalt  }
0x4e: {  	_ =	shalt  }
0x4f: {  	_ =	shalt  }
0x50: {  	_ =	shalt  }
0x51: {  	_ =	shalt  }
0x52: {  	_ =	shalt  }
0x53: {  	_ =	shalt  }
0x54: {  	_ =	shalt  }
0x55: {  	_ =	shalt  }
0x56: {  	_ =	shalt  }
0x57: {  	_ =	shalt  }
0x58: {  	_ =	shalt  }
0x59: {  	_ =	shalt  }
0x5a: {  	_ =	shalt  }
0x5b: {  	_ =	shalt  }
0x5c: {  	_ =	shalt  }
0x5d: {  	_ =	shalt  }
0x5e: {  	_ =	shalt  }
0x5f: {  	_ =	shalt  }
0x60: {  	_ =	shalt  }
0x61: {  	_ =	shalt  }
0x62: {  	_ =	shalt  }
0x63: {  	_ =	shalt  }
0x64: {  	_ =	shalt  }
0x65: {  	_ =	shalt  }
0x66: {  	_ =	shalt  }
0x67: {  	_ =	shalt  }
0x68: {  	_ =	shalt  }
0x69: {  	_ =	shalt  }
0x6a: {  	_ =	shalt  }
0x6b: {  	_ =	shalt  }
0x6c: {  	_ =	shalt  }
0x6d: {  	_ =	shalt  }
0x6e: {  	_ =	shalt  }
0x6f: {  	_ =	shalt  }
0x70: {  	_ =	shalt  }
0x71: {  	_ =	shalt  }
0x72: {  	_ =	shalt  }
0x73: {  	_ =	shalt  }
0x74: {  	_ =	shalt  }
0x75: {  	_ =	shalt  }
0x76: {  	_ =	shalt  }
0x77: {  	_ =	shalt  }
0x78: {  	_ =	shalt  }
0x79: {  	_ =	shalt  }
0x7a: {  	_ =	shalt  }
0x7b: {  	_ =	shalt  }
0x7c: {  	_ =	shalt  }
0x7d: {  	_ =	shalt  }
0x7e: {  	_ =	shalt  }
0x7f: {  	_ =	shalt  }
0x80: {  	_ =	shalt  }
0x81: {  	_ =	shalt  }
0x82: {  	_ =	shalt  }
0x83: {  	_ =	shalt  }
0x84: {  	_ =	shalt  }
0x85: {  	_ =	shalt  }
0x86: {  	_ =	shalt  }
0x87: {  	_ =	shalt  }
.Lfunc_end0:
.L_simem_size_0:
called_computation.1_lowered:
.L_overlay_start_0:
0x88: {  	s2 =	sld [smem:$0x3FD9]  }
0x89: {  	s3 =	sld [smem:$0x3FFE];
	_ =	sdelay $0x1  }
0x8a: {  	s1 =	srdreg.scid  }
0x8b: {  	s0 =	sand.u32 $0x1, s1  }
0x8c: {  	s17 =	sshll.u32 s0, $0xA;
	s2 =	sadd.s32 s3, s2  }
0x8d: {  	s2 =	sadd.s32 s2, s17  }
0x8e: {  	[smem:$0x3FC6] =	sst s2  }
0x8f: {  	_ = 	snop  }
0x90: {  	s2 =	sld [smem:$0x3FD0];
	(tm) =	ssettm $0x1  }
0x91: {  	s18 =	sld [smem:$0x3FFB];
	_ =	sdelay $0x3  }
0x92: {  	_ =	strace s18  }
0x93: {  	s3 =	sld [smem:$0x3FFC];
	_ =	sdelay $0x3  }
0x94: {  	_ =	strace s3  }
0x95: {  	s3 =	sld [smem:$0x3FFD];
	_ =	sdelay $0x3  }
0x96: {  	_ =	strace s3  }
0x97: {  	_ =	strace $0x8FFFFFFF  }
0x98: {  	s19 =	sld [smem:$0x3FDB];
	_ =	sdelay $0x1  }
0x99: {  	s4 =	simm.s32 $_scs_section_size  }
0x9a: {  	s5 =	simm.s32 $_size__tile_overlayer_lowered;
	s6 =	simm.s32 $_tile_overlayer_lowered  }
0x9b: {  	s22 =	simm.s32 $0x1BFF;
	s21 =	sshll.u32 s6, $0x1;
	s3 =	sadd.s32 s4, s19  }
0x9c: {  	s7 =	simm.s32 $0x0;
	s20 =	sshll.u32 s5, $0x1;
	s5 =	sadd.s32 s21, s3  }
0x9d: {  	[timem:s7], [sflag:s22] =	dma.local [hbm:s5], s20  }
0x9e: {  	_ =	swait.ge [sflag:s22], s20  }
0x9f: {  	s4 =	ssub.s32 $0x0, s20;
	[sflag:s22] =	ssyncset.done $0x0  }
0xa0: {  	[sflag:s22] =	ssyncadd.s32 s4;
	_ =	sdelay $0x1  }
0xa1: {  	s23 =	simm.s32 $0x1B8B  }
0xa2: {  	_ =	swait.ge [sflag:s23], $0x1  }
0xa3: {  	[sflag:s23] =	ssyncset.done $0x0  }
0xa4: {  	s25 =	simm.s32 $0x1B8E;
	s24 =	sld [smem:$0x3FFE];
	[sflag:s23] =	ssyncadd.s32 $0xFFFFFFFF  }
0xa5: {  	s26 =	simm.s32 $execute0_lowered;
	[smem:$0x3FD2] =	sst s25  }
0xa6: {  	s5 =	sshll.u32 s26, $0x1;
	_ =	strace $0x80000046;
	[dreg:$0x1] =	wrdreg $0xFFFFFFFF  }
0xa7: {  	s28 =	simm.s32 $_size_execute0_lowered;
	s3 =	sadd.s32 s3, s5;
	[dreg:$0x0] =	wrdreg $0x0  }
0xa8: {  	s5 =	sshll.u32 s28, $0x1;
	[dreg:$0x2] =	wrdreg s3  }
0xa9: {  	[dreg:$0x3] =	wrdreg s5  }
0xaa: {  	[dreg:$0x4] =	wrdreg $0xC0  }
0xab: {  	_ =	task [dreg:s7], $0x5FFFF  }
0xac: {  	[dreg:$0x1] =	wrdreg $0xFFFFFFFF  }
0xad: {  	[dreg:$0x0] =	wrdreg $0x60  }
0xae: {  	[dreg:$0x2] =	wrdreg s2  }
0xaf: {  	[dreg:$0x3] =	wrdreg s24  }
0xb0: {  	[dreg:$0x4] =	wrdreg $0x9  }
0xb1: {  	_ =	task.clear_ibuf [dreg:s7], $0x5FFFF;
	_ =	strace $0x90000046  }
0xb2: {  	s29 =	simm.s32 $0x9;
	_ =	strace $0x80000048  }
0xb3: {  	_ =	swait.ge [sflag:s29], $0x1  }
0xb4: {  	[sflag:s29] =	ssyncadd.s32 $0xFFFFFFFF  }
0xb5: {  	_ =	strace $0x90000048  }
0xb6: {  	_ =	sfence  }
0xb7: {  	s30 =	sld [smem:$0x0];
	_ =	sdelay $0x2  }
0xb8: {  	s31 =	sshll.u32 s1, $0xD;
	s1 =	sshrl.u32 s1, $0x2  }
0xb9: {  	s3 =	sand.u32 $0x4000, s31;
	s1 =	sadd.s32 s1, s30  }
0xba: {  	s0 =	sor.u32 s3, s0;
	s1 =	sshll.u32 s1, $0x11  }
0xbb: {  	s0 =	sor.u32 s1, s0  }
0xbc: {  	s0 =	sadd.s32 $0x8F2B, s0  }
0xbd: {  	[sflag:s0] =	ssyncadd.remote.s32 $0x1  }
0xbe: {  	_ =	sfence.sel $0xFFFF  }
0xbf: {  	[dreg:$0x0] =	wrdreg $0xFFFFFFFF;
	(pc) =	sbr.abs _section_cstart, $3  }
0xc0: {  	[dreg:$0x1] =	wrdreg $0xFFFFFFFF  }
0xc1: {  	_ =	task.clear_ibuf [dreg:s7], $0x2FFFF;
	_ =	strace $0x9FFFFFFF  }
0xc2: {  	(tm) =	ssettm $0x7FFFFFFF  }
0xc3: {  	_ =	shalt  }
tec
execute0_lowered:
.L_overlay_start_1:
0x0: {  	(tag) =	ssettag $0x1  }
0x1: {  	s0 =	rddreg [dreg:$0x0]  }
0x2: {  	s1 =	srdreg.scid;
	s2 =	stileid.u32  }
0x3: {  	s4 =	rddreg [dreg:$0x1];
	s14 =	simm.s32 $0x7;
	s15 =	simm.s32 $0x80  }
0x4: {  	s19 =	simm.s32 $0x6400;
	s24 =	simm.s32 $0xA400;
	s28 =	simm.s32 $0xE400  }
0x5: {  	s21 =	simm.s32 $0x12400;
	s22 =	simm.s32 $0x1;
	s23 =	simm.s32 $0x16400  }
0x6: {  	s25 =	simm.s32 $0x2;
	s26 =	simm.s32 $0x1A400;
	s29 =	simm.s32 $0x3  }
0x7: {  	s30 =	simm.s32 $0x5;
	s1 =	sand.u32 $0x1, s1;
	s3 =	sshll.u32 s2, $0x1  }
0x8: {  	s18 =	simm.s32 $0x0;
	s2 =	simm.s32 $0x0;
	s10 =	sor.u32 s1, s3  }
0x9: {  	[smem:$0x7FF] =	sst s2;
	s1 =	ssub.s32 $0x2, s1;
	s5 =	smul.u32 $0xC80, s10  }
0xa: {  	s3 =	sadd.s32 $0x800, s4;
	s4 =	sadd.s32 $0xF42C00, s4;
	s7 =	smul.u32 $0x64000, s10  }
0xb: {  	_ =	strace $0x80000047;
	s6 =	sshrl.u32 s1, $0x1;
	s12 =	smul.u32 $0x6400, s10  }
0xc: {  	s10 =	smul.u32 $0x320000, s10;
	s1 =	ssub.s32 s1, s6;
	s5 =	sadd.s32 s0, s5  }
0xd: {  	s6 =	sadd.s32 s4, s7;
	s11 =	sor.u32 $0x80, s12;
	s12 =	sor.u32 $0x100, s12  }
0xe: {  	s13 =	smax.u32 s1, $0x1;
	s1 =	simm.s32 $0x4;
	s0 =	simm.s32 $0x6  }
0xf: {  	s7 =	sadd.s32 $0x800, s6;
	s8 =	sadd.s32 $0x1000, s6;
	s9 =	sadd.s32 $0x1800, s6  }
.LBB2_1:
0x10: {  	[tilespmem:s2], [sflag:$0x7] =	stream.linear.gather [hbm4b:s5+s2], $0x6400, $0x38;
	[tilespmem:$0x1E400] =	vst v63  }
0x11: {  	_ =	swait.ge [sflag:s14], $0x6400  }
0x12: {  	[sflag:s14] =	ssyncset.done $0x0  }
0x13: {  	[sflag:s14] =	ssyncadd.s32 $0xFFFF9C00  }
0x14: {  	[tilespmem:s19], [sflag:$0x1] =	stream.indirect.gather [hbm4b:s3+s15], $0x80, s2, s15, $0xb8;
	[tilespmem:$0x1E400] =	vst v63  }
0x15: {  	_ = 	snop  }
0x16: {  	[tilespmem:s24], [sflag:$0x2] =	stream.indirect.gather [hbm4b:s3+s15], $0x80, s15, s15, $0xb8;
	[tilespmem:$0x1E400] =	vst v63  }
0x17: {  	s16 =	simm.s32 $0x100  }
0x18: {  	[tilespmem:s28], [sflag:$0x3] =	stream.indirect.gather [hbm4b:s3+s15], $0x80, s16, s15, $0xb8;
	[tilespmem:$0x1E400] =	vst v63  }
0x19: {  	s20 =	simm.s32 $0x180  }
0x1a: {  	[tilespmem:s21], [sflag:$0x4] =	stream.indirect.gather [hbm4b:s3+s15], $0x80, s20, s15, $0xb8;
	[tilespmem:$0x1E400] =	vst v63  }
0x1b: {  	_ =	swait.ge [sflag:s22], $0x4000  }
0x1c: {  	[sflag:s22] =	ssyncset.done $0x0  }
0x1d: {  	s31 =	simm.s32 $0x6600;
	[sflag:s22] =	ssyncadd.s32 $0xFFFFC000  }
0x1e: {  	v0 =	vld [tilespmem:s31+$0xFFFFFE00];
	_ =	sdelay $0x4  }
0x1f: {  	v0 =	vmul.f32 $8.000000000e+00, v0  }
0x20: {  	s20 =	simm.s32 $0x16600  }
0x21: {  	[tilespmem:s20+$0xFFFFFE00] =	vst v0  }
0x22: {  	v0 =	vld [tilespmem:s31+$0xFFFFFE10];
	_ =	sdelay $0x4  }
0x23: {  	v0 =	vmul.f32 $8.000000000e+00, v0;
	_ =	sdelay $0x1  }
0x24: {  	[tilespmem:s20+$0xFFFFFE10] =	vst v0  }
0x25: {  	v0 =	vld [tilespmem:s31+$0xFFFFFE20];
	_ =	sdelay $0x4  }
0x26: {  	v0 =	vmul.f32 $8.000000000e+00, v0;
	_ =	sdelay $0x1  }
0x27: {  	[tilespmem:s20+$0xFFFFFE20] =	vst v0  }
0x28: {  	v0 =	vld [tilespmem:s31+$0xFFFFFE30];
	_ =	sdelay $0x4  }
0x29: {  	v0 =	vmul.f32 $8.000000000e+00, v0;
	_ =	sdelay $0x1  }
0x2a: {  	[tilespmem:s20+$0xFFFFFE30] =	vst v0  }
0x2b: {  	v0 =	vld [tilespmem:s31+$0xFFFFFE80];
	_ =	sdelay $0x4  }
0x2c: {  	v0 =	vmul.f32 $8.000000000e+00, v0;
	_ =	sdelay $0x1  }
0x2d: {  	[tilespmem:s20+$0xFFFFFE80] =	vst v0  }
0x2e: {  	v0 =	vld [tilespmem:s31+$0xFFFFFE90];
	_ =	sdelay $0x4  }
0x2f: {  	v0 =	vmul.f32 $8.000000000e+00, v0;
	_ =	sdelay $0x1  }
0x30: {  	[tilespmem:s20+$0xFFFFFE90] =	vst v0  }
0x31: {  	v0 =	vld [tilespmem:s31+$0xFFFFFEA0];
	_ =	sdelay $0x4  }
0x32: {  	v0 =	vmul.f32 $8.000000000e+00, v0;
	_ =	sdelay $0x1  }
0x33: {  	[tilespmem:s20+$0xFFFFFEA0] =	vst v0  }
0x34: {  	v0 =	vld [tilespmem:s31+$0xFFFFFEB0];
	_ =	sdelay $0x4  }
0x35: {  	v0 =	vmul.f32 $8.000000000e+00, v0;
	_ =	sdelay $0x1  }
0x36: {  	[tilespmem:s20+$0xFFFFFEB0] =	vst v0  }
0x37: {  	v0 =	vld [tilespmem:s31+$0xFFFFFF00];
	_ =	sdelay $0x4  }
0x38: {  	v0 =	vmul.f32 $8.000000000e+00, v0;
	_ =	sdelay $0x1  }
0x39: {  	[tilespmem:s20+$0xFFFFFF00] =	vst v0  }
0x3a: {  	v0 =	vld [tilespmem:s31+$0xFFFFFF10];
	_ =	sdelay $0x4  }
0x3b: {  	v0 =	vmul.f32 $8.000000000e+00, v0;
	_ =	sdelay $0x1  }
0x3c: {  	[tilespmem:s20+$0xFFFFFF10] =	vst v0  }
0x3d: {  	v0 =	vld [tilespmem:s31+$0xFFFFFF20];
	_ =	sdelay $0x4  }
0x3e: {  	v0 =	vmul.f32 $8.000000000e+00, v0;
	_ =	sdelay $0x1  }
0x3f: {  	[tilespmem:s20+$0xFFFFFF20] =	vst v0  }
0x40: {  	v0 =	vld [tilespmem:s31+$0xFFFFFF30];
	_ =	sdelay $0x4  }
0x41: {  	v0 =	vmul.f32 $8.000000000e+00, v0;
	_ =	sdelay $0x1  }
0x42: {  	[tilespmem:s20+$0xFFFFFF30] =	vst v0  }
0x43: {  	v0 =	vld [tilespmem:s31+$0xFFFFFF80];
	_ =	sdelay $0x4  }
0x44: {  	v0 =	vmul.f32 $8.000000000e+00, v0;
	_ =	sdelay $0x1  }
0x45: {  	[tilespmem:s20+$0xFFFFFF80] =	vst v0  }
0x46: {  	v0 =	vld [tilespmem:s31+$0xFFFFFF90];
	_ =	sdelay $0x4  }
0x47: {  	v0 =	vmul.f32 $8.000000000e+00, v0;
	_ =	sdelay $0x1  }
0x48: {  	[tilespmem:s20+$0xFFFFFF90] =	vst v0  }
0x49: {  	v0 =	vld [tilespmem:s31+$0xFFFFFFA0];
	_ =	sdelay $0x4  }
0x4a: {  	v0 =	vmul.f32 $8.000000000e+00, v0;
	_ =	sdelay $0x1  }
0x4b: {  	[tilespmem:s20+$0xFFFFFFA0] =	vst v0  }
0x4c: {  	v0 =	vld [tilespmem:s31+$0xFFFFFFB0];
	_ =	sdelay $0x4  }
0x4d: {  	v0 =	vmul.f32 $8.000000000e+00, v0;
	_ =	sdelay $0x1  }
0x4e: {  	[tilespmem:s20+$0xFFFFFFB0] =	vst v0  }
0x4f: {  	v0 =	vld [tilespmem:s31+$0x0];
	_ =	sdelay $0x4  }
0x50: {  	v0 =	vmul.f32 $8.000000000e+00, v0;
	_ =	sdelay $0x1  }
0x51: {  	[tilespmem:s20+$0x0] =	vst v0  }
0x52: {  	v0 =	vld [tilespmem:s31+$0x10];
	_ =	sdelay $0x4  }
0x53: {  	v0 =	vmul.f32 $8.000000000e+00, v0;
	_ =	sdelay $0x1  }
0x54: {  	[tilespmem:s20+$0x10] =	vst v0  }
0x55: {  	v0 =	vld [tilespmem:s31+$0x20];
	_ =	sdelay $0x4  }
0x56: {  	v0 =	vmul.f32 $8.000000000e+00, v0;
	_ =	sdelay $0x1  }
0x57: {  	[tilespmem:s20+$0x20] =	vst v0  }
0x58: {  	v0 =	vld [tilespmem:s31+$0x30];
	_ =	sdelay $0x4  }
0x59: {  	v0 =	vmul.f32 $8.000000000e+00, v0;
	_ =	sdelay $0x1  }
0x5a: {  	[tilespmem:s20+$0x30] =	vst v0  }
0x5b: {  	v0 =	vld [tilespmem:s31+$0x80];
	_ =	sdelay $0x4  }
0x5c: {  	v0 =	vmul.f32 $8.000000000e+00, v0;
	_ =	sdelay $0x1  }
0x5d: {  	[tilespmem:s20+$0x80] =	vst v0  }
0x5e: {  	v0 =	vld [tilespmem:s31+$0x90];
	_ =	sdelay $0x4  }
0x5f: {  	v0 =	vmul.f32 $8.000000000e+00, v0;
	_ =	sdelay $0x1  }
0x60: {  	[tilespmem:s20+$0x90] =	vst v0  }
0x61: {  	v0 =	vld [tilespmem:s31+$0xA0];
	_ =	sdelay $0x4  }
0x62: {  	v0 =	vmul.f32 $8.000000000e+00, v0;
	_ =	sdelay $0x1  }
0x63: {  	[tilespmem:s20+$0xA0] =	vst v0  }
0x64: {  	v0 =	vld [tilespmem:s31+$0xB0];
	_ =	sdelay $0x4  }
0x65: {  	v0 =	vmul.f32 $8.000000000e+00, v0;
	_ =	sdelay $0x1  }
0x66: {  	[tilespmem:s20+$0xB0] =	vst v0  }
0x67: {  	v0 =	vld [tilespmem:s31+$0x100];
	_ =	sdelay $0x4  }
0x68: {  	v0 =	vmul.f32 $8.000000000e+00, v0;
	_ =	sdelay $0x1  }
0x69: {  	[tilespmem:s20+$0x100] =	vst v0  }
0x6a: {  	v0 =	vld [tilespmem:s31+$0x110];
	_ =	sdelay $0x4  }
0x6b: {  	v0 =	vmul.f32 $8.000000000e+00, v0;
	_ =	sdelay $0x1  }
0x6c: {  	[tilespmem:s20+$0x110] =	vst v0  }
0x6d: {  	v0 =	vld [tilespmem:s31+$0x120];
	_ =	sdelay $0x4  }
0x6e: {  	v0 =	vmul.f32 $8.000000000e+00, v0;
	_ =	sdelay $0x1  }
0x6f: {  	[tilespmem:s20+$0x120] =	vst v0  }
0x70: {  	v0 =	vld [tilespmem:s31+$0x130];
	_ =	sdelay $0x4  }
0x71: {  	v0 =	vmul.f32 $8.000000000e+00, v0;
	_ =	sdelay $0x1  }
0x72: {  	[tilespmem:s20+$0x130] =	vst v0  }
0x73: {  	v0 =	vld [tilespmem:s31+$0x180];
	_ =	sdelay $0x4  }
0x74: {  	v0 =	vmul.f32 $8.000000000e+00, v0;
	_ =	sdelay $0x1  }
0x75: {  	[tilespmem:s20+$0x180] =	vst v0  }
0x76: {  	v0 =	vld [tilespmem:s31+$0x190];
	_ =	sdelay $0x4  }
0x77: {  	v0 =	vmul.f32 $8.000000000e+00, v0;
	_ =	sdelay $0x1  }
0x78: {  	[tilespmem:s20+$0x190] =	vst v0  }
0x79: {  	v0 =	vld [tilespmem:s31+$0x1A0];
	_ =	sdelay $0x4  }
0x7a: {  	v0 =	vmul.f32 $8.000000000e+00, v0;
	_ =	sdelay $0x1  }
0x7b: {  	[tilespmem:s20+$0x1A0] =	vst v0  }
0x7c: {  	v0 =	vld [tilespmem:s31+$0x1B0];
	_ =	sdelay $0x4  }
0x7d: {  	v0 =	vmul.f32 $8.000000000e+00, v0;
	_ =	sdelay $0x1  }
0x7e: {  	s17 =	simm.s32 $0x6A00;
	s16 =	simm.s32 $0x0;
	[tilespmem:s20+$0x1B0] =	vst v0  }
.LBB2_2:
0x7f: {  	v0 =	vld [tilespmem:s17+$0xFFFFFE00];
	s16 =	sadd.s32 $0x8, s16  }
0x80: {  	p0 =	slt.u32 s16, $0x78;
	_ =	sdelay $0x3  }
0x81: {  	v0 =	vmul.f32 $8.000000000e+00, v0  }
0x82: {  	s20 =	sadd.s32 $0x400, s20  }
0x83: {  	[tilespmem:s20+$0xFFFFFE00] =	vst v0  }
0x84: {  	v0 =	vld [tilespmem:s17+$0xFFFFFE10];
	_ =	sdelay $0x4  }
0x85: {  	v0 =	vmul.f32 $8.000000000e+00, v0;
	_ =	sdelay $0x1  }
0x86: {  	[tilespmem:s20+$0xFFFFFE10] =	vst v0  }
0x87: {  	v0 =	vld [tilespmem:s17+$0xFFFFFE20];
	_ =	sdelay $0x4  }
0x88: {  	v0 =	vmul.f32 $8.000000000e+00, v0;
	_ =	sdelay $0x1  }
0x89: {  	[tilespmem:s20+$0xFFFFFE20] =	vst v0  }
0x8a: {  	v0 =	vld [tilespmem:s17+$0xFFFFFE30];
	_ =	sdelay $0x4  }
0x8b: {  	v0 =	vmul.f32 $8.000000000e+00, v0;
	_ =	sdelay $0x1  }
0x8c: {  	[tilespmem:s20+$0xFFFFFE30] =	vst v0  }
0x8d: {  	v0 =	vld [tilespmem:s17+$0xFFFFFE80];
	_ =	sdelay $0x4  }
0x8e: {  	v0 =	vmul.f32 $8.000000000e+00, v0;
	_ =	sdelay $0x1  }
0x8f: {  	[tilespmem:s20+$0xFFFFFE80] =	vst v0  }
0x90: {  	v0 =	vld [tilespmem:s17+$0xFFFFFE90];
	_ =	sdelay $0x4  }
0x91: {  	v0 =	vmul.f32 $8.000000000e+00, v0;
	_ =	sdelay $0x1  }
0x92: {  	[tilespmem:s20+$0xFFFFFE90] =	vst v0  }
0x93: {  	v0 =	vld [tilespmem:s17+$0xFFFFFEA0];
	_ =	sdelay $0x4  }
0x94: {  	v0 =	vmul.f32 $8.000000000e+00, v0;
	_ =	sdelay $0x1  }
0x95: {  	[tilespmem:s20+$0xFFFFFEA0] =	vst v0  }
0x96: {  	v0 =	vld [tilespmem:s17+$0xFFFFFEB0];
	_ =	sdelay $0x4  }
0x97: {  	v0 =	vmul.f32 $8.000000000e+00, v0;
	_ =	sdelay $0x1  }
0x98: {  	[tilespmem:s20+$0xFFFFFEB0] =	vst v0  }
0x99: {  	v0 =	vld [tilespmem:s17+$0xFFFFFF00];
	_ =	sdelay $0x4  }
0x9a: {  	v0 =	vmul.f32 $8.000000000e+00, v0;
	_ =	sdelay $0x1  }
0x9b: {  	[tilespmem:s20+$0xFFFFFF00] =	vst v0  }
0x9c: {  	v0 =	vld [tilespmem:s17+$0xFFFFFF10];
	_ =	sdelay $0x4  }
0x9d: {  	v0 =	vmul.f32 $8.000000000e+00, v0;
	_ =	sdelay $0x1  }
0x9e: {  	[tilespmem:s20+$0xFFFFFF10] =	vst v0  }
0x9f: {  	v0 =	vld [tilespmem:s17+$0xFFFFFF20];
	_ =	sdelay $0x4  }
0xa0: {  	v0 =	vmul.f32 $8.000000000e+00, v0;
	_ =	sdelay $0x1  }
0xa1: {  	[tilespmem:s20+$0xFFFFFF20] =	vst v0  }
0xa2: {  	v0 =	vld [tilespmem:s17+$0xFFFFFF30];
	_ =	sdelay $0x4  }
0xa3: {  	v0 =	vmul.f32 $8.000000000e+00, v0;
	_ =	sdelay $0x1  }
0xa4: {  	[tilespmem:s20+$0xFFFFFF30] =	vst v0  }
0xa5: {  	v0 =	vld [tilespmem:s17+$0xFFFFFF80];
	_ =	sdelay $0x4  }
0xa6: {  	v0 =	vmul.f32 $8.000000000e+00, v0;
	_ =	sdelay $0x1  }
0xa7: {  	[tilespmem:s20+$0xFFFFFF80] =	vst v0  }
0xa8: {  	v0 =	vld [tilespmem:s17+$0xFFFFFF90];
	_ =	sdelay $0x4  }
0xa9: {  	v0 =	vmul.f32 $8.000000000e+00, v0;
	_ =	sdelay $0x1  }
0xaa: {  	[tilespmem:s20+$0xFFFFFF90] =	vst v0  }
0xab: {  	v0 =	vld [tilespmem:s17+$0xFFFFFFA0];
	_ =	sdelay $0x4  }
0xac: {  	v0 =	vmul.f32 $8.000000000e+00, v0;
	_ =	sdelay $0x1  }
0xad: {  	[tilespmem:s20+$0xFFFFFFA0] =	vst v0  }
0xae: {  	v0 =	vld [tilespmem:s17+$0xFFFFFFB0];
	_ =	sdelay $0x4  }
0xaf: {  	v0 =	vmul.f32 $8.000000000e+00, v0;
	_ =	sdelay $0x1  }
0xb0: {  	[tilespmem:s20+$0xFFFFFFB0] =	vst v0  }
0xb1: {  	v0 =	vld [tilespmem:s17+$0x0];
	_ =	sdelay $0x4  }
0xb2: {  	v0 =	vmul.f32 $8.000000000e+00, v0;
	_ =	sdelay $0x1  }
0xb3: {  	[tilespmem:s20+$0x0] =	vst v0  }
0xb4: {  	v0 =	vld [tilespmem:s17+$0x10];
	_ =	sdelay $0x4  }
0xb5: {  	v0 =	vmul.f32 $8.000000000e+00, v0;
	_ =	sdelay $0x1  }
0xb6: {  	[tilespmem:s20+$0x10] =	vst v0  }
0xb7: {  	v0 =	vld [tilespmem:s17+$0x20];
	_ =	sdelay $0x4  }
0xb8: {  	v0 =	vmul.f32 $8.000000000e+00, v0;
	_ =	sdelay $0x1  }
0xb9: {  	[tilespmem:s20+$0x20] =	vst v0  }
0xba: {  	v0 =	vld [tilespmem:s17+$0x30];
	_ =	sdelay $0x4  }
0xbb: {  	v0 =	vmul.f32 $8.000000000e+00, v0;
	_ =	sdelay $0x1  }
0xbc: {  	[tilespmem:s20+$0x30] =	vst v0  }
0xbd: {  	v0 =	vld [tilespmem:s17+$0x80];
	_ =	sdelay $0x4  }
0xbe: {  	v0 =	vmul.f32 $8.000000000e+00, v0;
	_ =	sdelay $0x1  }
0xbf: {  	[tilespmem:s20+$0x80] =	vst v0  }
0xc0: {  	v0 =	vld [tilespmem:s17+$0x90];
	_ =	sdelay $0x4  }
0xc1: {  	v0 =	vmul.f32 $8.000000000e+00, v0;
	_ =	sdelay $0x1  }
0xc2: {  	[tilespmem:s20+$0x90] =	vst v0  }
0xc3: {  	v0 =	vld [tilespmem:s17+$0xA0];
	_ =	sdelay $0x4  }
0xc4: {  	v0 =	vmul.f32 $8.000000000e+00, v0;
	_ =	sdelay $0x1  }
0xc5: {  	[tilespmem:s20+$0xA0] =	vst v0  }
0xc6: {  	v0 =	vld [tilespmem:s17+$0xB0];
	_ =	sdelay $0x4  }
0xc7: {  	v0 =	vmul.f32 $8.000000000e+00, v0;
	_ =	sdelay $0x1  }
0xc8: {  	[tilespmem:s20+$0xB0] =	vst v0  }
0xc9: {  	v0 =	vld [tilespmem:s17+$0x100];
	_ =	sdelay $0x4  }
0xca: {  	v0 =	vmul.f32 $8.000000000e+00, v0;
	_ =	sdelay $0x1  }
0xcb: {  	[tilespmem:s20+$0x100] =	vst v0  }
0xcc: {  	v0 =	vld [tilespmem:s17+$0x110];
	_ =	sdelay $0x4  }
0xcd: {  	v0 =	vmul.f32 $8.000000000e+00, v0;
	_ =	sdelay $0x1  }
0xce: {  	[tilespmem:s20+$0x110] =	vst v0  }
0xcf: {  	v0 =	vld [tilespmem:s17+$0x120];
	_ =	sdelay $0x4  }
0xd0: {  	v0 =	vmul.f32 $8.000000000e+00, v0;
	_ =	sdelay $0x1  }
0xd1: {  	[tilespmem:s20+$0x120] =	vst v0  }
0xd2: {  	v0 =	vld [tilespmem:s17+$0x130];
	_ =	sdelay $0x4  }
0xd3: {  	v0 =	vmul.f32 $8.000000000e+00, v0;
	_ =	sdelay $0x1  }
0xd4: {  	[tilespmem:s20+$0x130] =	vst v0  }
0xd5: {  	v0 =	vld [tilespmem:s17+$0x180];
	_ =	sdelay $0x4  }
0xd6: {  	v0 =	vmul.f32 $8.000000000e+00, v0;
	_ =	sdelay $0x1  }
0xd7: {  	[tilespmem:s20+$0x180] =	vst v0  }
0xd8: {  	v0 =	vld [tilespmem:s17+$0x190];
	_ =	sdelay $0x4  }
0xd9: {  	v0 =	vmul.f32 $8.000000000e+00, v0;
	_ =	sdelay $0x1  }
0xda: {  	[tilespmem:s20+$0x190] =	vst v0  }
0xdb: {  	v0 =	vld [tilespmem:s17+$0x1A0];
	_ =	sdelay $0x4  }
0xdc: {  	v0 =	vmul.f32 $8.000000000e+00, v0;
	_ =	sdelay $0x1  }
0xdd: {  	[tilespmem:s20+$0x1A0] =	vst v0  }
0xde: {  	v0 =	vld [tilespmem:s17+$0x1B0];
	_ =	sdelay $0x2  }
.Ltmp0:
0xdf: {  	(pc) =	sbr.rel @p0 .LBB2_2-.Ltmp0, $3  }
0xe0: {  	_ = 	snop  }
0xe1: {  	v0 =	vmul.f32 $8.000000000e+00, v0;
	_ =	sdelay $0x1  }
0xe2: {  	s17 =	sadd.s32 $0x400, s17;
	[tilespmem:s20+$0x1B0] =	vst v0  }
0xe3: {  	[hbm4b:s6+s2] =	stream.linear.scatter [tilespmem:s23], [sflag:$0x5], $0x4000, $0x38;
	[tilespmem:$0x1E400] =	vst v63  }
0xe4: {  	s16 =	simm.s32 $0x200  }
0xe5: {  	[tilespmem:s19], [sflag:$0x1] =	stream.indirect.gather [hbm4b:s3+s15], $0x80, s16, s15, $0xb8;
	[tilespmem:$0x1E400] =	vst v63  }
0xe6: {  	_ =	swait.ge [sflag:s25], $0x4000  }
0xe7: {  	[sflag:s25] =	ssyncset.done $0x0  }
0xe8: {  	s31 =	simm.s32 $0xA600;
	[sflag:s25] =	ssyncadd.s32 $0xFFFFC000  }
0xe9: {  	v0 =	vld [tilespmem:s31+$0xFFFFFE00];
	_ =	sdelay $0x4  }
0xea: {  	v0 =	vmul.f32 $8.000000000e+00, v0  }
0xeb: {  	s20 =	simm.s32 $0x1A600  }
0xec: {  	[tilespmem:s20+$0xFFFFFE00] =	vst v0  }
0xed: {  	v0 =	vld [tilespmem:s31+$0xFFFFFE10];
	_ =	sdelay $0x4  }
0xee: {  	v0 =	vmul.f32 $8.000000000e+00, v0;
	_ =	sdelay $0x1  }
0xef: {  	[tilespmem:s20+$0xFFFFFE10] =	vst v0  }
0xf0: {  	v0 =	vld [tilespmem:s31+$0xFFFFFE20];
	_ =	sdelay $0x4  }
0xf1: {  	v0 =	vmul.f32 $8.000000000e+00, v0;
	_ =	sdelay $0x1  }
0xf2: {  	[tilespmem:s20+$0xFFFFFE20] =	vst v0  }
0xf3: {  	v0 =	vld [tilespmem:s31+$0xFFFFFE30];
	_ =	sdelay $0x4  }
0xf4: {  	v0 =	vmul.f32 $8.000000000e+00, v0;
	_ =	sdelay $0x1  }
0xf5: {  	[tilespmem:s20+$0xFFFFFE30] =	vst v0  }
0xf6: {  	v0 =	vld [tilespmem:s31+$0xFFFFFE80];
	_ =	sdelay $0x4  }
0xf7: {  	v0 =	vmul.f32 $8.000000000e+00, v0;
	_ =	sdelay $0x1  }
0xf8: {  	[tilespmem:s20+$0xFFFFFE80] =	vst v0  }
0xf9: {  	v0 =	vld [tilespmem:s31+$0xFFFFFE90];
	_ =	sdelay $0x4  }
0xfa: {  	v0 =	vmul.f32 $8.000000000e+00, v0;
	_ =	sdelay $0x1  }
0xfb: {  	[tilespmem:s20+$0xFFFFFE90] =	vst v0  }
0xfc: {  	v0 =	vld [tilespmem:s31+$0xFFFFFEA0];
	_ =	sdelay $0x4  }
0xfd: {  	v0 =	vmul.f32 $8.000000000e+00, v0;
	_ =	sdelay $0x1  }
0xfe: {  	[tilespmem:s20+$0xFFFFFEA0] =	vst v0  }
0xff: {  	v0 =	vld [tilespmem:s31+$0xFFFFFEB0];
	_ =	sdelay $0x4  }
0x100: {  	v0 =	vmul.f32 $8.000000000e+00, v0;
	_ =	sdelay $0x1  }
0x101: {  	[tilespmem:s20+$0xFFFFFEB0] =	vst v0  }
0x102: {  	v0 =	vld [tilespmem:s31+$0xFFFFFF00];
	_ =	sdelay $0x4  }
0x103: {  	v0 =	vmul.f32 $8.000000000e+00, v0;
	_ =	sdelay $0x1  }
0x104: {  	[tilespmem:s20+$0xFFFFFF00] =	vst v0  }
0x105: {  	v0 =	vld [tilespmem:s31+$0xFFFFFF10];
	_ =	sdelay $0x4  }
0x106: {  	v0 =	vmul.f32 $8.000000000e+00, v0;
	_ =	sdelay $0x1  }
0x107: {  	[tilespmem:s20+$0xFFFFFF10] =	vst v0  }
0x108: {  	v0 =	vld [tilespmem:s31+$0xFFFFFF20];
	_ =	sdelay $0x4  }
0x109: {  	v0 =	vmul.f32 $8.000000000e+00, v0;
	_ =	sdelay $0x1  }
0x10a: {  	[tilespmem:s20+$0xFFFFFF20] =	vst v0  }
0x10b: {  	v0 =	vld [tilespmem:s31+$0xFFFFFF30];
	_ =	sdelay $0x4  }
0x10c: {  	v0 =	vmul.f32 $8.000000000e+00, v0;
	_ =	sdelay $0x1  }
0x10d: {  	[tilespmem:s20+$0xFFFFFF30] =	vst v0  }
0x10e: {  	v0 =	vld [tilespmem:s31+$0xFFFFFF80];
	_ =	sdelay $0x4  }
0x10f: {  	v0 =	vmul.f32 $8.000000000e+00, v0;
	_ =	sdelay $0x1  }
0x110: {  	[tilespmem:s20+$0xFFFFFF80] =	vst v0  }
0x111: {  	v0 =	vld [tilespmem:s31+$0xFFFFFF90];
	_ =	sdelay $0x4  }
0x112: {  	v0 =	vmul.f32 $8.000000000e+00, v0;
	_ =	sdelay $0x1  }
0x113: {  	[tilespmem:s20+$0xFFFFFF90] =	vst v0  }
0x114: {  	v0 =	vld [tilespmem:s31+$0xFFFFFFA0];
	_ =	sdelay $0x4  }
0x115: {  	v0 =	vmul.f32 $8.000000000e+00, v0;
	_ =	sdelay $0x1  }
0x116: {  	[tilespmem:s20+$0xFFFFFFA0] =	vst v0  }
0x117: {  	v0 =	vld [tilespmem:s31+$0xFFFFFFB0];
	_ =	sdelay $0x4  }
0x118: {  	v0 =	vmul.f32 $8.000000000e+00, v0;
	_ =	sdelay $0x1  }
0x119: {  	[tilespmem:s20+$0xFFFFFFB0] =	vst v0  }
0x11a: {  	v0 =	vld [tilespmem:s31+$0x0];
	_ =	sdelay $0x4  }
0x11b: {  	v0 =	vmul.f32 $8.000000000e+00, v0;
	_ =	sdelay $0x1  }
0x11c: {  	[tilespmem:s20+$0x0] =	vst v0  }
0x11d: {  	v0 =	vld [tilespmem:s31+$0x10];
	_ =	sdelay $0x4  }
0x11e: {  	v0 =	vmul.f32 $8.000000000e+00, v0;
	_ =	sdelay $0x1  }
0x11f: {  	[tilespmem:s20+$0x10] =	vst v0  }
0x120: {  	v0 =	vld [tilespmem:s31+$0x20];
	_ =	sdelay $0x4  }
0x121: {  	v0 =	vmul.f32 $8.000000000e+00, v0;
	_ =	sdelay $0x1  }
0x122: {  	[tilespmem:s20+$0x20] =	vst v0  }
0x123: {  	v0 =	vld [tilespmem:s31+$0x30];
	_ =	sdelay $0x4  }
0x124: {  	v0 =	vmul.f32 $8.000000000e+00, v0;
	_ =	sdelay $0x1  }
0x125: {  	[tilespmem:s20+$0x30] =	vst v0  }
0x126: {  	v0 =	vld [tilespmem:s31+$0x80];
	_ =	sdelay $0x4  }
0x127: {  	v0 =	vmul.f32 $8.000000000e+00, v0;
	_ =	sdelay $0x1  }
0x128: {  	[tilespmem:s20+$0x80] =	vst v0  }
0x129: {  	v0 =	vld [tilespmem:s31+$0x90];
	_ =	sdelay $0x4  }
0x12a: {  	v0 =	vmul.f32 $8.000000000e+00, v0;
	_ =	sdelay $0x1  }
0x12b: {  	[tilespmem:s20+$0x90] =	vst v0  }
0x12c: {  	v0 =	vld [tilespmem:s31+$0xA0];
	_ =	sdelay $0x4  }
0x12d: {  	v0 =	vmul.f32 $8.000000000e+00, v0;
	_ =	sdelay $0x1  }
0x12e: {  	[tilespmem:s20+$0xA0] =	vst v0  }
0x12f: {  	v0 =	vld [tilespmem:s31+$0xB0];
	_ =	sdelay $0x4  }
0x130: {  	v0 =	vmul.f32 $8.000000000e+00, v0;
	_ =	sdelay $0x1  }
0x131: {  	[tilespmem:s20+$0xB0] =	vst v0  }
0x132: {  	v0 =	vld [tilespmem:s31+$0x100];
	_ =	sdelay $0x4  }
0x133: {  	v0 =	vmul.f32 $8.000000000e+00, v0;
	_ =	sdelay $0x1  }
0x134: {  	[tilespmem:s20+$0x100] =	vst v0  }
0x135: {  	v0 =	vld [tilespmem:s31+$0x110];
	_ =	sdelay $0x4  }
0x136: {  	v0 =	vmul.f32 $8.000000000e+00, v0;
	_ =	sdelay $0x1  }
0x137: {  	[tilespmem:s20+$0x110] =	vst v0  }
0x138: {  	v0 =	vld [tilespmem:s31+$0x120];
	_ =	sdelay $0x4  }
0x139: {  	v0 =	vmul.f32 $8.000000000e+00, v0;
	_ =	sdelay $0x1  }
0x13a: {  	[tilespmem:s20+$0x120] =	vst v0  }
0x13b: {  	v0 =	vld [tilespmem:s31+$0x130];
	_ =	sdelay $0x4  }
0x13c: {  	v0 =	vmul.f32 $8.000000000e+00, v0;
	_ =	sdelay $0x1  }
0x13d: {  	[tilespmem:s20+$0x130] =	vst v0  }
0x13e: {  	v0 =	vld [tilespmem:s31+$0x180];
	_ =	sdelay $0x4  }
0x13f: {  	v0 =	vmul.f32 $8.000000000e+00, v0;
	_ =	sdelay $0x1  }
0x140: {  	[tilespmem:s20+$0x180] =	vst v0  }
0x141: {  	v0 =	vld [tilespmem:s31+$0x190];
	_ =	sdelay $0x4  }
0x142: {  	v0 =	vmul.f32 $8.000000000e+00, v0;
	_ =	sdelay $0x1  }
0x143: {  	[tilespmem:s20+$0x190] =	vst v0  }
0x144: {  	v0 =	vld [tilespmem:s31+$0x1A0];
	_ =	sdelay $0x4  }
0x145: {  	v0 =	vmul.f32 $8.000000000e+00, v0;
	_ =	sdelay $0x1  }
0x146: {  	[tilespmem:s20+$0x1A0] =	vst v0  }
0x147: {  	v0 =	vld [tilespmem:s31+$0x1B0];
	_ =	sdelay $0x4  }
0x148: {  	v0 =	vmul.f32 $8.000000000e+00, v0;
	_ =	sdelay $0x1  }
0x149: {  	s17 =	simm.s32 $0xAA00;
	s16 =	simm.s32 $0x0;
	[tilespmem:s20+$0x1B0] =	vst v0  }
.LBB2_4:
0x14a: {  	v0 =	vld [tilespmem:s17+$0xFFFFFE00];
	s16 =	sadd.s32 $0x8, s16  }
0x14b: {  	p0 =	slt.u32 s16, $0x78;
	_ =	sdelay $0x3  }
0x14c: {  	v0 =	vmul.f32 $8.000000000e+00, v0  }
0x14d: {  	s20 =	sadd.s32 $0x400, s20  }
0x14e: {  	[tilespmem:s20+$0xFFFFFE00] =	vst v0  }
0x14f: {  	v0 =	vld [tilespmem:s17+$0xFFFFFE10];
	_ =	sdelay $0x4  }
0x150: {  	v0 =	vmul.f32 $8.000000000e+00, v0;
	_ =	sdelay $0x1  }
0x151: {  	[tilespmem:s20+$0xFFFFFE10] =	vst v0  }
0x152: {  	v0 =	vld [tilespmem:s17+$0xFFFFFE20];
	_ =	sdelay $0x4  }
0x153: {  	v0 =	vmul.f32 $8.000000000e+00, v0;
	_ =	sdelay $0x1  }
0x154: {  	[tilespmem:s20+$0xFFFFFE20] =	vst v0  }
0x155: {  	v0 =	vld [tilespmem:s17+$0xFFFFFE30];
	_ =	sdelay $0x4  }
0x156: {  	v0 =	vmul.f32 $8.000000000e+00, v0;
	_ =	sdelay $0x1  }
0x157: {  	[tilespmem:s20+$0xFFFFFE30] =	vst v0  }
0x158: {  	v0 =	vld [tilespmem:s17+$0xFFFFFE80];
	_ =	sdelay $0x4  }
0x159: {  	v0 =	vmul.f32 $8.000000000e+00, v0;
	_ =	sdelay $0x1  }
0x15a: {  	[tilespmem:s20+$0xFFFFFE80] =	vst v0  }
0x15b: {  	v0 =	vld [tilespmem:s17+$0xFFFFFE90];
	_ =	sdelay $0x4  }
0x15c: {  	v0 =	vmul.f32 $8.000000000e+00, v0;
	_ =	sdelay $0x1  }
0x15d: {  	[tilespmem:s20+$0xFFFFFE90] =	vst v0  }
0x15e: {  	v0 =	vld [tilespmem:s17+$0xFFFFFEA0];
	_ =	sdelay $0x4  }
0x15f: {  	v0 =	vmul.f32 $8.000000000e+00, v0;
	_ =	sdelay $0x1  }
0x160: {  	[tilespmem:s20+$0xFFFFFEA0] =	vst v0  }
0x161: {  	v0 =	vld [tilespmem:s17+$0xFFFFFEB0];
	_ =	sdelay $0x4  }
0x162: {  	v0 =	vmul.f32 $8.000000000e+00, v0;
	_ =	sdelay $0x1  }
0x163: {  	[tilespmem:s20+$0xFFFFFEB0] =	vst v0  }
0x164: {  	v0 =	vld [tilespmem:s17+$0xFFFFFF00];
	_ =	sdelay $0x4  }
0x165: {  	v0 =	vmul.f32 $8.000000000e+00, v0;
	_ =	sdelay $0x1  }
0x166: {  	[tilespmem:s20+$0xFFFFFF00] =	vst v0  }
0x167: {  	v0 =	vld [tilespmem:s17+$0xFFFFFF10];
	_ =	sdelay $0x4  }
0x168: {  	v0 =	vmul.f32 $8.000000000e+00, v0;
	_ =	sdelay $0x1  }
0x169: {  	[tilespmem:s20+$0xFFFFFF10] =	vst v0  }
0x16a: {  	v0 =	vld [tilespmem:s17+$0xFFFFFF20];
	_ =	sdelay $0x4  }
0x16b: {  	v0 =	vmul.f32 $8.000000000e+00, v0;
	_ =	sdelay $0x1  }
0x16c: {  	[tilespmem:s20+$0xFFFFFF20] =	vst v0  }
0x16d: {  	v0 =	vld [tilespmem:s17+$0xFFFFFF30];
	_ =	sdelay $0x4  }
0x16e: {  	v0 =	vmul.f32 $8.000000000e+00, v0;
	_ =	sdelay $0x1  }
0x16f: {  	[tilespmem:s20+$0xFFFFFF30] =	vst v0  }
0x170: {  	v0 =	vld [tilespmem:s17+$0xFFFFFF80];
	_ =	sdelay $0x4  }
0x171: {  	v0 =	vmul.f32 $8.000000000e+00, v0;
	_ =	sdelay $0x1  }
0x172: {  	[tilespmem:s20+$0xFFFFFF80] =	vst v0  }
0x173: {  	v0 =	vld [tilespmem:s17+$0xFFFFFF90];
	_ =	sdelay $0x4  }
0x174: {  	v0 =	vmul.f32 $8.000000000e+00, v0;
	_ =	sdelay $0x1  }
0x175: {  	[tilespmem:s20+$0xFFFFFF90] =	vst v0  }
0x176: {  	v0 =	vld [tilespmem:s17+$0xFFFFFFA0];
	_ =	sdelay $0x4  }
0x177: {  	v0 =	vmul.f32 $8.000000000e+00, v0;
	_ =	sdelay $0x1  }
0x178: {  	[tilespmem:s20+$0xFFFFFFA0] =	vst v0  }
0x179: {  	v0 =	vld [tilespmem:s17+$0xFFFFFFB0];
	_ =	sdelay $0x4  }
0x17a: {  	v0 =	vmul.f32 $8.000000000e+00, v0;
	_ =	sdelay $0x1  }
0x17b: {  	[tilespmem:s20+$0xFFFFFFB0] =	vst v0  }
0x17c: {  	v0 =	vld [tilespmem:s17+$0x0];
	_ =	sdelay $0x4  }
0x17d: {  	v0 =	vmul.f32 $8.000000000e+00, v0;
	_ =	sdelay $0x1  }
0x17e: {  	[tilespmem:s20+$0x0] =	vst v0  }
0x17f: {  	v0 =	vld [tilespmem:s17+$0x10];
	_ =	sdelay $0x4  }
0x180: {  	v0 =	vmul.f32 $8.000000000e+00, v0;
	_ =	sdelay $0x1  }
0x181: {  	[tilespmem:s20+$0x10] =	vst v0  }
0x182: {  	v0 =	vld [tilespmem:s17+$0x20];
	_ =	sdelay $0x4  }
0x183: {  	v0 =	vmul.f32 $8.000000000e+00, v0;
	_ =	sdelay $0x1  }
0x184: {  	[tilespmem:s20+$0x20] =	vst v0  }
0x185: {  	v0 =	vld [tilespmem:s17+$0x30];
	_ =	sdelay $0x4  }
0x186: {  	v0 =	vmul.f32 $8.000000000e+00, v0;
	_ =	sdelay $0x1  }
0x187: {  	[tilespmem:s20+$0x30] =	vst v0  }
0x188: {  	v0 =	vld [tilespmem:s17+$0x80];
	_ =	sdelay $0x4  }
0x189: {  	v0 =	vmul.f32 $8.000000000e+00, v0;
	_ =	sdelay $0x1  }
0x18a: {  	[tilespmem:s20+$0x80] =	vst v0  }
0x18b: {  	v0 =	vld [tilespmem:s17+$0x90];
	_ =	sdelay $0x4  }
0x18c: {  	v0 =	vmul.f32 $8.000000000e+00, v0;
	_ =	sdelay $0x1  }
0x18d: {  	[tilespmem:s20+$0x90] =	vst v0  }
0x18e: {  	v0 =	vld [tilespmem:s17+$0xA0];
	_ =	sdelay $0x4  }
0x18f: {  	v0 =	vmul.f32 $8.000000000e+00, v0;
	_ =	sdelay $0x1  }
0x190: {  	[tilespmem:s20+$0xA0] =	vst v0  }
0x191: {  	v0 =	vld [tilespmem:s17+$0xB0];
	_ =	sdelay $0x4  }
0x192: {  	v0 =	vmul.f32 $8.000000000e+00, v0;
	_ =	sdelay $0x1  }
0x193: {  	[tilespmem:s20+$0xB0] =	vst v0  }
0x194: {  	v0 =	vld [tilespmem:s17+$0x100];
	_ =	sdelay $0x4  }
0x195: {  	v0 =	vmul.f32 $8.000000000e+00, v0;
	_ =	sdelay $0x1  }
0x196: {  	[tilespmem:s20+$0x100] =	vst v0  }
0x197: {  	v0 =	vld [tilespmem:s17+$0x110];
	_ =	sdelay $0x4  }
0x198: {  	v0 =	vmul.f32 $8.000000000e+00, v0;
	_ =	sdelay $0x1  }
0x199: {  	[tilespmem:s20+$0x110] =	vst v0  }
0x19a: {  	v0 =	vld [tilespmem:s17+$0x120];
	_ =	sdelay $0x4  }
0x19b: {  	v0 =	vmul.f32 $8.000000000e+00, v0;
	_ =	sdelay $0x1  }
0x19c: {  	[tilespmem:s20+$0x120] =	vst v0  }
0x19d: {  	v0 =	vld [tilespmem:s17+$0x130];
	_ =	sdelay $0x4  }
0x19e: {  	v0 =	vmul.f32 $8.000000000e+00, v0;
	_ =	sdelay $0x1  }
0x19f: {  	[tilespmem:s20+$0x130] =	vst v0  }
0x1a0: {  	v0 =	vld [tilespmem:s17+$0x180];
	_ =	sdelay $0x4  }
0x1a1: {  	v0 =	vmul.f32 $8.000000000e+00, v0;
	_ =	sdelay $0x1  }
0x1a2: {  	[tilespmem:s20+$0x180] =	vst v0  }
0x1a3: {  	v0 =	vld [tilespmem:s17+$0x190];
	_ =	sdelay $0x4  }
0x1a4: {  	v0 =	vmul.f32 $8.000000000e+00, v0;
	_ =	sdelay $0x1  }
0x1a5: {  	[tilespmem:s20+$0x190] =	vst v0  }
0x1a6: {  	v0 =	vld [tilespmem:s17+$0x1A0];
	_ =	sdelay $0x4  }
0x1a7: {  	v0 =	vmul.f32 $8.000000000e+00, v0;
	_ =	sdelay $0x1  }
0x1a8: {  	[tilespmem:s20+$0x1A0] =	vst v0  }
0x1a9: {  	v0 =	vld [tilespmem:s17+$0x1B0];
	_ =	sdelay $0x2  }
.Ltmp1:
0x1aa: {  	(pc) =	sbr.rel @p0 .LBB2_4-.Ltmp1, $3  }
0x1ab: {  	_ = 	snop  }
0x1ac: {  	v0 =	vmul.f32 $8.000000000e+00, v0;
	_ =	sdelay $0x1  }
0x1ad: {  	s17 =	sadd.s32 $0x400, s17;
	[tilespmem:s20+$0x1B0] =	vst v0  }
0x1ae: {  	[hbm4b:s7+s2] =	stream.linear.scatter [tilespmem:s26], [sflag:$0x6], $0x4000, $0x38;
	[tilespmem:$0x1E400] =	vst v63  }
0x1af: {  	s16 =	simm.s32 $0x280  }
0x1b0: {  	[tilespmem:s24], [sflag:$0x2] =	stream.indirect.gather [hbm4b:s3+s15], $0x80, s16, s15, $0xb8;
	[tilespmem:$0x1E400] =	vst v63  }
0x1b1: {  	_ =	swait.ge [sflag:s29], $0x4000  }
0x1b2: {  	[sflag:s29] =	ssyncset.done $0x0  }
0x1b3: {  	[sflag:s29] =	ssyncadd.s32 $0xFFFFC000  }
0x1b4: {  	_ =	swait.ge [sflag:s30], $0x4000  }
0x1b5: {  	[sflag:s30] =	ssyncset.done $0x0  }
0x1b6: {  	s31 =	simm.s32 $0xE600;
	[sflag:s30] =	ssyncadd.s32 $0xFFFFC000  }
0x1b7: {  	v0 =	vld [tilespmem:s31+$0xFFFFFE00];
	_ =	sdelay $0x4  }
0x1b8: {  	v0 =	vmul.f32 $8.000000000e+00, v0  }
0x1b9: {  	s20 =	simm.s32 $0x16600  }
0x1ba: {  	[tilespmem:s20+$0xFFFFFE00] =	vst v0  }
0x1bb: {  	v0 =	vld [tilespmem:s31+$0xFFFFFE10];
	_ =	sdelay $0x4  }
0x1bc: {  	v0 =	vmul.f32 $8.000000000e+00, v0;
	_ =	sdelay $0x1  }
0x1bd: {  	[tilespmem:s20+$0xFFFFFE10] =	vst v0  }
0x1be: {  	v0 =	vld [tilespmem:s31+$0xFFFFFE20];
	_ =	sdelay $0x4  }
0x1bf: {  	v0 =	vmul.f32 $8.000000000e+00, v0;
	_ =	sdelay $0x1  }
0x1c0: {  	[tilespmem:s20+$0xFFFFFE20] =	vst v0  }
0x1c1: {  	v0 =	vld [tilespmem:s31+$0xFFFFFE30];
	_ =	sdelay $0x4  }
0x1c2: {  	v0 =	vmul.f32 $8.000000000e+00, v0;
	_ =	sdelay $0x1  }
0x1c3: {  	[tilespmem:s20+$0xFFFFFE30] =	vst v0  }
0x1c4: {  	v0 =	vld [tilespmem:s31+$0xFFFFFE80];
	_ =	sdelay $0x4  }
0x1c5: {  	v0 =	vmul.f32 $8.000000000e+00, v0;
	_ =	sdelay $0x1  }
0x1c6: {  	[tilespmem:s20+$0xFFFFFE80] =	vst v0  }
0x1c7: {  	v0 =	vld [tilespmem:s31+$0xFFFFFE90];
	_ =	sdelay $0x4  }
0x1c8: {  	v0 =	vmul.f32 $8.000000000e+00, v0;
	_ =	sdelay $0x1  }
0x1c9: {  	[tilespmem:s20+$0xFFFFFE90] =	vst v0  }
0x1ca: {  	v0 =	vld [tilespmem:s31+$0xFFFFFEA0];
	_ =	sdelay $0x4  }
0x1cb: {  	v0 =	vmul.f32 $8.000000000e+00, v0;
	_ =	sdelay $0x1  }
0x1cc: {  	[tilespmem:s20+$0xFFFFFEA0] =	vst v0  }
0x1cd: {  	v0 =	vld [tilespmem:s31+$0xFFFFFEB0];
	_ =	sdelay $0x4  }
0x1ce: {  	v0 =	vmul.f32 $8.000000000e+00, v0;
	_ =	sdelay $0x1  }
0x1cf: {  	[tilespmem:s20+$0xFFFFFEB0] =	vst v0  }
0x1d0: {  	v0 =	vld [tilespmem:s31+$0xFFFFFF00];
	_ =	sdelay $0x4  }
0x1d1: {  	v0 =	vmul.f32 $8.000000000e+00, v0;
	_ =	sdelay $0x1  }
0x1d2: {  	[tilespmem:s20+$0xFFFFFF00] =	vst v0  }
0x1d3: {  	v0 =	vld [tilespmem:s31+$0xFFFFFF10];
	_ =	sdelay $0x4  }
0x1d4: {  	v0 =	vmul.f32 $8.000000000e+00, v0;
	_ =	sdelay $0x1  }
0x1d5: {  	[tilespmem:s20+$0xFFFFFF10] =	vst v0  }
0x1d6: {  	v0 =	vld [tilespmem:s31+$0xFFFFFF20];
	_ =	sdelay $0x4  }
0x1d7: {  	v0 =	vmul.f32 $8.000000000e+00, v0;
	_ =	sdelay $0x1  }
0x1d8: {  	[tilespmem:s20+$0xFFFFFF20] =	vst v0  }
0x1d9: {  	v0 =	vld [tilespmem:s31+$0xFFFFFF30];
	_ =	sdelay $0x4  }
0x1da: {  	v0 =	vmul.f32 $8.000000000e+00, v0;
	_ =	sdelay $0x1  }
0x1db: {  	[tilespmem:s20+$0xFFFFFF30] =	vst v0  }
0x1dc: {  	v0 =	vld [tilespmem:s31+$0xFFFFFF80];
	_ =	sdelay $0x4  }
0x1dd: {  	v0 =	vmul.f32 $8.000000000e+00, v0;
	_ =	sdelay $0x1  }
0x1de: {  	[tilespmem:s20+$0xFFFFFF80] =	vst v0  }
0x1df: {  	v0 =	vld [tilespmem:s31+$0xFFFFFF90];
	_ =	sdelay $0x4  }
0x1e0: {  	v0 =	vmul.f32 $8.000000000e+00, v0;
	_ =	sdelay $0x1  }
0x1e1: {  	[tilespmem:s20+$0xFFFFFF90] =	vst v0  }
0x1e2: {  	v0 =	vld [tilespmem:s31+$0xFFFFFFA0];
	_ =	sdelay $0x4  }
0x1e3: {  	v0 =	vmul.f32 $8.000000000e+00, v0;
	_ =	sdelay $0x1  }
0x1e4: {  	[tilespmem:s20+$0xFFFFFFA0] =	vst v0  }
0x1e5: {  	v0 =	vld [tilespmem:s31+$0xFFFFFFB0];
	_ =	sdelay $0x4  }
0x1e6: {  	v0 =	vmul.f32 $8.000000000e+00, v0;
	_ =	sdelay $0x1  }
0x1e7: {  	[tilespmem:s20+$0xFFFFFFB0] =	vst v0  }
0x1e8: {  	v0 =	vld [tilespmem:s31+$0x0];
	_ =	sdelay $0x4  }
0x1e9: {  	v0 =	vmul.f32 $8.000000000e+00, v0;
	_ =	sdelay $0x1  }
0x1ea: {  	[tilespmem:s20+$0x0] =	vst v0  }
0x1eb: {  	v0 =	vld [tilespmem:s31+$0x10];
	_ =	sdelay $0x4  }
0x1ec: {  	v0 =	vmul.f32 $8.000000000e+00, v0;
	_ =	sdelay $0x1  }
0x1ed: {  	[tilespmem:s20+$0x10] =	vst v0  }
0x1ee: {  	v0 =	vld [tilespmem:s31+$0x20];
	_ =	sdelay $0x4  }
0x1ef: {  	v0 =	vmul.f32 $8.000000000e+00, v0;
	_ =	sdelay $0x1  }
0x1f0: {  	[tilespmem:s20+$0x20] =	vst v0  }
0x1f1: {  	v0 =	vld [tilespmem:s31+$0x30];
	_ =	sdelay $0x4  }
0x1f2: {  	v0 =	vmul.f32 $8.000000000e+00, v0;
	_ =	sdelay $0x1  }
0x1f3: {  	[tilespmem:s20+$0x30] =	vst v0  }
0x1f4: {  	v0 =	vld [tilespmem:s31+$0x80];
	_ =	sdelay $0x4  }
0x1f5: {  	v0 =	vmul.f32 $8.000000000e+00, v0;
	_ =	sdelay $0x1  }
0x1f6: {  	[tilespmem:s20+$0x80] =	vst v0  }
0x1f7: {  	v0 =	vld [tilespmem:s31+$0x90];
	_ =	sdelay $0x4  }
0x1f8: {  	v0 =	vmul.f32 $8.000000000e+00, v0;
	_ =	sdelay $0x1  }
0x1f9: {  	[tilespmem:s20+$0x90] =	vst v0  }
0x1fa: {  	v0 =	vld [tilespmem:s31+$0xA0];
	_ =	sdelay $0x4  }
0x1fb: {  	v0 =	vmul.f32 $8.000000000e+00, v0;
	_ =	sdelay $0x1  }
0x1fc: {  	[tilespmem:s20+$0xA0] =	vst v0  }
0x1fd: {  	v0 =	vld [tilespmem:s31+$0xB0];
	_ =	sdelay $0x4  }
0x1fe: {  	v0 =	vmul.f32 $8.000000000e+00, v0;
	_ =	sdelay $0x1  }
0x1ff: {  	[tilespmem:s20+$0xB0] =	vst v0  }
0x200: {  	v0 =	vld [tilespmem:s31+$0x100];
	_ =	sdelay $0x4  }
0x201: {  	v0 =	vmul.f32 $8.000000000e+00, v0;
	_ =	sdelay $0x1  }
0x202: {  	[tilespmem:s20+$0x100] =	vst v0  }
0x203: {  	v0 =	vld [tilespmem:s31+$0x110];
	_ =	sdelay $0x4  }
0x204: {  	v0 =	vmul.f32 $8.000000000e+00, v0;
	_ =	sdelay $0x1  }
0x205: {  	[tilespmem:s20+$0x110] =	vst v0  }
0x206: {  	v0 =	vld [tilespmem:s31+$0x120];
	_ =	sdelay $0x4  }
0x207: {  	v0 =	vmul.f32 $8.000000000e+00, v0;
	_ =	sdelay $0x1  }
0x208: {  	[tilespmem:s20+$0x120] =	vst v0  }
0x209: {  	v0 =	vld [tilespmem:s31+$0x130];
	_ =	sdelay $0x4  }
0x20a: {  	v0 =	vmul.f32 $8.000000000e+00, v0;
	_ =	sdelay $0x1  }
0x20b: {  	[tilespmem:s20+$0x130] =	vst v0  }
0x20c: {  	v0 =	vld [tilespmem:s31+$0x180];
	_ =	sdelay $0x4  }
0x20d: {  	v0 =	vmul.f32 $8.000000000e+00, v0;
	_ =	sdelay $0x1  }
0x20e: {  	[tilespmem:s20+$0x180] =	vst v0  }
0x20f: {  	v0 =	vld [tilespmem:s31+$0x190];
	_ =	sdelay $0x4  }
0x210: {  	v0 =	vmul.f32 $8.000000000e+00, v0;
	_ =	sdelay $0x1  }
0x211: {  	[tilespmem:s20+$0x190] =	vst v0  }
0x212: {  	v0 =	vld [tilespmem:s31+$0x1A0];
	_ =	sdelay $0x4  }
0x213: {  	v0 =	vmul.f32 $8.000000000e+00, v0;
	_ =	sdelay $0x1  }
0x214: {  	[tilespmem:s20+$0x1A0] =	vst v0  }
0x215: {  	v0 =	vld [tilespmem:s31+$0x1B0];
	_ =	sdelay $0x4  }
0x216: {  	v0 =	vmul.f32 $8.000000000e+00, v0;
	_ =	sdelay $0x1  }
0x217: {  	s17 =	simm.s32 $0xEA00;
	s16 =	simm.s32 $0x0;
	[tilespmem:s20+$0x1B0] =	vst v0  }
.LBB2_6:
0x218: {  	v0 =	vld [tilespmem:s17+$0xFFFFFE00];
	s16 =	sadd.s32 $0x8, s16  }
0x219: {  	p0 =	slt.u32 s16, $0x78;
	_ =	sdelay $0x3  }
0x21a: {  	v0 =	vmul.f32 $8.000000000e+00, v0  }
0x21b: {  	s20 =	sadd.s32 $0x400, s20  }
0x21c: {  	[tilespmem:s20+$0xFFFFFE00] =	vst v0  }
0x21d: {  	v0 =	vld [tilespmem:s17+$0xFFFFFE10];
	_ =	sdelay $0x4  }
0x21e: {  	v0 =	vmul.f32 $8.000000000e+00, v0;
	_ =	sdelay $0x1  }
0x21f: {  	[tilespmem:s20+$0xFFFFFE10] =	vst v0  }
0x220: {  	v0 =	vld [tilespmem:s17+$0xFFFFFE20];
	_ =	sdelay $0x4  }
0x221: {  	v0 =	vmul.f32 $8.000000000e+00, v0;
	_ =	sdelay $0x1  }
0x222: {  	[tilespmem:s20+$0xFFFFFE20] =	vst v0  }
0x223: {  	v0 =	vld [tilespmem:s17+$0xFFFFFE30];
	_ =	sdelay $0x4  }
0x224: {  	v0 =	vmul.f32 $8.000000000e+00, v0;
	_ =	sdelay $0x1  }
0x225: {  	[tilespmem:s20+$0xFFFFFE30] =	vst v0  }
0x226: {  	v0 =	vld [tilespmem:s17+$0xFFFFFE80];
	_ =	sdelay $0x4  }
0x227: {  	v0 =	vmul.f32 $8.000000000e+00, v0;
	_ =	sdelay $0x1  }
0x228: {  	[tilespmem:s20+$0xFFFFFE80] =	vst v0  }
0x229: {  	v0 =	vld [tilespmem:s17+$0xFFFFFE90];
	_ =	sdelay $0x4  }
0x22a: {  	v0 =	vmul.f32 $8.000000000e+00, v0;
	_ =	sdelay $0x1  }
0x22b: {  	[tilespmem:s20+$0xFFFFFE90] =	vst v0  }
0x22c: {  	v0 =	vld [tilespmem:s17+$0xFFFFFEA0];
	_ =	sdelay $0x4  }
0x22d: {  	v0 =	vmul.f32 $8.000000000e+00, v0;
	_ =	sdelay $0x1  }
0x22e: {  	[tilespmem:s20+$0xFFFFFEA0] =	vst v0  }
0x22f: {  	v0 =	vld [tilespmem:s17+$0xFFFFFEB0];
	_ =	sdelay $0x4  }
0x230: {  	v0 =	vmul.f32 $8.000000000e+00, v0;
	_ =	sdelay $0x1  }
0x231: {  	[tilespmem:s20+$0xFFFFFEB0] =	vst v0  }
0x232: {  	v0 =	vld [tilespmem:s17+$0xFFFFFF00];
	_ =	sdelay $0x4  }
0x233: {  	v0 =	vmul.f32 $8.000000000e+00, v0;
	_ =	sdelay $0x1  }
0x234: {  	[tilespmem:s20+$0xFFFFFF00] =	vst v0  }
0x235: {  	v0 =	vld [tilespmem:s17+$0xFFFFFF10];
	_ =	sdelay $0x4  }
0x236: {  	v0 =	vmul.f32 $8.000000000e+00, v0;
	_ =	sdelay $0x1  }
0x237: {  	[tilespmem:s20+$0xFFFFFF10] =	vst v0  }
0x238: {  	v0 =	vld [tilespmem:s17+$0xFFFFFF20];
	_ =	sdelay $0x4  }
0x239: {  	v0 =	vmul.f32 $8.000000000e+00, v0;
	_ =	sdelay $0x1  }
0x23a: {  	[tilespmem:s20+$0xFFFFFF20] =	vst v0  }
0x23b: {  	v0 =	vld [tilespmem:s17+$0xFFFFFF30];
	_ =	sdelay $0x4  }
0x23c: {  	v0 =	vmul.f32 $8.000000000e+00, v0;
	_ =	sdelay $0x1  }
0x23d: {  	[tilespmem:s20+$0xFFFFFF30] =	vst v0  }
0x23e: {  	v0 =	vld [tilespmem:s17+$0xFFFFFF80];
	_ =	sdelay $0x4  }
0x23f: {  	v0 =	vmul.f32 $8.000000000e+00, v0;
	_ =	sdelay $0x1  }
0x240: {  	[tilespmem:s20+$0xFFFFFF80] =	vst v0  }
0x241: {  	v0 =	vld [tilespmem:s17+$0xFFFFFF90];
	_ =	sdelay $0x4  }
0x242: {  	v0 =	vmul.f32 $8.000000000e+00, v0;
	_ =	sdelay $0x1  }
0x243: {  	[tilespmem:s20+$0xFFFFFF90] =	vst v0  }
0x244: {  	v0 =	vld [tilespmem:s17+$0xFFFFFFA0];
	_ =	sdelay $0x4  }
0x245: {  	v0 =	vmul.f32 $8.000000000e+00, v0;
	_ =	sdelay $0x1  }
0x246: {  	[tilespmem:s20+$0xFFFFFFA0] =	vst v0  }
0x247: {  	v0 =	vld [tilespmem:s17+$0xFFFFFFB0];
	_ =	sdelay $0x4  }
0x248: {  	v0 =	vmul.f32 $8.000000000e+00, v0;
	_ =	sdelay $0x1  }
0x249: {  	[tilespmem:s20+$0xFFFFFFB0] =	vst v0  }
0x24a: {  	v0 =	vld [tilespmem:s17+$0x0];
	_ =	sdelay $0x4  }
0x24b: {  	v0 =	vmul.f32 $8.000000000e+00, v0;
	_ =	sdelay $0x1  }
0x24c: {  	[tilespmem:s20+$0x0] =	vst v0  }
0x24d: {  	v0 =	vld [tilespmem:s17+$0x10];
	_ =	sdelay $0x4  }
0x24e: {  	v0 =	vmul.f32 $8.000000000e+00, v0;
	_ =	sdelay $0x1  }
0x24f: {  	[tilespmem:s20+$0x10] =	vst v0  }
0x250: {  	v0 =	vld [tilespmem:s17+$0x20];
	_ =	sdelay $0x4  }
0x251: {  	v0 =	vmul.f32 $8.000000000e+00, v0;
	_ =	sdelay $0x1  }
0x252: {  	[tilespmem:s20+$0x20] =	vst v0  }
0x253: {  	v0 =	vld [tilespmem:s17+$0x30];
	_ =	sdelay $0x4  }
0x254: {  	v0 =	vmul.f32 $8.000000000e+00, v0;
	_ =	sdelay $0x1  }
0x255: {  	[tilespmem:s20+$0x30] =	vst v0  }
0x256: {  	v0 =	vld [tilespmem:s17+$0x80];
	_ =	sdelay $0x4  }
0x257: {  	v0 =	vmul.f32 $8.000000000e+00, v0;
	_ =	sdelay $0x1  }
0x258: {  	[tilespmem:s20+$0x80] =	vst v0  }
0x259: {  	v0 =	vld [tilespmem:s17+$0x90];
	_ =	sdelay $0x4  }
0x25a: {  	v0 =	vmul.f32 $8.000000000e+00, v0;
	_ =	sdelay $0x1  }
0x25b: {  	[tilespmem:s20+$0x90] =	vst v0  }
0x25c: {  	v0 =	vld [tilespmem:s17+$0xA0];
	_ =	sdelay $0x4  }
0x25d: {  	v0 =	vmul.f32 $8.000000000e+00, v0;
	_ =	sdelay $0x1  }
0x25e: {  	[tilespmem:s20+$0xA0] =	vst v0  }
0x25f: {  	v0 =	vld [tilespmem:s17+$0xB0];
	_ =	sdelay $0x4  }
0x260: {  	v0 =	vmul.f32 $8.000000000e+00, v0;
	_ =	sdelay $0x1  }
0x261: {  	[tilespmem:s20+$0xB0] =	vst v0  }
0x262: {  	v0 =	vld [tilespmem:s17+$0x100];
	_ =	sdelay $0x4  }
0x263: {  	v0 =	vmul.f32 $8.000000000e+00, v0;
	_ =	sdelay $0x1  }
0x264: {  	[tilespmem:s20+$0x100] =	vst v0  }
0x265: {  	v0 =	vld [tilespmem:s17+$0x110];
	_ =	sdelay $0x4  }
0x266: {  	v0 =	vmul.f32 $8.000000000e+00, v0;
	_ =	sdelay $0x1  }
0x267: {  	[tilespmem:s20+$0x110] =	vst v0  }
0x268: {  	v0 =	vld [tilespmem:s17+$0x120];
	_ =	sdelay $0x4  }
0x269: {  	v0 =	vmul.f32 $8.000000000e+00, v0;
	_ =	sdelay $0x1  }
0x26a: {  	[tilespmem:s20+$0x120] =	vst v0  }
0x26b: {  	v0 =	vld [tilespmem:s17+$0x130];
	_ =	sdelay $0x4  }
0x26c: {  	v0 =	vmul.f32 $8.000000000e+00, v0;
	_ =	sdelay $0x1  }
0x26d: {  	[tilespmem:s20+$0x130] =	vst v0  }
0x26e: {  	v0 =	vld [tilespmem:s17+$0x180];
	_ =	sdelay $0x4  }
0x26f: {  	v0 =	vmul.f32 $8.000000000e+00, v0;
	_ =	sdelay $0x1  }
0x270: {  	[tilespmem:s20+$0x180] =	vst v0  }
0x271: {  	v0 =	vld [tilespmem:s17+$0x190];
	_ =	sdelay $0x4  }
0x272: {  	v0 =	vmul.f32 $8.000000000e+00, v0;
	_ =	sdelay $0x1  }
0x273: {  	[tilespmem:s20+$0x190] =	vst v0  }
0x274: {  	v0 =	vld [tilespmem:s17+$0x1A0];
	_ =	sdelay $0x4  }
0x275: {  	v0 =	vmul.f32 $8.000000000e+00, v0;
	_ =	sdelay $0x1  }
0x276: {  	[tilespmem:s20+$0x1A0] =	vst v0  }
0x277: {  	v0 =	vld [tilespmem:s17+$0x1B0];
	_ =	sdelay $0x2  }
.Ltmp2:
0x278: {  	(pc) =	sbr.rel @p0 .LBB2_6-.Ltmp2, $3  }
0x279: {  	_ = 	snop  }
0x27a: {  	v0 =	vmul.f32 $8.000000000e+00, v0;
	_ =	sdelay $0x1  }
0x27b: {  	s17 =	sadd.s32 $0x400, s17;
	[tilespmem:s20+$0x1B0] =	vst v0  }
0x27c: {  	[hbm4b:s8+s2] =	stream.linear.scatter [tilespmem:s23], [sflag:$0x5], $0x4000, $0x38;
	[tilespmem:$0x1E400] =	vst v63  }
0x27d: {  	s16 =	simm.s32 $0x300  }
0x27e: {  	[tilespmem:s28], [sflag:$0x3] =	stream.indirect.gather [hbm4b:s3+s15], $0x80, s16, s15, $0xb8;
	[tilespmem:$0x1E400] =	vst v63  }
0x27f: {  	_ =	swait.ge [sflag:s1], $0x4000  }
0x280: {  	[sflag:s1] =	ssyncset.done $0x0  }
0x281: {  	[sflag:s1] =	ssyncadd.s32 $0xFFFFC000  }
0x282: {  	_ =	swait.ge [sflag:s0], $0x4000  }
0x283: {  	[sflag:s0] =	ssyncset.done $0x0  }
0x284: {  	s31 =	simm.s32 $0x12600;
	[sflag:s0] =	ssyncadd.s32 $0xFFFFC000  }
0x285: {  	v0 =	vld [tilespmem:s31+$0xFFFFFE00];
	_ =	sdelay $0x4  }
0x286: {  	v0 =	vmul.f32 $8.000000000e+00, v0  }
0x287: {  	s20 =	simm.s32 $0x1A600  }
0x288: {  	[tilespmem:s20+$0xFFFFFE00] =	vst v0  }
0x289: {  	v0 =	vld [tilespmem:s31+$0xFFFFFE10];
	_ =	sdelay $0x4  }
0x28a: {  	v0 =	vmul.f32 $8.000000000e+00, v0;
	_ =	sdelay $0x1  }
0x28b: {  	[tilespmem:s20+$0xFFFFFE10] =	vst v0  }
0x28c: {  	v0 =	vld [tilespmem:s31+$0xFFFFFE20];
	_ =	sdelay $0x4  }
0x28d: {  	v0 =	vmul.f32 $8.000000000e+00, v0;
	_ =	sdelay $0x1  }
0x28e: {  	[tilespmem:s20+$0xFFFFFE20] =	vst v0  }
0x28f: {  	v0 =	vld [tilespmem:s31+$0xFFFFFE30];
	_ =	sdelay $0x4  }
0x290: {  	v0 =	vmul.f32 $8.000000000e+00, v0;
	_ =	sdelay $0x1  }
0x291: {  	[tilespmem:s20+$0xFFFFFE30] =	vst v0  }
0x292: {  	v0 =	vld [tilespmem:s31+$0xFFFFFE80];
	_ =	sdelay $0x4  }
0x293: {  	v0 =	vmul.f32 $8.000000000e+00, v0;
	_ =	sdelay $0x1  }
0x294: {  	[tilespmem:s20+$0xFFFFFE80] =	vst v0  }
0x295: {  	v0 =	vld [tilespmem:s31+$0xFFFFFE90];
	_ =	sdelay $0x4  }
0x296: {  	v0 =	vmul.f32 $8.000000000e+00, v0;
	_ =	sdelay $0x1  }
0x297: {  	[tilespmem:s20+$0xFFFFFE90] =	vst v0  }
0x298: {  	v0 =	vld [tilespmem:s31+$0xFFFFFEA0];
	_ =	sdelay $0x4  }
0x299: {  	v0 =	vmul.f32 $8.000000000e+00, v0;
	_ =	sdelay $0x1  }
0x29a: {  	[tilespmem:s20+$0xFFFFFEA0] =	vst v0  }
0x29b: {  	v0 =	vld [tilespmem:s31+$0xFFFFFEB0];
	_ =	sdelay $0x4  }
0x29c: {  	v0 =	vmul.f32 $8.000000000e+00, v0;
	_ =	sdelay $0x1  }
0x29d: {  	[tilespmem:s20+$0xFFFFFEB0] =	vst v0  }
0x29e: {  	v0 =	vld [tilespmem:s31+$0xFFFFFF00];
	_ =	sdelay $0x4  }
0x29f: {  	v0 =	vmul.f32 $8.000000000e+00, v0;
	_ =	sdelay $0x1  }
0x2a0: {  	[tilespmem:s20+$0xFFFFFF00] =	vst v0  }
0x2a1: {  	v0 =	vld [tilespmem:s31+$0xFFFFFF10];
	_ =	sdelay $0x4  }
0x2a2: {  	v0 =	vmul.f32 $8.000000000e+00, v0;
	_ =	sdelay $0x1  }
0x2a3: {  	[tilespmem:s20+$0xFFFFFF10] =	vst v0  }
0x2a4: {  	v0 =	vld [tilespmem:s31+$0xFFFFFF20];
	_ =	sdelay $0x4  }
0x2a5: {  	v0 =	vmul.f32 $8.000000000e+00, v0;
	_ =	sdelay $0x1  }
0x2a6: {  	[tilespmem:s20+$0xFFFFFF20] =	vst v0  }
0x2a7: {  	v0 =	vld [tilespmem:s31+$0xFFFFFF30];
	_ =	sdelay $0x4  }
0x2a8: {  	v0 =	vmul.f32 $8.000000000e+00, v0;
	_ =	sdelay $0x1  }
0x2a9: {  	[tilespmem:s20+$0xFFFFFF30] =	vst v0  }
0x2aa: {  	v0 =	vld [tilespmem:s31+$0xFFFFFF80];
	_ =	sdelay $0x4  }
0x2ab: {  	v0 =	vmul.f32 $8.000000000e+00, v0;
	_ =	sdelay $0x1  }
0x2ac: {  	[tilespmem:s20+$0xFFFFFF80] =	vst v0  }
0x2ad: {  	v0 =	vld [tilespmem:s31+$0xFFFFFF90];
	_ =	sdelay $0x4  }
0x2ae: {  	v0 =	vmul.f32 $8.000000000e+00, v0;
	_ =	sdelay $0x1  }
0x2af: {  	[tilespmem:s20+$0xFFFFFF90] =	vst v0  }
0x2b0: {  	v0 =	vld [tilespmem:s31+$0xFFFFFFA0];
	_ =	sdelay $0x4  }
0x2b1: {  	v0 =	vmul.f32 $8.000000000e+00, v0;
	_ =	sdelay $0x1  }
0x2b2: {  	[tilespmem:s20+$0xFFFFFFA0] =	vst v0  }
0x2b3: {  	v0 =	vld [tilespmem:s31+$0xFFFFFFB0];
	_ =	sdelay $0x4  }
0x2b4: {  	v0 =	vmul.f32 $8.000000000e+00, v0;
	_ =	sdelay $0x1  }
0x2b5: {  	[tilespmem:s20+$0xFFFFFFB0] =	vst v0  }
0x2b6: {  	v0 =	vld [tilespmem:s31+$0x0];
	_ =	sdelay $0x4  }
0x2b7: {  	v0 =	vmul.f32 $8.000000000e+00, v0;
	_ =	sdelay $0x1  }
0x2b8: {  	[tilespmem:s20+$0x0] =	vst v0  }
0x2b9: {  	v0 =	vld [tilespmem:s31+$0x10];
	_ =	sdelay $0x4  }
0x2ba: {  	v0 =	vmul.f32 $8.000000000e+00, v0;
	_ =	sdelay $0x1  }
0x2bb: {  	[tilespmem:s20+$0x10] =	vst v0  }
0x2bc: {  	v0 =	vld [tilespmem:s31+$0x20];
	_ =	sdelay $0x4  }
0x2bd: {  	v0 =	vmul.f32 $8.000000000e+00, v0;
	_ =	sdelay $0x1  }
0x2be: {  	[tilespmem:s20+$0x20] =	vst v0  }
0x2bf: {  	v0 =	vld [tilespmem:s31+$0x30];
	_ =	sdelay $0x4  }
0x2c0: {  	v0 =	vmul.f32 $8.000000000e+00, v0;
	_ =	sdelay $0x1  }
0x2c1: {  	[tilespmem:s20+$0x30] =	vst v0  }
0x2c2: {  	v0 =	vld [tilespmem:s31+$0x80];
	_ =	sdelay $0x4  }
0x2c3: {  	v0 =	vmul.f32 $8.000000000e+00, v0;
	_ =	sdelay $0x1  }
0x2c4: {  	[tilespmem:s20+$0x80] =	vst v0  }
0x2c5: {  	v0 =	vld [tilespmem:s31+$0x90];
	_ =	sdelay $0x4  }
0x2c6: {  	v0 =	vmul.f32 $8.000000000e+00, v0;
	_ =	sdelay $0x1  }
0x2c7: {  	[tilespmem:s20+$0x90] =	vst v0  }
0x2c8: {  	v0 =	vld [tilespmem:s31+$0xA0];
	_ =	sdelay $0x4  }
0x2c9: {  	v0 =	vmul.f32 $8.000000000e+00, v0;
	_ =	sdelay $0x1  }
0x2ca: {  	[tilespmem:s20+$0xA0] =	vst v0  }
0x2cb: {  	v0 =	vld [tilespmem:s31+$0xB0];
	_ =	sdelay $0x4  }
0x2cc: {  	v0 =	vmul.f32 $8.000000000e+00, v0;
	_ =	sdelay $0x1  }
0x2cd: {  	[tilespmem:s20+$0xB0] =	vst v0  }
0x2ce: {  	v0 =	vld [tilespmem:s31+$0x100];
	_ =	sdelay $0x4  }
0x2cf: {  	v0 =	vmul.f32 $8.000000000e+00, v0;
	_ =	sdelay $0x1  }
0x2d0: {  	[tilespmem:s20+$0x100] =	vst v0  }
0x2d1: {  	v0 =	vld [tilespmem:s31+$0x110];
	_ =	sdelay $0x4  }
0x2d2: {  	v0 =	vmul.f32 $8.000000000e+00, v0;
	_ =	sdelay $0x1  }
0x2d3: {  	[tilespmem:s20+$0x110] =	vst v0  }
0x2d4: {  	v0 =	vld [tilespmem:s31+$0x120];
	_ =	sdelay $0x4  }
0x2d5: {  	v0 =	vmul.f32 $8.000000000e+00, v0;
	_ =	sdelay $0x1  }
0x2d6: {  	[tilespmem:s20+$0x120] =	vst v0  }
0x2d7: {  	v0 =	vld [tilespmem:s31+$0x130];
	_ =	sdelay $0x4  }
0x2d8: {  	v0 =	vmul.f32 $8.000000000e+00, v0;
	_ =	sdelay $0x1  }
0x2d9: {  	[tilespmem:s20+$0x130] =	vst v0  }
0x2da: {  	v0 =	vld [tilespmem:s31+$0x180];
	_ =	sdelay $0x4  }
0x2db: {  	v0 =	vmul.f32 $8.000000000e+00, v0;
	_ =	sdelay $0x1  }
0x2dc: {  	[tilespmem:s20+$0x180] =	vst v0  }
0x2dd: {  	v0 =	vld [tilespmem:s31+$0x190];
	_ =	sdelay $0x4  }
0x2de: {  	v0 =	vmul.f32 $8.000000000e+00, v0;
	_ =	sdelay $0x1  }
0x2df: {  	[tilespmem:s20+$0x190] =	vst v0  }
0x2e0: {  	v0 =	vld [tilespmem:s31+$0x1A0];
	_ =	sdelay $0x4  }
0x2e1: {  	v0 =	vmul.f32 $8.000000000e+00, v0;
	_ =	sdelay $0x1  }
0x2e2: {  	[tilespmem:s20+$0x1A0] =	vst v0  }
0x2e3: {  	v0 =	vld [tilespmem:s31+$0x1B0];
	_ =	sdelay $0x4  }
0x2e4: {  	v0 =	vmul.f32 $8.000000000e+00, v0;
	_ =	sdelay $0x1  }
0x2e5: {  	s17 =	simm.s32 $0x12A00;
	s16 =	simm.s32 $0x0;
	[tilespmem:s20+$0x1B0] =	vst v0  }
.LBB2_8:
0x2e6: {  	v0 =	vld [tilespmem:s17+$0xFFFFFE00];
	s16 =	sadd.s32 $0x8, s16  }
0x2e7: {  	p0 =	slt.u32 s16, $0x78;
	_ =	sdelay $0x3  }
0x2e8: {  	v0 =	vmul.f32 $8.000000000e+00, v0  }
0x2e9: {  	s20 =	sadd.s32 $0x400, s20  }
0x2ea: {  	[tilespmem:s20+$0xFFFFFE00] =	vst v0  }
0x2eb: {  	v0 =	vld [tilespmem:s17+$0xFFFFFE10];
	_ =	sdelay $0x4  }
0x2ec: {  	v0 =	vmul.f32 $8.000000000e+00, v0;
	_ =	sdelay $0x1  }
0x2ed: {  	[tilespmem:s20+$0xFFFFFE10] =	vst v0  }
0x2ee: {  	v0 =	vld [tilespmem:s17+$0xFFFFFE20];
	_ =	sdelay $0x4  }
0x2ef: {  	v0 =	vmul.f32 $8.000000000e+00, v0;
	_ =	sdelay $0x1  }
0x2f0: {  	[tilespmem:s20+$0xFFFFFE20] =	vst v0  }
0x2f1: {  	v0 =	vld [tilespmem:s17+$0xFFFFFE30];
	_ =	sdelay $0x4  }
0x2f2: {  	v0 =	vmul.f32 $8.000000000e+00, v0;
	_ =	sdelay $0x1  }
0x2f3: {  	[tilespmem:s20+$0xFFFFFE30] =	vst v0  }
0x2f4: {  	v0 =	vld [tilespmem:s17+$0xFFFFFE80];
	_ =	sdelay $0x4  }
0x2f5: {  	v0 =	vmul.f32 $8.000000000e+00, v0;
	_ =	sdelay $0x1  }
0x2f6: {  	[tilespmem:s20+$0xFFFFFE80] =	vst v0  }
0x2f7: {  	v0 =	vld [tilespmem:s17+$0xFFFFFE90];
	_ =	sdelay $0x4  }
0x2f8: {  	v0 =	vmul.f32 $8.000000000e+00, v0;
	_ =	sdelay $0x1  }
0x2f9: {  	[tilespmem:s20+$0xFFFFFE90] =	vst v0  }
0x2fa: {  	v0 =	vld [tilespmem:s17+$0xFFFFFEA0];
	_ =	sdelay $0x4  }
0x2fb: {  	v0 =	vmul.f32 $8.000000000e+00, v0;
	_ =	sdelay $0x1  }
0x2fc: {  	[tilespmem:s20+$0xFFFFFEA0] =	vst v0  }
0x2fd: {  	v0 =	vld [tilespmem:s17+$0xFFFFFEB0];
	_ =	sdelay $0x4  }
0x2fe: {  	v0 =	vmul.f32 $8.000000000e+00, v0;
	_ =	sdelay $0x1  }
0x2ff: {  	[tilespmem:s20+$0xFFFFFEB0] =	vst v0  }
0x300: {  	v0 =	vld [tilespmem:s17+$0xFFFFFF00];
	_ =	sdelay $0x4  }
0x301: {  	v0 =	vmul.f32 $8.000000000e+00, v0;
	_ =	sdelay $0x1  }
0x302: {  	[tilespmem:s20+$0xFFFFFF00] =	vst v0  }
0x303: {  	v0 =	vld [tilespmem:s17+$0xFFFFFF10];
	_ =	sdelay $0x4  }
0x304: {  	v0 =	vmul.f32 $8.000000000e+00, v0;
	_ =	sdelay $0x1  }
0x305: {  	[tilespmem:s20+$0xFFFFFF10] =	vst v0  }
0x306: {  	v0 =	vld [tilespmem:s17+$0xFFFFFF20];
	_ =	sdelay $0x4  }
0x307: {  	v0 =	vmul.f32 $8.000000000e+00, v0;
	_ =	sdelay $0x1  }
0x308: {  	[tilespmem:s20+$0xFFFFFF20] =	vst v0  }
0x309: {  	v0 =	vld [tilespmem:s17+$0xFFFFFF30];
	_ =	sdelay $0x4  }
0x30a: {  	v0 =	vmul.f32 $8.000000000e+00, v0;
	_ =	sdelay $0x1  }
0x30b: {  	[tilespmem:s20+$0xFFFFFF30] =	vst v0  }
0x30c: {  	v0 =	vld [tilespmem:s17+$0xFFFFFF80];
	_ =	sdelay $0x4  }
0x30d: {  	v0 =	vmul.f32 $8.000000000e+00, v0;
	_ =	sdelay $0x1  }
0x30e: {  	[tilespmem:s20+$0xFFFFFF80] =	vst v0  }
0x30f: {  	v0 =	vld [tilespmem:s17+$0xFFFFFF90];
	_ =	sdelay $0x4  }
0x310: {  	v0 =	vmul.f32 $8.000000000e+00, v0;
	_ =	sdelay $0x1  }
0x311: {  	[tilespmem:s20+$0xFFFFFF90] =	vst v0  }
0x312: {  	v0 =	vld [tilespmem:s17+$0xFFFFFFA0];
	_ =	sdelay $0x4  }
0x313: {  	v0 =	vmul.f32 $8.000000000e+00, v0;
	_ =	sdelay $0x1  }
0x314: {  	[tilespmem:s20+$0xFFFFFFA0] =	vst v0  }
0x315: {  	v0 =	vld [tilespmem:s17+$0xFFFFFFB0];
	_ =	sdelay $0x4  }
0x316: {  	v0 =	vmul.f32 $8.000000000e+00, v0;
	_ =	sdelay $0x1  }
0x317: {  	[tilespmem:s20+$0xFFFFFFB0] =	vst v0  }
0x318: {  	v0 =	vld [tilespmem:s17+$0x0];
	_ =	sdelay $0x4  }
0x319: {  	v0 =	vmul.f32 $8.000000000e+00, v0;
	_ =	sdelay $0x1  }
0x31a: {  	[tilespmem:s20+$0x0] =	vst v0  }
0x31b: {  	v0 =	vld [tilespmem:s17+$0x10];
	_ =	sdelay $0x4  }
0x31c: {  	v0 =	vmul.f32 $8.000000000e+00, v0;
	_ =	sdelay $0x1  }
0x31d: {  	[tilespmem:s20+$0x10] =	vst v0  }
0x31e: {  	v0 =	vld [tilespmem:s17+$0x20];
	_ =	sdelay $0x4  }
0x31f: {  	v0 =	vmul.f32 $8.000000000e+00, v0;
	_ =	sdelay $0x1  }
0x320: {  	[tilespmem:s20+$0x20] =	vst v0  }
0x321: {  	v0 =	vld [tilespmem:s17+$0x30];
	_ =	sdelay $0x4  }
0x322: {  	v0 =	vmul.f32 $8.000000000e+00, v0;
	_ =	sdelay $0x1  }
0x323: {  	[tilespmem:s20+$0x30] =	vst v0  }
0x324: {  	v0 =	vld [tilespmem:s17+$0x80];
	_ =	sdelay $0x4  }
0x325: {  	v0 =	vmul.f32 $8.000000000e+00, v0;
	_ =	sdelay $0x1  }
0x326: {  	[tilespmem:s20+$0x80] =	vst v0  }
0x327: {  	v0 =	vld [tilespmem:s17+$0x90];
	_ =	sdelay $0x4  }
0x328: {  	v0 =	vmul.f32 $8.000000000e+00, v0;
	_ =	sdelay $0x1  }
0x329: {  	[tilespmem:s20+$0x90] =	vst v0  }
0x32a: {  	v0 =	vld [tilespmem:s17+$0xA0];
	_ =	sdelay $0x4  }
0x32b: {  	v0 =	vmul.f32 $8.000000000e+00, v0;
	_ =	sdelay $0x1  }
0x32c: {  	[tilespmem:s20+$0xA0] =	vst v0  }
0x32d: {  	v0 =	vld [tilespmem:s17+$0xB0];
	_ =	sdelay $0x4  }
0x32e: {  	v0 =	vmul.f32 $8.000000000e+00, v0;
	_ =	sdelay $0x1  }
0x32f: {  	[tilespmem:s20+$0xB0] =	vst v0  }
0x330: {  	v0 =	vld [tilespmem:s17+$0x100];
	_ =	sdelay $0x4  }
0x331: {  	v0 =	vmul.f32 $8.000000000e+00, v0;
	_ =	sdelay $0x1  }
0x332: {  	[tilespmem:s20+$0x100] =	vst v0  }
0x333: {  	v0 =	vld [tilespmem:s17+$0x110];
	_ =	sdelay $0x4  }
0x334: {  	v0 =	vmul.f32 $8.000000000e+00, v0;
	_ =	sdelay $0x1  }
0x335: {  	[tilespmem:s20+$0x110] =	vst v0  }
0x336: {  	v0 =	vld [tilespmem:s17+$0x120];
	_ =	sdelay $0x4  }
0x337: {  	v0 =	vmul.f32 $8.000000000e+00, v0;
	_ =	sdelay $0x1  }
0x338: {  	[tilespmem:s20+$0x120] =	vst v0  }
0x339: {  	v0 =	vld [tilespmem:s17+$0x130];
	_ =	sdelay $0x4  }
0x33a: {  	v0 =	vmul.f32 $8.000000000e+00, v0;
	_ =	sdelay $0x1  }
0x33b: {  	[tilespmem:s20+$0x130] =	vst v0  }
0x33c: {  	v0 =	vld [tilespmem:s17+$0x180];
	_ =	sdelay $0x4  }
0x33d: {  	v0 =	vmul.f32 $8.000000000e+00, v0;
	_ =	sdelay $0x1  }
0x33e: {  	[tilespmem:s20+$0x180] =	vst v0  }
0x33f: {  	v0 =	vld [tilespmem:s17+$0x190];
	_ =	sdelay $0x4  }
0x340: {  	v0 =	vmul.f32 $8.000000000e+00, v0;
	_ =	sdelay $0x1  }
0x341: {  	[tilespmem:s20+$0x190] =	vst v0  }
0x342: {  	v0 =	vld [tilespmem:s17+$0x1A0];
	_ =	sdelay $0x4  }
0x343: {  	v0 =	vmul.f32 $8.000000000e+00, v0;
	_ =	sdelay $0x1  }
0x344: {  	[tilespmem:s20+$0x1A0] =	vst v0  }
0x345: {  	v0 =	vld [tilespmem:s17+$0x1B0];
	_ =	sdelay $0x2  }
.Ltmp3:
0x346: {  	(pc) =	sbr.rel @p0 .LBB2_8-.Ltmp3, $3  }
0x347: {  	_ = 	snop  }
0x348: {  	v0 =	vmul.f32 $8.000000000e+00, v0;
	_ =	sdelay $0x1  }
0x349: {  	s17 =	sadd.s32 $0x400, s17;
	[tilespmem:s20+$0x1B0] =	vst v0  }
0x34a: {  	s28 =	simm.s32 $0x0  }
0x34b: {  	[hbm4b:s9+s28] =	stream.linear.scatter [tilespmem:s26], [sflag:$0x6], $0x4000, $0x38;
	[tilespmem:$0x1E400] =	vst v63  }
.LBB2_10:
0x34c: {  	s20 =	sadd.s32 $0x1, s28  }
0x34d: {  	s24 =	sshllo.u32 s20, $0x2  }
0x34e: {  	s16 =	sshll.u32 s24, $0x7  }
0x34f: {  	s16 =	sand.u32 $0x3FFFFF80, s16  }
0x350: {  	[tilespmem:s21], [sflag:$0x4] =	stream.indirect.gather [hbm4b:s3+s15], $0x80, s16, s15, $0xb8;
	[tilespmem:$0x1E400] =	vst v63  }
0x351: {  	_ =	swait.ge [sflag:s22], $0x4000  }
0x352: {  	[sflag:s22] =	ssyncset.done $0x0  }
0x353: {  	[sflag:s22] =	ssyncadd.s32 $0xFFFFC000  }
0x354: {  	_ =	swait.ge [sflag:s30], $0x4000  }
0x355: {  	[sflag:s30] =	ssyncset.done $0x0  }
0x356: {  	s19 =	simm.s32 $0x6600;
	[sflag:s30] =	ssyncadd.s32 $0xFFFFC000  }
0x357: {  	v0 =	vld [tilespmem:s19+$0xFFFFFE00];
	_ =	sdelay $0x4  }
0x358: {  	v0 =	vmul.f32 $8.000000000e+00, v0  }
0x359: {  	s31 =	simm.s32 $0x16600  }
0x35a: {  	[tilespmem:s31+$0xFFFFFE00] =	vst v0  }
0x35b: {  	v0 =	vld [tilespmem:s19+$0xFFFFFE10];
	_ =	sdelay $0x4  }
0x35c: {  	v0 =	vmul.f32 $8.000000000e+00, v0;
	_ =	sdelay $0x1  }
0x35d: {  	[tilespmem:s31+$0xFFFFFE10] =	vst v0  }
0x35e: {  	v0 =	vld [tilespmem:s19+$0xFFFFFE20];
	_ =	sdelay $0x4  }
0x35f: {  	v0 =	vmul.f32 $8.000000000e+00, v0;
	_ =	sdelay $0x1  }
0x360: {  	[tilespmem:s31+$0xFFFFFE20] =	vst v0  }
0x361: {  	v0 =	vld [tilespmem:s19+$0xFFFFFE30];
	_ =	sdelay $0x4  }
0x362: {  	v0 =	vmul.f32 $8.000000000e+00, v0;
	_ =	sdelay $0x1  }
0x363: {  	[tilespmem:s31+$0xFFFFFE30] =	vst v0  }
0x364: {  	v0 =	vld [tilespmem:s19+$0xFFFFFE80];
	_ =	sdelay $0x4  }
0x365: {  	v0 =	vmul.f32 $8.000000000e+00, v0;
	_ =	sdelay $0x1  }
0x366: {  	[tilespmem:s31+$0xFFFFFE80] =	vst v0  }
0x367: {  	v0 =	vld [tilespmem:s19+$0xFFFFFE90];
	_ =	sdelay $0x4  }
0x368: {  	v0 =	vmul.f32 $8.000000000e+00, v0;
	_ =	sdelay $0x1  }
0x369: {  	[tilespmem:s31+$0xFFFFFE90] =	vst v0  }
0x36a: {  	v0 =	vld [tilespmem:s19+$0xFFFFFEA0];
	_ =	sdelay $0x4  }
0x36b: {  	v0 =	vmul.f32 $8.000000000e+00, v0;
	_ =	sdelay $0x1  }
0x36c: {  	[tilespmem:s31+$0xFFFFFEA0] =	vst v0  }
0x36d: {  	v0 =	vld [tilespmem:s19+$0xFFFFFEB0];
	_ =	sdelay $0x4  }
0x36e: {  	v0 =	vmul.f32 $8.000000000e+00, v0;
	_ =	sdelay $0x1  }
0x36f: {  	[tilespmem:s31+$0xFFFFFEB0] =	vst v0  }
0x370: {  	v0 =	vld [tilespmem:s19+$0xFFFFFF00];
	_ =	sdelay $0x4  }
0x371: {  	v0 =	vmul.f32 $8.000000000e+00, v0;
	_ =	sdelay $0x1  }
0x372: {  	[tilespmem:s31+$0xFFFFFF00] =	vst v0  }
0x373: {  	v0 =	vld [tilespmem:s19+$0xFFFFFF10];
	_ =	sdelay $0x4  }
0x374: {  	v0 =	vmul.f32 $8.000000000e+00, v0;
	_ =	sdelay $0x1  }
0x375: {  	[tilespmem:s31+$0xFFFFFF10] =	vst v0  }
0x376: {  	v0 =	vld [tilespmem:s19+$0xFFFFFF20];
	_ =	sdelay $0x4  }
0x377: {  	v0 =	vmul.f32 $8.000000000e+00, v0;
	_ =	sdelay $0x1  }
0x378: {  	[tilespmem:s31+$0xFFFFFF20] =	vst v0  }
0x379: {  	v0 =	vld [tilespmem:s19+$0xFFFFFF30];
	_ =	sdelay $0x4  }
0x37a: {  	v0 =	vmul.f32 $8.000000000e+00, v0;
	_ =	sdelay $0x1  }
0x37b: {  	[tilespmem:s31+$0xFFFFFF30] =	vst v0  }
0x37c: {  	v0 =	vld [tilespmem:s19+$0xFFFFFF80];
	_ =	sdelay $0x4  }
0x37d: {  	v0 =	vmul.f32 $8.000000000e+00, v0;
	_ =	sdelay $0x1  }
0x37e: {  	[tilespmem:s31+$0xFFFFFF80] =	vst v0  }
0x37f: {  	v0 =	vld [tilespmem:s19+$0xFFFFFF90];
	_ =	sdelay $0x4  }
0x380: {  	v0 =	vmul.f32 $8.000000000e+00, v0;
	_ =	sdelay $0x1  }
0x381: {  	[tilespmem:s31+$0xFFFFFF90] =	vst v0  }
0x382: {  	v0 =	vld [tilespmem:s19+$0xFFFFFFA0];
	_ =	sdelay $0x4  }
0x383: {  	v0 =	vmul.f32 $8.000000000e+00, v0;
	_ =	sdelay $0x1  }
0x384: {  	[tilespmem:s31+$0xFFFFFFA0] =	vst v0  }
0x385: {  	v0 =	vld [tilespmem:s19+$0xFFFFFFB0];
	_ =	sdelay $0x4  }
0x386: {  	v0 =	vmul.f32 $8.000000000e+00, v0;
	_ =	sdelay $0x1  }
0x387: {  	[tilespmem:s31+$0xFFFFFFB0] =	vst v0  }
0x388: {  	v0 =	vld [tilespmem:s19+$0x0];
	_ =	sdelay $0x4  }
0x389: {  	v0 =	vmul.f32 $8.000000000e+00, v0;
	_ =	sdelay $0x1  }
0x38a: {  	[tilespmem:s31+$0x0] =	vst v0  }
0x38b: {  	v0 =	vld [tilespmem:s19+$0x10];
	_ =	sdelay $0x4  }
0x38c: {  	v0 =	vmul.f32 $8.000000000e+00, v0;
	_ =	sdelay $0x1  }
0x38d: {  	[tilespmem:s31+$0x10] =	vst v0  }
0x38e: {  	v0 =	vld [tilespmem:s19+$0x20];
	_ =	sdelay $0x4  }
0x38f: {  	v0 =	vmul.f32 $8.000000000e+00, v0;
	_ =	sdelay $0x1  }
0x390: {  	[tilespmem:s31+$0x20] =	vst v0  }
0x391: {  	v0 =	vld [tilespmem:s19+$0x30];
	_ =	sdelay $0x4  }
0x392: {  	v0 =	vmul.f32 $8.000000000e+00, v0;
	_ =	sdelay $0x1  }
0x393: {  	[tilespmem:s31+$0x30] =	vst v0  }
0x394: {  	v0 =	vld [tilespmem:s19+$0x80];
	_ =	sdelay $0x4  }
0x395: {  	v0 =	vmul.f32 $8.000000000e+00, v0;
	_ =	sdelay $0x1  }
0x396: {  	[tilespmem:s31+$0x80] =	vst v0  }
0x397: {  	v0 =	vld [tilespmem:s19+$0x90];
	_ =	sdelay $0x4  }
0x398: {  	v0 =	vmul.f32 $8.000000000e+00, v0;
	_ =	sdelay $0x1  }
0x399: {  	[tilespmem:s31+$0x90] =	vst v0  }
0x39a: {  	v0 =	vld [tilespmem:s19+$0xA0];
	_ =	sdelay $0x4  }
0x39b: {  	v0 =	vmul.f32 $8.000000000e+00, v0;
	_ =	sdelay $0x1  }
0x39c: {  	[tilespmem:s31+$0xA0] =	vst v0  }
0x39d: {  	v0 =	vld [tilespmem:s19+$0xB0];
	_ =	sdelay $0x4  }
0x39e: {  	v0 =	vmul.f32 $8.000000000e+00, v0;
	_ =	sdelay $0x1  }
0x39f: {  	[tilespmem:s31+$0xB0] =	vst v0  }
0x3a0: {  	v0 =	vld [tilespmem:s19+$0x100];
	_ =	sdelay $0x4  }
0x3a1: {  	v0 =	vmul.f32 $8.000000000e+00, v0;
	_ =	sdelay $0x1  }
0x3a2: {  	[tilespmem:s31+$0x100] =	vst v0  }
0x3a3: {  	v0 =	vld [tilespmem:s19+$0x110];
	_ =	sdelay $0x4  }
0x3a4: {  	v0 =	vmul.f32 $8.000000000e+00, v0;
	_ =	sdelay $0x1  }
0x3a5: {  	[tilespmem:s31+$0x110] =	vst v0  }
0x3a6: {  	v0 =	vld [tilespmem:s19+$0x120];
	_ =	sdelay $0x4  }
0x3a7: {  	v0 =	vmul.f32 $8.000000000e+00, v0;
	_ =	sdelay $0x1  }
0x3a8: {  	[tilespmem:s31+$0x120] =	vst v0  }
0x3a9: {  	v0 =	vld [tilespmem:s19+$0x130];
	_ =	sdelay $0x4  }
0x3aa: {  	v0 =	vmul.f32 $8.000000000e+00, v0;
	_ =	sdelay $0x1  }
0x3ab: {  	[tilespmem:s31+$0x130] =	vst v0  }
0x3ac: {  	v0 =	vld [tilespmem:s19+$0x180];
	_ =	sdelay $0x4  }
0x3ad: {  	v0 =	vmul.f32 $8.000000000e+00, v0;
	_ =	sdelay $0x1  }
0x3ae: {  	[tilespmem:s31+$0x180] =	vst v0  }
0x3af: {  	v0 =	vld [tilespmem:s19+$0x190];
	_ =	sdelay $0x4  }
0x3b0: {  	v0 =	vmul.f32 $8.000000000e+00, v0;
	_ =	sdelay $0x1  }
0x3b1: {  	[tilespmem:s31+$0x190] =	vst v0  }
0x3b2: {  	v0 =	vld [tilespmem:s19+$0x1A0];
	_ =	sdelay $0x4  }
0x3b3: {  	v0 =	vmul.f32 $8.000000000e+00, v0;
	_ =	sdelay $0x1  }
0x3b4: {  	[tilespmem:s31+$0x1A0] =	vst v0  }
0x3b5: {  	v0 =	vld [tilespmem:s19+$0x1B0];
	_ =	sdelay $0x4  }
0x3b6: {  	v0 =	vmul.f32 $8.000000000e+00, v0;
	_ =	sdelay $0x1  }
0x3b7: {  	s17 =	simm.s32 $0x6A00;
	s16 =	simm.s32 $0x0;
	[tilespmem:s31+$0x1B0] =	vst v0  }
.LBB2_11:
0x3b8: {  	v0 =	vld [tilespmem:s17+$0xFFFFFE00];
	s16 =	sadd.s32 $0x8, s16  }
0x3b9: {  	p0 =	slt.u32 s16, $0x78;
	_ =	sdelay $0x3  }
0x3ba: {  	v0 =	vmul.f32 $8.000000000e+00, v0  }
0x3bb: {  	s31 =	sadd.s32 $0x400, s31  }
0x3bc: {  	[tilespmem:s31+$0xFFFFFE00] =	vst v0  }
0x3bd: {  	v0 =	vld [tilespmem:s17+$0xFFFFFE10];
	_ =	sdelay $0x4  }
0x3be: {  	v0 =	vmul.f32 $8.000000000e+00, v0;
	_ =	sdelay $0x1  }
0x3bf: {  	[tilespmem:s31+$0xFFFFFE10] =	vst v0  }
0x3c0: {  	v0 =	vld [tilespmem:s17+$0xFFFFFE20];
	_ =	sdelay $0x4  }
0x3c1: {  	v0 =	vmul.f32 $8.000000000e+00, v0;
	_ =	sdelay $0x1  }
0x3c2: {  	[tilespmem:s31+$0xFFFFFE20] =	vst v0  }
0x3c3: {  	v0 =	vld [tilespmem:s17+$0xFFFFFE30];
	_ =	sdelay $0x4  }
0x3c4: {  	v0 =	vmul.f32 $8.000000000e+00, v0;
	_ =	sdelay $0x1  }
0x3c5: {  	[tilespmem:s31+$0xFFFFFE30] =	vst v0  }
0x3c6: {  	v0 =	vld [tilespmem:s17+$0xFFFFFE80];
	_ =	sdelay $0x4  }
0x3c7: {  	v0 =	vmul.f32 $8.000000000e+00, v0;
	_ =	sdelay $0x1  }
0x3c8: {  	[tilespmem:s31+$0xFFFFFE80] =	vst v0  }
0x3c9: {  	v0 =	vld [tilespmem:s17+$0xFFFFFE90];
	_ =	sdelay $0x4  }
0x3ca: {  	v0 =	vmul.f32 $8.000000000e+00, v0;
	_ =	sdelay $0x1  }
0x3cb: {  	[tilespmem:s31+$0xFFFFFE90] =	vst v0  }
0x3cc: {  	v0 =	vld [tilespmem:s17+$0xFFFFFEA0];
	_ =	sdelay $0x4  }
0x3cd: {  	v0 =	vmul.f32 $8.000000000e+00, v0;
	_ =	sdelay $0x1  }
0x3ce: {  	[tilespmem:s31+$0xFFFFFEA0] =	vst v0  }
0x3cf: {  	v0 =	vld [tilespmem:s17+$0xFFFFFEB0];
	_ =	sdelay $0x4  }
0x3d0: {  	v0 =	vmul.f32 $8.000000000e+00, v0;
	_ =	sdelay $0x1  }
0x3d1: {  	[tilespmem:s31+$0xFFFFFEB0] =	vst v0  }
0x3d2: {  	v0 =	vld [tilespmem:s17+$0xFFFFFF00];
	_ =	sdelay $0x4  }
0x3d3: {  	v0 =	vmul.f32 $8.000000000e+00, v0;
	_ =	sdelay $0x1  }
0x3d4: {  	[tilespmem:s31+$0xFFFFFF00] =	vst v0  }
0x3d5: {  	v0 =	vld [tilespmem:s17+$0xFFFFFF10];
	_ =	sdelay $0x4  }
0x3d6: {  	v0 =	vmul.f32 $8.000000000e+00, v0;
	_ =	sdelay $0x1  }
0x3d7: {  	[tilespmem:s31+$0xFFFFFF10] =	vst v0  }
0x3d8: {  	v0 =	vld [tilespmem:s17+$0xFFFFFF20];
	_ =	sdelay $0x4  }
0x3d9: {  	v0 =	vmul.f32 $8.000000000e+00, v0;
	_ =	sdelay $0x1  }
0x3da: {  	[tilespmem:s31+$0xFFFFFF20] =	vst v0  }
0x3db: {  	v0 =	vld [tilespmem:s17+$0xFFFFFF30];
	_ =	sdelay $0x4  }
0x3dc: {  	v0 =	vmul.f32 $8.000000000e+00, v0;
	_ =	sdelay $0x1  }
0x3dd: {  	[tilespmem:s31+$0xFFFFFF30] =	vst v0  }
0x3de: {  	v0 =	vld [tilespmem:s17+$0xFFFFFF80];
	_ =	sdelay $0x4  }
0x3df: {  	v0 =	vmul.f32 $8.000000000e+00, v0;
	_ =	sdelay $0x1  }
0x3e0: {  	[tilespmem:s31+$0xFFFFFF80] =	vst v0  }
0x3e1: {  	v0 =	vld [tilespmem:s17+$0xFFFFFF90];
	_ =	sdelay $0x4  }
0x3e2: {  	v0 =	vmul.f32 $8.000000000e+00, v0;
	_ =	sdelay $0x1  }
0x3e3: {  	[tilespmem:s31+$0xFFFFFF90] =	vst v0  }
0x3e4: {  	v0 =	vld [tilespmem:s17+$0xFFFFFFA0];
	_ =	sdelay $0x4  }
0x3e5: {  	v0 =	vmul.f32 $8.000000000e+00, v0;
	_ =	sdelay $0x1  }
0x3e6: {  	[tilespmem:s31+$0xFFFFFFA0] =	vst v0  }
0x3e7: {  	v0 =	vld [tilespmem:s17+$0xFFFFFFB0];
	_ =	sdelay $0x4  }
0x3e8: {  	v0 =	vmul.f32 $8.000000000e+00, v0;
	_ =	sdelay $0x1  }
0x3e9: {  	[tilespmem:s31+$0xFFFFFFB0] =	vst v0  }
0x3ea: {  	v0 =	vld [tilespmem:s17+$0x0];
	_ =	sdelay $0x4  }
0x3eb: {  	v0 =	vmul.f32 $8.000000000e+00, v0;
	_ =	sdelay $0x1  }
0x3ec: {  	[tilespmem:s31+$0x0] =	vst v0  }
0x3ed: {  	v0 =	vld [tilespmem:s17+$0x10];
	_ =	sdelay $0x4  }
0x3ee: {  	v0 =	vmul.f32 $8.000000000e+00, v0;
	_ =	sdelay $0x1  }
0x3ef: {  	[tilespmem:s31+$0x10] =	vst v0  }
0x3f0: {  	v0 =	vld [tilespmem:s17+$0x20];
	_ =	sdelay $0x4  }
0x3f1: {  	v0 =	vmul.f32 $8.000000000e+00, v0;
	_ =	sdelay $0x1  }
0x3f2: {  	[tilespmem:s31+$0x20] =	vst v0  }
0x3f3: {  	v0 =	vld [tilespmem:s17+$0x30];
	_ =	sdelay $0x4  }
0x3f4: {  	v0 =	vmul.f32 $8.000000000e+00, v0;
	_ =	sdelay $0x1  }
0x3f5: {  	[tilespmem:s31+$0x30] =	vst v0  }
0x3f6: {  	v0 =	vld [tilespmem:s17+$0x80];
	_ =	sdelay $0x4  }
0x3f7: {  	v0 =	vmul.f32 $8.000000000e+00, v0;
	_ =	sdelay $0x1  }
0x3f8: {  	[tilespmem:s31+$0x80] =	vst v0  }
0x3f9: {  	v0 =	vld [tilespmem:s17+$0x90];
	_ =	sdelay $0x4  }
0x3fa: {  	v0 =	vmul.f32 $8.000000000e+00, v0;
	_ =	sdelay $0x1  }
0x3fb: {  	[tilespmem:s31+$0x90] =	vst v0  }
0x3fc: {  	v0 =	vld [tilespmem:s17+$0xA0];
	_ =	sdelay $0x4  }
0x3fd: {  	v0 =	vmul.f32 $8.000000000e+00, v0;
	_ =	sdelay $0x1  }
0x3fe: {  	[tilespmem:s31+$0xA0] =	vst v0  }
0x3ff: {  	v0 =	vld [tilespmem:s17+$0xB0];
	_ =	sdelay $0x4  }
0x400: {  	v0 =	vmul.f32 $8.000000000e+00, v0;
	_ =	sdelay $0x1  }
0x401: {  	[tilespmem:s31+$0xB0] =	vst v0  }
0x402: {  	v0 =	vld [tilespmem:s17+$0x100];
	_ =	sdelay $0x4  }
0x403: {  	v0 =	vmul.f32 $8.000000000e+00, v0;
	_ =	sdelay $0x1  }
0x404: {  	[tilespmem:s31+$0x100] =	vst v0  }
0x405: {  	v0 =	vld [tilespmem:s17+$0x110];
	_ =	sdelay $0x4  }
0x406: {  	v0 =	vmul.f32 $8.000000000e+00, v0;
	_ =	sdelay $0x1  }
0x407: {  	[tilespmem:s31+$0x110] =	vst v0  }
0x408: {  	v0 =	vld [tilespmem:s17+$0x120];
	_ =	sdelay $0x4  }
0x409: {  	v0 =	vmul.f32 $8.000000000e+00, v0;
	_ =	sdelay $0x1  }
0x40a: {  	[tilespmem:s31+$0x120] =	vst v0  }
0x40b: {  	v0 =	vld [tilespmem:s17+$0x130];
	_ =	sdelay $0x4  }
0x40c: {  	v0 =	vmul.f32 $8.000000000e+00, v0;
	_ =	sdelay $0x1  }
0x40d: {  	[tilespmem:s31+$0x130] =	vst v0  }
0x40e: {  	v0 =	vld [tilespmem:s17+$0x180];
	_ =	sdelay $0x4  }
0x40f: {  	v0 =	vmul.f32 $8.000000000e+00, v0;
	_ =	sdelay $0x1  }
0x410: {  	[tilespmem:s31+$0x180] =	vst v0  }
0x411: {  	v0 =	vld [tilespmem:s17+$0x190];
	_ =	sdelay $0x4  }
0x412: {  	v0 =	vmul.f32 $8.000000000e+00, v0;
	_ =	sdelay $0x1  }
0x413: {  	[tilespmem:s31+$0x190] =	vst v0  }
0x414: {  	v0 =	vld [tilespmem:s17+$0x1A0];
	_ =	sdelay $0x4  }
0x415: {  	v0 =	vmul.f32 $8.000000000e+00, v0;
	_ =	sdelay $0x1  }
0x416: {  	[tilespmem:s31+$0x1A0] =	vst v0  }
0x417: {  	v0 =	vld [tilespmem:s17+$0x1B0];
	_ =	sdelay $0x2  }
.Ltmp4:
0x418: {  	(pc) =	sbr.rel @p0 .LBB2_11-.Ltmp4, $3  }
0x419: {  	_ = 	snop  }
0x41a: {  	v0 =	vmul.f32 $8.000000000e+00, v0;
	_ =	sdelay $0x1  }
0x41b: {  	s17 =	sadd.s32 $0x400, s17;
	[tilespmem:s31+$0x1B0] =	vst v0  }
0x41c: {  	s16 =	sshll.u32 s20, $0x10  }
0x41d: {  	s16 =	sadd.s32 s10, s16  }
0x41e: {  	s16 =	sshrl.u32 s16, $0x3  }
0x41f: {  	p0 =	seq.s32 s28, $0x30;
	s16 =	sadd.s32 s4, s16  }
0x420: {  	[hbm4b:s16+s2] =	stream.linear.scatter [tilespmem:s23], [sflag:$0x5], $0x4000, $0x38;
	[tilespmem:$0x1E400] =	vst v63  }
0x421: {  	s16 =	sshll.u32 @!p0 s20, $0x9  }
0x422: {  	s28 =	sand.u32 @!p0 $0x3FFFFE00, s16  }
0x423: {  	s17 =	simm.s32 @!p0 $0x80;
	s19 =	simm.s32 @!p0 $0x6400;
	s16 =	sadd.s32 @!p0 $0x200, s28  }
0x424: {  	[tilespmem:s19], [sflag:$0x1] =	stream.indirect.gather @!p0 [hbm4b:s3+s17], $0x80, s16, s17, $0xb8;
	[tilespmem:$0x1E400] =	vst v63  }
0x425: {  	_ =	swait.ge [sflag:s25], $0x4000  }
0x426: {  	[sflag:s25] =	ssyncset.done $0x0  }
0x427: {  	[sflag:s25] =	ssyncadd.s32 $0xFFFFC000  }
0x428: {  	_ =	swait.ge [sflag:s0], $0x4000  }
0x429: {  	[sflag:s0] =	ssyncset.done $0x0  }
0x42a: {  	s19 =	simm.s32 $0xA600;
	[sflag:s0] =	ssyncadd.s32 $0xFFFFC000  }
0x42b: {  	v0 =	vld [tilespmem:s19+$0xFFFFFE00];
	_ =	sdelay $0x4  }
0x42c: {  	v0 =	vmul.f32 $8.000000000e+00, v0  }
0x42d: {  	s31 =	simm.s32 $0x1A600  }
0x42e: {  	[tilespmem:s31+$0xFFFFFE00] =	vst v0  }
0x42f: {  	v0 =	vld [tilespmem:s19+$0xFFFFFE10];
	_ =	sdelay $0x4  }
0x430: {  	v0 =	vmul.f32 $8.000000000e+00, v0;
	_ =	sdelay $0x1  }
0x431: {  	[tilespmem:s31+$0xFFFFFE10] =	vst v0  }
0x432: {  	v0 =	vld [tilespmem:s19+$0xFFFFFE20];
	_ =	sdelay $0x4  }
0x433: {  	v0 =	vmul.f32 $8.000000000e+00, v0;
	_ =	sdelay $0x1  }
0x434: {  	[tilespmem:s31+$0xFFFFFE20] =	vst v0  }
0x435: {  	v0 =	vld [tilespmem:s19+$0xFFFFFE30];
	_ =	sdelay $0x4  }
0x436: {  	v0 =	vmul.f32 $8.000000000e+00, v0;
	_ =	sdelay $0x1  }
0x437: {  	[tilespmem:s31+$0xFFFFFE30] =	vst v0  }
0x438: {  	v0 =	vld [tilespmem:s19+$0xFFFFFE80];
	_ =	sdelay $0x4  }
0x439: {  	v0 =	vmul.f32 $8.000000000e+00, v0;
	_ =	sdelay $0x1  }
0x43a: {  	[tilespmem:s31+$0xFFFFFE80] =	vst v0  }
0x43b: {  	v0 =	vld [tilespmem:s19+$0xFFFFFE90];
	_ =	sdelay $0x4  }
0x43c: {  	v0 =	vmul.f32 $8.000000000e+00, v0;
	_ =	sdelay $0x1  }
0x43d: {  	[tilespmem:s31+$0xFFFFFE90] =	vst v0  }
0x43e: {  	v0 =	vld [tilespmem:s19+$0xFFFFFEA0];
	_ =	sdelay $0x4  }
0x43f: {  	v0 =	vmul.f32 $8.000000000e+00, v0;
	_ =	sdelay $0x1  }
0x440: {  	[tilespmem:s31+$0xFFFFFEA0] =	vst v0  }
0x441: {  	v0 =	vld [tilespmem:s19+$0xFFFFFEB0];
	_ =	sdelay $0x4  }
0x442: {  	v0 =	vmul.f32 $8.000000000e+00, v0;
	_ =	sdelay $0x1  }
0x443: {  	[tilespmem:s31+$0xFFFFFEB0] =	vst v0  }
0x444: {  	v0 =	vld [tilespmem:s19+$0xFFFFFF00];
	_ =	sdelay $0x4  }
0x445: {  	v0 =	vmul.f32 $8.000000000e+00, v0;
	_ =	sdelay $0x1  }
0x446: {  	[tilespmem:s31+$0xFFFFFF00] =	vst v0  }
0x447: {  	v0 =	vld [tilespmem:s19+$0xFFFFFF10];
	_ =	sdelay $0x4  }
0x448: {  	v0 =	vmul.f32 $8.000000000e+00, v0;
	_ =	sdelay $0x1  }
0x449: {  	[tilespmem:s31+$0xFFFFFF10] =	vst v0  }
0x44a: {  	v0 =	vld [tilespmem:s19+$0xFFFFFF20];
	_ =	sdelay $0x4  }
0x44b: {  	v0 =	vmul.f32 $8.000000000e+00, v0;
	_ =	sdelay $0x1  }
0x44c: {  	[tilespmem:s31+$0xFFFFFF20] =	vst v0  }
0x44d: {  	v0 =	vld [tilespmem:s19+$0xFFFFFF30];
	_ =	sdelay $0x4  }
0x44e: {  	v0 =	vmul.f32 $8.000000000e+00, v0;
	_ =	sdelay $0x1  }
0x44f: {  	[tilespmem:s31+$0xFFFFFF30] =	vst v0  }
0x450: {  	v0 =	vld [tilespmem:s19+$0xFFFFFF80];
	_ =	sdelay $0x4  }
0x451: {  	v0 =	vmul.f32 $8.000000000e+00, v0;
	_ =	sdelay $0x1  }
0x452: {  	[tilespmem:s31+$0xFFFFFF80] =	vst v0  }
0x453: {  	v0 =	vld [tilespmem:s19+$0xFFFFFF90];
	_ =	sdelay $0x4  }
0x454: {  	v0 =	vmul.f32 $8.000000000e+00, v0;
	_ =	sdelay $0x1  }
0x455: {  	[tilespmem:s31+$0xFFFFFF90] =	vst v0  }
0x456: {  	v0 =	vld [tilespmem:s19+$0xFFFFFFA0];
	_ =	sdelay $0x4  }
0x457: {  	v0 =	vmul.f32 $8.000000000e+00, v0;
	_ =	sdelay $0x1  }
0x458: {  	[tilespmem:s31+$0xFFFFFFA0] =	vst v0  }
0x459: {  	v0 =	vld [tilespmem:s19+$0xFFFFFFB0];
	_ =	sdelay $0x4  }
0x45a: {  	v0 =	vmul.f32 $8.000000000e+00, v0;
	_ =	sdelay $0x1  }
0x45b: {  	[tilespmem:s31+$0xFFFFFFB0] =	vst v0  }
0x45c: {  	v0 =	vld [tilespmem:s19+$0x0];
	_ =	sdelay $0x4  }
0x45d: {  	v0 =	vmul.f32 $8.000000000e+00, v0;
	_ =	sdelay $0x1  }
0x45e: {  	[tilespmem:s31+$0x0] =	vst v0  }
0x45f: {  	v0 =	vld [tilespmem:s19+$0x10];
	_ =	sdelay $0x4  }
0x460: {  	v0 =	vmul.f32 $8.000000000e+00, v0;
	_ =	sdelay $0x1  }
0x461: {  	[tilespmem:s31+$0x10] =	vst v0  }
0x462: {  	v0 =	vld [tilespmem:s19+$0x20];
	_ =	sdelay $0x4  }
0x463: {  	v0 =	vmul.f32 $8.000000000e+00, v0;
	_ =	sdelay $0x1  }
0x464: {  	[tilespmem:s31+$0x20] =	vst v0  }
0x465: {  	v0 =	vld [tilespmem:s19+$0x30];
	_ =	sdelay $0x4  }
0x466: {  	v0 =	vmul.f32 $8.000000000e+00, v0;
	_ =	sdelay $0x1  }
0x467: {  	[tilespmem:s31+$0x30] =	vst v0  }
0x468: {  	v0 =	vld [tilespmem:s19+$0x80];
	_ =	sdelay $0x4  }
0x469: {  	v0 =	vmul.f32 $8.000000000e+00, v0;
	_ =	sdelay $0x1  }
0x46a: {  	[tilespmem:s31+$0x80] =	vst v0  }
0x46b: {  	v0 =	vld [tilespmem:s19+$0x90];
	_ =	sdelay $0x4  }
0x46c: {  	v0 =	vmul.f32 $8.000000000e+00, v0;
	_ =	sdelay $0x1  }
0x46d: {  	[tilespmem:s31+$0x90] =	vst v0  }
0x46e: {  	v0 =	vld [tilespmem:s19+$0xA0];
	_ =	sdelay $0x4  }
0x46f: {  	v0 =	vmul.f32 $8.000000000e+00, v0;
	_ =	sdelay $0x1  }
0x470: {  	[tilespmem:s31+$0xA0] =	vst v0  }
0x471: {  	v0 =	vld [tilespmem:s19+$0xB0];
	_ =	sdelay $0x4  }
0x472: {  	v0 =	vmul.f32 $8.000000000e+00, v0;
	_ =	sdelay $0x1  }
0x473: {  	[tilespmem:s31+$0xB0] =	vst v0  }
0x474: {  	v0 =	vld [tilespmem:s19+$0x100];
	_ =	sdelay $0x4  }
0x475: {  	v0 =	vmul.f32 $8.000000000e+00, v0;
	_ =	sdelay $0x1  }
0x476: {  	[tilespmem:s31+$0x100] =	vst v0  }
0x477: {  	v0 =	vld [tilespmem:s19+$0x110];
	_ =	sdelay $0x4  }
0x478: {  	v0 =	vmul.f32 $8.000000000e+00, v0;
	_ =	sdelay $0x1  }
0x479: {  	[tilespmem:s31+$0x110] =	vst v0  }
0x47a: {  	v0 =	vld [tilespmem:s19+$0x120];
	_ =	sdelay $0x4  }
0x47b: {  	v0 =	vmul.f32 $8.000000000e+00, v0;
	_ =	sdelay $0x1  }
0x47c: {  	[tilespmem:s31+$0x120] =	vst v0  }
0x47d: {  	v0 =	vld [tilespmem:s19+$0x130];
	_ =	sdelay $0x4  }
0x47e: {  	v0 =	vmul.f32 $8.000000000e+00, v0;
	_ =	sdelay $0x1  }
0x47f: {  	[tilespmem:s31+$0x130] =	vst v0  }
0x480: {  	v0 =	vld [tilespmem:s19+$0x180];
	_ =	sdelay $0x4  }
0x481: {  	v0 =	vmul.f32 $8.000000000e+00, v0;
	_ =	sdelay $0x1  }
0x482: {  	[tilespmem:s31+$0x180] =	vst v0  }
0x483: {  	v0 =	vld [tilespmem:s19+$0x190];
	_ =	sdelay $0x4  }
0x484: {  	v0 =	vmul.f32 $8.000000000e+00, v0;
	_ =	sdelay $0x1  }
0x485: {  	[tilespmem:s31+$0x190] =	vst v0  }
0x486: {  	v0 =	vld [tilespmem:s19+$0x1A0];
	_ =	sdelay $0x4  }
0x487: {  	v0 =	vmul.f32 $8.000000000e+00, v0;
	_ =	sdelay $0x1  }
0x488: {  	[tilespmem:s31+$0x1A0] =	vst v0  }
0x489: {  	v0 =	vld [tilespmem:s19+$0x1B0];
	_ =	sdelay $0x4  }
0x48a: {  	v0 =	vmul.f32 $8.000000000e+00, v0;
	_ =	sdelay $0x1  }
0x48b: {  	s16 =	simm.s32 $0x0;
	s17 =	simm.s32 $0xAA00;
	[tilespmem:s31+$0x1B0] =	vst v0  }
.LBB2_13:
0x48c: {  	v0 =	vld [tilespmem:s17+$0xFFFFFE00];
	s16 =	sadd.s32 $0x8, s16  }
0x48d: {  	p1 =	slt.u32 s16, $0x78;
	_ =	sdelay $0x3  }
0x48e: {  	v0 =	vmul.f32 $8.000000000e+00, v0  }
0x48f: {  	s31 =	sadd.s32 $0x400, s31  }
0x490: {  	[tilespmem:s31+$0xFFFFFE00] =	vst v0  }
0x491: {  	v0 =	vld [tilespmem:s17+$0xFFFFFE10];
	_ =	sdelay $0x4  }
0x492: {  	v0 =	vmul.f32 $8.000000000e+00, v0;
	_ =	sdelay $0x1  }
0x493: {  	[tilespmem:s31+$0xFFFFFE10] =	vst v0  }
0x494: {  	v0 =	vld [tilespmem:s17+$0xFFFFFE20];
	_ =	sdelay $0x4  }
0x495: {  	v0 =	vmul.f32 $8.000000000e+00, v0;
	_ =	sdelay $0x1  }
0x496: {  	[tilespmem:s31+$0xFFFFFE20] =	vst v0  }
0x497: {  	v0 =	vld [tilespmem:s17+$0xFFFFFE30];
	_ =	sdelay $0x4  }
0x498: {  	v0 =	vmul.f32 $8.000000000e+00, v0;
	_ =	sdelay $0x1  }
0x499: {  	[tilespmem:s31+$0xFFFFFE30] =	vst v0  }
0x49a: {  	v0 =	vld [tilespmem:s17+$0xFFFFFE80];
	_ =	sdelay $0x4  }
0x49b: {  	v0 =	vmul.f32 $8.000000000e+00, v0;
	_ =	sdelay $0x1  }
0x49c: {  	[tilespmem:s31+$0xFFFFFE80] =	vst v0  }
0x49d: {  	v0 =	vld [tilespmem:s17+$0xFFFFFE90];
	_ =	sdelay $0x4  }
0x49e: {  	v0 =	vmul.f32 $8.000000000e+00, v0;
	_ =	sdelay $0x1  }
0x49f: {  	[tilespmem:s31+$0xFFFFFE90] =	vst v0  }
0x4a0: {  	v0 =	vld [tilespmem:s17+$0xFFFFFEA0];
	_ =	sdelay $0x4  }
0x4a1: {  	v0 =	vmul.f32 $8.000000000e+00, v0;
	_ =	sdelay $0x1  }
0x4a2: {  	[tilespmem:s31+$0xFFFFFEA0] =	vst v0  }
0x4a3: {  	v0 =	vld [tilespmem:s17+$0xFFFFFEB0];
	_ =	sdelay $0x4  }
0x4a4: {  	v0 =	vmul.f32 $8.000000000e+00, v0;
	_ =	sdelay $0x1  }
0x4a5: {  	[tilespmem:s31+$0xFFFFFEB0] =	vst v0  }
0x4a6: {  	v0 =	vld [tilespmem:s17+$0xFFFFFF00];
	_ =	sdelay $0x4  }
0x4a7: {  	v0 =	vmul.f32 $8.000000000e+00, v0;
	_ =	sdelay $0x1  }
0x4a8: {  	[tilespmem:s31+$0xFFFFFF00] =	vst v0  }
0x4a9: {  	v0 =	vld [tilespmem:s17+$0xFFFFFF10];
	_ =	sdelay $0x4  }
0x4aa: {  	v0 =	vmul.f32 $8.000000000e+00, v0;
	_ =	sdelay $0x1  }
0x4ab: {  	[tilespmem:s31+$0xFFFFFF10] =	vst v0  }
0x4ac: {  	v0 =	vld [tilespmem:s17+$0xFFFFFF20];
	_ =	sdelay $0x4  }
0x4ad: {  	v0 =	vmul.f32 $8.000000000e+00, v0;
	_ =	sdelay $0x1  }
0x4ae: {  	[tilespmem:s31+$0xFFFFFF20] =	vst v0  }
0x4af: {  	v0 =	vld [tilespmem:s17+$0xFFFFFF30];
	_ =	sdelay $0x4  }
0x4b0: {  	v0 =	vmul.f32 $8.000000000e+00, v0;
	_ =	sdelay $0x1  }
0x4b1: {  	[tilespmem:s31+$0xFFFFFF30] =	vst v0  }
0x4b2: {  	v0 =	vld [tilespmem:s17+$0xFFFFFF80];
	_ =	sdelay $0x4  }
0x4b3: {  	v0 =	vmul.f32 $8.000000000e+00, v0;
	_ =	sdelay $0x1  }
0x4b4: {  	[tilespmem:s31+$0xFFFFFF80] =	vst v0  }
0x4b5: {  	v0 =	vld [tilespmem:s17+$0xFFFFFF90];
	_ =	sdelay $0x4  }
0x4b6: {  	v0 =	vmul.f32 $8.000000000e+00, v0;
	_ =	sdelay $0x1  }
0x4b7: {  	[tilespmem:s31+$0xFFFFFF90] =	vst v0  }
0x4b8: {  	v0 =	vld [tilespmem:s17+$0xFFFFFFA0];
	_ =	sdelay $0x4  }
0x4b9: {  	v0 =	vmul.f32 $8.000000000e+00, v0;
	_ =	sdelay $0x1  }
0x4ba: {  	[tilespmem:s31+$0xFFFFFFA0] =	vst v0  }
0x4bb: {  	v0 =	vld [tilespmem:s17+$0xFFFFFFB0];
	_ =	sdelay $0x4  }
0x4bc: {  	v0 =	vmul.f32 $8.000000000e+00, v0;
	_ =	sdelay $0x1  }
0x4bd: {  	[tilespmem:s31+$0xFFFFFFB0] =	vst v0  }
0x4be: {  	v0 =	vld [tilespmem:s17+$0x0];
	_ =	sdelay $0x4  }
0x4bf: {  	v0 =	vmul.f32 $8.000000000e+00, v0;
	_ =	sdelay $0x1  }
0x4c0: {  	[tilespmem:s31+$0x0] =	vst v0  }
0x4c1: {  	v0 =	vld [tilespmem:s17+$0x10];
	_ =	sdelay $0x4  }
0x4c2: {  	v0 =	vmul.f32 $8.000000000e+00, v0;
	_ =	sdelay $0x1  }
0x4c3: {  	[tilespmem:s31+$0x10] =	vst v0  }
0x4c4: {  	v0 =	vld [tilespmem:s17+$0x20];
	_ =	sdelay $0x4  }
0x4c5: {  	v0 =	vmul.f32 $8.000000000e+00, v0;
	_ =	sdelay $0x1  }
0x4c6: {  	[tilespmem:s31+$0x20] =	vst v0  }
0x4c7: {  	v0 =	vld [tilespmem:s17+$0x30];
	_ =	sdelay $0x4  }
0x4c8: {  	v0 =	vmul.f32 $8.000000000e+00, v0;
	_ =	sdelay $0x1  }
0x4c9: {  	[tilespmem:s31+$0x30] =	vst v0  }
0x4ca: {  	v0 =	vld [tilespmem:s17+$0x80];
	_ =	sdelay $0x4  }
0x4cb: {  	v0 =	vmul.f32 $8.000000000e+00, v0;
	_ =	sdelay $0x1  }
0x4cc: {  	[tilespmem:s31+$0x80] =	vst v0  }
0x4cd: {  	v0 =	vld [tilespmem:s17+$0x90];
	_ =	sdelay $0x4  }
0x4ce: {  	v0 =	vmul.f32 $8.000000000e+00, v0;
	_ =	sdelay $0x1  }
0x4cf: {  	[tilespmem:s31+$0x90] =	vst v0  }
0x4d0: {  	v0 =	vld [tilespmem:s17+$0xA0];
	_ =	sdelay $0x4  }
0x4d1: {  	v0 =	vmul.f32 $8.000000000e+00, v0;
	_ =	sdelay $0x1  }
0x4d2: {  	[tilespmem:s31+$0xA0] =	vst v0  }
0x4d3: {  	v0 =	vld [tilespmem:s17+$0xB0];
	_ =	sdelay $0x4  }
0x4d4: {  	v0 =	vmul.f32 $8.000000000e+00, v0;
	_ =	sdelay $0x1  }
0x4d5: {  	[tilespmem:s31+$0xB0] =	vst v0  }
0x4d6: {  	v0 =	vld [tilespmem:s17+$0x100];
	_ =	sdelay $0x4  }
0x4d7: {  	v0 =	vmul.f32 $8.000000000e+00, v0;
	_ =	sdelay $0x1  }
0x4d8: {  	[tilespmem:s31+$0x100] =	vst v0  }
0x4d9: {  	v0 =	vld [tilespmem:s17+$0x110];
	_ =	sdelay $0x4  }
0x4da: {  	v0 =	vmul.f32 $8.000000000e+00, v0;
	_ =	sdelay $0x1  }
0x4db: {  	[tilespmem:s31+$0x110] =	vst v0  }
0x4dc: {  	v0 =	vld [tilespmem:s17+$0x120];
	_ =	sdelay $0x4  }
0x4dd: {  	v0 =	vmul.f32 $8.000000000e+00, v0;
	_ =	sdelay $0x1  }
0x4de: {  	[tilespmem:s31+$0x120] =	vst v0  }
0x4df: {  	v0 =	vld [tilespmem:s17+$0x130];
	_ =	sdelay $0x4  }
0x4e0: {  	v0 =	vmul.f32 $8.000000000e+00, v0;
	_ =	sdelay $0x1  }
0x4e1: {  	[tilespmem:s31+$0x130] =	vst v0  }
0x4e2: {  	v0 =	vld [tilespmem:s17+$0x180];
	_ =	sdelay $0x4  }
0x4e3: {  	v0 =	vmul.f32 $8.000000000e+00, v0;
	_ =	sdelay $0x1  }
0x4e4: {  	[tilespmem:s31+$0x180] =	vst v0  }
0x4e5: {  	v0 =	vld [tilespmem:s17+$0x190];
	_ =	sdelay $0x4  }
0x4e6: {  	v0 =	vmul.f32 $8.000000000e+00, v0;
	_ =	sdelay $0x1  }
0x4e7: {  	[tilespmem:s31+$0x190] =	vst v0  }
0x4e8: {  	v0 =	vld [tilespmem:s17+$0x1A0];
	_ =	sdelay $0x4  }
0x4e9: {  	v0 =	vmul.f32 $8.000000000e+00, v0;
	_ =	sdelay $0x1  }
0x4ea: {  	[tilespmem:s31+$0x1A0] =	vst v0  }
0x4eb: {  	v0 =	vld [tilespmem:s17+$0x1B0];
	_ =	sdelay $0x2  }
.Ltmp5:
0x4ec: {  	(pc) =	sbr.rel @p1 .LBB2_13-.Ltmp5, $3  }
0x4ed: {  	_ = 	snop  }
0x4ee: {  	v0 =	vmul.f32 $8.000000000e+00, v0;
	_ =	sdelay $0x1  }
0x4ef: {  	s17 =	sadd.s32 $0x400, s17;
	[tilespmem:s31+$0x1B0] =	vst v0  }
0x4f0: {  	s31 =	sshll.u32 s20, $0x9  }
0x4f1: {  	s16 =	sadd.s32 s31, s11  }
0x4f2: {  	s16 =	sshll.u32 s16, $0x4  }
0x4f3: {  	s16 =	sadd.s32 s4, s16  }
0x4f4: {  	[hbm4b:s16+s2] =	stream.linear.scatter [tilespmem:s26], [sflag:$0x6], $0x4000, $0x38;
	[tilespmem:$0x1E400] =	vst v63  }
0x4f5: {  	s17 =	simm.s32 @!p0 $0x80;
	s19 =	simm.s32 @!p0 $0xA400;
	s16 =	sadd.s32 @!p0 $0x280, s28  }
0x4f6: {  	[tilespmem:s19], [sflag:$0x2] =	stream.indirect.gather @!p0 [hbm4b:s3+s17], $0x80, s16, s17, $0xb8;
	[tilespmem:$0x1E400] =	vst v63  }
0x4f7: {  	_ =	swait.ge [sflag:s29], $0x4000  }
0x4f8: {  	[sflag:s29] =	ssyncset.done $0x0  }
0x4f9: {  	[sflag:s29] =	ssyncadd.s32 $0xFFFFC000  }
0x4fa: {  	_ =	swait.ge [sflag:s30], $0x4000  }
0x4fb: {  	[sflag:s30] =	ssyncset.done $0x0  }
0x4fc: {  	s19 =	simm.s32 $0xE600;
	[sflag:s30] =	ssyncadd.s32 $0xFFFFC000  }
0x4fd: {  	v0 =	vld [tilespmem:s19+$0xFFFFFE00];
	_ =	sdelay $0x4  }
0x4fe: {  	v0 =	vmul.f32 $8.000000000e+00, v0  }
0x4ff: {  	s16 =	simm.s32 $0x16600  }
0x500: {  	[tilespmem:s16+$0xFFFFFE00] =	vst v0  }
0x501: {  	v0 =	vld [tilespmem:s19+$0xFFFFFE10];
	_ =	sdelay $0x4  }
0x502: {  	v0 =	vmul.f32 $8.000000000e+00, v0;
	_ =	sdelay $0x1  }
0x503: {  	[tilespmem:s16+$0xFFFFFE10] =	vst v0  }
0x504: {  	v0 =	vld [tilespmem:s19+$0xFFFFFE20];
	_ =	sdelay $0x4  }
0x505: {  	v0 =	vmul.f32 $8.000000000e+00, v0;
	_ =	sdelay $0x1  }
0x506: {  	[tilespmem:s16+$0xFFFFFE20] =	vst v0  }
0x507: {  	v0 =	vld [tilespmem:s19+$0xFFFFFE30];
	_ =	sdelay $0x4  }
0x508: {  	v0 =	vmul.f32 $8.000000000e+00, v0;
	_ =	sdelay $0x1  }
0x509: {  	[tilespmem:s16+$0xFFFFFE30] =	vst v0  }
0x50a: {  	v0 =	vld [tilespmem:s19+$0xFFFFFE80];
	_ =	sdelay $0x4  }
0x50b: {  	v0 =	vmul.f32 $8.000000000e+00, v0;
	_ =	sdelay $0x1  }
0x50c: {  	[tilespmem:s16+$0xFFFFFE80] =	vst v0  }
0x50d: {  	v0 =	vld [tilespmem:s19+$0xFFFFFE90];
	_ =	sdelay $0x4  }
0x50e: {  	v0 =	vmul.f32 $8.000000000e+00, v0;
	_ =	sdelay $0x1  }
0x50f: {  	[tilespmem:s16+$0xFFFFFE90] =	vst v0  }
0x510: {  	v0 =	vld [tilespmem:s19+$0xFFFFFEA0];
	_ =	sdelay $0x4  }
0x511: {  	v0 =	vmul.f32 $8.000000000e+00, v0;
	_ =	sdelay $0x1  }
0x512: {  	[tilespmem:s16+$0xFFFFFEA0] =	vst v0  }
0x513: {  	v0 =	vld [tilespmem:s19+$0xFFFFFEB0];
	_ =	sdelay $0x4  }
0x514: {  	v0 =	vmul.f32 $8.000000000e+00, v0;
	_ =	sdelay $0x1  }
0x515: {  	[tilespmem:s16+$0xFFFFFEB0] =	vst v0  }
0x516: {  	v0 =	vld [tilespmem:s19+$0xFFFFFF00];
	_ =	sdelay $0x4  }
0x517: {  	v0 =	vmul.f32 $8.000000000e+00, v0;
	_ =	sdelay $0x1  }
0x518: {  	[tilespmem:s16+$0xFFFFFF00] =	vst v0  }
0x519: {  	v0 =	vld [tilespmem:s19+$0xFFFFFF10];
	_ =	sdelay $0x4  }
0x51a: {  	v0 =	vmul.f32 $8.000000000e+00, v0;
	_ =	sdelay $0x1  }
0x51b: {  	[tilespmem:s16+$0xFFFFFF10] =	vst v0  }
0x51c: {  	v0 =	vld [tilespmem:s19+$0xFFFFFF20];
	_ =	sdelay $0x4  }
0x51d: {  	v0 =	vmul.f32 $8.000000000e+00, v0;
	_ =	sdelay $0x1  }
0x51e: {  	[tilespmem:s16+$0xFFFFFF20] =	vst v0  }
0x51f: {  	v0 =	vld [tilespmem:s19+$0xFFFFFF30];
	_ =	sdelay $0x4  }
0x520: {  	v0 =	vmul.f32 $8.000000000e+00, v0;
	_ =	sdelay $0x1  }
0x521: {  	[tilespmem:s16+$0xFFFFFF30] =	vst v0  }
0x522: {  	v0 =	vld [tilespmem:s19+$0xFFFFFF80];
	_ =	sdelay $0x4  }
0x523: {  	v0 =	vmul.f32 $8.000000000e+00, v0;
	_ =	sdelay $0x1  }
0x524: {  	[tilespmem:s16+$0xFFFFFF80] =	vst v0  }
0x525: {  	v0 =	vld [tilespmem:s19+$0xFFFFFF90];
	_ =	sdelay $0x4  }
0x526: {  	v0 =	vmul.f32 $8.000000000e+00, v0;
	_ =	sdelay $0x1  }
0x527: {  	[tilespmem:s16+$0xFFFFFF90] =	vst v0  }
0x528: {  	v0 =	vld [tilespmem:s19+$0xFFFFFFA0];
	_ =	sdelay $0x4  }
0x529: {  	v0 =	vmul.f32 $8.000000000e+00, v0;
	_ =	sdelay $0x1  }
0x52a: {  	[tilespmem:s16+$0xFFFFFFA0] =	vst v0  }
0x52b: {  	v0 =	vld [tilespmem:s19+$0xFFFFFFB0];
	_ =	sdelay $0x4  }
0x52c: {  	v0 =	vmul.f32 $8.000000000e+00, v0;
	_ =	sdelay $0x1  }
0x52d: {  	[tilespmem:s16+$0xFFFFFFB0] =	vst v0  }
0x52e: {  	v0 =	vld [tilespmem:s19+$0x0];
	_ =	sdelay $0x4  }
0x52f: {  	v0 =	vmul.f32 $8.000000000e+00, v0;
	_ =	sdelay $0x1  }
0x530: {  	[tilespmem:s16+$0x0] =	vst v0  }
0x531: {  	v0 =	vld [tilespmem:s19+$0x10];
	_ =	sdelay $0x4  }
0x532: {  	v0 =	vmul.f32 $8.000000000e+00, v0;
	_ =	sdelay $0x1  }
0x533: {  	[tilespmem:s16+$0x10] =	vst v0  }
0x534: {  	v0 =	vld [tilespmem:s19+$0x20];
	_ =	sdelay $0x4  }
0x535: {  	v0 =	vmul.f32 $8.000000000e+00, v0;
	_ =	sdelay $0x1  }
0x536: {  	[tilespmem:s16+$0x20] =	vst v0  }
0x537: {  	v0 =	vld [tilespmem:s19+$0x30];
	_ =	sdelay $0x4  }
0x538: {  	v0 =	vmul.f32 $8.000000000e+00, v0;
	_ =	sdelay $0x1  }
0x539: {  	[tilespmem:s16+$0x30] =	vst v0  }
0x53a: {  	v0 =	vld [tilespmem:s19+$0x80];
	_ =	sdelay $0x4  }
0x53b: {  	v0 =	vmul.f32 $8.000000000e+00, v0;
	_ =	sdelay $0x1  }
0x53c: {  	[tilespmem:s16+$0x80] =	vst v0  }
0x53d: {  	v0 =	vld [tilespmem:s19+$0x90];
	_ =	sdelay $0x4  }
0x53e: {  	v0 =	vmul.f32 $8.000000000e+00, v0;
	_ =	sdelay $0x1  }
0x53f: {  	[tilespmem:s16+$0x90] =	vst v0  }
0x540: {  	v0 =	vld [tilespmem:s19+$0xA0];
	_ =	sdelay $0x4  }
0x541: {  	v0 =	vmul.f32 $8.000000000e+00, v0;
	_ =	sdelay $0x1  }
0x542: {  	[tilespmem:s16+$0xA0] =	vst v0  }
0x543: {  	v0 =	vld [tilespmem:s19+$0xB0];
	_ =	sdelay $0x4  }
0x544: {  	v0 =	vmul.f32 $8.000000000e+00, v0;
	_ =	sdelay $0x1  }
0x545: {  	[tilespmem:s16+$0xB0] =	vst v0  }
0x546: {  	v0 =	vld [tilespmem:s19+$0x100];
	_ =	sdelay $0x4  }
0x547: {  	v0 =	vmul.f32 $8.000000000e+00, v0;
	_ =	sdelay $0x1  }
0x548: {  	[tilespmem:s16+$0x100] =	vst v0  }
0x549: {  	v0 =	vld [tilespmem:s19+$0x110];
	_ =	sdelay $0x4  }
0x54a: {  	v0 =	vmul.f32 $8.000000000e+00, v0;
	_ =	sdelay $0x1  }
0x54b: {  	[tilespmem:s16+$0x110] =	vst v0  }
0x54c: {  	v0 =	vld [tilespmem:s19+$0x120];
	_ =	sdelay $0x4  }
0x54d: {  	v0 =	vmul.f32 $8.000000000e+00, v0;
	_ =	sdelay $0x1  }
0x54e: {  	[tilespmem:s16+$0x120] =	vst v0  }
0x54f: {  	v0 =	vld [tilespmem:s19+$0x130];
	_ =	sdelay $0x4  }
0x550: {  	v0 =	vmul.f32 $8.000000000e+00, v0;
	_ =	sdelay $0x1  }
0x551: {  	[tilespmem:s16+$0x130] =	vst v0  }
0x552: {  	v0 =	vld [tilespmem:s19+$0x180];
	_ =	sdelay $0x4  }
0x553: {  	v0 =	vmul.f32 $8.000000000e+00, v0;
	_ =	sdelay $0x1  }
0x554: {  	[tilespmem:s16+$0x180] =	vst v0  }
0x555: {  	v0 =	vld [tilespmem:s19+$0x190];
	_ =	sdelay $0x4  }
0x556: {  	v0 =	vmul.f32 $8.000000000e+00, v0;
	_ =	sdelay $0x1  }
0x557: {  	[tilespmem:s16+$0x190] =	vst v0  }
0x558: {  	v0 =	vld [tilespmem:s19+$0x1A0];
	_ =	sdelay $0x4  }
0x559: {  	v0 =	vmul.f32 $8.000000000e+00, v0;
	_ =	sdelay $0x1  }
0x55a: {  	[tilespmem:s16+$0x1A0] =	vst v0  }
0x55b: {  	v0 =	vld [tilespmem:s19+$0x1B0];
	_ =	sdelay $0x4  }
0x55c: {  	v0 =	vmul.f32 $8.000000000e+00, v0;
	_ =	sdelay $0x1  }
0x55d: {  	s17 =	simm.s32 $0x0;
	s19 =	simm.s32 $0xEA00;
	[tilespmem:s16+$0x1B0] =	vst v0  }
.LBB2_15:
0x55e: {  	v0 =	vld [tilespmem:s19+$0xFFFFFE00];
	s17 =	sadd.s32 $0x8, s17  }
0x55f: {  	p1 =	slt.u32 s17, $0x78;
	_ =	sdelay $0x3  }
0x560: {  	v0 =	vmul.f32 $8.000000000e+00, v0  }
0x561: {  	s16 =	sadd.s32 $0x400, s16  }
0x562: {  	[tilespmem:s16+$0xFFFFFE00] =	vst v0  }
0x563: {  	v0 =	vld [tilespmem:s19+$0xFFFFFE10];
	_ =	sdelay $0x4  }
0x564: {  	v0 =	vmul.f32 $8.000000000e+00, v0;
	_ =	sdelay $0x1  }
0x565: {  	[tilespmem:s16+$0xFFFFFE10] =	vst v0  }
0x566: {  	v0 =	vld [tilespmem:s19+$0xFFFFFE20];
	_ =	sdelay $0x4  }
0x567: {  	v0 =	vmul.f32 $8.000000000e+00, v0;
	_ =	sdelay $0x1  }
0x568: {  	[tilespmem:s16+$0xFFFFFE20] =	vst v0  }
0x569: {  	v0 =	vld [tilespmem:s19+$0xFFFFFE30];
	_ =	sdelay $0x4  }
0x56a: {  	v0 =	vmul.f32 $8.000000000e+00, v0;
	_ =	sdelay $0x1  }
0x56b: {  	[tilespmem:s16+$0xFFFFFE30] =	vst v0  }
0x56c: {  	v0 =	vld [tilespmem:s19+$0xFFFFFE80];
	_ =	sdelay $0x4  }
0x56d: {  	v0 =	vmul.f32 $8.000000000e+00, v0;
	_ =	sdelay $0x1  }
0x56e: {  	[tilespmem:s16+$0xFFFFFE80] =	vst v0  }
0x56f: {  	v0 =	vld [tilespmem:s19+$0xFFFFFE90];
	_ =	sdelay $0x4  }
0x570: {  	v0 =	vmul.f32 $8.000000000e+00, v0;
	_ =	sdelay $0x1  }
0x571: {  	[tilespmem:s16+$0xFFFFFE90] =	vst v0  }
0x572: {  	v0 =	vld [tilespmem:s19+$0xFFFFFEA0];
	_ =	sdelay $0x4  }
0x573: {  	v0 =	vmul.f32 $8.000000000e+00, v0;
	_ =	sdelay $0x1  }
0x574: {  	[tilespmem:s16+$0xFFFFFEA0] =	vst v0  }
0x575: {  	v0 =	vld [tilespmem:s19+$0xFFFFFEB0];
	_ =	sdelay $0x4  }
0x576: {  	v0 =	vmul.f32 $8.000000000e+00, v0;
	_ =	sdelay $0x1  }
0x577: {  	[tilespmem:s16+$0xFFFFFEB0] =	vst v0  }
0x578: {  	v0 =	vld [tilespmem:s19+$0xFFFFFF00];
	_ =	sdelay $0x4  }
0x579: {  	v0 =	vmul.f32 $8.000000000e+00, v0;
	_ =	sdelay $0x1  }
0x57a: {  	[tilespmem:s16+$0xFFFFFF00] =	vst v0  }
0x57b: {  	v0 =	vld [tilespmem:s19+$0xFFFFFF10];
	_ =	sdelay $0x4  }
0x57c: {  	v0 =	vmul.f32 $8.000000000e+00, v0;
	_ =	sdelay $0x1  }
0x57d: {  	[tilespmem:s16+$0xFFFFFF10] =	vst v0  }
0x57e: {  	v0 =	vld [tilespmem:s19+$0xFFFFFF20];
	_ =	sdelay $0x4  }
0x57f: {  	v0 =	vmul.f32 $8.000000000e+00, v0;
	_ =	sdelay $0x1  }
0x580: {  	[tilespmem:s16+$0xFFFFFF20] =	vst v0  }
0x581: {  	v0 =	vld [tilespmem:s19+$0xFFFFFF30];
	_ =	sdelay $0x4  }
0x582: {  	v0 =	vmul.f32 $8.000000000e+00, v0;
	_ =	sdelay $0x1  }
0x583: {  	[tilespmem:s16+$0xFFFFFF30] =	vst v0  }
0x584: {  	v0 =	vld [tilespmem:s19+$0xFFFFFF80];
	_ =	sdelay $0x4  }
0x585: {  	v0 =	vmul.f32 $8.000000000e+00, v0;
	_ =	sdelay $0x1  }
0x586: {  	[tilespmem:s16+$0xFFFFFF80] =	vst v0  }
0x587: {  	v0 =	vld [tilespmem:s19+$0xFFFFFF90];
	_ =	sdelay $0x4  }
0x588: {  	v0 =	vmul.f32 $8.000000000e+00, v0;
	_ =	sdelay $0x1  }
0x589: {  	[tilespmem:s16+$0xFFFFFF90] =	vst v0  }
0x58a: {  	v0 =	vld [tilespmem:s19+$0xFFFFFFA0];
	_ =	sdelay $0x4  }
0x58b: {  	v0 =	vmul.f32 $8.000000000e+00, v0;
	_ =	sdelay $0x1  }
0x58c: {  	[tilespmem:s16+$0xFFFFFFA0] =	vst v0  }
0x58d: {  	v0 =	vld [tilespmem:s19+$0xFFFFFFB0];
	_ =	sdelay $0x4  }
0x58e: {  	v0 =	vmul.f32 $8.000000000e+00, v0;
	_ =	sdelay $0x1  }
0x58f: {  	[tilespmem:s16+$0xFFFFFFB0] =	vst v0  }
0x590: {  	v0 =	vld [tilespmem:s19+$0x0];
	_ =	sdelay $0x4  }
0x591: {  	v0 =	vmul.f32 $8.000000000e+00, v0;
	_ =	sdelay $0x1  }
0x592: {  	[tilespmem:s16+$0x0] =	vst v0  }
0x593: {  	v0 =	vld [tilespmem:s19+$0x10];
	_ =	sdelay $0x4  }
0x594: {  	v0 =	vmul.f32 $8.000000000e+00, v0;
	_ =	sdelay $0x1  }
0x595: {  	[tilespmem:s16+$0x10] =	vst v0  }
0x596: {  	v0 =	vld [tilespmem:s19+$0x20];
	_ =	sdelay $0x4  }
0x597: {  	v0 =	vmul.f32 $8.000000000e+00, v0;
	_ =	sdelay $0x1  }
0x598: {  	[tilespmem:s16+$0x20] =	vst v0  }
0x599: {  	v0 =	vld [tilespmem:s19+$0x30];
	_ =	sdelay $0x4  }
0x59a: {  	v0 =	vmul.f32 $8.000000000e+00, v0;
	_ =	sdelay $0x1  }
0x59b: {  	[tilespmem:s16+$0x30] =	vst v0  }
0x59c: {  	v0 =	vld [tilespmem:s19+$0x80];
	_ =	sdelay $0x4  }
0x59d: {  	v0 =	vmul.f32 $8.000000000e+00, v0;
	_ =	sdelay $0x1  }
0x59e: {  	[tilespmem:s16+$0x80] =	vst v0  }
0x59f: {  	v0 =	vld [tilespmem:s19+$0x90];
	_ =	sdelay $0x4  }
0x5a0: {  	v0 =	vmul.f32 $8.000000000e+00, v0;
	_ =	sdelay $0x1  }
0x5a1: {  	[tilespmem:s16+$0x90] =	vst v0  }
0x5a2: {  	v0 =	vld [tilespmem:s19+$0xA0];
	_ =	sdelay $0x4  }
0x5a3: {  	v0 =	vmul.f32 $8.000000000e+00, v0;
	_ =	sdelay $0x1  }
0x5a4: {  	[tilespmem:s16+$0xA0] =	vst v0  }
0x5a5: {  	v0 =	vld [tilespmem:s19+$0xB0];
	_ =	sdelay $0x4  }
0x5a6: {  	v0 =	vmul.f32 $8.000000000e+00, v0;
	_ =	sdelay $0x1  }
0x5a7: {  	[tilespmem:s16+$0xB0] =	vst v0  }
0x5a8: {  	v0 =	vld [tilespmem:s19+$0x100];
	_ =	sdelay $0x4  }
0x5a9: {  	v0 =	vmul.f32 $8.000000000e+00, v0;
	_ =	sdelay $0x1  }
0x5aa: {  	[tilespmem:s16+$0x100] =	vst v0  }
0x5ab: {  	v0 =	vld [tilespmem:s19+$0x110];
	_ =	sdelay $0x4  }
0x5ac: {  	v0 =	vmul.f32 $8.000000000e+00, v0;
	_ =	sdelay $0x1  }
0x5ad: {  	[tilespmem:s16+$0x110] =	vst v0  }
0x5ae: {  	v0 =	vld [tilespmem:s19+$0x120];
	_ =	sdelay $0x4  }
0x5af: {  	v0 =	vmul.f32 $8.000000000e+00, v0;
	_ =	sdelay $0x1  }
0x5b0: {  	[tilespmem:s16+$0x120] =	vst v0  }
0x5b1: {  	v0 =	vld [tilespmem:s19+$0x130];
	_ =	sdelay $0x4  }
0x5b2: {  	v0 =	vmul.f32 $8.000000000e+00, v0;
	_ =	sdelay $0x1  }
0x5b3: {  	[tilespmem:s16+$0x130] =	vst v0  }
0x5b4: {  	v0 =	vld [tilespmem:s19+$0x180];
	_ =	sdelay $0x4  }
0x5b5: {  	v0 =	vmul.f32 $8.000000000e+00, v0;
	_ =	sdelay $0x1  }
0x5b6: {  	[tilespmem:s16+$0x180] =	vst v0  }
0x5b7: {  	v0 =	vld [tilespmem:s19+$0x190];
	_ =	sdelay $0x4  }
0x5b8: {  	v0 =	vmul.f32 $8.000000000e+00, v0;
	_ =	sdelay $0x1  }
0x5b9: {  	[tilespmem:s16+$0x190] =	vst v0  }
0x5ba: {  	v0 =	vld [tilespmem:s19+$0x1A0];
	_ =	sdelay $0x4  }
0x5bb: {  	v0 =	vmul.f32 $8.000000000e+00, v0;
	_ =	sdelay $0x1  }
0x5bc: {  	[tilespmem:s16+$0x1A0] =	vst v0  }
0x5bd: {  	v0 =	vld [tilespmem:s19+$0x1B0];
	_ =	sdelay $0x2  }
.Ltmp6:
0x5be: {  	(pc) =	sbr.rel @p1 .LBB2_15-.Ltmp6, $3  }
0x5bf: {  	_ = 	snop  }
0x5c0: {  	v0 =	vmul.f32 $8.000000000e+00, v0;
	_ =	sdelay $0x1  }
0x5c1: {  	s19 =	sadd.s32 $0x400, s19;
	[tilespmem:s16+$0x1B0] =	vst v0  }
0x5c2: {  	s16 =	sadd.s32 s31, s12  }
0x5c3: {  	s16 =	sshll.u32 s16, $0x4  }
0x5c4: {  	s16 =	sadd.s32 s4, s16  }
0x5c5: {  	[hbm4b:s16+s2] =	stream.linear.scatter [tilespmem:s23], [sflag:$0x5], $0x4000, $0x38;
	[tilespmem:$0x1E400] =	vst v63  }
0x5c6: {  	s17 =	simm.s32 @!p0 $0x80;
	s19 =	simm.s32 @!p0 $0xE400;
	s16 =	sadd.s32 @!p0 $0x300, s28  }
0x5c7: {  	[tilespmem:s19], [sflag:$0x3] =	stream.indirect.gather @!p0 [hbm4b:s3+s17], $0x80, s16, s17, $0xb8;
	[tilespmem:$0x1E400] =	vst v63  }
0x5c8: {  	_ =	swait.ge [sflag:s1], $0x4000  }
0x5c9: {  	[sflag:s1] =	ssyncset.done $0x0  }
0x5ca: {  	[sflag:s1] =	ssyncadd.s32 $0xFFFFC000  }
0x5cb: {  	_ =	swait.ge [sflag:s0], $0x4000  }
0x5cc: {  	[sflag:s0] =	ssyncset.done $0x0  }
0x5cd: {  	s31 =	simm.s32 $0x12600;
	[sflag:s0] =	ssyncadd.s32 $0xFFFFC000  }
0x5ce: {  	v0 =	vld [tilespmem:s31+$0xFFFFFE00];
	_ =	sdelay $0x4  }
0x5cf: {  	v0 =	vmul.f32 $8.000000000e+00, v0  }
0x5d0: {  	s16 =	simm.s32 $0x1A600  }
0x5d1: {  	[tilespmem:s16+$0xFFFFFE00] =	vst v0  }
0x5d2: {  	v0 =	vld [tilespmem:s31+$0xFFFFFE10];
	_ =	sdelay $0x4  }
0x5d3: {  	v0 =	vmul.f32 $8.000000000e+00, v0;
	_ =	sdelay $0x1  }
0x5d4: {  	[tilespmem:s16+$0xFFFFFE10] =	vst v0  }
0x5d5: {  	v0 =	vld [tilespmem:s31+$0xFFFFFE20];
	_ =	sdelay $0x4  }
0x5d6: {  	v0 =	vmul.f32 $8.000000000e+00, v0;
	_ =	sdelay $0x1  }
0x5d7: {  	[tilespmem:s16+$0xFFFFFE20] =	vst v0  }
0x5d8: {  	v0 =	vld [tilespmem:s31+$0xFFFFFE30];
	_ =	sdelay $0x4  }
0x5d9: {  	v0 =	vmul.f32 $8.000000000e+00, v0;
	_ =	sdelay $0x1  }
0x5da: {  	[tilespmem:s16+$0xFFFFFE30] =	vst v0  }
0x5db: {  	v0 =	vld [tilespmem:s31+$0xFFFFFE80];
	_ =	sdelay $0x4  }
0x5dc: {  	v0 =	vmul.f32 $8.000000000e+00, v0;
	_ =	sdelay $0x1  }
0x5dd: {  	[tilespmem:s16+$0xFFFFFE80] =	vst v0  }
0x5de: {  	v0 =	vld [tilespmem:s31+$0xFFFFFE90];
	_ =	sdelay $0x4  }
0x5df: {  	v0 =	vmul.f32 $8.000000000e+00, v0;
	_ =	sdelay $0x1  }
0x5e0: {  	[tilespmem:s16+$0xFFFFFE90] =	vst v0  }
0x5e1: {  	v0 =	vld [tilespmem:s31+$0xFFFFFEA0];
	_ =	sdelay $0x4  }
0x5e2: {  	v0 =	vmul.f32 $8.000000000e+00, v0;
	_ =	sdelay $0x1  }
0x5e3: {  	[tilespmem:s16+$0xFFFFFEA0] =	vst v0  }
0x5e4: {  	v0 =	vld [tilespmem:s31+$0xFFFFFEB0];
	_ =	sdelay $0x4  }
0x5e5: {  	v0 =	vmul.f32 $8.000000000e+00, v0;
	_ =	sdelay $0x1  }
0x5e6: {  	[tilespmem:s16+$0xFFFFFEB0] =	vst v0  }
0x5e7: {  	v0 =	vld [tilespmem:s31+$0xFFFFFF00];
	_ =	sdelay $0x4  }
0x5e8: {  	v0 =	vmul.f32 $8.000000000e+00, v0;
	_ =	sdelay $0x1  }
0x5e9: {  	[tilespmem:s16+$0xFFFFFF00] =	vst v0  }
0x5ea: {  	v0 =	vld [tilespmem:s31+$0xFFFFFF10];
	_ =	sdelay $0x4  }
0x5eb: {  	v0 =	vmul.f32 $8.000000000e+00, v0;
	_ =	sdelay $0x1  }
0x5ec: {  	[tilespmem:s16+$0xFFFFFF10] =	vst v0  }
0x5ed: {  	v0 =	vld [tilespmem:s31+$0xFFFFFF20];
	_ =	sdelay $0x4  }
0x5ee: {  	v0 =	vmul.f32 $8.000000000e+00, v0;
	_ =	sdelay $0x1  }
0x5ef: {  	[tilespmem:s16+$0xFFFFFF20] =	vst v0  }
0x5f0: {  	v0 =	vld [tilespmem:s31+$0xFFFFFF30];
	_ =	sdelay $0x4  }
0x5f1: {  	v0 =	vmul.f32 $8.000000000e+00, v0;
	_ =	sdelay $0x1  }
0x5f2: {  	[tilespmem:s16+$0xFFFFFF30] =	vst v0  }
0x5f3: {  	v0 =	vld [tilespmem:s31+$0xFFFFFF80];
	_ =	sdelay $0x4  }
0x5f4: {  	v0 =	vmul.f32 $8.000000000e+00, v0;
	_ =	sdelay $0x1  }
0x5f5: {  	[tilespmem:s16+$0xFFFFFF80] =	vst v0  }
0x5f6: {  	v0 =	vld [tilespmem:s31+$0xFFFFFF90];
	_ =	sdelay $0x4  }
0x5f7: {  	v0 =	vmul.f32 $8.000000000e+00, v0;
	_ =	sdelay $0x1  }
0x5f8: {  	[tilespmem:s16+$0xFFFFFF90] =	vst v0  }
0x5f9: {  	v0 =	vld [tilespmem:s31+$0xFFFFFFA0];
	_ =	sdelay $0x4  }
0x5fa: {  	v0 =	vmul.f32 $8.000000000e+00, v0;
	_ =	sdelay $0x1  }
0x5fb: {  	[tilespmem:s16+$0xFFFFFFA0] =	vst v0  }
0x5fc: {  	v0 =	vld [tilespmem:s31+$0xFFFFFFB0];
	_ =	sdelay $0x4  }
0x5fd: {  	v0 =	vmul.f32 $8.000000000e+00, v0;
	_ =	sdelay $0x1  }
0x5fe: {  	[tilespmem:s16+$0xFFFFFFB0] =	vst v0  }
0x5ff: {  	v0 =	vld [tilespmem:s31+$0x0];
	_ =	sdelay $0x4  }
0x600: {  	v0 =	vmul.f32 $8.000000000e+00, v0;
	_ =	sdelay $0x1  }
0x601: {  	[tilespmem:s16+$0x0] =	vst v0  }
0x602: {  	v0 =	vld [tilespmem:s31+$0x10];
	_ =	sdelay $0x4  }
0x603: {  	v0 =	vmul.f32 $8.000000000e+00, v0;
	_ =	sdelay $0x1  }
0x604: {  	[tilespmem:s16+$0x10] =	vst v0  }
0x605: {  	v0 =	vld [tilespmem:s31+$0x20];
	_ =	sdelay $0x4  }
0x606: {  	v0 =	vmul.f32 $8.000000000e+00, v0;
	_ =	sdelay $0x1  }
0x607: {  	[tilespmem:s16+$0x20] =	vst v0  }
0x608: {  	v0 =	vld [tilespmem:s31+$0x30];
	_ =	sdelay $0x4  }
0x609: {  	v0 =	vmul.f32 $8.000000000e+00, v0;
	_ =	sdelay $0x1  }
0x60a: {  	[tilespmem:s16+$0x30] =	vst v0  }
0x60b: {  	v0 =	vld [tilespmem:s31+$0x80];
	_ =	sdelay $0x4  }
0x60c: {  	v0 =	vmul.f32 $8.000000000e+00, v0;
	_ =	sdelay $0x1  }
0x60d: {  	[tilespmem:s16+$0x80] =	vst v0  }
0x60e: {  	v0 =	vld [tilespmem:s31+$0x90];
	_ =	sdelay $0x4  }
0x60f: {  	v0 =	vmul.f32 $8.000000000e+00, v0;
	_ =	sdelay $0x1  }
0x610: {  	[tilespmem:s16+$0x90] =	vst v0  }
0x611: {  	v0 =	vld [tilespmem:s31+$0xA0];
	_ =	sdelay $0x4  }
0x612: {  	v0 =	vmul.f32 $8.000000000e+00, v0;
	_ =	sdelay $0x1  }
0x613: {  	[tilespmem:s16+$0xA0] =	vst v0  }
0x614: {  	v0 =	vld [tilespmem:s31+$0xB0];
	_ =	sdelay $0x4  }
0x615: {  	v0 =	vmul.f32 $8.000000000e+00, v0;
	_ =	sdelay $0x1  }
0x616: {  	[tilespmem:s16+$0xB0] =	vst v0  }
0x617: {  	v0 =	vld [tilespmem:s31+$0x100];
	_ =	sdelay $0x4  }
0x618: {  	v0 =	vmul.f32 $8.000000000e+00, v0;
	_ =	sdelay $0x1  }
0x619: {  	[tilespmem:s16+$0x100] =	vst v0  }
0x61a: {  	v0 =	vld [tilespmem:s31+$0x110];
	_ =	sdelay $0x4  }
0x61b: {  	v0 =	vmul.f32 $8.000000000e+00, v0;
	_ =	sdelay $0x1  }
0x61c: {  	[tilespmem:s16+$0x110] =	vst v0  }
0x61d: {  	v0 =	vld [tilespmem:s31+$0x120];
	_ =	sdelay $0x4  }
0x61e: {  	v0 =	vmul.f32 $8.000000000e+00, v0;
	_ =	sdelay $0x1  }
0x61f: {  	[tilespmem:s16+$0x120] =	vst v0  }
0x620: {  	v0 =	vld [tilespmem:s31+$0x130];
	_ =	sdelay $0x4  }
0x621: {  	v0 =	vmul.f32 $8.000000000e+00, v0;
	_ =	sdelay $0x1  }
0x622: {  	[tilespmem:s16+$0x130] =	vst v0  }
0x623: {  	v0 =	vld [tilespmem:s31+$0x180];
	_ =	sdelay $0x4  }
0x624: {  	v0 =	vmul.f32 $8.000000000e+00, v0;
	_ =	sdelay $0x1  }
0x625: {  	[tilespmem:s16+$0x180] =	vst v0  }
0x626: {  	v0 =	vld [tilespmem:s31+$0x190];
	_ =	sdelay $0x4  }
0x627: {  	v0 =	vmul.f32 $8.000000000e+00, v0;
	_ =	sdelay $0x1  }
0x628: {  	[tilespmem:s16+$0x190] =	vst v0  }
0x629: {  	v0 =	vld [tilespmem:s31+$0x1A0];
	_ =	sdelay $0x4  }
0x62a: {  	v0 =	vmul.f32 $8.000000000e+00, v0;
	_ =	sdelay $0x1  }
0x62b: {  	[tilespmem:s16+$0x1A0] =	vst v0  }
0x62c: {  	v0 =	vld [tilespmem:s31+$0x1B0];
	_ =	sdelay $0x4  }
0x62d: {  	v0 =	vmul.f32 $8.000000000e+00, v0;
	_ =	sdelay $0x1  }
0x62e: {  	s17 =	simm.s32 $0x0;
	s19 =	simm.s32 $0x12A00;
	[tilespmem:s16+$0x1B0] =	vst v0  }
.LBB2_17:
0x62f: {  	v0 =	vld [tilespmem:s19+$0xFFFFFE00];
	s17 =	sadd.s32 $0x8, s17  }
0x630: {  	p0 =	slt.u32 s17, $0x78;
	_ =	sdelay $0x3  }
0x631: {  	v0 =	vmul.f32 $8.000000000e+00, v0  }
0x632: {  	s16 =	sadd.s32 $0x400, s16  }
0x633: {  	[tilespmem:s16+$0xFFFFFE00] =	vst v0  }
0x634: {  	v0 =	vld [tilespmem:s19+$0xFFFFFE10];
	_ =	sdelay $0x4  }
0x635: {  	v0 =	vmul.f32 $8.000000000e+00, v0;
	_ =	sdelay $0x1  }
0x636: {  	[tilespmem:s16+$0xFFFFFE10] =	vst v0  }
0x637: {  	v0 =	vld [tilespmem:s19+$0xFFFFFE20];
	_ =	sdelay $0x4  }
0x638: {  	v0 =	vmul.f32 $8.000000000e+00, v0;
	_ =	sdelay $0x1  }
0x639: {  	[tilespmem:s16+$0xFFFFFE20] =	vst v0  }
0x63a: {  	v0 =	vld [tilespmem:s19+$0xFFFFFE30];
	_ =	sdelay $0x4  }
0x63b: {  	v0 =	vmul.f32 $8.000000000e+00, v0;
	_ =	sdelay $0x1  }
0x63c: {  	[tilespmem:s16+$0xFFFFFE30] =	vst v0  }
0x63d: {  	v0 =	vld [tilespmem:s19+$0xFFFFFE80];
	_ =	sdelay $0x4  }
0x63e: {  	v0 =	vmul.f32 $8.000000000e+00, v0;
	_ =	sdelay $0x1  }
0x63f: {  	[tilespmem:s16+$0xFFFFFE80] =	vst v0  }
0x640: {  	v0 =	vld [tilespmem:s19+$0xFFFFFE90];
	_ =	sdelay $0x4  }
0x641: {  	v0 =	vmul.f32 $8.000000000e+00, v0;
	_ =	sdelay $0x1  }
0x642: {  	[tilespmem:s16+$0xFFFFFE90] =	vst v0  }
0x643: {  	v0 =	vld [tilespmem:s19+$0xFFFFFEA0];
	_ =	sdelay $0x4  }
0x644: {  	v0 =	vmul.f32 $8.000000000e+00, v0;
	_ =	sdelay $0x1  }
0x645: {  	[tilespmem:s16+$0xFFFFFEA0] =	vst v0  }
0x646: {  	v0 =	vld [tilespmem:s19+$0xFFFFFEB0];
	_ =	sdelay $0x4  }
0x647: {  	v0 =	vmul.f32 $8.000000000e+00, v0;
	_ =	sdelay $0x1  }
0x648: {  	[tilespmem:s16+$0xFFFFFEB0] =	vst v0  }
0x649: {  	v0 =	vld [tilespmem:s19+$0xFFFFFF00];
	_ =	sdelay $0x4  }
0x64a: {  	v0 =	vmul.f32 $8.000000000e+00, v0;
	_ =	sdelay $0x1  }
0x64b: {  	[tilespmem:s16+$0xFFFFFF00] =	vst v0  }
0x64c: {  	v0 =	vld [tilespmem:s19+$0xFFFFFF10];
	_ =	sdelay $0x4  }
0x64d: {  	v0 =	vmul.f32 $8.000000000e+00, v0;
	_ =	sdelay $0x1  }
0x64e: {  	[tilespmem:s16+$0xFFFFFF10] =	vst v0  }
0x64f: {  	v0 =	vld [tilespmem:s19+$0xFFFFFF20];
	_ =	sdelay $0x4  }
0x650: {  	v0 =	vmul.f32 $8.000000000e+00, v0;
	_ =	sdelay $0x1  }
0x651: {  	[tilespmem:s16+$0xFFFFFF20] =	vst v0  }
0x652: {  	v0 =	vld [tilespmem:s19+$0xFFFFFF30];
	_ =	sdelay $0x4  }
0x653: {  	v0 =	vmul.f32 $8.000000000e+00, v0;
	_ =	sdelay $0x1  }
0x654: {  	[tilespmem:s16+$0xFFFFFF30] =	vst v0  }
0x655: {  	v0 =	vld [tilespmem:s19+$0xFFFFFF80];
	_ =	sdelay $0x4  }
0x656: {  	v0 =	vmul.f32 $8.000000000e+00, v0;
	_ =	sdelay $0x1  }
0x657: {  	[tilespmem:s16+$0xFFFFFF80] =	vst v0  }
0x658: {  	v0 =	vld [tilespmem:s19+$0xFFFFFF90];
	_ =	sdelay $0x4  }
0x659: {  	v0 =	vmul.f32 $8.000000000e+00, v0;
	_ =	sdelay $0x1  }
0x65a: {  	[tilespmem:s16+$0xFFFFFF90] =	vst v0  }
0x65b: {  	v0 =	vld [tilespmem:s19+$0xFFFFFFA0];
	_ =	sdelay $0x4  }
0x65c: {  	v0 =	vmul.f32 $8.000000000e+00, v0;
	_ =	sdelay $0x1  }
0x65d: {  	[tilespmem:s16+$0xFFFFFFA0] =	vst v0  }
0x65e: {  	v0 =	vld [tilespmem:s19+$0xFFFFFFB0];
	_ =	sdelay $0x4  }
0x65f: {  	v0 =	vmul.f32 $8.000000000e+00, v0;
	_ =	sdelay $0x1  }
0x660: {  	[tilespmem:s16+$0xFFFFFFB0] =	vst v0  }
0x661: {  	v0 =	vld [tilespmem:s19+$0x0];
	_ =	sdelay $0x4  }
0x662: {  	v0 =	vmul.f32 $8.000000000e+00, v0;
	_ =	sdelay $0x1  }
0x663: {  	[tilespmem:s16+$0x0] =	vst v0  }
0x664: {  	v0 =	vld [tilespmem:s19+$0x10];
	_ =	sdelay $0x4  }
0x665: {  	v0 =	vmul.f32 $8.000000000e+00, v0;
	_ =	sdelay $0x1  }
0x666: {  	[tilespmem:s16+$0x10] =	vst v0  }
0x667: {  	v0 =	vld [tilespmem:s19+$0x20];
	_ =	sdelay $0x4  }
0x668: {  	v0 =	vmul.f32 $8.000000000e+00, v0;
	_ =	sdelay $0x1  }
0x669: {  	[tilespmem:s16+$0x20] =	vst v0  }
0x66a: {  	v0 =	vld [tilespmem:s19+$0x30];
	_ =	sdelay $0x4  }
0x66b: {  	v0 =	vmul.f32 $8.000000000e+00, v0;
	_ =	sdelay $0x1  }
0x66c: {  	[tilespmem:s16+$0x30] =	vst v0  }
0x66d: {  	v0 =	vld [tilespmem:s19+$0x80];
	_ =	sdelay $0x4  }
0x66e: {  	v0 =	vmul.f32 $8.000000000e+00, v0;
	_ =	sdelay $0x1  }
0x66f: {  	[tilespmem:s16+$0x80] =	vst v0  }
0x670: {  	v0 =	vld [tilespmem:s19+$0x90];
	_ =	sdelay $0x4  }
0x671: {  	v0 =	vmul.f32 $8.000000000e+00, v0;
	_ =	sdelay $0x1  }
0x672: {  	[tilespmem:s16+$0x90] =	vst v0  }
0x673: {  	v0 =	vld [tilespmem:s19+$0xA0];
	_ =	sdelay $0x4  }
0x674: {  	v0 =	vmul.f32 $8.000000000e+00, v0;
	_ =	sdelay $0x1  }
0x675: {  	[tilespmem:s16+$0xA0] =	vst v0  }
0x676: {  	v0 =	vld [tilespmem:s19+$0xB0];
	_ =	sdelay $0x4  }
0x677: {  	v0 =	vmul.f32 $8.000000000e+00, v0;
	_ =	sdelay $0x1  }
0x678: {  	[tilespmem:s16+$0xB0] =	vst v0  }
0x679: {  	v0 =	vld [tilespmem:s19+$0x100];
	_ =	sdelay $0x4  }
0x67a: {  	v0 =	vmul.f32 $8.000000000e+00, v0;
	_ =	sdelay $0x1  }
0x67b: {  	[tilespmem:s16+$0x100] =	vst v0  }
0x67c: {  	v0 =	vld [tilespmem:s19+$0x110];
	_ =	sdelay $0x4  }
0x67d: {  	v0 =	vmul.f32 $8.000000000e+00, v0;
	_ =	sdelay $0x1  }
0x67e: {  	[tilespmem:s16+$0x110] =	vst v0  }
0x67f: {  	v0 =	vld [tilespmem:s19+$0x120];
	_ =	sdelay $0x4  }
0x680: {  	v0 =	vmul.f32 $8.000000000e+00, v0;
	_ =	sdelay $0x1  }
0x681: {  	[tilespmem:s16+$0x120] =	vst v0  }
0x682: {  	v0 =	vld [tilespmem:s19+$0x130];
	_ =	sdelay $0x4  }
0x683: {  	v0 =	vmul.f32 $8.000000000e+00, v0;
	_ =	sdelay $0x1  }
0x684: {  	[tilespmem:s16+$0x130] =	vst v0  }
0x685: {  	v0 =	vld [tilespmem:s19+$0x180];
	_ =	sdelay $0x4  }
0x686: {  	v0 =	vmul.f32 $8.000000000e+00, v0;
	_ =	sdelay $0x1  }
0x687: {  	[tilespmem:s16+$0x180] =	vst v0  }
0x688: {  	v0 =	vld [tilespmem:s19+$0x190];
	_ =	sdelay $0x4  }
0x689: {  	v0 =	vmul.f32 $8.000000000e+00, v0;
	_ =	sdelay $0x1  }
0x68a: {  	[tilespmem:s16+$0x190] =	vst v0  }
0x68b: {  	v0 =	vld [tilespmem:s19+$0x1A0];
	_ =	sdelay $0x4  }
0x68c: {  	v0 =	vmul.f32 $8.000000000e+00, v0;
	_ =	sdelay $0x1  }
0x68d: {  	[tilespmem:s16+$0x1A0] =	vst v0  }
0x68e: {  	v0 =	vld [tilespmem:s19+$0x1B0];
	_ =	sdelay $0x2  }
.Ltmp7:
0x68f: {  	(pc) =	sbr.rel @p0 .LBB2_17-.Ltmp7, $3  }
0x690: {  	_ = 	snop  }
0x691: {  	v0 =	vmul.f32 $8.000000000e+00, v0;
	_ =	sdelay $0x1  }
0x692: {  	s19 =	sadd.s32 $0x400, s19;
	[tilespmem:s16+$0x1B0] =	vst v0  }
0x693: {  	p0 =	sne.s32 s20, $0x31  }
.Ltmp8:
0x694: {  	s16 =	sshll.u32 s24, $0xE;
	(pc) =	sbr.rel @p0 .LBB2_10-.Ltmp8, $4  }
0x695: {  	s16 =	sadd.s32 s10, s16  }
0x696: {  	s16 =	sshrl.u32 s16, $0x3  }
0x697: {  	s28 =	smov.u32 s20;
	s16 =	sadd.s32 s4, s16  }
0x698: {  	[hbm4b:s16+s2] =	stream.linear.scatter [tilespmem:s26], [sflag:$0x6], $0x4000, $0x38;
	[tilespmem:$0x1E400] =	vst v63  }
0x699: {  	s18 =	sadd.s32 $0x1, s18  }
0x69a: {  	_ =	swait.ge [sflag:s30], $0x4000;
	p0 =	sne.s32 s18, s13  }
.Ltmp9:
0x69b: {  	[sflag:s30] =	ssyncset.done $0x0;
	(pc) =	sbr.rel @p0 .LBB2_1-.Ltmp9, $4  }
0x69c: {  	[sflag:s30] =	ssyncadd.s32 $0xFFFFC000  }
0x69d: {  	_ =	swait.ge [sflag:s0], $0x4000  }
0x69e: {  	s19 =	simm.s32 $0x6400;
	[sflag:s0] =	ssyncset.done $0x0  }
0x69f: {  	s24 =	simm.s32 $0xA400;
	s28 =	simm.s32 $0xE400;
	[sflag:s0] =	ssyncadd.s32 $0xFFFFC000  }
0x6a0: {  	_ =	sfence.sel $0x180000  }
0x6a1: {  	[bflag:$0x0] =	sbarrier.arrive $0xFFFF  }
0x6a2: {  	_ =	strace $0x90000047  }
0x6a3: {  	s0 =	stileid.u32;
	[bflag:$0x2] =	sbarrier.arrive $0xFFFF  }
0x6a4: {  	p0 =	sne.s32 s0, $0x0;
	s0 =	rddreg [dreg:$0x2]  }
0x6a5: {  	s0 =	sadd.s32 @!p0 $0x100000, s0  }
0x6a6: {  	[sflag:s0] =	ssyncadd.tile.s32 @!p0 $0x1;
	_ =	shalt  }
.Lfunc_end2:
_tile_overlayer_lowered:
.L_overlay_start_2:
0x6a7: {  	(tag) =	ssettag $0x2  }
0x6a8: {  	s0 =	rddreg [dreg:$0x0];
	s2 =	stileid.u32  }
0x6a9: {  	s1 =	rddreg [dreg:$0x1];
	p0 =	sne.s32 s2, $0x0  }
0x6aa: {  	s3 =	rddreg [dreg:$0x2];
	[bflag:$0x3] =	sbarrier.arrive $0xFFFF;
	s2 =	simm.s32 @!p0 $0x1C07  }
0x6ab: {  	[timem:s3], [sflag:s2] =	dma.local @!p0 [hbm:s0], s1  }
0x6ac: {  	s0 =	simm.s32 @!p0 $0x7  }
0x6ad: {  	_ =	swait.ge @!p0 [sflag:s0], s1  }
0x6ae: {  	s1 =	ssub.s32 @!p0 $0x0, s1;
	[sflag:s0] =	ssyncset.done @!p0 $0x0  }
0x6af: {  	[sflag:s0] =	ssyncadd.s32 @!p0 s1  }
0x6b0: {  	[bflag:$0x3] =	sbarrier.arrive $0xFFFF  }
0x6b1: {  	_ =	shalt  }

// kernel: sparse-core-data-format-call.cloned.1.call-start
scs
called_computation_lowered:
.L_overlay_start_0:
0x0: {  	s2 =	sld [smem:$0x3FD9]  }
0x1: {  	s3 =	sld [smem:$0x3FFE];
	_ =	sdelay $0x1  }
0x2: {  	s1 =	srdreg.scid  }
0x3: {  	s0 =	sand.u32 $0x1, s1  }
0x4: {  	s18 =	sshll.u32 s0, $0xA;
	s2 =	sadd.s32 s3, s2  }
0x5: {  	s2 =	sadd.s32 s2, s18  }
0x6: {  	[smem:$0x3FC6] =	sst s2  }
0x7: {  	_ = 	snop  }
0x8: {  	s2 =	sld [smem:$0x3FD0];
	(tm) =	ssettm $0x1  }
0x9: {  	s19 =	sld [smem:$0x3FFB];
	_ =	sdelay $0x3  }
0xa: {  	_ =	strace s19  }
0xb: {  	s3 =	sld [smem:$0x3FFC];
	_ =	sdelay $0x3  }
0xc: {  	_ =	strace s3  }
0xd: {  	s3 =	sld [smem:$0x3FFD];
	_ =	sdelay $0x3  }
0xe: {  	_ =	strace s3  }
0xf: {  	_ =	strace $0x8FFFFFFF  }
0x10: {  	s20 =	sld [smem:$0x3FDB];
	_ =	sdelay $0x1  }
0x11: {  	s4 =	simm.s32 $_scs_section_size  }
0x12: {  	s5 =	simm.s32 $_size__tile_overlayer_lowered;
	s6 =	simm.s32 $_tile_overlayer_lowered  }
0x13: {  	s23 =	simm.s32 $0x1BFF;
	s22 =	sshll.u32 s6, $0x1;
	s3 =	sadd.s32 s4, s20  }
0x14: {  	s7 =	simm.s32 $0x0;
	s21 =	sshll.u32 s5, $0x1;
	s5 =	sadd.s32 s22, s3  }
0x15: {  	[timem:s7], [sflag:s23] =	dma.local [hbm:s5], s21  }
0x16: {  	_ =	swait.ge [sflag:s23], s21  }
0x17: {  	s4 =	ssub.s32 $0x0, s21;
	[sflag:s23] =	ssyncset.done $0x0  }
0x18: {  	[sflag:s23] =	ssyncadd.s32 s4;
	_ =	sdelay $0x1  }
0x19: {  	s24 =	simm.s32 $0x1B8B  }
0x1a: {  	_ =	swait.ge [sflag:s24], $0x1  }
0x1b: {  	[sflag:s24] =	ssyncset.done $0x0  }
0x1c: {  	s26 =	simm.s32 $0x1B8E;
	s25 =	sld [smem:$0x3FFE];
	[sflag:s24] =	ssyncadd.s32 $0xFFFFFFFF  }
0x1d: {  	s27 =	simm.s32 $execute0_lowered;
	[smem:$0x3FD2] =	sst s26  }
0x1e: {  	s5 =	sshll.u32 s27, $0x1;
	_ =	strace $0x80000049;
	[dreg:$0x1] =	wrdreg $0xFFFFFFFF  }
0x1f: {  	s28 =	simm.s32 $_size_execute0_lowered;
	s3 =	sadd.s32 s3, s5;
	[dreg:$0x0] =	wrdreg $0x0  }
0x20: {  	s5 =	sshll.u32 s28, $0x1;
	[dreg:$0x2] =	wrdreg s3  }
0x21: {  	[dreg:$0x3] =	wrdreg s5  }
0x22: {  	[dreg:$0x4] =	wrdreg $0xC0  }
0x23: {  	_ =	task [dreg:s7], $0x5FFFF  }
0x24: {  	[dreg:$0x1] =	wrdreg $0xFFFFFFFF  }
0x25: {  	[dreg:$0x0] =	wrdreg $0x60  }
0x26: {  	[dreg:$0x2] =	wrdreg s25  }
0x27: {  	[dreg:$0x3] =	wrdreg s2  }
0x28: {  	[dreg:$0x4] =	wrdreg $0x9  }
0x29: {  	_ =	task.clear_ibuf [dreg:s7], $0x5FFFF;
	_ =	strace $0x90000049  }
0x2a: {  	s29 =	simm.s32 $0x9;
	_ =	strace $0x8000004B  }
0x2b: {  	_ =	swait.ge [sflag:s29], $0x1  }
0x2c: {  	[sflag:s29] =	ssyncadd.s32 $0xFFFFFFFF  }
0x2d: {  	_ =	strace $0x9000004B  }
0x2e: {  	_ =	sfence  }
0x2f: {  	s30 =	sld [smem:$0x0];
	_ =	sdelay $0x2  }
0x30: {  	s31 =	sshll.u32 s1, $0xD;
	s1 =	sshrl.u32 s1, $0x2  }
0x31: {  	s3 =	sand.u32 $0x4000, s31;
	s1 =	sadd.s32 s1, s30  }
0x32: {  	s0 =	sor.u32 s3, s0;
	s1 =	sshll.u32 s1, $0x11  }
0x33: {  	s0 =	sor.u32 s1, s0  }
0x34: {  	s0 =	sadd.s32 $0x8F2B, s0  }
0x35: {  	[sflag:s0] =	ssyncadd.remote.s32 $0x1  }
0x36: {  	_ =	sfence.sel $0xFFFF  }
0x37: {  	[dreg:$0x0] =	wrdreg $0xFFFFFFFF;
	(pc) =	sbr.abs _section_cstart, $3  }
0x38: {  	[dreg:$0x1] =	wrdreg $0xFFFFFFFF  }
0x39: {  	_ =	task.clear_ibuf [dreg:s7], $0x2FFFF;
	_ =	strace $0x9FFFFFFF  }
0x3a: {  	(tm) =	ssettm $0x7FFFFFFF  }
0x3b: {  	_ =	shalt  }
tec
execute0_lowered:
.L_overlay_start_1:
0x0: {  	(tag) =	ssettag $0x1  }
0x1: {  	s0 =	srdreg.scid  }
0x2: {  	s1 =	sshll.u32 s0, $0x4  }
0x3: {  	s0 =	stileid.u32;
	s1 =	sand.u32 $0x10, s1  }
0x4: {  	s1 =	sor.u32 s0, s1  }
0x5: {  	s6 =	rddreg [dreg:$0x0];
	s4 =	simm.s32 $0x1;
	s2 =	sshll.u32 s1, $0x7  }
0x6: {  	s7 =	simm.s32 $0x2;
	s12 =	simm.s32 $0x0;
	s1 =	ssub.s32 $0x1000, s2  }
0x7: {  	s8 =	simm.s32 $0x8000;
	s13 =	simm.s32 $0x0;
	s3 =	sand.u32 $0xF80, s1  }
0x8: {  	s9 =	simm.s32 $0x0;
	s5 =	sshrl.u32 s1, $0xC;
	p0 =	sne.s32 s3, $0x0  }
.Ltmp0:
0x9: {  	s1 =	rddreg [dreg:$0x2];
	s4 =	simm.s32 @!p0 $0x0;
	(pc) =	sbr.rel .LBB1_1-.Ltmp0, $4  }
0xa: {  	s11 =	simm.s32 $0x0;
	s3 =	rddreg [dreg:$0x1];
	s5 =	sadd.s32 s4, s5  }
0xb: {  	_ =	strace $0x8000004A;
	s4 =	simm.s32 $0x1;
	s5 =	smul.u32 $0xC8, s5  }
0xc: {  	s6 =	sadd.s32 $0xF42C00, s6;
	s10 =	smov.u32 s2;
	[sflag:s4] =	ssyncpa.u1 $0x0  }
0xd: {  	p0 =	por $0x0, $0x0;
	[sflag:s7] =	ssyncpa.u1 $0x0;
	s7 =	sor.u32 $0x1, s5  }
.LBB1_4:
0xe: {  	s16 =	sshll.u32 s13, $0x3;
	s17 =	sand.u32 $0x78, s13  }
0xf: {  	s30 =	sand.u32 $0x7E00, s13;
	s12 =	sshll.u32 s12, $0xF;
	s16 =	sand.u32 $0xC00, s16  }
0x10: {  	[tilespmem:s15+$0x810 ss:$0x81] =	vst.msk $0xffff, v2;
	s31 =	sand.u32 $0x7, s13;
	s16 =	sor.u32 s17, s16;
	s17 =	sadd.s32 s3, s30  }
0x11: {  	[tilespmem:s15+$0x1020 ss:$0x81] =	vst.msk $0xffff, v0;
	s13 =	sshll.u32 s31, $0x12;
	s12 =	sadd.s32 s12, s17;
	s16 =	sshrl.u32 s16, $0x3  }
0x12: {  	[tilespmem:s15+$0x0 ss:$0x81] =	vst.msk $0xffff, v1;
	s13 =	sor.u32 $0x400, s13;
	s12 =	sadd.s32 s16, s12  }
0x13: {  	[hbm4b:s12+s13] =	stream.strided.scatter [tilespmem:s14], [sflag:$0x2], $0x2000, s8, s13, $0x20;
	[tilespmem:$0x8080] =	vst v63  }
.LBB1_5:
0x14: {  	s14 =	sadd.s32 $0x1, s9  }
0x15: {  	s12 =	sadd.s32 $0x1000, s10;
	s16 =	smov.u32 s10;
	p2 =	sgt.s32 s14, $0xC7  }
0x16: {  	s16 =	smov.u32 @p2 s12  }
0x17: {  	s14 =	simm.s32 @p2 $0x0;
	p2 =	sgt.s32 s16, $0xFFF  }
0x18: {  	s16 =	smov.u32 @p2 s2;
	p2 =	sne.s32 s11, s7  }
.Ltmp1:
0x19: {  	p1 =	slt.u32 s11, $0x2;
	(pc) =	sbr.rel @!p2 .LBB1_6-.Ltmp1, $4  }
0x1a: {  	s15 =	simm.s32 @!p1 $0x2  }
0x1b: {  	s13 =	smov.u32 s10;
	p0 =	por !p0, !p0;
	_ =	swait.ge @!p1 [sflag:s15], $0x2000  }
0x1c: {  	s12 =	smov.u32 s9;
	[sflag:s15] =	ssyncset.done @!p1 $0x0;
	s9 =	smov.u32 s14  }
0x1d: {  	s11 =	sadd.s32 $0x1, s11;
	[sflag:s15] =	ssyncadd.s32 @!p1 $0xFFFFE000;
	s10 =	smov.u32 s16  }
.LBB1_1:
0x1e: {  	p1 =	sge.u32 s11, s5  }
0x1f: {  	s14 =	sand.u32 @!p1 $0x1FFFFFF, s9  }
0x20: {  	s15 =	smulhi.u32 @!p1 $0x147AE15, s14;
	_ =	sdelay $0x1  }
0x21: {  	s15 =	smul.u32 @!p1 $0xC8, s15  }
0x22: {  	s16 =	sxor.u32 @!p1 $0xFFFFFFFF, s11;
	s17 =	smul.u32 @!p1 $0xC80, s10  }
0x23: {  	s31 =	sadd.s32 $0xFFFFFFFF, s11;
	s16 =	sshll.u32 @!p1 s16, $0xD;
	s14 =	ssub.s32 @!p1 s14, s15  }
0x24: {  	s15 =	sand.u32 @!p1 $0x2000, s16;
	s16 =	sadd.s32 @!p1 s6, s17;
	s14 =	sshll.u32 @!p1 s14, $0x4  }
0x25: {  	s17 =	simm.s32 @!p1 $0x6400;
	s14 =	sadd.s32 @!p1 s14, s16;
	s16 =	simm.s32 @!p1 $0x40  }
0x26: {  	[tilespmem:s15], [sflag:$0x1] =	stream.strided.gather @!p1 [hbm4b:s14+s16], $0x2000, s17, s16, $0x38;
	[tilespmem:$0x8080] =	vst v63  }
0x27: {  	p1 =	sge.u32 s31, s5  }
.Ltmp2:
0x28: {  	_ = 	snop;
	(pc) =	sbr.rel @p1 .LBB1_5-.Ltmp2, $1  }
0x29: {  	_ =	sdelay $0x3  }
0x2a: {  	s14 =	simm.s32 $0x1  }
0x2b: {  	_ =	swait.ge [sflag:s4], $0x2000;
	s14 =	simm.s32 @!p0 $0x0  }
0x2c: {  	[sflag:s4] =	ssyncset.done $0x0;
	s15 =	sshll.u32 s14, $0xD  }
0x2d: {  	[sflag:s4] =	ssyncadd.s32 $0xFFFFE000;
	s18 =	sor.u32 $0x20, s15  }
0x2e: {  	s14 =	smul.u32 $0x8100, s14;
	v3 =	vld [tilespmem:s18+$0x10]  }
0x2f: {  	s30 =	sand.u32 $0x1, s11;
	v2 =	vld [tilespmem:s18+$0xFFFFFFF0]  }
0x30: {  	s15 =	smul.u32 $0x8100, s30;
	s14 =	sshrl.u32 s14, $0x2;
	v0 =	vld [tilespmem:s18+$0x0]  }
0x31: {  	v1 =	vld [tilespmem:s18+$0xFFFFFFE0];
	s16 =	sor.u32 $0x4000, s14  }
0x32: {  	s31 =	sshrl.u32 s15, $0x2;
	s15 =	sadd.s32 $0x0, s16  }
0x33: {  	s17 =	simm.s32 $0x4;
	s18 =	sadd.s32 $0x40, s18;
	s14 =	sor.u32 $0x4000, s31;
	[tilespmem:s15+$0x1830 ss:$0x81] =	vst.msk $0xffff, v3  }
.LBB1_3:
0x34: {  	v3 =	vld [tilespmem:s18+$0x10];
	p1 =	sne.s32 s17, $0x1FC;
	[tilespmem:s15+$0x810 ss:$0x81] =	vst.msk $0xffff, v2;
	s19 =	smov.u32 s17;
	s17 =	sadd.s32 $0x4, s17  }
.Ltmp3:
0x35: {  	v2 =	vld [tilespmem:s18+$0xFFFFFFF0];
	[tilespmem:s15+$0x1020 ss:$0x81] =	vst.msk $0xffff, v0;
	(pc) =	sbr.rel @p1 .LBB1_3-.Ltmp3, $4  }
0x36: {  	v0 =	vld [tilespmem:s18+$0x0];
	[tilespmem:s15+$0x0 ss:$0x81] =	vst.msk $0xffff, v1  }
0x37: {  	s15 =	sshra.s32 s19, $0x2;
	v1 =	vld [tilespmem:s18+$0xFFFFFFE0]  }
0x38: {  	s15 =	sadd.s32 s15, s16  }
0x39: {  	s18 =	sadd.s32 $0x40, s18;
	[tilespmem:s15+$0x1830 ss:$0x81] =	vst.msk $0xffff, v3  }
.Ltmp4:
0x3a: {  	_ = 	snop;
	(pc) =	sbr.rel .LBB1_4-.Ltmp4, $1  }
0x3b: {  	_ =	sdelay $0x3  }
.LBB1_6:
0x3c: {  	_ =	sfence.sel $0x180000  }
0x3d: {  	s2 =	simm.s32 $0x1;
	[bflag:$0x0] =	sbarrier.arrive $0xFFFF  }
0x3e: {  	s31 =	simm.s32 $0x2;
	[sflag:s2] =	ssyncpa.u1 $0x1  }
0x3f: {  	[sflag:s31] =	ssyncpa.u1 $0x1  }
0x40: {  	p0 =	sne.s32 s0, $0x0;
	_ =	strace $0x9000004A  }
0x41: {  	s0 =	sadd.s32 @!p0 $0x100000, s1;
	[bflag:$0x2] =	sbarrier.arrive $0xFFFF  }
0x42: {  	[sflag:s0] =	ssyncadd.tile.s32 @!p0 $0x1;
	_ =	shalt  }
.Lfunc_end1:
_tile_overlayer_lowered:
.L_overlay_start_2:
0x43: {  	(tag) =	ssettag $0x2  }
0x44: {  	s0 =	rddreg [dreg:$0x0];
	s2 =	stileid.u32  }
0x45: {  	s1 =	rddreg [dreg:$0x1];
	p0 =	sne.s32 s2, $0x0  }
0x46: {  	s3 =	rddreg [dreg:$0x2];
	[bflag:$0x3] =	sbarrier.arrive $0xFFFF;
	s2 =	simm.s32 @!p0 $0x1C01  }
0x47: {  	[timem:s3], [sflag:s2] =	dma.local @!p0 [hbm:s0], s1  }
0x48: {  	s0 =	simm.s32 @!p0 $0x1  }
0x49: {  	_ =	swait.ge @!p0 [sflag:s0], s1  }
0x4a: {  	s1 =	ssub.s32 @!p0 $0x0, s1;
	[sflag:s0] =	ssyncset.done @!p0 $0x0  }
0x4b: {  	[sflag:s0] =	ssyncadd.s32 @!p0 s1  }
0x4c: {  	[bflag:$0x3] =	sbarrier.arrive $0xFFFF  }
0x4d: {  	_ =	shalt  }

</sc_bundles>
